<compile_context>
chip_gen: v7x
topology: tpu7x:2x2x1
jax: 0.10.2.dev20260603
libtpu: 0.0.44.dev20260713+nightly
codegen_flags: <defaults>
</compile_context>

<pallas_src>
import functools

import jax
import jax.numpy as jnp
from jax import lax
from jax.experimental import pallas as pl
from jax.experimental.pallas import tpu as pltpu
from jax.experimental.pallas import tpu_sc as plsc

NC, NS = 2, 16
NW = NC * NS
CHUNK = 128
H = 128


def _sc_mesh():
    return plsc.VectorSubcoreMesh(
        core_axis_name="c", subcore_axis_name="s", num_cores=NC, num_subcores=NS
    )


NBUF = 2
NGRP = 4


def _make_sc_agg(n, n_alloc, n_chunks):
    assert n_chunks % (NGRP * NBUF) == 0
    cpg = n_chunks // NGRP
    rows_per_tile = n // NS
    zsizes = [CHUNK] * (rows_per_tile // CHUNK)
    if rows_per_tile % CHUNK:
        zsizes.append(rows_per_tile % CHUNK)

    def body(xs, src, dst, zb, part, isrc, idst, r0, r1, agg_sh, *sems):
        semg = sems[:NBUF]
        sems_ = sems[NBUF:]
        rows = [r0, r1]
        c = lax.axis_index("c")
        s = lax.axis_index("s")
        base = s * rows_per_tile

        pltpu.sync_copy(zb, rows[0])
        off = 0
        for zs in zsizes:
            pltpu.sync_copy(rows[0].at[pl.ds(0, zs)],
                            agg_sh.at[pl.ds(base + off, zs)])
            off += zs
        plsc.subcore_barrier()

        for g in range(NGRP):
            pltpu.sync_copy(src.at[c, s, pl.ds(g * cpg, cpg)], isrc)
            pltpu.sync_copy(dst.at[c, s, pl.ds(g * cpg, cpg)], idst)
            for p in range(NBUF):
                pltpu.async_copy(xs.at[isrc.at[p]], rows[p], semg[p])

            def step(i, carry):
                for p in range(NBUF):
                    j = NBUF * i + p
                    pltpu.make_async_copy(xs.at[isrc.at[j]], rows[p],
                                          semg[p]).wait()
                    pltpu.async_copy(rows[p], agg_sh.at[idst.at[j]],
                                     sems_[p], add=True)
                    q = (p + NBUF - 1) % NBUF
                    jq = j - 1
                    jn = jq + NBUF

                    @pl.when((jq >= 0) & (jn < cpg))
                    def _():
                        pltpu.make_async_copy(
                            rows[q], agg_sh.at[idst.at[jq]], sems_[q]).wait()
                        pltpu.async_copy(xs.at[isrc.at[jn]], rows[q], semg[q])

                return carry

            lax.fori_loop(0, cpg // NBUF, step, 0)
            for p in range(NBUF):
                j = cpg - NBUF + p
                pltpu.make_async_copy(rows[p], agg_sh.at[idst.at[j]],
                                      sems_[p]).wait()

        plsc.subcore_barrier()
        pltpu.sync_copy(agg_sh.at[pl.ds(base, rows_per_tile)],
                        part.at[c].at[pl.ds(base, rows_per_tile)])

    return pl.kernel(
        body,
        out_type=jax.ShapeDtypeStruct((NC, n, H), jnp.float32),
        mesh=_sc_mesh(),
        scratch_types=[
            pltpu.VMEM((cpg, CHUNK), jnp.int32),
            pltpu.VMEM((cpg, CHUNK), jnp.int32),
            pltpu.VMEM((CHUNK, H), jnp.float32),
            pltpu.VMEM((CHUNK, H), jnp.float32),
            pltpu.VMEM_SHARED((n_alloc, H), jnp.float32),
        ] + [pltpu.SemaphoreType.DMA] * (2 * NBUF),
        compiler_params=pltpu.CompilerParams(use_tc_tiling_on_sc=False),
    )


def _make_sc_deg(n, n_alloc, n_chunks):
    rows_per_tile = n // NS
    zsizes = [CHUNK] * (rows_per_tile // CHUNK)
    if rows_per_tile % CHUNK:
        zsizes.append(rows_per_tile % CHUNK)

    def body(dst, z16, o16, degp, idst, buf16, deg_sh):
        c = lax.axis_index("c")
        s = lax.axis_index("s")
        wid = c * NS + s
        base = s * rows_per_tile

        pltpu.sync_copy(dst.at[wid], idst)
        pltpu.sync_copy(z16, buf16)
        off = 0
        for zs in zsizes:
            pltpu.sync_copy(buf16.at[pl.ds(0, zs)],
                            deg_sh.at[pl.ds(base + off, zs)])
            off += zs
        pltpu.sync_copy(o16, buf16)
        plsc.subcore_barrier()

        def step(j, carry):
            pltpu.sync_copy(buf16, deg_sh.at[idst.at[j]], add=True)
            return carry

        lax.fori_loop(0, n_chunks, step, 0)
        plsc.subcore_barrier()

        pltpu.sync_copy(deg_sh.at[pl.ds(base, rows_per_tile)],
                        degp.at[c].at[pl.ds(base, rows_per_tile)])

    return pl.kernel(
        body,
        out_type=jax.ShapeDtypeStruct((NC, n, 16), jnp.float32),
        mesh=_sc_mesh(),
        scratch_types=[
            pltpu.VMEM((n_chunks, CHUNK), jnp.int32),
            pltpu.VMEM((CHUNK, 16), jnp.float32),
            pltpu.VMEM_SHARED((n_alloc, 16), jnp.float32),
        ],
        compiler_params=pltpu.CompilerParams(use_tc_tiling_on_sc=False),
    )


def _make_sc_gather(n_rows_out, chunks_per_tile):
    per_tile = chunks_per_tile * CHUNK

    def body(x, idx, out, iv, rows, sem):
        c = lax.axis_index("c")
        s = lax.axis_index("s")
        wid = c * NS + s
        pltpu.sync_copy(idx.at[wid], iv)
        for k in range(chunks_per_tile):
            pltpu.async_copy(x.at[iv.at[k]], rows, sem).wait()
            pltpu.sync_copy(rows, out.at[pl.ds(wid * per_tile + k * CHUNK, CHUNK)])

    return pl.kernel(
        body,
        out_type=jax.ShapeDtypeStruct((n_rows_out, H), jnp.float32),
        mesh=_sc_mesh(),
        scratch_types=[
            pltpu.VMEM((chunks_per_tile, CHUNK), jnp.int32),
            pltpu.VMEM((CHUNK, H), jnp.float32),
            pltpu.SemaphoreType.DMA,
        ],
    )



_BLK = 1000


def _dense1_body(x, p0, p1, d0, d1, w, b, y):
    deg = d0[:, 0:1] + d1[:, 0:1]
    agg = p0[...] + p1[...]
    z = x[...] + agg / jnp.maximum(deg, 1.0)
    y[...] = jnp.dot(z, w[...], preferred_element_type=jnp.float32) + b[...]


def _dense1(x, p0, p1, d0, d1, w, b, n_rows):
    ngrid = n_rows // _BLK
    return pl.pallas_call(
        _dense1_body,
        grid=(ngrid,),
        in_specs=[
            pl.BlockSpec((_BLK, H), lambda i: (i, 0)),
            pl.BlockSpec((_BLK, H), lambda i: (i, 0)),
            pl.BlockSpec((_BLK, H), lambda i: (i, 0)),
            pl.BlockSpec((_BLK, 16), lambda i: (i, 0)),
            pl.BlockSpec((_BLK, 16), lambda i: (i, 0)),
            pl.BlockSpec((H, H), lambda i: (0, 0)),
            pl.BlockSpec((1, H), lambda i: (0, 0)),
        ],
        out_specs=pl.BlockSpec((_BLK, H), lambda i: (i, 0)),
        out_shape=jax.ShapeDtypeStruct((n_rows, H), jnp.float32),
    )(x, p0, p1, d0, d1, w, b)


def _dense2_body(relu_out, y, st, g, be, w2, b2, o):
    mean = st[0:1, :]
    var = st[1:2, :]
    inv = 1.0 / jnp.sqrt(var + 1e-5)
    h = (y[...] - mean) * inv * g[...] + be[...]
    h = jnp.maximum(h, 0.0)
    ov = jnp.dot(h, w2[...], preferred_element_type=jnp.float32) + b2[...]
    if relu_out:
        ov = jnp.maximum(ov, 0.0)
    o[...] = ov


def _dense2(y, st, g, be, w2, b2, n_rows, relu_out):
    ngrid = n_rows // _BLK
    body = functools.partial(_dense2_body, relu_out)
    return pl.pallas_call(
        body,
        grid=(ngrid,),
        in_specs=[
            pl.BlockSpec((_BLK, H), lambda i: (i, 0)),
            pl.BlockSpec((8, H), lambda i: (0, 0)),
            pl.BlockSpec((1, H), lambda i: (0, 0)),
            pl.BlockSpec((1, H), lambda i: (0, 0)),
            pl.BlockSpec((H, H), lambda i: (0, 0)),
            pl.BlockSpec((1, H), lambda i: (0, 0)),
        ],
        out_specs=pl.BlockSpec((_BLK, H), lambda i: (i, 0)),
        out_shape=jax.ShapeDtypeStruct((n_rows, H), jnp.float32),
    )(y, st, g, be, w2, b2)


def _mlp_body(cand, wa1, ba1, wa2p, ba2, s):
    hc = jnp.dot(cand[...], wa1[...], preferred_element_type=jnp.float32) + ba1[...]
    hc = jnp.maximum(hc, 0.0)
    sv = jnp.dot(hc, wa2p[...], preferred_element_type=jnp.float32) + ba2[...]
    s[...] = sv[:, 0:1]


def _mlp(cand, wa1, ba1, wa2p, ba2, n_rows):
    full = lambda shp: pl.BlockSpec(shp, lambda: (0,) * len(shp))
    return pl.pallas_call(
        _mlp_body,
        in_specs=[
            full((n_rows, H)),
            full((H, H)),
            full((1, H)),
            full((H, H)),
            full((1, 1)),
        ],
        out_specs=full((n_rows, 1)),
        out_shape=jax.ShapeDtypeStruct((n_rows, 1), jnp.float32),
    )(cand, wa1, ba1, wa2p, ba2)


def _head_body(nb, s_ref, a_ref, lp_ref, ent_ref):
    s = s_ref[...]
    m = jnp.max(s, axis=1, keepdims=True)
    e = jnp.exp(s - m)
    den = jnp.sum(e, axis=1, keepdims=True)
    pi = e / den
    lane = lax.broadcasted_iota(jnp.int32, s.shape, 1)
    act = jnp.min(jnp.where(s >= m, lane, s.shape[1]), axis=1, keepdims=True)
    a_ref[...] = jnp.broadcast_to(act, s.shape)
    pa = jnp.sum(jnp.where(lane == act, pi, 0.0), axis=1, keepdims=True)
    lp_ref[...] = jnp.broadcast_to(jnp.log(pa + 1e-20), s.shape)
    ent = -jnp.sum(pi * jnp.log(pi + 1e-20)) / nb
    ent_ref[...] = jnp.broadcast_to(ent, ent_ref.shape)


def _head(scores_pad, nb):
    full = lambda shp: pl.BlockSpec(shp, lambda: (0,) * len(shp))
    return pl.pallas_call(
        functools.partial(_head_body, float(nb)),
        in_specs=[full((nb, H))],
        out_specs=[full((nb, H)), full((nb, H)), full((8, H))],
        out_shape=[
            jax.ShapeDtypeStruct((nb, H), jnp.int32),
            jax.ShapeDtypeStruct((nb, H), jnp.float32),
            jax.ShapeDtypeStruct((8, H), jnp.float32),
        ],
    )(scores_pad)


def kernel(state_wf, state_vm, edge_index_wf, edge_index_vm, mask_wf, mask_vm,
           batch_wf, batch_vm, candidate_task_index,
           w0_1, b0_1, g0, be0, w0_2, b0_2,
           w1_1, b1_1, g1, be1, w1_2, b1_2,
           wa1, ba1, wa2, ba2):
    n = state_wf.shape[0]
    e2 = 2 * edge_index_wf.shape[1]
    n_alloc = ((n + 64) // 64) * 64
    quant = NC * NS * CHUNK * NGRP * NBUF
    ep = ((e2 + quant - 1) // quant) * quant
    n_chunks = ep // (NC * NS * CHUNK)
    n_chunks_w = ep // (NW * CHUNK)

    src = jnp.concatenate([edge_index_wf[0], edge_index_wf[1],
                           jnp.zeros((ep - e2,), jnp.int32)])
    dst = jnp.concatenate([edge_index_wf[1], edge_index_wf[0],
                           jnp.full((ep - e2,), n, jnp.int32)])
    src4 = src.reshape(NC, NS, n_chunks, CHUNK)
    dst4 = dst.reshape(NC, NS, n_chunks, CHUNK)
    dstw = dst.reshape(NW, n_chunks_w, CHUNK)

    zb = jnp.zeros((CHUNK, H), jnp.float32)
    z16 = jnp.zeros((CHUNK, 16), jnp.float32)
    o16 = jnp.ones((CHUNK, 16), jnp.float32)

    b_ = lambda v: v.reshape(1, -1)

    degp = _make_sc_deg(n, n_alloc, n_chunks_w)(dstw, z16, o16)
    agg_fn = _make_sc_agg(n, n_alloc, n_chunks)
    part = agg_fn(state_wf, src4, dst4, zb)

    def stats(y):
        mean = jnp.mean(y, axis=0)
        var = jnp.var(y, axis=0)
        return jnp.concatenate([mean.reshape(1, H), var.reshape(1, H),
                                jnp.zeros((6, H), jnp.float32)], axis=0)

    y0 = _dense1(state_wf, part[0], part[1], degp[0], degp[1],
                 w0_1, b_(b0_1), n)
    h1 = _dense2(y0, stats(y0), b_(g0), b_(be0), w0_2, b_(b0_2), n, True)

    part2 = agg_fn(h1, src4, dst4, zb)
    y1 = _dense1(h1, part2[0], part2[1], degp[0], degp[1],
                 w1_1, b_(b1_1), n)
    h2 = _dense2(y1, stats(y1), b_(g1), b_(be1), w1_2, b_(b1_2), n, False)

    ncand = candidate_task_index.shape[0]
    cpt = ncand // (NW * CHUNK)
    idx3 = candidate_task_index.reshape(NW, cpt, CHUNK)
    cand = _make_sc_gather(ncand, cpt)(h2, idx3)

    wa2p = jnp.pad(wa2.reshape(H, 1), ((0, 0), (0, H - 1)))
    scores = _mlp(cand, wa1, b_(ba1), wa2p, ba2.reshape(1, 1), ncand)

    vm = 16
    nb = ncand // vm
    s2 = scores.reshape(nb, vm)
    s_pad = jnp.pad(s2, ((0, 0), (0, H - vm)), constant_values=-1e30)
    a2, lp2, ent2 = _head(s_pad, nb)

    actions = a2[:, 0]
    logp = lp2[:, 0]
    ent = ent2[0, 0]
    return (actions, logp, ent)

# --- scband reference (transcript-rebuilt; emitter-appended) ---
"""Pipeline reference for scband-actor-70282844831800 (READ-ONLY COPY).

The authoritative reference and input builder live on the scoring server;
editing this copy changes nothing except your own understanding.
"""

import jax, jax.numpy as jnp
import numpy as np

N = 10000
E = 320000
D = 128
H = 128
VM = 16
B = 512


def setup_inputs(seed: int = 0) -> dict:
    key = jax.random.key(seed)
    ks = jax.random.split(key, 12)
    def lin(k, i, o):
        return jax.random.normal(k, (i, o), jnp.float32) * (1.0 / np.sqrt(i))
    inp = {}
    inp["state_wf"] = jax.random.normal(ks[0], (N, D), jnp.float32)
    inp["state_vm"] = jax.random.normal(ks[1], (VM, 32), jnp.float32)
    inp["edge_index_wf"] = jax.random.randint(ks[2], (2, E), 0, N, dtype=jnp.int32)
    inp["edge_index_vm"] = jax.random.randint(ks[3], (2, 64), 0, VM, dtype=jnp.int32)
    inp["mask_wf"] = jnp.zeros((N,), jnp.bool_)
    inp["mask_vm"] = jnp.zeros((VM,), jnp.bool_)
    inp["batch_wf"] = jnp.zeros((N,), jnp.int32)
    inp["batch_vm"] = jnp.zeros((VM,), jnp.int32)
    inp["candidate_task_index"] = jax.random.randint(ks[4], (B * VM,), 0, N, dtype=jnp.int32)
    inp["w0_1"] = lin(ks[5], D, H); inp["b0_1"] = jnp.zeros((H,), jnp.float32)
    inp["g0"] = jnp.ones((H,), jnp.float32); inp["be0"] = jnp.zeros((H,), jnp.float32)
    inp["w0_2"] = lin(ks[6], H, H); inp["b0_2"] = jnp.zeros((H,), jnp.float32)
    inp["w1_1"] = lin(ks[7], H, H); inp["b1_1"] = jnp.zeros((H,), jnp.float32)
    inp["g1"] = jnp.ones((H,), jnp.float32); inp["be1"] = jnp.zeros((H,), jnp.float32)
    inp["w1_2"] = lin(ks[8], H, H); inp["b1_2"] = jnp.zeros((H,), jnp.float32)
    inp["wa1"] = lin(ks[9], H, H); inp["ba1"] = jnp.zeros((H,), jnp.float32)
    inp["wa2"] = lin(ks[10], H, 1); inp["ba2"] = jnp.zeros((1,), jnp.float32)
    return inp


def _bn(x, g, b):
    # BatchNorm1d in training mode: biased batch statistics, eps=1e-5
    m = jnp.mean(x, axis=0)
    v = jnp.var(x, axis=0)
    return (x - m) / jnp.sqrt(v + 1e-5) * g + b


def _gin_conv(x, src, dst, w1, b1, g, be, w2, b2):
    # GINConv with eps=0, aggr='mean', flow='source_to_target'
    ones = jnp.ones((src.shape[0],), x.dtype)
    deg = jax.ops.segment_sum(ones, dst, num_segments=N)
    agg = jax.ops.segment_sum(x[src], dst, num_segments=N) / jnp.maximum(deg, 1.0)[:, None]
    h = x + agg  # (1+eps)*x + mean_aggr, eps=0
    h = _bn(h @ w1 + b1, g, be)
    h = jax.nn.relu(h)
    return h @ w2 + b2


def reference(state_wf, state_vm, edge_index_wf, edge_index_vm, mask_wf, mask_vm,
              batch_wf, batch_vm, candidate_task_index,
              w0_1, b0_1, g0, be0, w0_2, b0_2,
              w1_1, b1_1, g1, be1, w1_2, b1_2,
              wa1, ba1, wa2, ba2):
    # edge_index_wf = cat(ei, ei.flip(0))
    ei = jnp.concatenate([edge_index_wf, jnp.flip(edge_index_wf, axis=0)], axis=-1)
    src, dst = ei[0], ei[1]
    # GIN embedding (2 layers)
    h = _gin_conv(state_wf, src, dst, w0_1, b0_1, g0, be0, w0_2, b0_2)
    h = jax.nn.relu(h)
    h = _gin_conv(h, src, dst, w1_1, b1_1, g1, be1, w1_2, b1_2)
    # candidate gather + actor MLP
    cand = h[candidate_task_index].reshape(-1, VM, H)
    scores = jax.nn.relu(cand @ wa1 + ba1) @ wa2 + ba2  # [B, VM, 1]
    pi = jax.nn.softmax(scores, axis=1)[..., 0]  # [B, VM]
    # deterministic action selection (argmax surrogate for Categorical.sample)
    actions = jnp.argmax(pi, axis=-1)
    logp = jnp.log(pi[jnp.arange(pi.shape[0]), actions] + 1e-20)
    ent = -jnp.sum(pi * jnp.log(pi + 1e-20), axis=-1).mean()
    return (actions, logp, ent)

if __name__ == "__main__":
    import jax
    _d = setup_inputs()
    print(jax.jit(kernel)(*tuple(_d.values())))

</pallas_src>

<mosaic_0001>
#map = affine_map<(d0, d1) -> (0, 0, 0)>
#map1 = affine_map<(d0, d1) -> (0, 0)>
module attributes {stable_mosaic.version = 14 : i64} {
  func.func @body(%arg0: i32, %arg1: i32, %arg2: memref<32x160x128xi32, #tpu.memory_space<hbm>>, %arg3: memref<128x16xf32, #tpu.memory_space<hbm>>, %arg4: memref<128x16xf32, #tpu.memory_space<hbm>>, %arg5: memref<2x10000x16xf32, #tpu.memory_space<hbm>>, %arg6: memref<160x128xi32, #tpu.memory_space<vmem>>, %arg7: memref<128x16xf32, #tpu.memory_space<vmem>>, %arg8: memref<10048x16xf32, #tpu.memory_space<vmem_shared>>) attributes {dimension_semantics = [#tpu.dimension_semantics<core_parallel>, #tpu.dimension_semantics<subcore_parallel>], iteration_bounds = array<i64: 2, 16>, scalar_prefetch = 0 : i64, scratch_operands = 3 : i64, tpu.core_type = #tpu.core_type<sc_vector_subcore>, window_params = [{transform_indices = #map}, {transform_indices = #map1}, {transform_indices = #map1}, {transform_indices = #map}]} {
    %mul3A = arith.constant 16 : i32
    %mul3A_0 = arith.muli %arg0, %mul3A : i32
    %add3A = arith.addi %mul3A_0, %arg1 : i32
    %mul3A_1 = arith.constant 625 : i32
    %mul3A_2 = arith.muli %arg1, %mul3A_1 : i32
    "tpu.region"() ({
      %run_scoped3A = tpu.sem_alloc : memref<!tpu.dma_semaphore, #tpu.memory_space<semaphore_mem>>
      %dma_start3A = arith.constant 0 : i32
      %dma_start3A_19 = arith.constant 0 : i32
      %dma_start3A_20 = tpu.memref_slice %arg2[%add3A, %dma_start3A, %dma_start3A_19] : memref<32x160x128xi32, #tpu.memory_space<hbm>> -> memref<1x160x128xi32, #tpu.memory_space<hbm>>
      %dma_start3A_21 = tpu.memref_squeeze %dma_start3A_20 : memref<1x160x128xi32, #tpu.memory_space<hbm>> -> memref<160x128xi32, #tpu.memory_space<hbm>>
      %dma_start3A_22 = arith.constant 0 : i32
      %dma_start3A_23 = arith.constant 0 : i32
      %dma_start3A_24 = tpu.memref_slice %arg2[%add3A, %dma_start3A_22, %dma_start3A_23] : memref<32x160x128xi32, #tpu.memory_space<hbm>> -> memref<1x160x128xi32, #tpu.memory_space<hbm>>
      %dma_start3A_25 = tpu.memref_squeeze %dma_start3A_24 : memref<1x160x128xi32, #tpu.memory_space<hbm>> -> memref<160x128xi32, #tpu.memory_space<hbm>>
      tpu.enqueue_dma source(%dma_start3A_25 : memref<160x128xi32, #tpu.memory_space<hbm>>) target(%arg6 : memref<160x128xi32, #tpu.memory_space<vmem>>) target_semaphore(%run_scoped3A : memref<!tpu.dma_semaphore, #tpu.memory_space<semaphore_mem>>)
      %dma_wait3A = arith.constant 0 : i32
      %dma_wait3A_26 = arith.constant 0 : i32
      %dma_wait3A_27 = tpu.memref_slice %arg2[%add3A, %dma_wait3A, %dma_wait3A_26] : memref<32x160x128xi32, #tpu.memory_space<hbm>> -> memref<1x160x128xi32, #tpu.memory_space<hbm>>
      %dma_wait3A_28 = tpu.memref_squeeze %dma_wait3A_27 : memref<1x160x128xi32, #tpu.memory_space<hbm>> -> memref<160x128xi32, #tpu.memory_space<hbm>>
      %dma_wait3A_29 = arith.constant 0 : i32
      %dma_wait3A_30 = arith.constant 0 : i32
      %dma_wait3A_31 = tpu.memref_slice %arg2[%add3A, %dma_wait3A_29, %dma_wait3A_30] : memref<32x160x128xi32, #tpu.memory_space<hbm>> -> memref<1x160x128xi32, #tpu.memory_space<hbm>>
      %dma_wait3A_32 = tpu.memref_squeeze %dma_wait3A_31 : memref<1x160x128xi32, #tpu.memory_space<hbm>> -> memref<160x128xi32, #tpu.memory_space<hbm>>
      tpu.wait_dma2 semaphore(%run_scoped3A : memref<!tpu.dma_semaphore, #tpu.memory_space<semaphore_mem>>) src(%dma_wait3A_32 : memref<160x128xi32, #tpu.memory_space<hbm>>) dst(%arg6 : memref<160x128xi32, #tpu.memory_space<vmem>>)
      tpu.yield
    }) : () -> ()
    "tpu.region"() ({
      %run_scoped3A = tpu.sem_alloc : memref<!tpu.dma_semaphore, #tpu.memory_space<semaphore_mem>>
      tpu.enqueue_dma source(%arg3 : memref<128x16xf32, #tpu.memory_space<hbm>>) target(%arg7 : memref<128x16xf32, #tpu.memory_space<vmem>>) target_semaphore(%run_scoped3A : memref<!tpu.dma_semaphore, #tpu.memory_space<semaphore_mem>>)
      tpu.wait_dma2 semaphore(%run_scoped3A : memref<!tpu.dma_semaphore, #tpu.memory_space<semaphore_mem>>) src(%arg3 : memref<128x16xf32, #tpu.memory_space<hbm>>) dst(%arg7 : memref<128x16xf32, #tpu.memory_space<vmem>>)
      tpu.yield
    }) : () -> ()
    %add3A_3 = arith.constant 0 : i32
    %add3A_4 = arith.addi %mul3A_2, %add3A_3 : i32
    "tpu.region"() ({
      %run_scoped3A = tpu.sem_alloc : memref<!tpu.dma_semaphore, #tpu.memory_space<semaphore_mem>>
      %dma_start3A = arith.constant 0 : i32
      %dma_start3A_19 = arith.constant 0 : i32
      %dma_start3A_20 = tpu.memref_slice %arg7[%dma_start3A, %dma_start3A_19] : memref<128x16xf32, #tpu.memory_space<vmem>> -> memref<128x16xf32, #tpu.memory_space<vmem>>
      %dma_start3A_21 = arith.constant 0 : i32
      %dma_start3A_22 = tpu.memref_slice %arg8[%add3A_4, %dma_start3A_21] : memref<10048x16xf32, #tpu.memory_space<vmem_shared>> -> memref<128x16xf32, #tpu.memory_space<vmem_shared>>
      %dma_start3A_23 = arith.constant 0 : i32
      %dma_start3A_24 = tpu.memref_slice %arg8[%add3A_4, %dma_start3A_23] : memref<10048x16xf32, #tpu.memory_space<vmem_shared>> -> memref<128x16xf32, #tpu.memory_space<vmem_shared>>
      %dma_start3A_25 = arith.constant 0 : i32
      %dma_start3A_26 = arith.constant 0 : i32
      %dma_start3A_27 = tpu.memref_slice %arg7[%dma_start3A_25, %dma_start3A_26] : memref<128x16xf32, #tpu.memory_space<vmem>> -> memref<128x16xf32, #tpu.memory_space<vmem>>
      tpu.enqueue_dma source(%dma_start3A_27 : memref<128x16xf32, #tpu.memory_space<vmem>>) target(%dma_start3A_24 : memref<128x16xf32, #tpu.memory_space<vmem_shared>>) target_semaphore(%run_scoped3A : memref<!tpu.dma_semaphore, #tpu.memory_space<semaphore_mem>>)
      %dma_wait3A = arith.constant 0 : i32
      %dma_wait3A_28 = arith.constant 0 : i32
      %dma_wait3A_29 = tpu.memref_slice %arg7[%dma_wait3A, %dma_wait3A_28] : memref<128x16xf32, #tpu.memory_space<vmem>> -> memref<128x16xf32, #tpu.memory_space<vmem>>
      %dma_wait3A_30 = arith.constant 0 : i32
      %dma_wait3A_31 = tpu.memref_slice %arg8[%add3A_4, %dma_wait3A_30] : memref<10048x16xf32, #tpu.memory_space<vmem_shared>> -> memref<128x16xf32, #tpu.memory_space<vmem_shared>>
      %dma_wait3A_32 = arith.constant 0 : i32
      %dma_wait3A_33 = tpu.memref_slice %arg8[%add3A_4, %dma_wait3A_32] : memref<10048x16xf32, #tpu.memory_space<vmem_shared>> -> memref<128x16xf32, #tpu.memory_space<vmem_shared>>
      %dma_wait3A_34 = arith.constant 0 : i32
      %dma_wait3A_35 = arith.constant 0 : i32
      %dma_wait3A_36 = tpu.memref_slice %arg7[%dma_wait3A_34, %dma_wait3A_35] : memref<128x16xf32, #tpu.memory_space<vmem>> -> memref<128x16xf32, #tpu.memory_space<vmem>>
      tpu.wait_dma2 semaphore(%run_scoped3A : memref<!tpu.dma_semaphore, #tpu.memory_space<semaphore_mem>>) src(%dma_wait3A_36 : memref<128x16xf32, #tpu.memory_space<vmem>>) dst(%dma_wait3A_33 : memref<128x16xf32, #tpu.memory_space<vmem_shared>>)
      tpu.yield
    }) : () -> ()
    %add3A_5 = arith.constant 128 : i32
    %add3A_6 = arith.addi %mul3A_2, %add3A_5 : i32
    "tpu.region"() ({
      %run_scoped3A = tpu.sem_alloc : memref<!tpu.dma_semaphore, #tpu.memory_space<semaphore_mem>>
      %dma_start3A = arith.constant 0 : i32
      %dma_start3A_19 = arith.constant 0 : i32
      %dma_start3A_20 = tpu.memref_slice %arg7[%dma_start3A, %dma_start3A_19] : memref<128x16xf32, #tpu.memory_space<vmem>> -> memref<128x16xf32, #tpu.memory_space<vmem>>
      %dma_start3A_21 = arith.constant 0 : i32
      %dma_start3A_22 = tpu.memref_slice %arg8[%add3A_6, %dma_start3A_21] : memref<10048x16xf32, #tpu.memory_space<vmem_shared>> -> memref<128x16xf32, #tpu.memory_space<vmem_shared>>
      %dma_start3A_23 = arith.constant 0 : i32
      %dma_start3A_24 = tpu.memref_slice %arg8[%add3A_6, %dma_start3A_23] : memref<10048x16xf32, #tpu.memory_space<vmem_shared>> -> memref<128x16xf32, #tpu.memory_space<vmem_shared>>
      %dma_start3A_25 = arith.constant 0 : i32
      %dma_start3A_26 = arith.constant 0 : i32
      %dma_start3A_27 = tpu.memref_slice %arg7[%dma_start3A_25, %dma_start3A_26] : memref<128x16xf32, #tpu.memory_space<vmem>> -> memref<128x16xf32, #tpu.memory_space<vmem>>
      tpu.enqueue_dma source(%dma_start3A_27 : memref<128x16xf32, #tpu.memory_space<vmem>>) target(%dma_start3A_24 : memref<128x16xf32, #tpu.memory_space<vmem_shared>>) target_semaphore(%run_scoped3A : memref<!tpu.dma_semaphore, #tpu.memory_space<semaphore_mem>>)
      %dma_wait3A = arith.constant 0 : i32
      %dma_wait3A_28 = arith.constant 0 : i32
      %dma_wait3A_29 = tpu.memref_slice %arg7[%dma_wait3A, %dma_wait3A_28] : memref<128x16xf32, #tpu.memory_space<vmem>> -> memref<128x16xf32, #tpu.memory_space<vmem>>
      %dma_wait3A_30 = arith.constant 0 : i32
      %dma_wait3A_31 = tpu.memref_slice %arg8[%add3A_6, %dma_wait3A_30] : memref<10048x16xf32, #tpu.memory_space<vmem_shared>> -> memref<128x16xf32, #tpu.memory_space<vmem_shared>>
      %dma_wait3A_32 = arith.constant 0 : i32
      %dma_wait3A_33 = tpu.memref_slice %arg8[%add3A_6, %dma_wait3A_32] : memref<10048x16xf32, #tpu.memory_space<vmem_shared>> -> memref<128x16xf32, #tpu.memory_space<vmem_shared>>
      %dma_wait3A_34 = arith.constant 0 : i32
      %dma_wait3A_35 = arith.constant 0 : i32
      %dma_wait3A_36 = tpu.memref_slice %arg7[%dma_wait3A_34, %dma_wait3A_35] : memref<128x16xf32, #tpu.memory_space<vmem>> -> memref<128x16xf32, #tpu.memory_space<vmem>>
      tpu.wait_dma2 semaphore(%run_scoped3A : memref<!tpu.dma_semaphore, #tpu.memory_space<semaphore_mem>>) src(%dma_wait3A_36 : memref<128x16xf32, #tpu.memory_space<vmem>>) dst(%dma_wait3A_33 : memref<128x16xf32, #tpu.memory_space<vmem_shared>>)
      tpu.yield
    }) : () -> ()
    %add3A_7 = arith.constant 256 : i32
    %add3A_8 = arith.addi %mul3A_2, %add3A_7 : i32
    "tpu.region"() ({
      %run_scoped3A = tpu.sem_alloc : memref<!tpu.dma_semaphore, #tpu.memory_space<semaphore_mem>>
      %dma_start3A = arith.constant 0 : i32
      %dma_start3A_19 = arith.constant 0 : i32
      %dma_start3A_20 = tpu.memref_slice %arg7[%dma_start3A, %dma_start3A_19] : memref<128x16xf32, #tpu.memory_space<vmem>> -> memref<128x16xf32, #tpu.memory_space<vmem>>
      %dma_start3A_21 = arith.constant 0 : i32
      %dma_start3A_22 = tpu.memref_slice %arg8[%add3A_8, %dma_start3A_21] : memref<10048x16xf32, #tpu.memory_space<vmem_shared>> -> memref<128x16xf32, #tpu.memory_space<vmem_shared>>
      %dma_start3A_23 = arith.constant 0 : i32
      %dma_start3A_24 = tpu.memref_slice %arg8[%add3A_8, %dma_start3A_23] : memref<10048x16xf32, #tpu.memory_space<vmem_shared>> -> memref<128x16xf32, #tpu.memory_space<vmem_shared>>
      %dma_start3A_25 = arith.constant 0 : i32
      %dma_start3A_26 = arith.constant 0 : i32
      %dma_start3A_27 = tpu.memref_slice %arg7[%dma_start3A_25, %dma_start3A_26] : memref<128x16xf32, #tpu.memory_space<vmem>> -> memref<128x16xf32, #tpu.memory_space<vmem>>
      tpu.enqueue_dma source(%dma_start3A_27 : memref<128x16xf32, #tpu.memory_space<vmem>>) target(%dma_start3A_24 : memref<128x16xf32, #tpu.memory_space<vmem_shared>>) target_semaphore(%run_scoped3A : memref<!tpu.dma_semaphore, #tpu.memory_space<semaphore_mem>>)
      %dma_wait3A = arith.constant 0 : i32
      %dma_wait3A_28 = arith.constant 0 : i32
      %dma_wait3A_29 = tpu.memref_slice %arg7[%dma_wait3A, %dma_wait3A_28] : memref<128x16xf32, #tpu.memory_space<vmem>> -> memref<128x16xf32, #tpu.memory_space<vmem>>
      %dma_wait3A_30 = arith.constant 0 : i32
      %dma_wait3A_31 = tpu.memref_slice %arg8[%add3A_8, %dma_wait3A_30] : memref<10048x16xf32, #tpu.memory_space<vmem_shared>> -> memref<128x16xf32, #tpu.memory_space<vmem_shared>>
      %dma_wait3A_32 = arith.constant 0 : i32
      %dma_wait3A_33 = tpu.memref_slice %arg8[%add3A_8, %dma_wait3A_32] : memref<10048x16xf32, #tpu.memory_space<vmem_shared>> -> memref<128x16xf32, #tpu.memory_space<vmem_shared>>
      %dma_wait3A_34 = arith.constant 0 : i32
      %dma_wait3A_35 = arith.constant 0 : i32
      %dma_wait3A_36 = tpu.memref_slice %arg7[%dma_wait3A_34, %dma_wait3A_35] : memref<128x16xf32, #tpu.memory_space<vmem>> -> memref<128x16xf32, #tpu.memory_space<vmem>>
      tpu.wait_dma2 semaphore(%run_scoped3A : memref<!tpu.dma_semaphore, #tpu.memory_space<semaphore_mem>>) src(%dma_wait3A_36 : memref<128x16xf32, #tpu.memory_space<vmem>>) dst(%dma_wait3A_33 : memref<128x16xf32, #tpu.memory_space<vmem_shared>>)
      tpu.yield
    }) : () -> ()
    %add3A_9 = arith.constant 384 : i32
    %add3A_10 = arith.addi %mul3A_2, %add3A_9 : i32
    "tpu.region"() ({
      %run_scoped3A = tpu.sem_alloc : memref<!tpu.dma_semaphore, #tpu.memory_space<semaphore_mem>>
      %dma_start3A = arith.constant 0 : i32
      %dma_start3A_19 = arith.constant 0 : i32
      %dma_start3A_20 = tpu.memref_slice %arg7[%dma_start3A, %dma_start3A_19] : memref<128x16xf32, #tpu.memory_space<vmem>> -> memref<128x16xf32, #tpu.memory_space<vmem>>
      %dma_start3A_21 = arith.constant 0 : i32
      %dma_start3A_22 = tpu.memref_slice %arg8[%add3A_10, %dma_start3A_21] : memref<10048x16xf32, #tpu.memory_space<vmem_shared>> -> memref<128x16xf32, #tpu.memory_space<vmem_shared>>
      %dma_start3A_23 = arith.constant 0 : i32
      %dma_start3A_24 = tpu.memref_slice %arg8[%add3A_10, %dma_start3A_23] : memref<10048x16xf32, #tpu.memory_space<vmem_shared>> -> memref<128x16xf32, #tpu.memory_space<vmem_shared>>
      %dma_start3A_25 = arith.constant 0 : i32
      %dma_start3A_26 = arith.constant 0 : i32
      %dma_start3A_27 = tpu.memref_slice %arg7[%dma_start3A_25, %dma_start3A_26] : memref<128x16xf32, #tpu.memory_space<vmem>> -> memref<128x16xf32, #tpu.memory_space<vmem>>
      tpu.enqueue_dma source(%dma_start3A_27 : memref<128x16xf32, #tpu.memory_space<vmem>>) target(%dma_start3A_24 : memref<128x16xf32, #tpu.memory_space<vmem_shared>>) target_semaphore(%run_scoped3A : memref<!tpu.dma_semaphore, #tpu.memory_space<semaphore_mem>>)
      %dma_wait3A = arith.constant 0 : i32
      %dma_wait3A_28 = arith.constant 0 : i32
      %dma_wait3A_29 = tpu.memref_slice %arg7[%dma_wait3A, %dma_wait3A_28] : memref<128x16xf32, #tpu.memory_space<vmem>> -> memref<128x16xf32, #tpu.memory_space<vmem>>
      %dma_wait3A_30 = arith.constant 0 : i32
      %dma_wait3A_31 = tpu.memref_slice %arg8[%add3A_10, %dma_wait3A_30] : memref<10048x16xf32, #tpu.memory_space<vmem_shared>> -> memref<128x16xf32, #tpu.memory_space<vmem_shared>>
      %dma_wait3A_32 = arith.constant 0 : i32
      %dma_wait3A_33 = tpu.memref_slice %arg8[%add3A_10, %dma_wait3A_32] : memref<10048x16xf32, #tpu.memory_space<vmem_shared>> -> memref<128x16xf32, #tpu.memory_space<vmem_shared>>
      %dma_wait3A_34 = arith.constant 0 : i32
      %dma_wait3A_35 = arith.constant 0 : i32
      %dma_wait3A_36 = tpu.memref_slice %arg7[%dma_wait3A_34, %dma_wait3A_35] : memref<128x16xf32, #tpu.memory_space<vmem>> -> memref<128x16xf32, #tpu.memory_space<vmem>>
      tpu.wait_dma2 semaphore(%run_scoped3A : memref<!tpu.dma_semaphore, #tpu.memory_space<semaphore_mem>>) src(%dma_wait3A_36 : memref<128x16xf32, #tpu.memory_space<vmem>>) dst(%dma_wait3A_33 : memref<128x16xf32, #tpu.memory_space<vmem_shared>>)
      tpu.yield
    }) : () -> ()
    %add3A_11 = arith.constant 512 : i32
    %add3A_12 = arith.addi %mul3A_2, %add3A_11 : i32
    "tpu.region"() ({
      %run_scoped3A = tpu.sem_alloc : memref<!tpu.dma_semaphore, #tpu.memory_space<semaphore_mem>>
      %dma_start3A = arith.constant 0 : i32
      %dma_start3A_19 = arith.constant 0 : i32
      %dma_start3A_20 = tpu.memref_slice %arg7[%dma_start3A, %dma_start3A_19] : memref<128x16xf32, #tpu.memory_space<vmem>> -> memref<113x16xf32, #tpu.memory_space<vmem>>
      %dma_start3A_21 = arith.constant 0 : i32
      %dma_start3A_22 = tpu.memref_slice %arg8[%add3A_12, %dma_start3A_21] : memref<10048x16xf32, #tpu.memory_space<vmem_shared>> -> memref<113x16xf32, #tpu.memory_space<vmem_shared>>
      %dma_start3A_23 = arith.constant 0 : i32
      %dma_start3A_24 = tpu.memref_slice %arg8[%add3A_12, %dma_start3A_23] : memref<10048x16xf32, #tpu.memory_space<vmem_shared>> -> memref<113x16xf32, #tpu.memory_space<vmem_shared>>
      %dma_start3A_25 = arith.constant 0 : i32
      %dma_start3A_26 = arith.constant 0 : i32
      %dma_start3A_27 = tpu.memref_slice %arg7[%dma_start3A_25, %dma_start3A_26] : memref<128x16xf32, #tpu.memory_space<vmem>> -> memref<113x16xf32, #tpu.memory_space<vmem>>
      tpu.enqueue_dma source(%dma_start3A_27 : memref<113x16xf32, #tpu.memory_space<vmem>>) target(%dma_start3A_24 : memref<113x16xf32, #tpu.memory_space<vmem_shared>>) target_semaphore(%run_scoped3A : memref<!tpu.dma_semaphore, #tpu.memory_space<semaphore_mem>>)
      %dma_wait3A = arith.constant 0 : i32
      %dma_wait3A_28 = arith.constant 0 : i32
      %dma_wait3A_29 = tpu.memref_slice %arg7[%dma_wait3A, %dma_wait3A_28] : memref<128x16xf32, #tpu.memory_space<vmem>> -> memref<113x16xf32, #tpu.memory_space<vmem>>
      %dma_wait3A_30 = arith.constant 0 : i32
      %dma_wait3A_31 = tpu.memref_slice %arg8[%add3A_12, %dma_wait3A_30] : memref<10048x16xf32, #tpu.memory_space<vmem_shared>> -> memref<113x16xf32, #tpu.memory_space<vmem_shared>>
      %dma_wait3A_32 = arith.constant 0 : i32
      %dma_wait3A_33 = tpu.memref_slice %arg8[%add3A_12, %dma_wait3A_32] : memref<10048x16xf32, #tpu.memory_space<vmem_shared>> -> memref<113x16xf32, #tpu.memory_space<vmem_shared>>
      %dma_wait3A_34 = arith.constant 0 : i32
      %dma_wait3A_35 = arith.constant 0 : i32
      %dma_wait3A_36 = tpu.memref_slice %arg7[%dma_wait3A_34, %dma_wait3A_35] : memref<128x16xf32, #tpu.memory_space<vmem>> -> memref<113x16xf32, #tpu.memory_space<vmem>>
      tpu.wait_dma2 semaphore(%run_scoped3A : memref<!tpu.dma_semaphore, #tpu.memory_space<semaphore_mem>>) src(%dma_wait3A_36 : memref<113x16xf32, #tpu.memory_space<vmem>>) dst(%dma_wait3A_33 : memref<113x16xf32, #tpu.memory_space<vmem_shared>>)
      tpu.yield
    }) : () -> ()
    "tpu.region"() ({
      %run_scoped3A = tpu.sem_alloc : memref<!tpu.dma_semaphore, #tpu.memory_space<semaphore_mem>>
      tpu.enqueue_dma source(%arg4 : memref<128x16xf32, #tpu.memory_space<hbm>>) target(%arg7 : memref<128x16xf32, #tpu.memory_space<vmem>>) target_semaphore(%run_scoped3A : memref<!tpu.dma_semaphore, #tpu.memory_space<semaphore_mem>>)
      tpu.wait_dma2 semaphore(%run_scoped3A : memref<!tpu.dma_semaphore, #tpu.memory_space<semaphore_mem>>) src(%arg4 : memref<128x16xf32, #tpu.memory_space<hbm>>) dst(%arg7 : memref<128x16xf32, #tpu.memory_space<vmem>>)
      tpu.yield
    }) : () -> ()
    %barrier3A = arith.constant 0 : index
    tpu.barrier barrier_id(%barrier3A)
    %scan3A = arith.constant 0 : i32
    %scan3A_13 = arith.constant 0 : i32
    %scan3A_14 = arith.constant 160 : i32
    %scan3A_15 = arith.addi %scan3A_13, %scan3A_14 : i32
    %scan3A_16 = arith.constant 1 : i32
    scf.for %scan3A_19 = %scan3A_13 to %scan3A_15 step %scan3A_16  : i32 {
      "tpu.region"() ({
        %run_scoped3A = tpu.sem_alloc : memref<!tpu.dma_semaphore, #tpu.memory_space<semaphore_mem>>
        %dma_start3A = arith.constant 0 : i32
        %dma_start3A_20 = tpu.memref_slice %arg6[%scan3A_19, %dma_start3A] : memref<160x128xi32, #tpu.memory_space<vmem>> -> memref<1x128xi32, #tpu.memory_space<vmem>>
        %dma_start3A_21 = tpu.memref_squeeze %dma_start3A_20 : memref<1x128xi32, #tpu.memory_space<vmem>> -> memref<128xi32, #tpu.memory_space<vmem>>
        %dma_start3A_22 = arith.constant 0 : i32
        %dma_start3A_23 = arith.constant 0 : i32
        %dma_start3A_24 = tpu.memref_slice %arg8[%dma_start3A_22, %dma_start3A_23] : memref<10048x16xf32, #tpu.memory_space<vmem_shared>> -> memref<10048x16xf32, #tpu.memory_space<vmem_shared>>
        tpu.enqueue_indirect_dma source(%arg7 : memref<128x16xf32, #tpu.memory_space<vmem>>) target(%dma_start3A_24 : memref<10048x16xf32, #tpu.memory_space<vmem_shared>>) offsets(%dma_start3A_21 : memref<128xi32, #tpu.memory_space<vmem>>) semaphore(%run_scoped3A : memref<!tpu.dma_semaphore, #tpu.memory_space<semaphore_mem>>) {add = true}
        %dma_wait3A = arith.constant 0 : i32
        %dma_wait3A_25 = tpu.memref_slice %arg6[%scan3A_19, %dma_wait3A] : memref<160x128xi32, #tpu.memory_space<vmem>> -> memref<1x128xi32, #tpu.memory_space<vmem>>
        %dma_wait3A_26 = tpu.memref_squeeze %dma_wait3A_25 : memref<1x128xi32, #tpu.memory_space<vmem>> -> memref<128xi32, #tpu.memory_space<vmem>>
        %dma_wait3A_27 = arith.constant 0 : i32
        %dma_wait3A_28 = arith.constant 0 : i32
        %dma_wait3A_29 = tpu.memref_slice %arg8[%dma_wait3A_27, %dma_wait3A_28] : memref<10048x16xf32, #tpu.memory_space<vmem_shared>> -> memref<10048x16xf32, #tpu.memory_space<vmem_shared>>
        tpu.wait_indirect_dma semaphore(%run_scoped3A : memref<!tpu.dma_semaphore, #tpu.memory_space<semaphore_mem>>) src(%arg7 : memref<128x16xf32, #tpu.memory_space<vmem>>) dst(%dma_wait3A_29 : memref<10048x16xf32, #tpu.memory_space<vmem_shared>>)
        tpu.yield
      }) : () -> ()
    }
    %scan3A_17 = arith.constant 160 : i32
    %barrier3A_18 = arith.constant 0 : index
    tpu.barrier barrier_id(%barrier3A_18)
    "tpu.region"() ({
      %run_scoped3A = tpu.sem_alloc : memref<!tpu.dma_semaphore, #tpu.memory_space<semaphore_mem>>
      %dma_start3A = arith.constant 0 : i32
      %dma_start3A_19 = arith.constant 0 : i32
      %dma_start3A_20 = tpu.memref_slice %arg5[%arg0, %dma_start3A, %dma_start3A_19] : memref<2x10000x16xf32, #tpu.memory_space<hbm>> -> memref<1x10000x16xf32, #tpu.memory_space<hbm>>
      %dma_start3A_21 = tpu.memref_squeeze %dma_start3A_20 : memref<1x10000x16xf32, #tpu.memory_space<hbm>> -> memref<10000x16xf32, #tpu.memory_space<hbm>>
      %dma_start3A_22 = arith.constant 0 : i32
      %dma_start3A_23 = tpu.memref_slice %dma_start3A_21[%mul3A_2, %dma_start3A_22] : memref<10000x16xf32, #tpu.memory_space<hbm>> -> memref<625x16xf32, #tpu.memory_space<hbm>>
      %dma_start3A_24 = arith.constant 0 : i32
      %dma_start3A_25 = tpu.memref_slice %arg8[%mul3A_2, %dma_start3A_24] : memref<10048x16xf32, #tpu.memory_space<vmem_shared>> -> memref<625x16xf32, #tpu.memory_space<vmem_shared>>
      tpu.enqueue_dma source(%dma_start3A_25 : memref<625x16xf32, #tpu.memory_space<vmem_shared>>) target(%dma_start3A_23 : memref<625x16xf32, #tpu.memory_space<hbm>>) target_semaphore(%run_scoped3A : memref<!tpu.dma_semaphore, #tpu.memory_space<semaphore_mem>>)
      %dma_wait3A = arith.constant 0 : i32
      %dma_wait3A_26 = arith.constant 0 : i32
      %dma_wait3A_27 = tpu.memref_slice %arg5[%arg0, %dma_wait3A, %dma_wait3A_26] : memref<2x10000x16xf32, #tpu.memory_space<hbm>> -> memref<1x10000x16xf32, #tpu.memory_space<hbm>>
      %dma_wait3A_28 = tpu.memref_squeeze %dma_wait3A_27 : memref<1x10000x16xf32, #tpu.memory_space<hbm>> -> memref<10000x16xf32, #tpu.memory_space<hbm>>
      %dma_wait3A_29 = arith.constant 0 : i32
      %dma_wait3A_30 = tpu.memref_slice %dma_wait3A_28[%mul3A_2, %dma_wait3A_29] : memref<10000x16xf32, #tpu.memory_space<hbm>> -> memref<625x16xf32, #tpu.memory_space<hbm>>
      %dma_wait3A_31 = arith.constant 0 : i32
      %dma_wait3A_32 = tpu.memref_slice %arg8[%mul3A_2, %dma_wait3A_31] : memref<10048x16xf32, #tpu.memory_space<vmem_shared>> -> memref<625x16xf32, #tpu.memory_space<vmem_shared>>
      tpu.wait_dma2 semaphore(%run_scoped3A : memref<!tpu.dma_semaphore, #tpu.memory_space<semaphore_mem>>) src(%dma_wait3A_32 : memref<625x16xf32, #tpu.memory_space<vmem_shared>>) dst(%dma_wait3A_30 : memref<625x16xf32, #tpu.memory_space<hbm>>)
      tpu.yield
    }) : () -> ()
    return
  }
}

#map = affine_map<(d0, d1) -> (0, 0)>
#map1 = affine_map<(d0, d1) -> (0, 0, 0, 0)>
#map2 = affine_map<(d0, d1) -> (0, 0, 0)>
module attributes {stable_mosaic.version = 14 : i64} {
  func.func @body(%arg0: i32, %arg1: i32, %arg2: memref<10000x128xf32, #tpu.memory_space<hbm>>, %arg3: memref<2x16x160x128xi32, #tpu.memory_space<hbm>>, %arg4: memref<2x16x160x128xi32, #tpu.memory_space<hbm>>, %arg5: memref<128x128xf32, #tpu.memory_space<hbm>>, %arg6: memref<2x10000x128xf32, #tpu.memory_space<hbm>>, %arg7: memref<40x128xi32, #tpu.memory_space<vmem>>, %arg8: memref<40x128xi32, #tpu.memory_space<vmem>>, %arg9: memref<128x128xf32, #tpu.memory_space<vmem>>, %arg10: memref<128x128xf32, #tpu.memory_space<vmem>>, %arg11: memref<10048x128xf32, #tpu.memory_space<vmem_shared>>, %arg12: memref<!tpu.dma_semaphore, #tpu.memory_space<semaphore_mem>>, %arg13: memref<!tpu.dma_semaphore, #tpu.memory_space<semaphore_mem>>, %arg14: memref<!tpu.dma_semaphore, #tpu.memory_space<semaphore_mem>>, %arg15: memref<!tpu.dma_semaphore, #tpu.memory_space<semaphore_mem>>) attributes {dimension_semantics = [#tpu.dimension_semantics<core_parallel>, #tpu.dimension_semantics<subcore_parallel>], iteration_bounds = array<i64: 2, 16>, scalar_prefetch = 0 : i64, scratch_operands = 9 : i64, tpu.core_type = #tpu.core_type<sc_vector_subcore>, window_params = [{transform_indices = #map}, {transform_indices = #map1}, {transform_indices = #map1}, {transform_indices = #map}, {transform_indices = #map2}]} {
    %mul3A = arith.constant 625 : i32
    %mul3A_0 = arith.muli %arg1, %mul3A : i32
    "tpu.region"() ({
      %run_scoped3A = tpu.sem_alloc : memref<!tpu.dma_semaphore, #tpu.memory_space<semaphore_mem>>
      tpu.enqueue_dma source(%arg5 : memref<128x128xf32, #tpu.memory_space<hbm>>) target(%arg9 : memref<128x128xf32, #tpu.memory_space<vmem>>) target_semaphore(%run_scoped3A : memref<!tpu.dma_semaphore, #tpu.memory_space<semaphore_mem>>)
      tpu.wait_dma2 semaphore(%run_scoped3A : memref<!tpu.dma_semaphore, #tpu.memory_space<semaphore_mem>>) src(%arg5 : memref<128x128xf32, #tpu.memory_space<hbm>>) dst(%arg9 : memref<128x128xf32, #tpu.memory_space<vmem>>)
      tpu.yield
    }) : () -> ()
    %add3A = arith.constant 0 : i32
    %add3A_1 = arith.addi %mul3A_0, %add3A : i32
    "tpu.region"() ({
      %run_scoped3A = tpu.sem_alloc : memref<!tpu.dma_semaphore, #tpu.memory_space<semaphore_mem>>
      %dma_start3A_144 = arith.constant 0 : i32
      %dma_start3A_145 = arith.constant 0 : i32
      %dma_start3A_146 = tpu.memref_slice %arg9[%dma_start3A_144, %dma_start3A_145] : memref<128x128xf32, #tpu.memory_space<vmem>> -> memref<128x128xf32, #tpu.memory_space<vmem>>
      %dma_start3A_147 = arith.constant 0 : i32
      %dma_start3A_148 = tpu.memref_slice %arg11[%add3A_1, %dma_start3A_147] : memref<10048x128xf32, #tpu.memory_space<vmem_shared>> -> memref<128x128xf32, #tpu.memory_space<vmem_shared>>
      %dma_start3A_149 = arith.constant 0 : i32
      %dma_start3A_150 = tpu.memref_slice %arg11[%add3A_1, %dma_start3A_149] : memref<10048x128xf32, #tpu.memory_space<vmem_shared>> -> memref<128x128xf32, #tpu.memory_space<vmem_shared>>
      %dma_start3A_151 = arith.constant 0 : i32
      %dma_start3A_152 = arith.constant 0 : i32
      %dma_start3A_153 = tpu.memref_slice %arg9[%dma_start3A_151, %dma_start3A_152] : memref<128x128xf32, #tpu.memory_space<vmem>> -> memref<128x128xf32, #tpu.memory_space<vmem>>
      tpu.enqueue_dma source(%dma_start3A_153 : memref<128x128xf32, #tpu.memory_space<vmem>>) target(%dma_start3A_150 : memref<128x128xf32, #tpu.memory_space<vmem_shared>>) target_semaphore(%run_scoped3A : memref<!tpu.dma_semaphore, #tpu.memory_space<semaphore_mem>>)
      %dma_wait3A_154 = arith.constant 0 : i32
      %dma_wait3A_155 = arith.constant 0 : i32
      %dma_wait3A_156 = tpu.memref_slice %arg9[%dma_wait3A_154, %dma_wait3A_155] : memref<128x128xf32, #tpu.memory_space<vmem>> -> memref<128x128xf32, #tpu.memory_space<vmem>>
      %dma_wait3A_157 = arith.constant 0 : i32
      %dma_wait3A_158 = tpu.memref_slice %arg11[%add3A_1, %dma_wait3A_157] : memref<10048x128xf32, #tpu.memory_space<vmem_shared>> -> memref<128x128xf32, #tpu.memory_space<vmem_shared>>
      %dma_wait3A_159 = arith.constant 0 : i32
      %dma_wait3A_160 = tpu.memref_slice %arg11[%add3A_1, %dma_wait3A_159] : memref<10048x128xf32, #tpu.memory_space<vmem_shared>> -> memref<128x128xf32, #tpu.memory_space<vmem_shared>>
      %dma_wait3A_161 = arith.constant 0 : i32
      %dma_wait3A_162 = arith.constant 0 : i32
      %dma_wait3A_163 = tpu.memref_slice %arg9[%dma_wait3A_161, %dma_wait3A_162] : memref<128x128xf32, #tpu.memory_space<vmem>> -> memref<128x128xf32, #tpu.memory_space<vmem>>
      tpu.wait_dma2 semaphore(%run_scoped3A : memref<!tpu.dma_semaphore, #tpu.memory_space<semaphore_mem>>) src(%dma_wait3A_163 : memref<128x128xf32, #tpu.memory_space<vmem>>) dst(%dma_wait3A_160 : memref<128x128xf32, #tpu.memory_space<vmem_shared>>)
      tpu.yield
    }) : () -> ()
    %add3A_2 = arith.constant 128 : i32
    %add3A_3 = arith.addi %mul3A_0, %add3A_2 : i32
    "tpu.region"() ({
      %run_scoped3A = tpu.sem_alloc : memref<!tpu.dma_semaphore, #tpu.memory_space<semaphore_mem>>
      %dma_start3A_144 = arith.constant 0 : i32
      %dma_start3A_145 = arith.constant 0 : i32
      %dma_start3A_146 = tpu.memref_slice %arg9[%dma_start3A_144, %dma_start3A_145] : memref<128x128xf32, #tpu.memory_space<vmem>> -> memref<128x128xf32, #tpu.memory_space<vmem>>
      %dma_start3A_147 = arith.constant 0 : i32
      %dma_start3A_148 = tpu.memref_slice %arg11[%add3A_3, %dma_start3A_147] : memref<10048x128xf32, #tpu.memory_space<vmem_shared>> -> memref<128x128xf32, #tpu.memory_space<vmem_shared>>
      %dma_start3A_149 = arith.constant 0 : i32
      %dma_start3A_150 = tpu.memref_slice %arg11[%add3A_3, %dma_start3A_149] : memref<10048x128xf32, #tpu.memory_space<vmem_shared>> -> memref<128x128xf32, #tpu.memory_space<vmem_shared>>
      %dma_start3A_151 = arith.constant 0 : i32
      %dma_start3A_152 = arith.constant 0 : i32
      %dma_start3A_153 = tpu.memref_slice %arg9[%dma_start3A_151, %dma_start3A_152] : memref<128x128xf32, #tpu.memory_space<vmem>> -> memref<128x128xf32, #tpu.memory_space<vmem>>
      tpu.enqueue_dma source(%dma_start3A_153 : memref<128x128xf32, #tpu.memory_space<vmem>>) target(%dma_start3A_150 : memref<128x128xf32, #tpu.memory_space<vmem_shared>>) target_semaphore(%run_scoped3A : memref<!tpu.dma_semaphore, #tpu.memory_space<semaphore_mem>>)
      %dma_wait3A_154 = arith.constant 0 : i32
      %dma_wait3A_155 = arith.constant 0 : i32
      %dma_wait3A_156 = tpu.memref_slice %arg9[%dma_wait3A_154, %dma_wait3A_155] : memref<128x128xf32, #tpu.memory_space<vmem>> -> memref<128x128xf32, #tpu.memory_space<vmem>>
      %dma_wait3A_157 = arith.constant 0 : i32
      %dma_wait3A_158 = tpu.memref_slice %arg11[%add3A_3, %dma_wait3A_157] : memref<10048x128xf32, #tpu.memory_space<vmem_shared>> -> memref<128x128xf32, #tpu.memory_space<vmem_shared>>
      %dma_wait3A_159 = arith.constant 0 : i32
      %dma_wait3A_160 = tpu.memref_slice %arg11[%add3A_3, %dma_wait3A_159] : memref<10048x128xf32, #tpu.memory_space<vmem_shared>> -> memref<128x128xf32, #tpu.memory_space<vmem_shared>>
      %dma_wait3A_161 = arith.constant 0 : i32
      %dma_wait3A_162 = arith.constant 0 : i32
      %dma_wait3A_163 = tpu.memref_slice %arg9[%dma_wait3A_161, %dma_wait3A_162] : memref<128x128xf32, #tpu.memory_space<vmem>> -> memref<128x128xf32, #tpu.memory_space<vmem>>
      tpu.wait_dma2 semaphore(%run_scoped3A : memref<!tpu.dma_semaphore, #tpu.memory_space<semaphore_mem>>) src(%dma_wait3A_163 : memref<128x128xf32, #tpu.memory_space<vmem>>) dst(%dma_wait3A_160 : memref<128x128xf32, #tpu.memory_space<vmem_shared>>)
      tpu.yield
    }) : () -> ()
    %add3A_4 = arith.constant 256 : i32
    %add3A_5 = arith.addi %mul3A_0, %add3A_4 : i32
    "tpu.region"() ({
      %run_scoped3A = tpu.sem_alloc : memref<!tpu.dma_semaphore, #tpu.memory_space<semaphore_mem>>
      %dma_start3A_144 = arith.constant 0 : i32
      %dma_start3A_145 = arith.constant 0 : i32
      %dma_start3A_146 = tpu.memref_slice %arg9[%dma_start3A_144, %dma_start3A_145] : memref<128x128xf32, #tpu.memory_space<vmem>> -> memref<128x128xf32, #tpu.memory_space<vmem>>
      %dma_start3A_147 = arith.constant 0 : i32
      %dma_start3A_148 = tpu.memref_slice %arg11[%add3A_5, %dma_start3A_147] : memref<10048x128xf32, #tpu.memory_space<vmem_shared>> -> memref<128x128xf32, #tpu.memory_space<vmem_shared>>
      %dma_start3A_149 = arith.constant 0 : i32
      %dma_start3A_150 = tpu.memref_slice %arg11[%add3A_5, %dma_start3A_149] : memref<10048x128xf32, #tpu.memory_space<vmem_shared>> -> memref<128x128xf32, #tpu.memory_space<vmem_shared>>
      %dma_start3A_151 = arith.constant 0 : i32
      %dma_start3A_152 = arith.constant 0 : i32
      %dma_start3A_153 = tpu.memref_slice %arg9[%dma_start3A_151, %dma_start3A_152] : memref<128x128xf32, #tpu.memory_space<vmem>> -> memref<128x128xf32, #tpu.memory_space<vmem>>
      tpu.enqueue_dma source(%dma_start3A_153 : memref<128x128xf32, #tpu.memory_space<vmem>>) target(%dma_start3A_150 : memref<128x128xf32, #tpu.memory_space<vmem_shared>>) target_semaphore(%run_scoped3A : memref<!tpu.dma_semaphore, #tpu.memory_space<semaphore_mem>>)
      %dma_wait3A_154 = arith.constant 0 : i32
      %dma_wait3A_155 = arith.constant 0 : i32
      %dma_wait3A_156 = tpu.memref_slice %arg9[%dma_wait3A_154, %dma_wait3A_155] : memref<128x128xf32, #tpu.memory_space<vmem>> -> memref<128x128xf32, #tpu.memory_space<vmem>>
      %dma_wait3A_157 = arith.constant 0 : i32
      %dma_wait3A_158 = tpu.memref_slice %arg11[%add3A_5, %dma_wait3A_157] : memref<10048x128xf32, #tpu.memory_space<vmem_shared>> -> memref<128x128xf32, #tpu.memory_space<vmem_shared>>
      %dma_wait3A_159 = arith.constant 0 : i32
      %dma_wait3A_160 = tpu.memref_slice %arg11[%add3A_5, %dma_wait3A_159] : memref<10048x128xf32, #tpu.memory_space<vmem_shared>> -> memref<128x128xf32, #tpu.memory_space<vmem_shared>>
      %dma_wait3A_161 = arith.constant 0 : i32
      %dma_wait3A_162 = arith.constant 0 : i32
      %dma_wait3A_163 = tpu.memref_slice %arg9[%dma_wait3A_161, %dma_wait3A_162] : memref<128x128xf32, #tpu.memory_space<vmem>> -> memref<128x128xf32, #tpu.memory_space<vmem>>
      tpu.wait_dma2 semaphore(%run_scoped3A : memref<!tpu.dma_semaphore, #tpu.memory_space<semaphore_mem>>) src(%dma_wait3A_163 : memref<128x128xf32, #tpu.memory_space<vmem>>) dst(%dma_wait3A_160 : memref<128x128xf32, #tpu.memory_space<vmem_shared>>)
      tpu.yield
    }) : () -> ()
    %add3A_6 = arith.constant 384 : i32
    %add3A_7 = arith.addi %mul3A_0, %add3A_6 : i32
    "tpu.region"() ({
      %run_scoped3A = tpu.sem_alloc : memref<!tpu.dma_semaphore, #tpu.memory_space<semaphore_mem>>
      %dma_start3A_144 = arith.constant 0 : i32
      %dma_start3A_145 = arith.constant 0 : i32
      %dma_start3A_146 = tpu.memref_slice %arg9[%dma_start3A_144, %dma_start3A_145] : memref<128x128xf32, #tpu.memory_space<vmem>> -> memref<128x128xf32, #tpu.memory_space<vmem>>
      %dma_start3A_147 = arith.constant 0 : i32
      %dma_start3A_148 = tpu.memref_slice %arg11[%add3A_7, %dma_start3A_147] : memref<10048x128xf32, #tpu.memory_space<vmem_shared>> -> memref<128x128xf32, #tpu.memory_space<vmem_shared>>
      %dma_start3A_149 = arith.constant 0 : i32
      %dma_start3A_150 = tpu.memref_slice %arg11[%add3A_7, %dma_start3A_149] : memref<10048x128xf32, #tpu.memory_space<vmem_shared>> -> memref<128x128xf32, #tpu.memory_space<vmem_shared>>
      %dma_start3A_151 = arith.constant 0 : i32
      %dma_start3A_152 = arith.constant 0 : i32
      %dma_start3A_153 = tpu.memref_slice %arg9[%dma_start3A_151, %dma_start3A_152] : memref<128x128xf32, #tpu.memory_space<vmem>> -> memref<128x128xf32, #tpu.memory_space<vmem>>
      tpu.enqueue_dma source(%dma_start3A_153 : memref<128x128xf32, #tpu.memory_space<vmem>>) target(%dma_start3A_150 : memref<128x128xf32, #tpu.memory_space<vmem_shared>>) target_semaphore(%run_scoped3A : memref<!tpu.dma_semaphore, #tpu.memory_space<semaphore_mem>>)
      %dma_wait3A_154 = arith.constant 0 : i32
      %dma_wait3A_155 = arith.constant 0 : i32
      %dma_wait3A_156 = tpu.memref_slice %arg9[%dma_wait3A_154, %dma_wait3A_155] : memref<128x128xf32, #tpu.memory_space<vmem>> -> memref<128x128xf32, #tpu.memory_space<vmem>>
      %dma_wait3A_157 = arith.constant 0 : i32
      %dma_wait3A_158 = tpu.memref_slice %arg11[%add3A_7, %dma_wait3A_157] : memref<10048x128xf32, #tpu.memory_space<vmem_shared>> -> memref<128x128xf32, #tpu.memory_space<vmem_shared>>
      %dma_wait3A_159 = arith.constant 0 : i32
      %dma_wait3A_160 = tpu.memref_slice %arg11[%add3A_7, %dma_wait3A_159] : memref<10048x128xf32, #tpu.memory_space<vmem_shared>> -> memref<128x128xf32, #tpu.memory_space<vmem_shared>>
      %dma_wait3A_161 = arith.constant 0 : i32
      %dma_wait3A_162 = arith.constant 0 : i32
      %dma_wait3A_163 = tpu.memref_slice %arg9[%dma_wait3A_161, %dma_wait3A_162] : memref<128x128xf32, #tpu.memory_space<vmem>> -> memref<128x128xf32, #tpu.memory_space<vmem>>
      tpu.wait_dma2 semaphore(%run_scoped3A : memref<!tpu.dma_semaphore, #tpu.memory_space<semaphore_mem>>) src(%dma_wait3A_163 : memref<128x128xf32, #tpu.memory_space<vmem>>) dst(%dma_wait3A_160 : memref<128x128xf32, #tpu.memory_space<vmem_shared>>)
      tpu.yield
    }) : () -> ()
    %add3A_8 = arith.constant 512 : i32
    %add3A_9 = arith.addi %mul3A_0, %add3A_8 : i32
    "tpu.region"() ({
      %run_scoped3A = tpu.sem_alloc : memref<!tpu.dma_semaphore, #tpu.memory_space<semaphore_mem>>
      %dma_start3A_144 = arith.constant 0 : i32
      %dma_start3A_145 = arith.constant 0 : i32
      %dma_start3A_146 = tpu.memref_slice %arg9[%dma_start3A_144, %dma_start3A_145] : memref<128x128xf32, #tpu.memory_space<vmem>> -> memref<113x128xf32, #tpu.memory_space<vmem>>
      %dma_start3A_147 = arith.constant 0 : i32
      %dma_start3A_148 = tpu.memref_slice %arg11[%add3A_9, %dma_start3A_147] : memref<10048x128xf32, #tpu.memory_space<vmem_shared>> -> memref<113x128xf32, #tpu.memory_space<vmem_shared>>
      %dma_start3A_149 = arith.constant 0 : i32
      %dma_start3A_150 = tpu.memref_slice %arg11[%add3A_9, %dma_start3A_149] : memref<10048x128xf32, #tpu.memory_space<vmem_shared>> -> memref<113x128xf32, #tpu.memory_space<vmem_shared>>
      %dma_start3A_151 = arith.constant 0 : i32
      %dma_start3A_152 = arith.constant 0 : i32
      %dma_start3A_153 = tpu.memref_slice %arg9[%dma_start3A_151, %dma_start3A_152] : memref<128x128xf32, #tpu.memory_space<vmem>> -> memref<113x128xf32, #tpu.memory_space<vmem>>
      tpu.enqueue_dma source(%dma_start3A_153 : memref<113x128xf32, #tpu.memory_space<vmem>>) target(%dma_start3A_150 : memref<113x128xf32, #tpu.memory_space<vmem_shared>>) target_semaphore(%run_scoped3A : memref<!tpu.dma_semaphore, #tpu.memory_space<semaphore_mem>>)
      %dma_wait3A_154 = arith.constant 0 : i32
      %dma_wait3A_155 = arith.constant 0 : i32
      %dma_wait3A_156 = tpu.memref_slice %arg9[%dma_wait3A_154, %dma_wait3A_155] : memref<128x128xf32, #tpu.memory_space<vmem>> -> memref<113x128xf32, #tpu.memory_space<vmem>>
      %dma_wait3A_157 = arith.constant 0 : i32
      %dma_wait3A_158 = tpu.memref_slice %arg11[%add3A_9, %dma_wait3A_157] : memref<10048x128xf32, #tpu.memory_space<vmem_shared>> -> memref<113x128xf32, #tpu.memory_space<vmem_shared>>
      %dma_wait3A_159 = arith.constant 0 : i32
      %dma_wait3A_160 = tpu.memref_slice %arg11[%add3A_9, %dma_wait3A_159] : memref<10048x128xf32, #tpu.memory_space<vmem_shared>> -> memref<113x128xf32, #tpu.memory_space<vmem_shared>>
      %dma_wait3A_161 = arith.constant 0 : i32
      %dma_wait3A_162 = arith.constant 0 : i32
      %dma_wait3A_163 = tpu.memref_slice %arg9[%dma_wait3A_161, %dma_wait3A_162] : memref<128x128xf32, #tpu.memory_space<vmem>> -> memref<113x128xf32, #tpu.memory_space<vmem>>
      tpu.wait_dma2 semaphore(%run_scoped3A : memref<!tpu.dma_semaphore, #tpu.memory_space<semaphore_mem>>) src(%dma_wait3A_163 : memref<113x128xf32, #tpu.memory_space<vmem>>) dst(%dma_wait3A_160 : memref<113x128xf32, #tpu.memory_space<vmem_shared>>)
      tpu.yield
    }) : () -> ()
    %barrier3A = arith.constant 0 : index
    tpu.barrier barrier_id(%barrier3A)
    "tpu.region"() ({
      %run_scoped3A = tpu.sem_alloc : memref<!tpu.dma_semaphore, #tpu.memory_space<semaphore_mem>>
      %dma_start3A_144 = arith.constant 0 : i32
      %dma_start3A_145 = arith.constant 0 : i32
      %dma_start3A_146 = tpu.memref_slice %arg3[%arg0, %arg1, %dma_start3A_144, %dma_start3A_145] : memref<2x16x160x128xi32, #tpu.memory_space<hbm>> -> memref<1x1x40x128xi32, #tpu.memory_space<hbm>>
      %dma_start3A_147 = tpu.memref_squeeze %dma_start3A_146 : memref<1x1x40x128xi32, #tpu.memory_space<hbm>> -> memref<40x128xi32, #tpu.memory_space<hbm>>
      %dma_start3A_148 = arith.constant 0 : i32
      %dma_start3A_149 = arith.constant 0 : i32
      %dma_start3A_150 = tpu.memref_slice %arg3[%arg0, %arg1, %dma_start3A_148, %dma_start3A_149] : memref<2x16x160x128xi32, #tpu.memory_space<hbm>> -> memref<1x1x40x128xi32, #tpu.memory_space<hbm>>
      %dma_start3A_151 = tpu.memref_squeeze %dma_start3A_150 : memref<1x1x40x128xi32, #tpu.memory_space<hbm>> -> memref<40x128xi32, #tpu.memory_space<hbm>>
      tpu.enqueue_dma source(%dma_start3A_151 : memref<40x128xi32, #tpu.memory_space<hbm>>) target(%arg7 : memref<40x128xi32, #tpu.memory_space<vmem>>) target_semaphore(%run_scoped3A : memref<!tpu.dma_semaphore, #tpu.memory_space<semaphore_mem>>)
      %dma_wait3A_152 = arith.constant 0 : i32
      %dma_wait3A_153 = arith.constant 0 : i32
      %dma_wait3A_154 = tpu.memref_slice %arg3[%arg0, %arg1, %dma_wait3A_152, %dma_wait3A_153] : memref<2x16x160x128xi32, #tpu.memory_space<hbm>> -> memref<1x1x40x128xi32, #tpu.memory_space<hbm>>
      %dma_wait3A_155 = tpu.memref_squeeze %dma_wait3A_154 : memref<1x1x40x128xi32, #tpu.memory_space<hbm>> -> memref<40x128xi32, #tpu.memory_space<hbm>>
      %dma_wait3A_156 = arith.constant 0 : i32
      %dma_wait3A_157 = arith.constant 0 : i32
      %dma_wait3A_158 = tpu.memref_slice %arg3[%arg0, %arg1, %dma_wait3A_156, %dma_wait3A_157] : memref<2x16x160x128xi32, #tpu.memory_space<hbm>> -> memref<1x1x40x128xi32, #tpu.memory_space<hbm>>
      %dma_wait3A_159 = tpu.memref_squeeze %dma_wait3A_158 : memref<1x1x40x128xi32, #tpu.memory_space<hbm>> -> memref<40x128xi32, #tpu.memory_space<hbm>>
      tpu.wait_dma2 semaphore(%run_scoped3A : memref<!tpu.dma_semaphore, #tpu.memory_space<semaphore_mem>>) src(%dma_wait3A_159 : memref<40x128xi32, #tpu.memory_space<hbm>>) dst(%arg7 : memref<40x128xi32, #tpu.memory_space<vmem>>)
      tpu.yield
    }) : () -> ()
    "tpu.region"() ({
      %run_scoped3A = tpu.sem_alloc : memref<!tpu.dma_semaphore, #tpu.memory_space<semaphore_mem>>
      %dma_start3A_144 = arith.constant 0 : i32
      %dma_start3A_145 = arith.constant 0 : i32
      %dma_start3A_146 = tpu.memref_slice %arg4[%arg0, %arg1, %dma_start3A_144, %dma_start3A_145] : memref<2x16x160x128xi32, #tpu.memory_space<hbm>> -> memref<1x1x40x128xi32, #tpu.memory_space<hbm>>
      %dma_start3A_147 = tpu.memref_squeeze %dma_start3A_146 : memref<1x1x40x128xi32, #tpu.memory_space<hbm>> -> memref<40x128xi32, #tpu.memory_space<hbm>>
      %dma_start3A_148 = arith.constant 0 : i32
      %dma_start3A_149 = arith.constant 0 : i32
      %dma_start3A_150 = tpu.memref_slice %arg4[%arg0, %arg1, %dma_start3A_148, %dma_start3A_149] : memref<2x16x160x128xi32, #tpu.memory_space<hbm>> -> memref<1x1x40x128xi32, #tpu.memory_space<hbm>>
      %dma_start3A_151 = tpu.memref_squeeze %dma_start3A_150 : memref<1x1x40x128xi32, #tpu.memory_space<hbm>> -> memref<40x128xi32, #tpu.memory_space<hbm>>
      tpu.enqueue_dma source(%dma_start3A_151 : memref<40x128xi32, #tpu.memory_space<hbm>>) target(%arg8 : memref<40x128xi32, #tpu.memory_space<vmem>>) target_semaphore(%run_scoped3A : memref<!tpu.dma_semaphore, #tpu.memory_space<semaphore_mem>>)
      %dma_wait3A_152 = arith.constant 0 : i32
      %dma_wait3A_153 = arith.constant 0 : i32
      %dma_wait3A_154 = tpu.memref_slice %arg4[%arg0, %arg1, %dma_wait3A_152, %dma_wait3A_153] : memref<2x16x160x128xi32, #tpu.memory_space<hbm>> -> memref<1x1x40x128xi32, #tpu.memory_space<hbm>>
      %dma_wait3A_155 = tpu.memref_squeeze %dma_wait3A_154 : memref<1x1x40x128xi32, #tpu.memory_space<hbm>> -> memref<40x128xi32, #tpu.memory_space<hbm>>
      %dma_wait3A_156 = arith.constant 0 : i32
      %dma_wait3A_157 = arith.constant 0 : i32
      %dma_wait3A_158 = tpu.memref_slice %arg4[%arg0, %arg1, %dma_wait3A_156, %dma_wait3A_157] : memref<2x16x160x128xi32, #tpu.memory_space<hbm>> -> memref<1x1x40x128xi32, #tpu.memory_space<hbm>>
      %dma_wait3A_159 = tpu.memref_squeeze %dma_wait3A_158 : memref<1x1x40x128xi32, #tpu.memory_space<hbm>> -> memref<40x128xi32, #tpu.memory_space<hbm>>
      tpu.wait_dma2 semaphore(%run_scoped3A : memref<!tpu.dma_semaphore, #tpu.memory_space<semaphore_mem>>) src(%dma_wait3A_159 : memref<40x128xi32, #tpu.memory_space<hbm>>) dst(%arg8 : memref<40x128xi32, #tpu.memory_space<vmem>>)
      tpu.yield
    }) : () -> ()
    %dma_start3A = arith.constant 0 : i32
    %dma_start3A_10 = arith.constant 0 : i32
    %dma_start3A_11 = tpu.memref_slice %arg7[%dma_start3A, %dma_start3A_10] : memref<40x128xi32, #tpu.memory_space<vmem>> -> memref<1x128xi32, #tpu.memory_space<vmem>>
    %dma_start3A_12 = tpu.memref_squeeze %dma_start3A_11 : memref<1x128xi32, #tpu.memory_space<vmem>> -> memref<128xi32, #tpu.memory_space<vmem>>
    %dma_start3A_13 = arith.constant 0 : i32
    %dma_start3A_14 = arith.constant 0 : i32
    %dma_start3A_15 = tpu.memref_slice %arg2[%dma_start3A_13, %dma_start3A_14] : memref<10000x128xf32, #tpu.memory_space<hbm>> -> memref<10000x128xf32, #tpu.memory_space<hbm>>
    tpu.enqueue_indirect_dma source(%dma_start3A_15 : memref<10000x128xf32, #tpu.memory_space<hbm>>) target(%arg9 : memref<128x128xf32, #tpu.memory_space<vmem>>) offsets(%dma_start3A_12 : memref<128xi32, #tpu.memory_space<vmem>>) semaphore(%arg12 : memref<!tpu.dma_semaphore, #tpu.memory_space<semaphore_mem>>)
    %dma_start3A_16 = arith.constant 1 : i32
    %dma_start3A_17 = arith.constant 0 : i32
    %dma_start3A_18 = tpu.memref_slice %arg7[%dma_start3A_16, %dma_start3A_17] : memref<40x128xi32, #tpu.memory_space<vmem>> -> memref<1x128xi32, #tpu.memory_space<vmem>>
    %dma_start3A_19 = tpu.memref_squeeze %dma_start3A_18 : memref<1x128xi32, #tpu.memory_space<vmem>> -> memref<128xi32, #tpu.memory_space<vmem>>
    %dma_start3A_20 = arith.constant 0 : i32
    %dma_start3A_21 = arith.constant 0 : i32
    %dma_start3A_22 = tpu.memref_slice %arg2[%dma_start3A_20, %dma_start3A_21] : memref<10000x128xf32, #tpu.memory_space<hbm>> -> memref<10000x128xf32, #tpu.memory_space<hbm>>
    tpu.enqueue_indirect_dma source(%dma_start3A_22 : memref<10000x128xf32, #tpu.memory_space<hbm>>) target(%arg10 : memref<128x128xf32, #tpu.memory_space<vmem>>) offsets(%dma_start3A_19 : memref<128xi32, #tpu.memory_space<vmem>>) semaphore(%arg13 : memref<!tpu.dma_semaphore, #tpu.memory_space<semaphore_mem>>)
    %scan3A = arith.constant 0 : i32
    %scan3A_23 = arith.constant 0 : i32
    %scan3A_24 = arith.constant 20 : i32
    %scan3A_25 = arith.addi %scan3A_23, %scan3A_24 : i32
    %scan3A_26 = arith.constant 1 : i32
    scf.for %scan3A_144 = %scan3A_23 to %scan3A_25 step %scan3A_26  : i32 {
      %mul3A_145 = arith.constant 2 : i32
      %mul3A_146 = arith.muli %mul3A_145, %scan3A_144 : i32
      %add3A_147 = arith.constant 0 : i32
      %add3A_148 = arith.addi %mul3A_146, %add3A_147 : i32
      %dma_wait3A_149 = arith.constant 0 : i32
      %dma_wait3A_150 = tpu.memref_slice %arg7[%add3A_148, %dma_wait3A_149] : memref<40x128xi32, #tpu.memory_space<vmem>> -> memref<1x128xi32, #tpu.memory_space<vmem>>
      %dma_wait3A_151 = tpu.memref_squeeze %dma_wait3A_150 : memref<1x128xi32, #tpu.memory_space<vmem>> -> memref<128xi32, #tpu.memory_space<vmem>>
      %dma_wait3A_152 = arith.constant 0 : i32
      %dma_wait3A_153 = arith.constant 0 : i32
      %dma_wait3A_154 = tpu.memref_slice %arg2[%dma_wait3A_152, %dma_wait3A_153] : memref<10000x128xf32, #tpu.memory_space<hbm>> -> memref<10000x128xf32, #tpu.memory_space<hbm>>
      tpu.wait_indirect_dma semaphore(%arg12 : memref<!tpu.dma_semaphore, #tpu.memory_space<semaphore_mem>>) src(%dma_wait3A_154 : memref<10000x128xf32, #tpu.memory_space<hbm>>) dst(%arg9 : memref<128x128xf32, #tpu.memory_space<vmem>>)
      %dma_start3A_155 = arith.constant 0 : i32
      %dma_start3A_156 = tpu.memref_slice %arg8[%add3A_148, %dma_start3A_155] : memref<40x128xi32, #tpu.memory_space<vmem>> -> memref<1x128xi32, #tpu.memory_space<vmem>>
      %dma_start3A_157 = tpu.memref_squeeze %dma_start3A_156 : memref<1x128xi32, #tpu.memory_space<vmem>> -> memref<128xi32, #tpu.memory_space<vmem>>
      %dma_start3A_158 = arith.constant 0 : i32
      %dma_start3A_159 = arith.constant 0 : i32
      %dma_start3A_160 = tpu.memref_slice %arg11[%dma_start3A_158, %dma_start3A_159] : memref<10048x128xf32, #tpu.memory_space<vmem_shared>> -> memref<10048x128xf32, #tpu.memory_space<vmem_shared>>
      tpu.enqueue_indirect_dma source(%arg9 : memref<128x128xf32, #tpu.memory_space<vmem>>) target(%dma_start3A_160 : memref<10048x128xf32, #tpu.memory_space<vmem_shared>>) offsets(%dma_start3A_157 : memref<128xi32, #tpu.memory_space<vmem>>) semaphore(%arg14 : memref<!tpu.dma_semaphore, #tpu.memory_space<semaphore_mem>>) {add = true}
      %sub3A = arith.constant 1 : i32
      %sub3A_161 = arith.subi %add3A_148, %sub3A : i32
      %add3A_162 = arith.constant 2 : i32
      %add3A_163 = arith.addi %sub3A_161, %add3A_162 : i32
      %ge3A = arith.constant 0 : i32
      %ge3A_164 = arith.cmpi sge, %sub3A_161, %ge3A : i32
      %lt3A = arith.constant 40 : i32
      %lt3A_165 = arith.cmpi slt, %add3A_163, %lt3A : i32
      %and3A = arith.andi %ge3A_164, %lt3A_165 : i1
      %convert_element_type3A = arith.extui %and3A : i1 to i32
      %cond3A = arith.constant 0 : i32
      %cond3A_166 = arith.cmpi ne, %convert_element_type3A, %cond3A : i32
      scf.if %cond3A_166 {
        %dma_wait3A_195 = arith.constant 0 : i32
        %dma_wait3A_196 = tpu.memref_slice %arg8[%sub3A_161, %dma_wait3A_195] : memref<40x128xi32, #tpu.memory_space<vmem>> -> memref<1x128xi32, #tpu.memory_space<vmem>>
        %dma_wait3A_197 = tpu.memref_squeeze %dma_wait3A_196 : memref<1x128xi32, #tpu.memory_space<vmem>> -> memref<128xi32, #tpu.memory_space<vmem>>
        %dma_wait3A_198 = arith.constant 0 : i32
        %dma_wait3A_199 = arith.constant 0 : i32
        %dma_wait3A_200 = tpu.memref_slice %arg11[%dma_wait3A_198, %dma_wait3A_199] : memref<10048x128xf32, #tpu.memory_space<vmem_shared>> -> memref<10048x128xf32, #tpu.memory_space<vmem_shared>>
        tpu.wait_indirect_dma semaphore(%arg15 : memref<!tpu.dma_semaphore, #tpu.memory_space<semaphore_mem>>) src(%arg10 : memref<128x128xf32, #tpu.memory_space<vmem>>) dst(%dma_wait3A_200 : memref<10048x128xf32, #tpu.memory_space<vmem_shared>>)
        %dma_start3A_201 = arith.constant 0 : i32
        %dma_start3A_202 = tpu.memref_slice %arg7[%add3A_163, %dma_start3A_201] : memref<40x128xi32, #tpu.memory_space<vmem>> -> memref<1x128xi32, #tpu.memory_space<vmem>>
        %dma_start3A_203 = tpu.memref_squeeze %dma_start3A_202 : memref<1x128xi32, #tpu.memory_space<vmem>> -> memref<128xi32, #tpu.memory_space<vmem>>
        %dma_start3A_204 = arith.constant 0 : i32
        %dma_start3A_205 = arith.constant 0 : i32
        %dma_start3A_206 = tpu.memref_slice %arg2[%dma_start3A_204, %dma_start3A_205] : memref<10000x128xf32, #tpu.memory_space<hbm>> -> memref<10000x128xf32, #tpu.memory_space<hbm>>
        tpu.enqueue_indirect_dma source(%dma_start3A_206 : memref<10000x128xf32, #tpu.memory_space<hbm>>) target(%arg10 : memref<128x128xf32, #tpu.memory_space<vmem>>) offsets(%dma_start3A_203 : memref<128xi32, #tpu.memory_space<vmem>>) semaphore(%arg13 : memref<!tpu.dma_semaphore, #tpu.memory_space<semaphore_mem>>)
      } else {
      }
      %mul3A_167 = arith.constant 2 : i32
      %mul3A_168 = arith.muli %mul3A_167, %scan3A_144 : i32
      %add3A_169 = arith.constant 1 : i32
      %add3A_170 = arith.addi %mul3A_168, %add3A_169 : i32
      %dma_wait3A_171 = arith.constant 0 : i32
      %dma_wait3A_172 = tpu.memref_slice %arg7[%add3A_170, %dma_wait3A_171] : memref<40x128xi32, #tpu.memory_space<vmem>> -> memref<1x128xi32, #tpu.memory_space<vmem>>
      %dma_wait3A_173 = tpu.memref_squeeze %dma_wait3A_172 : memref<1x128xi32, #tpu.memory_space<vmem>> -> memref<128xi32, #tpu.memory_space<vmem>>
      %dma_wait3A_174 = arith.constant 0 : i32
      %dma_wait3A_175 = arith.constant 0 : i32
      %dma_wait3A_176 = tpu.memref_slice %arg2[%dma_wait3A_174, %dma_wait3A_175] : memref<10000x128xf32, #tpu.memory_space<hbm>> -> memref<10000x128xf32, #tpu.memory_space<hbm>>
      tpu.wait_indirect_dma semaphore(%arg13 : memref<!tpu.dma_semaphore, #tpu.memory_space<semaphore_mem>>) src(%dma_wait3A_176 : memref<10000x128xf32, #tpu.memory_space<hbm>>) dst(%arg10 : memref<128x128xf32, #tpu.memory_space<vmem>>)
      %dma_start3A_177 = arith.constant 0 : i32
      %dma_start3A_178 = tpu.memref_slice %arg8[%add3A_170, %dma_start3A_177] : memref<40x128xi32, #tpu.memory_space<vmem>> -> memref<1x128xi32, #tpu.memory_space<vmem>>
      %dma_start3A_179 = tpu.memref_squeeze %dma_start3A_178 : memref<1x128xi32, #tpu.memory_space<vmem>> -> memref<128xi32, #tpu.memory_space<vmem>>
      %dma_start3A_180 = arith.constant 0 : i32
      %dma_start3A_181 = arith.constant 0 : i32
      %dma_start3A_182 = tpu.memref_slice %arg11[%dma_start3A_180, %dma_start3A_181] : memref<10048x128xf32, #tpu.memory_space<vmem_shared>> -> memref<10048x128xf32, #tpu.memory_space<vmem_shared>>
      tpu.enqueue_indirect_dma source(%arg10 : memref<128x128xf32, #tpu.memory_space<vmem>>) target(%dma_start3A_182 : memref<10048x128xf32, #tpu.memory_space<vmem_shared>>) offsets(%dma_start3A_179 : memref<128xi32, #tpu.memory_space<vmem>>) semaphore(%arg15 : memref<!tpu.dma_semaphore, #tpu.memory_space<semaphore_mem>>) {add = true}
      %sub3A_183 = arith.constant 1 : i32
      %sub3A_184 = arith.subi %add3A_170, %sub3A_183 : i32
      %add3A_185 = arith.constant 2 : i32
      %add3A_186 = arith.addi %sub3A_184, %add3A_185 : i32
      %ge3A_187 = arith.constant 0 : i32
      %ge3A_188 = arith.cmpi sge, %sub3A_184, %ge3A_187 : i32
      %lt3A_189 = arith.constant 40 : i32
      %lt3A_190 = arith.cmpi slt, %add3A_186, %lt3A_189 : i32
      %and3A_191 = arith.andi %ge3A_188, %lt3A_190 : i1
      %convert_element_type3A_192 = arith.extui %and3A_191 : i1 to i32
      %cond3A_193 = arith.constant 0 : i32
      %cond3A_194 = arith.cmpi ne, %convert_element_type3A_192, %cond3A_193 : i32
      scf.if %cond3A_194 {
        %dma_wait3A_195 = arith.constant 0 : i32
        %dma_wait3A_196 = tpu.memref_slice %arg8[%sub3A_184, %dma_wait3A_195] : memref<40x128xi32, #tpu.memory_space<vmem>> -> memref<1x128xi32, #tpu.memory_space<vmem>>
        %dma_wait3A_197 = tpu.memref_squeeze %dma_wait3A_196 : memref<1x128xi32, #tpu.memory_space<vmem>> -> memref<128xi32, #tpu.memory_space<vmem>>
        %dma_wait3A_198 = arith.constant 0 : i32
        %dma_wait3A_199 = arith.constant 0 : i32
        %dma_wait3A_200 = tpu.memref_slice %arg11[%dma_wait3A_198, %dma_wait3A_199] : memref<10048x128xf32, #tpu.memory_space<vmem_shared>> -> memref<10048x128xf32, #tpu.memory_space<vmem_shared>>
        tpu.wait_indirect_dma semaphore(%arg14 : memref<!tpu.dma_semaphore, #tpu.memory_space<semaphore_mem>>) src(%arg9 : memref<128x128xf32, #tpu.memory_space<vmem>>) dst(%dma_wait3A_200 : memref<10048x128xf32, #tpu.memory_space<vmem_shared>>)
        %dma_start3A_201 = arith.constant 0 : i32
        %dma_start3A_202 = tpu.memref_slice %arg7[%add3A_186, %dma_start3A_201] : memref<40x128xi32, #tpu.memory_space<vmem>> -> memref<1x128xi32, #tpu.memory_space<vmem>>
        %dma_start3A_203 = tpu.memref_squeeze %dma_start3A_202 : memref<1x128xi32, #tpu.memory_space<vmem>> -> memref<128xi32, #tpu.memory_space<vmem>>
        %dma_start3A_204 = arith.constant 0 : i32
        %dma_start3A_205 = arith.constant 0 : i32
        %dma_start3A_206 = tpu.memref_slice %arg2[%dma_start3A_204, %dma_start3A_205] : memref<10000x128xf32, #tpu.memory_space<hbm>> -> memref<10000x128xf32, #tpu.memory_space<hbm>>
        tpu.enqueue_indirect_dma source(%dma_start3A_206 : memref<10000x128xf32, #tpu.memory_space<hbm>>) target(%arg9 : memref<128x128xf32, #tpu.memory_space<vmem>>) offsets(%dma_start3A_203 : memref<128xi32, #tpu.memory_space<vmem>>) semaphore(%arg12 : memref<!tpu.dma_semaphore, #tpu.memory_space<semaphore_mem>>)
      } else {
      }
    }
    %scan3A_27 = arith.constant 20 : i32
    %dma_wait3A = arith.constant 38 : i32
    %dma_wait3A_28 = arith.constant 0 : i32
    %dma_wait3A_29 = tpu.memref_slice %arg8[%dma_wait3A, %dma_wait3A_28] : memref<40x128xi32, #tpu.memory_space<vmem>> -> memref<1x128xi32, #tpu.memory_space<vmem>>
    %dma_wait3A_30 = tpu.memref_squeeze %dma_wait3A_29 : memref<1x128xi32, #tpu.memory_space<vmem>> -> memref<128xi32, #tpu.memory_space<vmem>>
    %dma_wait3A_31 = arith.constant 0 : i32
    %dma_wait3A_32 = arith.constant 0 : i32
    %dma_wait3A_33 = tpu.memref_slice %arg11[%dma_wait3A_31, %dma_wait3A_32] : memref<10048x128xf32, #tpu.memory_space<vmem_shared>> -> memref<10048x128xf32, #tpu.memory_space<vmem_shared>>
    tpu.wait_indirect_dma semaphore(%arg14 : memref<!tpu.dma_semaphore, #tpu.memory_space<semaphore_mem>>) src(%arg9 : memref<128x128xf32, #tpu.memory_space<vmem>>) dst(%dma_wait3A_33 : memref<10048x128xf32, #tpu.memory_space<vmem_shared>>)
    %dma_wait3A_34 = arith.constant 39 : i32
    %dma_wait3A_35 = arith.constant 0 : i32
    %dma_wait3A_36 = tpu.memref_slice %arg8[%dma_wait3A_34, %dma_wait3A_35] : memref<40x128xi32, #tpu.memory_space<vmem>> -> memref<1x128xi32, #tpu.memory_space<vmem>>
    %dma_wait3A_37 = tpu.memref_squeeze %dma_wait3A_36 : memref<1x128xi32, #tpu.memory_space<vmem>> -> memref<128xi32, #tpu.memory_space<vmem>>
    %dma_wait3A_38 = arith.constant 0 : i32
    %dma_wait3A_39 = arith.constant 0 : i32
    %dma_wait3A_40 = tpu.memref_slice %arg11[%dma_wait3A_38, %dma_wait3A_39] : memref<10048x128xf32, #tpu.memory_space<vmem_shared>> -> memref<10048x128xf32, #tpu.memory_space<vmem_shared>>
    tpu.wait_indirect_dma semaphore(%arg15 : memref<!tpu.dma_semaphore, #tpu.memory_space<semaphore_mem>>) src(%arg10 : memref<128x128xf32, #tpu.memory_space<vmem>>) dst(%dma_wait3A_40 : memref<10048x128xf32, #tpu.memory_space<vmem_shared>>)
    "tpu.region"() ({
      %run_scoped3A = tpu.sem_alloc : memref<!tpu.dma_semaphore, #tpu.memory_space<semaphore_mem>>
      %dma_start3A_144 = arith.constant 40 : i32
      %dma_start3A_145 = arith.constant 0 : i32
      %dma_start3A_146 = tpu.memref_slice %arg3[%arg0, %arg1, %dma_start3A_144, %dma_start3A_145] : memref<2x16x160x128xi32, #tpu.memory_space<hbm>> -> memref<1x1x40x128xi32, #tpu.memory_space<hbm>>
      %dma_start3A_147 = tpu.memref_squeeze %dma_start3A_146 : memref<1x1x40x128xi32, #tpu.memory_space<hbm>> -> memref<40x128xi32, #tpu.memory_space<hbm>>
      %dma_start3A_148 = arith.constant 40 : i32
      %dma_start3A_149 = arith.constant 0 : i32
      %dma_start3A_150 = tpu.memref_slice %arg3[%arg0, %arg1, %dma_start3A_148, %dma_start3A_149] : memref<2x16x160x128xi32, #tpu.memory_space<hbm>> -> memref<1x1x40x128xi32, #tpu.memory_space<hbm>>
      %dma_start3A_151 = tpu.memref_squeeze %dma_start3A_150 : memref<1x1x40x128xi32, #tpu.memory_space<hbm>> -> memref<40x128xi32, #tpu.memory_space<hbm>>
      tpu.enqueue_dma source(%dma_start3A_151 : memref<40x128xi32, #tpu.memory_space<hbm>>) target(%arg7 : memref<40x128xi32, #tpu.memory_space<vmem>>) target_semaphore(%run_scoped3A : memref<!tpu.dma_semaphore, #tpu.memory_space<semaphore_mem>>)
      %dma_wait3A_152 = arith.constant 40 : i32
      %dma_wait3A_153 = arith.constant 0 : i32
      %dma_wait3A_154 = tpu.memref_slice %arg3[%arg0, %arg1, %dma_wait3A_152, %dma_wait3A_153] : memref<2x16x160x128xi32, #tpu.memory_space<hbm>> -> memref<1x1x40x128xi32, #tpu.memory_space<hbm>>
      %dma_wait3A_155 = tpu.memref_squeeze %dma_wait3A_154 : memref<1x1x40x128xi32, #tpu.memory_space<hbm>> -> memref<40x128xi32, #tpu.memory_space<hbm>>
      %dma_wait3A_156 = arith.constant 40 : i32
      %dma_wait3A_157 = arith.constant 0 : i32
      %dma_wait3A_158 = tpu.memref_slice %arg3[%arg0, %arg1, %dma_wait3A_156, %dma_wait3A_157] : memref<2x16x160x128xi32, #tpu.memory_space<hbm>> -> memref<1x1x40x128xi32, #tpu.memory_space<hbm>>
      %dma_wait3A_159 = tpu.memref_squeeze %dma_wait3A_158 : memref<1x1x40x128xi32, #tpu.memory_space<hbm>> -> memref<40x128xi32, #tpu.memory_space<hbm>>
      tpu.wait_dma2 semaphore(%run_scoped3A : memref<!tpu.dma_semaphore, #tpu.memory_space<semaphore_mem>>) src(%dma_wait3A_159 : memref<40x128xi32, #tpu.memory_space<hbm>>) dst(%arg7 : memref<40x128xi32, #tpu.memory_space<vmem>>)
      tpu.yield
    }) : () -> ()
    "tpu.region"() ({
      %run_scoped3A = tpu.sem_alloc : memref<!tpu.dma_semaphore, #tpu.memory_space<semaphore_mem>>
      %dma_start3A_144 = arith.constant 40 : i32
      %dma_start3A_145 = arith.constant 0 : i32
      %dma_start3A_146 = tpu.memref_slice %arg4[%arg0, %arg1, %dma_start3A_144, %dma_start3A_145] : memref<2x16x160x128xi32, #tpu.memory_space<hbm>> -> memref<1x1x40x128xi32, #tpu.memory_space<hbm>>
      %dma_start3A_147 = tpu.memref_squeeze %dma_start3A_146 : memref<1x1x40x128xi32, #tpu.memory_space<hbm>> -> memref<40x128xi32, #tpu.memory_space<hbm>>
      %dma_start3A_148 = arith.constant 40 : i32
      %dma_start3A_149 = arith.constant 0 : i32
      %dma_start3A_150 = tpu.memref_slice %arg4[%arg0, %arg1, %dma_start3A_148, %dma_start3A_149] : memref<2x16x160x128xi32, #tpu.memory_space<hbm>> -> memref<1x1x40x128xi32, #tpu.memory_space<hbm>>
      %dma_start3A_151 = tpu.memref_squeeze %dma_start3A_150 : memref<1x1x40x128xi32, #tpu.memory_space<hbm>> -> memref<40x128xi32, #tpu.memory_space<hbm>>
      tpu.enqueue_dma source(%dma_start3A_151 : memref<40x128xi32, #tpu.memory_space<hbm>>) target(%arg8 : memref<40x128xi32, #tpu.memory_space<vmem>>) target_semaphore(%run_scoped3A : memref<!tpu.dma_semaphore, #tpu.memory_space<semaphore_mem>>)
      %dma_wait3A_152 = arith.constant 40 : i32
      %dma_wait3A_153 = arith.constant 0 : i32
      %dma_wait3A_154 = tpu.memref_slice %arg4[%arg0, %arg1, %dma_wait3A_152, %dma_wait3A_153] : memref<2x16x160x128xi32, #tpu.memory_space<hbm>> -> memref<1x1x40x128xi32, #tpu.memory_space<hbm>>
      %dma_wait3A_155 = tpu.memref_squeeze %dma_wait3A_154 : memref<1x1x40x128xi32, #tpu.memory_space<hbm>> -> memref<40x128xi32, #tpu.memory_space<hbm>>
      %dma_wait3A_156 = arith.constant 40 : i32
      %dma_wait3A_157 = arith.constant 0 : i32
      %dma_wait3A_158 = tpu.memref_slice %arg4[%arg0, %arg1, %dma_wait3A_156, %dma_wait3A_157] : memref<2x16x160x128xi32, #tpu.memory_space<hbm>> -> memref<1x1x40x128xi32, #tpu.memory_space<hbm>>
      %dma_wait3A_159 = tpu.memref_squeeze %dma_wait3A_158 : memref<1x1x40x128xi32, #tpu.memory_space<hbm>> -> memref<40x128xi32, #tpu.memory_space<hbm>>
      tpu.wait_dma2 semaphore(%run_scoped3A : memref<!tpu.dma_semaphore, #tpu.memory_space<semaphore_mem>>) src(%dma_wait3A_159 : memref<40x128xi32, #tpu.memory_space<hbm>>) dst(%arg8 : memref<40x128xi32, #tpu.memory_space<vmem>>)
      tpu.yield
    }) : () -> ()
    %dma_start3A_41 = arith.constant 0 : i32
    %dma_start3A_42 = arith.constant 0 : i32
    %dma_start3A_43 = tpu.memref_slice %arg7[%dma_start3A_41, %dma_start3A_42] : memref<40x128xi32, #tpu.memory_space<vmem>> -> memref<1x128xi32, #tpu.memory_space<vmem>>
    %dma_start3A_44 = tpu.memref_squeeze %dma_start3A_43 : memref<1x128xi32, #tpu.memory_space<vmem>> -> memref<128xi32, #tpu.memory_space<vmem>>
    %dma_start3A_45 = arith.constant 0 : i32
    %dma_start3A_46 = arith.constant 0 : i32
    %dma_start3A_47 = tpu.memref_slice %arg2[%dma_start3A_45, %dma_start3A_46] : memref<10000x128xf32, #tpu.memory_space<hbm>> -> memref<10000x128xf32, #tpu.memory_space<hbm>>
    tpu.enqueue_indirect_dma source(%dma_start3A_47 : memref<10000x128xf32, #tpu.memory_space<hbm>>) target(%arg9 : memref<128x128xf32, #tpu.memory_space<vmem>>) offsets(%dma_start3A_44 : memref<128xi32, #tpu.memory_space<vmem>>) semaphore(%arg12 : memref<!tpu.dma_semaphore, #tpu.memory_space<semaphore_mem>>)
    %dma_start3A_48 = arith.constant 1 : i32
    %dma_start3A_49 = arith.constant 0 : i32
    %dma_start3A_50 = tpu.memref_slice %arg7[%dma_start3A_48, %dma_start3A_49] : memref<40x128xi32, #tpu.memory_space<vmem>> -> memref<1x128xi32, #tpu.memory_space<vmem>>
    %dma_start3A_51 = tpu.memref_squeeze %dma_start3A_50 : memref<1x128xi32, #tpu.memory_space<vmem>> -> memref<128xi32, #tpu.memory_space<vmem>>
    %dma_start3A_52 = arith.constant 0 : i32
    %dma_start3A_53 = arith.constant 0 : i32
    %dma_start3A_54 = tpu.memref_slice %arg2[%dma_start3A_52, %dma_start3A_53] : memref<10000x128xf32, #tpu.memory_space<hbm>> -> memref<10000x128xf32, #tpu.memory_space<hbm>>
    tpu.enqueue_indirect_dma source(%dma_start3A_54 : memref<10000x128xf32, #tpu.memory_space<hbm>>) target(%arg10 : memref<128x128xf32, #tpu.memory_space<vmem>>) offsets(%dma_start3A_51 : memref<128xi32, #tpu.memory_space<vmem>>) semaphore(%arg13 : memref<!tpu.dma_semaphore, #tpu.memory_space<semaphore_mem>>)
    %scan3A_55 = arith.constant 0 : i32
    %scan3A_56 = arith.constant 0 : i32
    %scan3A_57 = arith.constant 20 : i32
    %scan3A_58 = arith.addi %scan3A_56, %scan3A_57 : i32
    %scan3A_59 = arith.constant 1 : i32
    scf.for %scan3A_144 = %scan3A_56 to %scan3A_58 step %scan3A_59  : i32 {
      %mul3A_145 = arith.constant 2 : i32
      %mul3A_146 = arith.muli %mul3A_145, %scan3A_144 : i32
      %add3A_147 = arith.constant 0 : i32
      %add3A_148 = arith.addi %mul3A_146, %add3A_147 : i32
      %dma_wait3A_149 = arith.constant 0 : i32
      %dma_wait3A_150 = tpu.memref_slice %arg7[%add3A_148, %dma_wait3A_149] : memref<40x128xi32, #tpu.memory_space<vmem>> -> memref<1x128xi32, #tpu.memory_space<vmem>>
      %dma_wait3A_151 = tpu.memref_squeeze %dma_wait3A_150 : memref<1x128xi32, #tpu.memory_space<vmem>> -> memref<128xi32, #tpu.memory_space<vmem>>
      %dma_wait3A_152 = arith.constant 0 : i32
      %dma_wait3A_153 = arith.constant 0 : i32
      %dma_wait3A_154 = tpu.memref_slice %arg2[%dma_wait3A_152, %dma_wait3A_153] : memref<10000x128xf32, #tpu.memory_space<hbm>> -> memref<10000x128xf32, #tpu.memory_space<hbm>>
      tpu.wait_indirect_dma semaphore(%arg12 : memref<!tpu.dma_semaphore, #tpu.memory_space<semaphore_mem>>) src(%dma_wait3A_154 : memref<10000x128xf32, #tpu.memory_space<hbm>>) dst(%arg9 : memref<128x128xf32, #tpu.memory_space<vmem>>)
      %dma_start3A_155 = arith.constant 0 : i32
      %dma_start3A_156 = tpu.memref_slice %arg8[%add3A_148, %dma_start3A_155] : memref<40x128xi32, #tpu.memory_space<vmem>> -> memref<1x128xi32, #tpu.memory_space<vmem>>
      %dma_start3A_157 = tpu.memref_squeeze %dma_start3A_156 : memref<1x128xi32, #tpu.memory_space<vmem>> -> memref<128xi32, #tpu.memory_space<vmem>>
      %dma_start3A_158 = arith.constant 0 : i32
      %dma_start3A_159 = arith.constant 0 : i32
      %dma_start3A_160 = tpu.memref_slice %arg11[%dma_start3A_158, %dma_start3A_159] : memref<10048x128xf32, #tpu.memory_space<vmem_shared>> -> memref<10048x128xf32, #tpu.memory_space<vmem_shared>>
      tpu.enqueue_indirect_dma source(%arg9 : memref<128x128xf32, #tpu.memory_space<vmem>>) target(%dma_start3A_160 : memref<10048x128xf32, #tpu.memory_space<vmem_shared>>) offsets(%dma_start3A_157 : memref<128xi32, #tpu.memory_space<vmem>>) semaphore(%arg14 : memref<!tpu.dma_semaphore, #tpu.memory_space<semaphore_mem>>) {add = true}
      %sub3A = arith.constant 1 : i32
      %sub3A_161 = arith.subi %add3A_148, %sub3A : i32
      %add3A_162 = arith.constant 2 : i32
      %add3A_163 = arith.addi %sub3A_161, %add3A_162 : i32
      %ge3A = arith.constant 0 : i32
      %ge3A_164 = arith.cmpi sge, %sub3A_161, %ge3A : i32
      %lt3A = arith.constant 40 : i32
      %lt3A_165 = arith.cmpi slt, %add3A_163, %lt3A : i32
      %and3A = arith.andi %ge3A_164, %lt3A_165 : i1
      %convert_element_type3A = arith.extui %and3A : i1 to i32
      %cond3A = arith.constant 0 : i32
      %cond3A_166 = arith.cmpi ne, %convert_element_type3A, %cond3A : i32
      scf.if %cond3A_166 {
        %dma_wait3A_195 = arith.constant 0 : i32
        %dma_wait3A_196 = tpu.memref_slice %arg8[%sub3A_161, %dma_wait3A_195] : memref<40x128xi32, #tpu.memory_space<vmem>> -> memref<1x128xi32, #tpu.memory_space<vmem>>
        %dma_wait3A_197 = tpu.memref_squeeze %dma_wait3A_196 : memref<1x128xi32, #tpu.memory_space<vmem>> -> memref<128xi32, #tpu.memory_space<vmem>>
        %dma_wait3A_198 = arith.constant 0 : i32
        %dma_wait3A_199 = arith.constant 0 : i32
        %dma_wait3A_200 = tpu.memref_slice %arg11[%dma_wait3A_198, %dma_wait3A_199] : memref<10048x128xf32, #tpu.memory_space<vmem_shared>> -> memref<10048x128xf32, #tpu.memory_space<vmem_shared>>
        tpu.wait_indirect_dma semaphore(%arg15 : memref<!tpu.dma_semaphore, #tpu.memory_space<semaphore_mem>>) src(%arg10 : memref<128x128xf32, #tpu.memory_space<vmem>>) dst(%dma_wait3A_200 : memref<10048x128xf32, #tpu.memory_space<vmem_shared>>)
        %dma_start3A_201 = arith.constant 0 : i32
        %dma_start3A_202 = tpu.memref_slice %arg7[%add3A_163, %dma_start3A_201] : memref<40x128xi32, #tpu.memory_space<vmem>> -> memref<1x128xi32, #tpu.memory_space<vmem>>
        %dma_start3A_203 = tpu.memref_squeeze %dma_start3A_202 : memref<1x128xi32, #tpu.memory_space<vmem>> -> memref<128xi32, #tpu.memory_space<vmem>>
        %dma_start3A_204 = arith.constant 0 : i32
        %dma_start3A_205 = arith.constant 0 : i32
        %dma_start3A_206 = tpu.memref_slice %arg2[%dma_start3A_204, %dma_start3A_205] : memref<10000x128xf32, #tpu.memory_space<hbm>> -> memref<10000x128xf32, #tpu.memory_space<hbm>>
        tpu.enqueue_indirect_dma source(%dma_start3A_206 : memref<10000x128xf32, #tpu.memory_space<hbm>>) target(%arg10 : memref<128x128xf32, #tpu.memory_space<vmem>>) offsets(%dma_start3A_203 : memref<128xi32, #tpu.memory_space<vmem>>) semaphore(%arg13 : memref<!tpu.dma_semaphore, #tpu.memory_space<semaphore_mem>>)
      } else {
      }
      %mul3A_167 = arith.constant 2 : i32
      %mul3A_168 = arith.muli %mul3A_167, %scan3A_144 : i32
      %add3A_169 = arith.constant 1 : i32
      %add3A_170 = arith.addi %mul3A_168, %add3A_169 : i32
      %dma_wait3A_171 = arith.constant 0 : i32
      %dma_wait3A_172 = tpu.memref_slice %arg7[%add3A_170, %dma_wait3A_171] : memref<40x128xi32, #tpu.memory_space<vmem>> -> memref<1x128xi32, #tpu.memory_space<vmem>>
      %dma_wait3A_173 = tpu.memref_squeeze %dma_wait3A_172 : memref<1x128xi32, #tpu.memory_space<vmem>> -> memref<128xi32, #tpu.memory_space<vmem>>
      %dma_wait3A_174 = arith.constant 0 : i32
      %dma_wait3A_175 = arith.constant 0 : i32
      %dma_wait3A_176 = tpu.memref_slice %arg2[%dma_wait3A_174, %dma_wait3A_175] : memref<10000x128xf32, #tpu.memory_space<hbm>> -> memref<10000x128xf32, #tpu.memory_space<hbm>>
      tpu.wait_indirect_dma semaphore(%arg13 : memref<!tpu.dma_semaphore, #tpu.memory_space<semaphore_mem>>) src(%dma_wait3A_176 : memref<10000x128xf32, #tpu.memory_space<hbm>>) dst(%arg10 : memref<128x128xf32, #tpu.memory_space<vmem>>)
      %dma_start3A_177 = arith.constant 0 : i32
      %dma_start3A_178 = tpu.memref_slice %arg8[%add3A_170, %dma_start3A_177] : memref<40x128xi32, #tpu.memory_space<vmem>> -> memref<1x128xi32, #tpu.memory_space<vmem>>
      %dma_start3A_179 = tpu.memref_squeeze %dma_start3A_178 : memref<1x128xi32, #tpu.memory_space<vmem>> -> memref<128xi32, #tpu.memory_space<vmem>>
      %dma_start3A_180 = arith.constant 0 : i32
      %dma_start3A_181 = arith.constant 0 : i32
      %dma_start3A_182 = tpu.memref_slice %arg11[%dma_start3A_180, %dma_start3A_181] : memref<10048x128xf32, #tpu.memory_space<vmem_shared>> -> memref<10048x128xf32, #tpu.memory_space<vmem_shared>>
      tpu.enqueue_indirect_dma source(%arg10 : memref<128x128xf32, #tpu.memory_space<vmem>>) target(%dma_start3A_182 : memref<10048x128xf32, #tpu.memory_space<vmem_shared>>) offsets(%dma_start3A_179 : memref<128xi32, #tpu.memory_space<vmem>>) semaphore(%arg15 : memref<!tpu.dma_semaphore, #tpu.memory_space<semaphore_mem>>) {add = true}
      %sub3A_183 = arith.constant 1 : i32
      %sub3A_184 = arith.subi %add3A_170, %sub3A_183 : i32
      %add3A_185 = arith.constant 2 : i32
      %add3A_186 = arith.addi %sub3A_184, %add3A_185 : i32
      %ge3A_187 = arith.constant 0 : i32
      %ge3A_188 = arith.cmpi sge, %sub3A_184, %ge3A_187 : i32
      %lt3A_189 = arith.constant 40 : i32
      %lt3A_190 = arith.cmpi slt, %add3A_186, %lt3A_189 : i32
      %and3A_191 = arith.andi %ge3A_188, %lt3A_190 : i1
      %convert_element_type3A_192 = arith.extui %and3A_191 : i1 to i32
      %cond3A_193 = arith.constant 0 : i32
      %cond3A_194 = arith.cmpi ne, %convert_element_type3A_192, %cond3A_193 : i32
      scf.if %cond3A_194 {
        %dma_wait3A_195 = arith.constant 0 : i32
        %dma_wait3A_196 = tpu.memref_slice %arg8[%sub3A_184, %dma_wait3A_195] : memref<40x128xi32, #tpu.memory_space<vmem>> -> memref<1x128xi32, #tpu.memory_space<vmem>>
        %dma_wait3A_197 = tpu.memref_squeeze %dma_wait3A_196 : memref<1x128xi32, #tpu.memory_space<vmem>> -> memref<128xi32, #tpu.memory_space<vmem>>
        %dma_wait3A_198 = arith.constant 0 : i32
        %dma_wait3A_199 = arith.constant 0 : i32
        %dma_wait3A_200 = tpu.memref_slice %arg11[%dma_wait3A_198, %dma_wait3A_199] : memref<10048x128xf32, #tpu.memory_space<vmem_shared>> -> memref<10048x128xf32, #tpu.memory_space<vmem_shared>>
        tpu.wait_indirect_dma semaphore(%arg14 : memref<!tpu.dma_semaphore, #tpu.memory_space<semaphore_mem>>) src(%arg9 : memref<128x128xf32, #tpu.memory_space<vmem>>) dst(%dma_wait3A_200 : memref<10048x128xf32, #tpu.memory_space<vmem_shared>>)
        %dma_start3A_201 = arith.constant 0 : i32
        %dma_start3A_202 = tpu.memref_slice %arg7[%add3A_186, %dma_start3A_201] : memref<40x128xi32, #tpu.memory_space<vmem>> -> memref<1x128xi32, #tpu.memory_space<vmem>>
        %dma_start3A_203 = tpu.memref_squeeze %dma_start3A_202 : memref<1x128xi32, #tpu.memory_space<vmem>> -> memref<128xi32, #tpu.memory_space<vmem>>
        %dma_start3A_204 = arith.constant 0 : i32
        %dma_start3A_205 = arith.constant 0 : i32
        %dma_start3A_206 = tpu.memref_slice %arg2[%dma_start3A_204, %dma_start3A_205] : memref<10000x128xf32, #tpu.memory_space<hbm>> -> memref<10000x128xf32, #tpu.memory_space<hbm>>
        tpu.enqueue_indirect_dma source(%dma_start3A_206 : memref<10000x128xf32, #tpu.memory_space<hbm>>) target(%arg9 : memref<128x128xf32, #tpu.memory_space<vmem>>) offsets(%dma_start3A_203 : memref<128xi32, #tpu.memory_space<vmem>>) semaphore(%arg12 : memref<!tpu.dma_semaphore, #tpu.memory_space<semaphore_mem>>)
      } else {
      }
    }
    %scan3A_60 = arith.constant 20 : i32
    %dma_wait3A_61 = arith.constant 38 : i32
    %dma_wait3A_62 = arith.constant 0 : i32
    %dma_wait3A_63 = tpu.memref_slice %arg8[%dma_wait3A_61, %dma_wait3A_62] : memref<40x128xi32, #tpu.memory_space<vmem>> -> memref<1x128xi32, #tpu.memory_space<vmem>>
    %dma_wait3A_64 = tpu.memref_squeeze %dma_wait3A_63 : memref<1x128xi32, #tpu.memory_space<vmem>> -> memref<128xi32, #tpu.memory_space<vmem>>
    %dma_wait3A_65 = arith.constant 0 : i32
    %dma_wait3A_66 = arith.constant 0 : i32
    %dma_wait3A_67 = tpu.memref_slice %arg11[%dma_wait3A_65, %dma_wait3A_66] : memref<10048x128xf32, #tpu.memory_space<vmem_shared>> -> memref<10048x128xf32, #tpu.memory_space<vmem_shared>>
    tpu.wait_indirect_dma semaphore(%arg14 : memref<!tpu.dma_semaphore, #tpu.memory_space<semaphore_mem>>) src(%arg9 : memref<128x128xf32, #tpu.memory_space<vmem>>) dst(%dma_wait3A_67 : memref<10048x128xf32, #tpu.memory_space<vmem_shared>>)
    %dma_wait3A_68 = arith.constant 39 : i32
    %dma_wait3A_69 = arith.constant 0 : i32
    %dma_wait3A_70 = tpu.memref_slice %arg8[%dma_wait3A_68, %dma_wait3A_69] : memref<40x128xi32, #tpu.memory_space<vmem>> -> memref<1x128xi32, #tpu.memory_space<vmem>>
    %dma_wait3A_71 = tpu.memref_squeeze %dma_wait3A_70 : memref<1x128xi32, #tpu.memory_space<vmem>> -> memref<128xi32, #tpu.memory_space<vmem>>
    %dma_wait3A_72 = arith.constant 0 : i32
    %dma_wait3A_73 = arith.constant 0 : i32
    %dma_wait3A_74 = tpu.memref_slice %arg11[%dma_wait3A_72, %dma_wait3A_73] : memref<10048x128xf32, #tpu.memory_space<vmem_shared>> -> memref<10048x128xf32, #tpu.memory_space<vmem_shared>>
    tpu.wait_indirect_dma semaphore(%arg15 : memref<!tpu.dma_semaphore, #tpu.memory_space<semaphore_mem>>) src(%arg10 : memref<128x128xf32, #tpu.memory_space<vmem>>) dst(%dma_wait3A_74 : memref<10048x128xf32, #tpu.memory_space<vmem_shared>>)
    "tpu.region"() ({
      %run_scoped3A = tpu.sem_alloc : memref<!tpu.dma_semaphore, #tpu.memory_space<semaphore_mem>>
      %dma_start3A_144 = arith.constant 80 : i32
      %dma_start3A_145 = arith.constant 0 : i32
      %dma_start3A_146 = tpu.memref_slice %arg3[%arg0, %arg1, %dma_start3A_144, %dma_start3A_145] : memref<2x16x160x128xi32, #tpu.memory_space<hbm>> -> memref<1x1x40x128xi32, #tpu.memory_space<hbm>>
      %dma_start3A_147 = tpu.memref_squeeze %dma_start3A_146 : memref<1x1x40x128xi32, #tpu.memory_space<hbm>> -> memref<40x128xi32, #tpu.memory_space<hbm>>
      %dma_start3A_148 = arith.constant 80 : i32
      %dma_start3A_149 = arith.constant 0 : i32
      %dma_start3A_150 = tpu.memref_slice %arg3[%arg0, %arg1, %dma_start3A_148, %dma_start3A_149] : memref<2x16x160x128xi32, #tpu.memory_space<hbm>> -> memref<1x1x40x128xi32, #tpu.memory_space<hbm>>
      %dma_start3A_151 = tpu.memref_squeeze %dma_start3A_150 : memref<1x1x40x128xi32, #tpu.memory_space<hbm>> -> memref<40x128xi32, #tpu.memory_space<hbm>>
      tpu.enqueue_dma source(%dma_start3A_151 : memref<40x128xi32, #tpu.memory_space<hbm>>) target(%arg7 : memref<40x128xi32, #tpu.memory_space<vmem>>) target_semaphore(%run_scoped3A : memref<!tpu.dma_semaphore, #tpu.memory_space<semaphore_mem>>)
      %dma_wait3A_152 = arith.constant 80 : i32
      %dma_wait3A_153 = arith.constant 0 : i32
      %dma_wait3A_154 = tpu.memref_slice %arg3[%arg0, %arg1, %dma_wait3A_152, %dma_wait3A_153] : memref<2x16x160x128xi32, #tpu.memory_space<hbm>> -> memref<1x1x40x128xi32, #tpu.memory_space<hbm>>
      %dma_wait3A_155 = tpu.memref_squeeze %dma_wait3A_154 : memref<1x1x40x128xi32, #tpu.memory_space<hbm>> -> memref<40x128xi32, #tpu.memory_space<hbm>>
      %dma_wait3A_156 = arith.constant 80 : i32
      %dma_wait3A_157 = arith.constant 0 : i32
      %dma_wait3A_158 = tpu.memref_slice %arg3[%arg0, %arg1, %dma_wait3A_156, %dma_wait3A_157] : memref<2x16x160x128xi32, #tpu.memory_space<hbm>> -> memref<1x1x40x128xi32, #tpu.memory_space<hbm>>
      %dma_wait3A_159 = tpu.memref_squeeze %dma_wait3A_158 : memref<1x1x40x128xi32, #tpu.memory_space<hbm>> -> memref<40x128xi32, #tpu.memory_space<hbm>>
      tpu.wait_dma2 semaphore(%run_scoped3A : memref<!tpu.dma_semaphore, #tpu.memory_space<semaphore_mem>>) src(%dma_wait3A_159 : memref<40x128xi32, #tpu.memory_space<hbm>>) dst(%arg7 : memref<40x128xi32, #tpu.memory_space<vmem>>)
      tpu.yield
    }) : () -> ()
    "tpu.region"() ({
      %run_scoped3A = tpu.sem_alloc : memref<!tpu.dma_semaphore, #tpu.memory_space<semaphore_mem>>
      %dma_start3A_144 = arith.constant 80 : i32
      %dma_start3A_145 = arith.constant 0 : i32
      %dma_start3A_146 = tpu.memref_slice %arg4[%arg0, %arg1, %dma_start3A_144, %dma_start3A_145] : memref<2x16x160x128xi32, #tpu.memory_space<hbm>> -> memref<1x1x40x128xi32, #tpu.memory_space<hbm>>
      %dma_start3A_147 = tpu.memref_squeeze %dma_start3A_146 : memref<1x1x40x128xi32, #tpu.memory_space<hbm>> -> memref<40x128xi32, #tpu.memory_space<hbm>>
      %dma_start3A_148 = arith.constant 80 : i32
      %dma_start3A_149 = arith.constant 0 : i32
      %dma_start3A_150 = tpu.memref_slice %arg4[%arg0, %arg1, %dma_start3A_148, %dma_start3A_149] : memref<2x16x160x128xi32, #tpu.memory_space<hbm>> -> memref<1x1x40x128xi32, #tpu.memory_space<hbm>>
      %dma_start3A_151 = tpu.memref_squeeze %dma_start3A_150 : memref<1x1x40x128xi32, #tpu.memory_space<hbm>> -> memref<40x128xi32, #tpu.memory_space<hbm>>
      tpu.enqueue_dma source(%dma_start3A_151 : memref<40x128xi32, #tpu.memory_space<hbm>>) target(%arg8 : memref<40x128xi32, #tpu.memory_space<vmem>>) target_semaphore(%run_scoped3A : memref<!tpu.dma_semaphore, #tpu.memory_space<semaphore_mem>>)
      %dma_wait3A_152 = arith.constant 80 : i32
      %dma_wait3A_153 = arith.constant 0 : i32
      %dma_wait3A_154 = tpu.memref_slice %arg4[%arg0, %arg1, %dma_wait3A_152, %dma_wait3A_153] : memref<2x16x160x128xi32, #tpu.memory_space<hbm>> -> memref<1x1x40x128xi32, #tpu.memory_space<hbm>>
      %dma_wait3A_155 = tpu.memref_squeeze %dma_wait3A_154 : memref<1x1x40x128xi32, #tpu.memory_space<hbm>> -> memref<40x128xi32, #tpu.memory_space<hbm>>
      %dma_wait3A_156 = arith.constant 80 : i32
      %dma_wait3A_157 = arith.constant 0 : i32
      %dma_wait3A_158 = tpu.memref_slice %arg4[%arg0, %arg1, %dma_wait3A_156, %dma_wait3A_157] : memref<2x16x160x128xi32, #tpu.memory_space<hbm>> -> memref<1x1x40x128xi32, #tpu.memory_space<hbm>>
      %dma_wait3A_159 = tpu.memref_squeeze %dma_wait3A_158 : memref<1x1x40x128xi32, #tpu.memory_space<hbm>> -> memref<40x128xi32, #tpu.memory_space<hbm>>
      tpu.wait_dma2 semaphore(%run_scoped3A : memref<!tpu.dma_semaphore, #tpu.memory_space<semaphore_mem>>) src(%dma_wait3A_159 : memref<40x128xi32, #tpu.memory_space<hbm>>) dst(%arg8 : memref<40x128xi32, #tpu.memory_space<vmem>>)
      tpu.yield
    }) : () -> ()
    %dma_start3A_75 = arith.constant 0 : i32
    %dma_start3A_76 = arith.constant 0 : i32
    %dma_start3A_77 = tpu.memref_slice %arg7[%dma_start3A_75, %dma_start3A_76] : memref<40x128xi32, #tpu.memory_space<vmem>> -> memref<1x128xi32, #tpu.memory_space<vmem>>
    %dma_start3A_78 = tpu.memref_squeeze %dma_start3A_77 : memref<1x128xi32, #tpu.memory_space<vmem>> -> memref<128xi32, #tpu.memory_space<vmem>>
    %dma_start3A_79 = arith.constant 0 : i32
    %dma_start3A_80 = arith.constant 0 : i32
    %dma_start3A_81 = tpu.memref_slice %arg2[%dma_start3A_79, %dma_start3A_80] : memref<10000x128xf32, #tpu.memory_space<hbm>> -> memref<10000x128xf32, #tpu.memory_space<hbm>>
    tpu.enqueue_indirect_dma source(%dma_start3A_81 : memref<10000x128xf32, #tpu.memory_space<hbm>>) target(%arg9 : memref<128x128xf32, #tpu.memory_space<vmem>>) offsets(%dma_start3A_78 : memref<128xi32, #tpu.memory_space<vmem>>) semaphore(%arg12 : memref<!tpu.dma_semaphore, #tpu.memory_space<semaphore_mem>>)
    %dma_start3A_82 = arith.constant 1 : i32
    %dma_start3A_83 = arith.constant 0 : i32
    %dma_start3A_84 = tpu.memref_slice %arg7[%dma_start3A_82, %dma_start3A_83] : memref<40x128xi32, #tpu.memory_space<vmem>> -> memref<1x128xi32, #tpu.memory_space<vmem>>
    %dma_start3A_85 = tpu.memref_squeeze %dma_start3A_84 : memref<1x128xi32, #tpu.memory_space<vmem>> -> memref<128xi32, #tpu.memory_space<vmem>>
    %dma_start3A_86 = arith.constant 0 : i32
    %dma_start3A_87 = arith.constant 0 : i32
    %dma_start3A_88 = tpu.memref_slice %arg2[%dma_start3A_86, %dma_start3A_87] : memref<10000x128xf32, #tpu.memory_space<hbm>> -> memref<10000x128xf32, #tpu.memory_space<hbm>>
    tpu.enqueue_indirect_dma source(%dma_start3A_88 : memref<10000x128xf32, #tpu.memory_space<hbm>>) target(%arg10 : memref<128x128xf32, #tpu.memory_space<vmem>>) offsets(%dma_start3A_85 : memref<128xi32, #tpu.memory_space<vmem>>) semaphore(%arg13 : memref<!tpu.dma_semaphore, #tpu.memory_space<semaphore_mem>>)
    %scan3A_89 = arith.constant 0 : i32
    %scan3A_90 = arith.constant 0 : i32
    %scan3A_91 = arith.constant 20 : i32
    %scan3A_92 = arith.addi %scan3A_90, %scan3A_91 : i32
    %scan3A_93 = arith.constant 1 : i32
    scf.for %scan3A_144 = %scan3A_90 to %scan3A_92 step %scan3A_93  : i32 {
      %mul3A_145 = arith.constant 2 : i32
      %mul3A_146 = arith.muli %mul3A_145, %scan3A_144 : i32
      %add3A_147 = arith.constant 0 : i32
      %add3A_148 = arith.addi %mul3A_146, %add3A_147 : i32
      %dma_wait3A_149 = arith.constant 0 : i32
      %dma_wait3A_150 = tpu.memref_slice %arg7[%add3A_148, %dma_wait3A_149] : memref<40x128xi32, #tpu.memory_space<vmem>> -> memref<1x128xi32, #tpu.memory_space<vmem>>
      %dma_wait3A_151 = tpu.memref_squeeze %dma_wait3A_150 : memref<1x128xi32, #tpu.memory_space<vmem>> -> memref<128xi32, #tpu.memory_space<vmem>>
      %dma_wait3A_152 = arith.constant 0 : i32
      %dma_wait3A_153 = arith.constant 0 : i32
      %dma_wait3A_154 = tpu.memref_slice %arg2[%dma_wait3A_152, %dma_wait3A_153] : memref<10000x128xf32, #tpu.memory_space<hbm>> -> memref<10000x128xf32, #tpu.memory_space<hbm>>
      tpu.wait_indirect_dma semaphore(%arg12 : memref<!tpu.dma_semaphore, #tpu.memory_space<semaphore_mem>>) src(%dma_wait3A_154 : memref<10000x128xf32, #tpu.memory_space<hbm>>) dst(%arg9 : memref<128x128xf32, #tpu.memory_space<vmem>>)
      %dma_start3A_155 = arith.constant 0 : i32
      %dma_start3A_156 = tpu.memref_slice %arg8[%add3A_148, %dma_start3A_155] : memref<40x128xi32, #tpu.memory_space<vmem>> -> memref<1x128xi32, #tpu.memory_space<vmem>>
      %dma_start3A_157 = tpu.memref_squeeze %dma_start3A_156 : memref<1x128xi32, #tpu.memory_space<vmem>> -> memref<128xi32, #tpu.memory_space<vmem>>
      %dma_start3A_158 = arith.constant 0 : i32
      %dma_start3A_159 = arith.constant 0 : i32
      %dma_start3A_160 = tpu.memref_slice %arg11[%dma_start3A_158, %dma_start3A_159] : memref<10048x128xf32, #tpu.memory_space<vmem_shared>> -> memref<10048x128xf32, #tpu.memory_space<vmem_shared>>
      tpu.enqueue_indirect_dma source(%arg9 : memref<128x128xf32, #tpu.memory_space<vmem>>) target(%dma_start3A_160 : memref<10048x128xf32, #tpu.memory_space<vmem_shared>>) offsets(%dma_start3A_157 : memref<128xi32, #tpu.memory_space<vmem>>) semaphore(%arg14 : memref<!tpu.dma_semaphore, #tpu.memory_space<semaphore_mem>>) {add = true}
      %sub3A = arith.constant 1 : i32
      %sub3A_161 = arith.subi %add3A_148, %sub3A : i32
      %add3A_162 = arith.constant 2 : i32
      %add3A_163 = arith.addi %sub3A_161, %add3A_162 : i32
      %ge3A = arith.constant 0 : i32
      %ge3A_164 = arith.cmpi sge, %sub3A_161, %ge3A : i32
      %lt3A = arith.constant 40 : i32
      %lt3A_165 = arith.cmpi slt, %add3A_163, %lt3A : i32
      %and3A = arith.andi %ge3A_164, %lt3A_165 : i1
      %convert_element_type3A = arith.extui %and3A : i1 to i32
      %cond3A = arith.constant 0 : i32
      %cond3A_166 = arith.cmpi ne, %convert_element_type3A, %cond3A : i32
      scf.if %cond3A_166 {
        %dma_wait3A_195 = arith.constant 0 : i32
        %dma_wait3A_196 = tpu.memref_slice %arg8[%sub3A_161, %dma_wait3A_195] : memref<40x128xi32, #tpu.memory_space<vmem>> -> memref<1x128xi32, #tpu.memory_space<vmem>>
        %dma_wait3A_197 = tpu.memref_squeeze %dma_wait3A_196 : memref<1x128xi32, #tpu.memory_space<vmem>> -> memref<128xi32, #tpu.memory_space<vmem>>
        %dma_wait3A_198 = arith.constant 0 : i32
        %dma_wait3A_199 = arith.constant 0 : i32
        %dma_wait3A_200 = tpu.memref_slice %arg11[%dma_wait3A_198, %dma_wait3A_199] : memref<10048x128xf32, #tpu.memory_space<vmem_shared>> -> memref<10048x128xf32, #tpu.memory_space<vmem_shared>>
        tpu.wait_indirect_dma semaphore(%arg15 : memref<!tpu.dma_semaphore, #tpu.memory_space<semaphore_mem>>) src(%arg10 : memref<128x128xf32, #tpu.memory_space<vmem>>) dst(%dma_wait3A_200 : memref<10048x128xf32, #tpu.memory_space<vmem_shared>>)
        %dma_start3A_201 = arith.constant 0 : i32
        %dma_start3A_202 = tpu.memref_slice %arg7[%add3A_163, %dma_start3A_201] : memref<40x128xi32, #tpu.memory_space<vmem>> -> memref<1x128xi32, #tpu.memory_space<vmem>>
        %dma_start3A_203 = tpu.memref_squeeze %dma_start3A_202 : memref<1x128xi32, #tpu.memory_space<vmem>> -> memref<128xi32, #tpu.memory_space<vmem>>
        %dma_start3A_204 = arith.constant 0 : i32
        %dma_start3A_205 = arith.constant 0 : i32
        %dma_start3A_206 = tpu.memref_slice %arg2[%dma_start3A_204, %dma_start3A_205] : memref<10000x128xf32, #tpu.memory_space<hbm>> -> memref<10000x128xf32, #tpu.memory_space<hbm>>
        tpu.enqueue_indirect_dma source(%dma_start3A_206 : memref<10000x128xf32, #tpu.memory_space<hbm>>) target(%arg10 : memref<128x128xf32, #tpu.memory_space<vmem>>) offsets(%dma_start3A_203 : memref<128xi32, #tpu.memory_space<vmem>>) semaphore(%arg13 : memref<!tpu.dma_semaphore, #tpu.memory_space<semaphore_mem>>)
      } else {
      }
      %mul3A_167 = arith.constant 2 : i32
      %mul3A_168 = arith.muli %mul3A_167, %scan3A_144 : i32
      %add3A_169 = arith.constant 1 : i32
      %add3A_170 = arith.addi %mul3A_168, %add3A_169 : i32
      %dma_wait3A_171 = arith.constant 0 : i32
      %dma_wait3A_172 = tpu.memref_slice %arg7[%add3A_170, %dma_wait3A_171] : memref<40x128xi32, #tpu.memory_space<vmem>> -> memref<1x128xi32, #tpu.memory_space<vmem>>
      %dma_wait3A_173 = tpu.memref_squeeze %dma_wait3A_172 : memref<1x128xi32, #tpu.memory_space<vmem>> -> memref<128xi32, #tpu.memory_space<vmem>>
      %dma_wait3A_174 = arith.constant 0 : i32
      %dma_wait3A_175 = arith.constant 0 : i32
      %dma_wait3A_176 = tpu.memref_slice %arg2[%dma_wait3A_174, %dma_wait3A_175] : memref<10000x128xf32, #tpu.memory_space<hbm>> -> memref<10000x128xf32, #tpu.memory_space<hbm>>
      tpu.wait_indirect_dma semaphore(%arg13 : memref<!tpu.dma_semaphore, #tpu.memory_space<semaphore_mem>>) src(%dma_wait3A_176 : memref<10000x128xf32, #tpu.memory_space<hbm>>) dst(%arg10 : memref<128x128xf32, #tpu.memory_space<vmem>>)
      %dma_start3A_177 = arith.constant 0 : i32
      %dma_start3A_178 = tpu.memref_slice %arg8[%add3A_170, %dma_start3A_177] : memref<40x128xi32, #tpu.memory_space<vmem>> -> memref<1x128xi32, #tpu.memory_space<vmem>>
      %dma_start3A_179 = tpu.memref_squeeze %dma_start3A_178 : memref<1x128xi32, #tpu.memory_space<vmem>> -> memref<128xi32, #tpu.memory_space<vmem>>
      %dma_start3A_180 = arith.constant 0 : i32
      %dma_start3A_181 = arith.constant 0 : i32
      %dma_start3A_182 = tpu.memref_slice %arg11[%dma_start3A_180, %dma_start3A_181] : memref<10048x128xf32, #tpu.memory_space<vmem_shared>> -> memref<10048x128xf32, #tpu.memory_space<vmem_shared>>
      tpu.enqueue_indirect_dma source(%arg10 : memref<128x128xf32, #tpu.memory_space<vmem>>) target(%dma_start3A_182 : memref<10048x128xf32, #tpu.memory_space<vmem_shared>>) offsets(%dma_start3A_179 : memref<128xi32, #tpu.memory_space<vmem>>) semaphore(%arg15 : memref<!tpu.dma_semaphore, #tpu.memory_space<semaphore_mem>>) {add = true}
      %sub3A_183 = arith.constant 1 : i32
      %sub3A_184 = arith.subi %add3A_170, %sub3A_183 : i32
      %add3A_185 = arith.constant 2 : i32
      %add3A_186 = arith.addi %sub3A_184, %add3A_185 : i32
      %ge3A_187 = arith.constant 0 : i32
      %ge3A_188 = arith.cmpi sge, %sub3A_184, %ge3A_187 : i32
      %lt3A_189 = arith.constant 40 : i32
      %lt3A_190 = arith.cmpi slt, %add3A_186, %lt3A_189 : i32
      %and3A_191 = arith.andi %ge3A_188, %lt3A_190 : i1
      %convert_element_type3A_192 = arith.extui %and3A_191 : i1 to i32
      %cond3A_193 = arith.constant 0 : i32
      %cond3A_194 = arith.cmpi ne, %convert_element_type3A_192, %cond3A_193 : i32
      scf.if %cond3A_194 {
        %dma_wait3A_195 = arith.constant 0 : i32
        %dma_wait3A_196 = tpu.memref_slice %arg8[%sub3A_184, %dma_wait3A_195] : memref<40x128xi32, #tpu.memory_space<vmem>> -> memref<1x128xi32, #tpu.memory_space<vmem>>
        %dma_wait3A_197 = tpu.memref_squeeze %dma_wait3A_196 : memref<1x128xi32, #tpu.memory_space<vmem>> -> memref<128xi32, #tpu.memory_space<vmem>>
        %dma_wait3A_198 = arith.constant 0 : i32
        %dma_wait3A_199 = arith.constant 0 : i32
        %dma_wait3A_200 = tpu.memref_slice %arg11[%dma_wait3A_198, %dma_wait3A_199] : memref<10048x128xf32, #tpu.memory_space<vmem_shared>> -> memref<10048x128xf32, #tpu.memory_space<vmem_shared>>
        tpu.wait_indirect_dma semaphore(%arg14 : memref<!tpu.dma_semaphore, #tpu.memory_space<semaphore_mem>>) src(%arg9 : memref<128x128xf32, #tpu.memory_space<vmem>>) dst(%dma_wait3A_200 : memref<10048x128xf32, #tpu.memory_space<vmem_shared>>)
        %dma_start3A_201 = arith.constant 0 : i32
        %dma_start3A_202 = tpu.memref_slice %arg7[%add3A_186, %dma_start3A_201] : memref<40x128xi32, #tpu.memory_space<vmem>> -> memref<1x128xi32, #tpu.memory_space<vmem>>
        %dma_start3A_203 = tpu.memref_squeeze %dma_start3A_202 : memref<1x128xi32, #tpu.memory_space<vmem>> -> memref<128xi32, #tpu.memory_space<vmem>>
        %dma_start3A_204 = arith.constant 0 : i32
        %dma_start3A_205 = arith.constant 0 : i32
        %dma_start3A_206 = tpu.memref_slice %arg2[%dma_start3A_204, %dma_start3A_205] : memref<10000x128xf32, #tpu.memory_space<hbm>> -> memref<10000x128xf32, #tpu.memory_space<hbm>>
        tpu.enqueue_indirect_dma source(%dma_start3A_206 : memref<10000x128xf32, #tpu.memory_space<hbm>>) target(%arg9 : memref<128x128xf32, #tpu.memory_space<vmem>>) offsets(%dma_start3A_203 : memref<128xi32, #tpu.memory_space<vmem>>) semaphore(%arg12 : memref<!tpu.dma_semaphore, #tpu.memory_space<semaphore_mem>>)
      } else {
      }
    }
    %scan3A_94 = arith.constant 20 : i32
    %dma_wait3A_95 = arith.constant 38 : i32
    %dma_wait3A_96 = arith.constant 0 : i32
    %dma_wait3A_97 = tpu.memref_slice %arg8[%dma_wait3A_95, %dma_wait3A_96] : memref<40x128xi32, #tpu.memory_space<vmem>> -> memref<1x128xi32, #tpu.memory_space<vmem>>
    %dma_wait3A_98 = tpu.memref_squeeze %dma_wait3A_97 : memref<1x128xi32, #tpu.memory_space<vmem>> -> memref<128xi32, #tpu.memory_space<vmem>>
    %dma_wait3A_99 = arith.constant 0 : i32
    %dma_wait3A_100 = arith.constant 0 : i32
    %dma_wait3A_101 = tpu.memref_slice %arg11[%dma_wait3A_99, %dma_wait3A_100] : memref<10048x128xf32, #tpu.memory_space<vmem_shared>> -> memref<10048x128xf32, #tpu.memory_space<vmem_shared>>
    tpu.wait_indirect_dma semaphore(%arg14 : memref<!tpu.dma_semaphore, #tpu.memory_space<semaphore_mem>>) src(%arg9 : memref<128x128xf32, #tpu.memory_space<vmem>>) dst(%dma_wait3A_101 : memref<10048x128xf32, #tpu.memory_space<vmem_shared>>)
    %dma_wait3A_102 = arith.constant 39 : i32
    %dma_wait3A_103 = arith.constant 0 : i32
    %dma_wait3A_104 = tpu.memref_slice %arg8[%dma_wait3A_102, %dma_wait3A_103] : memref<40x128xi32, #tpu.memory_space<vmem>> -> memref<1x128xi32, #tpu.memory_space<vmem>>
    %dma_wait3A_105 = tpu.memref_squeeze %dma_wait3A_104 : memref<1x128xi32, #tpu.memory_space<vmem>> -> memref<128xi32, #tpu.memory_space<vmem>>
    %dma_wait3A_106 = arith.constant 0 : i32
    %dma_wait3A_107 = arith.constant 0 : i32
    %dma_wait3A_108 = tpu.memref_slice %arg11[%dma_wait3A_106, %dma_wait3A_107] : memref<10048x128xf32, #tpu.memory_space<vmem_shared>> -> memref<10048x128xf32, #tpu.memory_space<vmem_shared>>
    tpu.wait_indirect_dma semaphore(%arg15 : memref<!tpu.dma_semaphore, #tpu.memory_space<semaphore_mem>>) src(%arg10 : memref<128x128xf32, #tpu.memory_space<vmem>>) dst(%dma_wait3A_108 : memref<10048x128xf32, #tpu.memory_space<vmem_shared>>)
    "tpu.region"() ({
      %run_scoped3A = tpu.sem_alloc : memref<!tpu.dma_semaphore, #tpu.memory_space<semaphore_mem>>
      %dma_start3A_144 = arith.constant 120 : i32
      %dma_start3A_145 = arith.constant 0 : i32
      %dma_start3A_146 = tpu.memref_slice %arg3[%arg0, %arg1, %dma_start3A_144, %dma_start3A_145] : memref<2x16x160x128xi32, #tpu.memory_space<hbm>> -> memref<1x1x40x128xi32, #tpu.memory_space<hbm>>
      %dma_start3A_147 = tpu.memref_squeeze %dma_start3A_146 : memref<1x1x40x128xi32, #tpu.memory_space<hbm>> -> memref<40x128xi32, #tpu.memory_space<hbm>>
      %dma_start3A_148 = arith.constant 120 : i32
      %dma_start3A_149 = arith.constant 0 : i32
      %dma_start3A_150 = tpu.memref_slice %arg3[%arg0, %arg1, %dma_start3A_148, %dma_start3A_149] : memref<2x16x160x128xi32, #tpu.memory_space<hbm>> -> memref<1x1x40x128xi32, #tpu.memory_space<hbm>>
      %dma_start3A_151 = tpu.memref_squeeze %dma_start3A_150 : memref<1x1x40x128xi32, #tpu.memory_space<hbm>> -> memref<40x128xi32, #tpu.memory_space<hbm>>
      tpu.enqueue_dma source(%dma_start3A_151 : memref<40x128xi32, #tpu.memory_space<hbm>>) target(%arg7 : memref<40x128xi32, #tpu.memory_space<vmem>>) target_semaphore(%run_scoped3A : memref<!tpu.dma_semaphore, #tpu.memory_space<semaphore_mem>>)
      %dma_wait3A_152 = arith.constant 120 : i32
      %dma_wait3A_153 = arith.constant 0 : i32
      %dma_wait3A_154 = tpu.memref_slice %arg3[%arg0, %arg1, %dma_wait3A_152, %dma_wait3A_153] : memref<2x16x160x128xi32, #tpu.memory_space<hbm>> -> memref<1x1x40x128xi32, #tpu.memory_space<hbm>>
      %dma_wait3A_155 = tpu.memref_squeeze %dma_wait3A_154 : memref<1x1x40x128xi32, #tpu.memory_space<hbm>> -> memref<40x128xi32, #tpu.memory_space<hbm>>
      %dma_wait3A_156 = arith.constant 120 : i32
      %dma_wait3A_157 = arith.constant 0 : i32
      %dma_wait3A_158 = tpu.memref_slice %arg3[%arg0, %arg1, %dma_wait3A_156, %dma_wait3A_157] : memref<2x16x160x128xi32, #tpu.memory_space<hbm>> -> memref<1x1x40x128xi32, #tpu.memory_space<hbm>>
      %dma_wait3A_159 = tpu.memref_squeeze %dma_wait3A_158 : memref<1x1x40x128xi32, #tpu.memory_space<hbm>> -> memref<40x128xi32, #tpu.memory_space<hbm>>
      tpu.wait_dma2 semaphore(%run_scoped3A : memref<!tpu.dma_semaphore, #tpu.memory_space<semaphore_mem>>) src(%dma_wait3A_159 : memref<40x128xi32, #tpu.memory_space<hbm>>) dst(%arg7 : memref<40x128xi32, #tpu.memory_space<vmem>>)
      tpu.yield
    }) : () -> ()
    "tpu.region"() ({
      %run_scoped3A = tpu.sem_alloc : memref<!tpu.dma_semaphore, #tpu.memory_space<semaphore_mem>>
      %dma_start3A_144 = arith.constant 120 : i32
      %dma_start3A_145 = arith.constant 0 : i32
      %dma_start3A_146 = tpu.memref_slice %arg4[%arg0, %arg1, %dma_start3A_144, %dma_start3A_145] : memref<2x16x160x128xi32, #tpu.memory_space<hbm>> -> memref<1x1x40x128xi32, #tpu.memory_space<hbm>>
      %dma_start3A_147 = tpu.memref_squeeze %dma_start3A_146 : memref<1x1x40x128xi32, #tpu.memory_space<hbm>> -> memref<40x128xi32, #tpu.memory_space<hbm>>
      %dma_start3A_148 = arith.constant 120 : i32
      %dma_start3A_149 = arith.constant 0 : i32
      %dma_start3A_150 = tpu.memref_slice %arg4[%arg0, %arg1, %dma_start3A_148, %dma_start3A_149] : memref<2x16x160x128xi32, #tpu.memory_space<hbm>> -> memref<1x1x40x128xi32, #tpu.memory_space<hbm>>
      %dma_start3A_151 = tpu.memref_squeeze %dma_start3A_150 : memref<1x1x40x128xi32, #tpu.memory_space<hbm>> -> memref<40x128xi32, #tpu.memory_space<hbm>>
      tpu.enqueue_dma source(%dma_start3A_151 : memref<40x128xi32, #tpu.memory_space<hbm>>) target(%arg8 : memref<40x128xi32, #tpu.memory_space<vmem>>) target_semaphore(%run_scoped3A : memref<!tpu.dma_semaphore, #tpu.memory_space<semaphore_mem>>)
      %dma_wait3A_152 = arith.constant 120 : i32
      %dma_wait3A_153 = arith.constant 0 : i32
      %dma_wait3A_154 = tpu.memref_slice %arg4[%arg0, %arg1, %dma_wait3A_152, %dma_wait3A_153] : memref<2x16x160x128xi32, #tpu.memory_space<hbm>> -> memref<1x1x40x128xi32, #tpu.memory_space<hbm>>
      %dma_wait3A_155 = tpu.memref_squeeze %dma_wait3A_154 : memref<1x1x40x128xi32, #tpu.memory_space<hbm>> -> memref<40x128xi32, #tpu.memory_space<hbm>>
      %dma_wait3A_156 = arith.constant 120 : i32
      %dma_wait3A_157 = arith.constant 0 : i32
      %dma_wait3A_158 = tpu.memref_slice %arg4[%arg0, %arg1, %dma_wait3A_156, %dma_wait3A_157] : memref<2x16x160x128xi32, #tpu.memory_space<hbm>> -> memref<1x1x40x128xi32, #tpu.memory_space<hbm>>
      %dma_wait3A_159 = tpu.memref_squeeze %dma_wait3A_158 : memref<1x1x40x128xi32, #tpu.memory_space<hbm>> -> memref<40x128xi32, #tpu.memory_space<hbm>>
      tpu.wait_dma2 semaphore(%run_scoped3A : memref<!tpu.dma_semaphore, #tpu.memory_space<semaphore_mem>>) src(%dma_wait3A_159 : memref<40x128xi32, #tpu.memory_space<hbm>>) dst(%arg8 : memref<40x128xi32, #tpu.memory_space<vmem>>)
      tpu.yield
    }) : () -> ()
    %dma_start3A_109 = arith.constant 0 : i32
    %dma_start3A_110 = arith.constant 0 : i32
    %dma_start3A_111 = tpu.memref_slice %arg7[%dma_start3A_109, %dma_start3A_110] : memref<40x128xi32, #tpu.memory_space<vmem>> -> memref<1x128xi32, #tpu.memory_space<vmem>>
    %dma_start3A_112 = tpu.memref_squeeze %dma_start3A_111 : memref<1x128xi32, #tpu.memory_space<vmem>> -> memref<128xi32, #tpu.memory_space<vmem>>
    %dma_start3A_113 = arith.constant 0 : i32
    %dma_start3A_114 = arith.constant 0 : i32
    %dma_start3A_115 = tpu.memref_slice %arg2[%dma_start3A_113, %dma_start3A_114] : memref<10000x128xf32, #tpu.memory_space<hbm>> -> memref<10000x128xf32, #tpu.memory_space<hbm>>
    tpu.enqueue_indirect_dma source(%dma_start3A_115 : memref<10000x128xf32, #tpu.memory_space<hbm>>) target(%arg9 : memref<128x128xf32, #tpu.memory_space<vmem>>) offsets(%dma_start3A_112 : memref<128xi32, #tpu.memory_space<vmem>>) semaphore(%arg12 : memref<!tpu.dma_semaphore, #tpu.memory_space<semaphore_mem>>)
    %dma_start3A_116 = arith.constant 1 : i32
    %dma_start3A_117 = arith.constant 0 : i32
    %dma_start3A_118 = tpu.memref_slice %arg7[%dma_start3A_116, %dma_start3A_117] : memref<40x128xi32, #tpu.memory_space<vmem>> -> memref<1x128xi32, #tpu.memory_space<vmem>>
    %dma_start3A_119 = tpu.memref_squeeze %dma_start3A_118 : memref<1x128xi32, #tpu.memory_space<vmem>> -> memref<128xi32, #tpu.memory_space<vmem>>
    %dma_start3A_120 = arith.constant 0 : i32
    %dma_start3A_121 = arith.constant 0 : i32
    %dma_start3A_122 = tpu.memref_slice %arg2[%dma_start3A_120, %dma_start3A_121] : memref<10000x128xf32, #tpu.memory_space<hbm>> -> memref<10000x128xf32, #tpu.memory_space<hbm>>
    tpu.enqueue_indirect_dma source(%dma_start3A_122 : memref<10000x128xf32, #tpu.memory_space<hbm>>) target(%arg10 : memref<128x128xf32, #tpu.memory_space<vmem>>) offsets(%dma_start3A_119 : memref<128xi32, #tpu.memory_space<vmem>>) semaphore(%arg13 : memref<!tpu.dma_semaphore, #tpu.memory_space<semaphore_mem>>)
    %scan3A_123 = arith.constant 0 : i32
    %scan3A_124 = arith.constant 0 : i32
    %scan3A_125 = arith.constant 20 : i32
    %scan3A_126 = arith.addi %scan3A_124, %scan3A_125 : i32
    %scan3A_127 = arith.constant 1 : i32
    scf.for %scan3A_144 = %scan3A_124 to %scan3A_126 step %scan3A_127  : i32 {
      %mul3A_145 = arith.constant 2 : i32
      %mul3A_146 = arith.muli %mul3A_145, %scan3A_144 : i32
      %add3A_147 = arith.constant 0 : i32
      %add3A_148 = arith.addi %mul3A_146, %add3A_147 : i32
      %dma_wait3A_149 = arith.constant 0 : i32
      %dma_wait3A_150 = tpu.memref_slice %arg7[%add3A_148, %dma_wait3A_149] : memref<40x128xi32, #tpu.memory_space<vmem>> -> memref<1x128xi32, #tpu.memory_space<vmem>>
      %dma_wait3A_151 = tpu.memref_squeeze %dma_wait3A_150 : memref<1x128xi32, #tpu.memory_space<vmem>> -> memref<128xi32, #tpu.memory_space<vmem>>
      %dma_wait3A_152 = arith.constant 0 : i32
      %dma_wait3A_153 = arith.constant 0 : i32
      %dma_wait3A_154 = tpu.memref_slice %arg2[%dma_wait3A_152, %dma_wait3A_153] : memref<10000x128xf32, #tpu.memory_space<hbm>> -> memref<10000x128xf32, #tpu.memory_space<hbm>>
      tpu.wait_indirect_dma semaphore(%arg12 : memref<!tpu.dma_semaphore, #tpu.memory_space<semaphore_mem>>) src(%dma_wait3A_154 : memref<10000x128xf32, #tpu.memory_space<hbm>>) dst(%arg9 : memref<128x128xf32, #tpu.memory_space<vmem>>)
      %dma_start3A_155 = arith.constant 0 : i32
      %dma_start3A_156 = tpu.memref_slice %arg8[%add3A_148, %dma_start3A_155] : memref<40x128xi32, #tpu.memory_space<vmem>> -> memref<1x128xi32, #tpu.memory_space<vmem>>
      %dma_start3A_157 = tpu.memref_squeeze %dma_start3A_156 : memref<1x128xi32, #tpu.memory_space<vmem>> -> memref<128xi32, #tpu.memory_space<vmem>>
      %dma_start3A_158 = arith.constant 0 : i32
      %dma_start3A_159 = arith.constant 0 : i32
      %dma_start3A_160 = tpu.memref_slice %arg11[%dma_start3A_158, %dma_start3A_159] : memref<10048x128xf32, #tpu.memory_space<vmem_shared>> -> memref<10048x128xf32, #tpu.memory_space<vmem_shared>>
      tpu.enqueue_indirect_dma source(%arg9 : memref<128x128xf32, #tpu.memory_space<vmem>>) target(%dma_start3A_160 : memref<10048x128xf32, #tpu.memory_space<vmem_shared>>) offsets(%dma_start3A_157 : memref<128xi32, #tpu.memory_space<vmem>>) semaphore(%arg14 : memref<!tpu.dma_semaphore, #tpu.memory_space<semaphore_mem>>) {add = true}
      %sub3A = arith.constant 1 : i32
      %sub3A_161 = arith.subi %add3A_148, %sub3A : i32
      %add3A_162 = arith.constant 2 : i32
      %add3A_163 = arith.addi %sub3A_161, %add3A_162 : i32
      %ge3A = arith.constant 0 : i32
      %ge3A_164 = arith.cmpi sge, %sub3A_161, %ge3A : i32
      %lt3A = arith.constant 40 : i32
      %lt3A_165 = arith.cmpi slt, %add3A_163, %lt3A : i32
      %and3A = arith.andi %ge3A_164, %lt3A_165 : i1
      %convert_element_type3A = arith.extui %and3A : i1 to i32
      %cond3A = arith.constant 0 : i32
      %cond3A_166 = arith.cmpi ne, %convert_element_type3A, %cond3A : i32
      scf.if %cond3A_166 {
        %dma_wait3A_195 = arith.constant 0 : i32
        %dma_wait3A_196 = tpu.memref_slice %arg8[%sub3A_161, %dma_wait3A_195] : memref<40x128xi32, #tpu.memory_space<vmem>> -> memref<1x128xi32, #tpu.memory_space<vmem>>
        %dma_wait3A_197 = tpu.memref_squeeze %dma_wait3A_196 : memref<1x128xi32, #tpu.memory_space<vmem>> -> memref<128xi32, #tpu.memory_space<vmem>>
        %dma_wait3A_198 = arith.constant 0 : i32
        %dma_wait3A_199 = arith.constant 0 : i32
        %dma_wait3A_200 = tpu.memref_slice %arg11[%dma_wait3A_198, %dma_wait3A_199] : memref<10048x128xf32, #tpu.memory_space<vmem_shared>> -> memref<10048x128xf32, #tpu.memory_space<vmem_shared>>
        tpu.wait_indirect_dma semaphore(%arg15 : memref<!tpu.dma_semaphore, #tpu.memory_space<semaphore_mem>>) src(%arg10 : memref<128x128xf32, #tpu.memory_space<vmem>>) dst(%dma_wait3A_200 : memref<10048x128xf32, #tpu.memory_space<vmem_shared>>)
        %dma_start3A_201 = arith.constant 0 : i32
        %dma_start3A_202 = tpu.memref_slice %arg7[%add3A_163, %dma_start3A_201] : memref<40x128xi32, #tpu.memory_space<vmem>> -> memref<1x128xi32, #tpu.memory_space<vmem>>
        %dma_start3A_203 = tpu.memref_squeeze %dma_start3A_202 : memref<1x128xi32, #tpu.memory_space<vmem>> -> memref<128xi32, #tpu.memory_space<vmem>>
        %dma_start3A_204 = arith.constant 0 : i32
        %dma_start3A_205 = arith.constant 0 : i32
        %dma_start3A_206 = tpu.memref_slice %arg2[%dma_start3A_204, %dma_start3A_205] : memref<10000x128xf32, #tpu.memory_space<hbm>> -> memref<10000x128xf32, #tpu.memory_space<hbm>>
        tpu.enqueue_indirect_dma source(%dma_start3A_206 : memref<10000x128xf32, #tpu.memory_space<hbm>>) target(%arg10 : memref<128x128xf32, #tpu.memory_space<vmem>>) offsets(%dma_start3A_203 : memref<128xi32, #tpu.memory_space<vmem>>) semaphore(%arg13 : memref<!tpu.dma_semaphore, #tpu.memory_space<semaphore_mem>>)
      } else {
      }
      %mul3A_167 = arith.constant 2 : i32
      %mul3A_168 = arith.muli %mul3A_167, %scan3A_144 : i32
      %add3A_169 = arith.constant 1 : i32
      %add3A_170 = arith.addi %mul3A_168, %add3A_169 : i32
      %dma_wait3A_171 = arith.constant 0 : i32
      %dma_wait3A_172 = tpu.memref_slice %arg7[%add3A_170, %dma_wait3A_171] : memref<40x128xi32, #tpu.memory_space<vmem>> -> memref<1x128xi32, #tpu.memory_space<vmem>>
      %dma_wait3A_173 = tpu.memref_squeeze %dma_wait3A_172 : memref<1x128xi32, #tpu.memory_space<vmem>> -> memref<128xi32, #tpu.memory_space<vmem>>
      %dma_wait3A_174 = arith.constant 0 : i32
      %dma_wait3A_175 = arith.constant 0 : i32
      %dma_wait3A_176 = tpu.memref_slice %arg2[%dma_wait3A_174, %dma_wait3A_175] : memref<10000x128xf32, #tpu.memory_space<hbm>> -> memref<10000x128xf32, #tpu.memory_space<hbm>>
      tpu.wait_indirect_dma semaphore(%arg13 : memref<!tpu.dma_semaphore, #tpu.memory_space<semaphore_mem>>) src(%dma_wait3A_176 : memref<10000x128xf32, #tpu.memory_space<hbm>>) dst(%arg10 : memref<128x128xf32, #tpu.memory_space<vmem>>)
      %dma_start3A_177 = arith.constant 0 : i32
      %dma_start3A_178 = tpu.memref_slice %arg8[%add3A_170, %dma_start3A_177] : memref<40x128xi32, #tpu.memory_space<vmem>> -> memref<1x128xi32, #tpu.memory_space<vmem>>
      %dma_start3A_179 = tpu.memref_squeeze %dma_start3A_178 : memref<1x128xi32, #tpu.memory_space<vmem>> -> memref<128xi32, #tpu.memory_space<vmem>>
      %dma_start3A_180 = arith.constant 0 : i32
      %dma_start3A_181 = arith.constant 0 : i32
      %dma_start3A_182 = tpu.memref_slice %arg11[%dma_start3A_180, %dma_start3A_181] : memref<10048x128xf32, #tpu.memory_space<vmem_shared>> -> memref<10048x128xf32, #tpu.memory_space<vmem_shared>>
      tpu.enqueue_indirect_dma source(%arg10 : memref<128x128xf32, #tpu.memory_space<vmem>>) target(%dma_start3A_182 : memref<10048x128xf32, #tpu.memory_space<vmem_shared>>) offsets(%dma_start3A_179 : memref<128xi32, #tpu.memory_space<vmem>>) semaphore(%arg15 : memref<!tpu.dma_semaphore, #tpu.memory_space<semaphore_mem>>) {add = true}
      %sub3A_183 = arith.constant 1 : i32
      %sub3A_184 = arith.subi %add3A_170, %sub3A_183 : i32
      %add3A_185 = arith.constant 2 : i32
      %add3A_186 = arith.addi %sub3A_184, %add3A_185 : i32
      %ge3A_187 = arith.constant 0 : i32
      %ge3A_188 = arith.cmpi sge, %sub3A_184, %ge3A_187 : i32
      %lt3A_189 = arith.constant 40 : i32
      %lt3A_190 = arith.cmpi slt, %add3A_186, %lt3A_189 : i32
      %and3A_191 = arith.andi %ge3A_188, %lt3A_190 : i1
      %convert_element_type3A_192 = arith.extui %and3A_191 : i1 to i32
      %cond3A_193 = arith.constant 0 : i32
      %cond3A_194 = arith.cmpi ne, %convert_element_type3A_192, %cond3A_193 : i32
      scf.if %cond3A_194 {
        %dma_wait3A_195 = arith.constant 0 : i32
        %dma_wait3A_196 = tpu.memref_slice %arg8[%sub3A_184, %dma_wait3A_195] : memref<40x128xi32, #tpu.memory_space<vmem>> -> memref<1x128xi32, #tpu.memory_space<vmem>>
        %dma_wait3A_197 = tpu.memref_squeeze %dma_wait3A_196 : memref<1x128xi32, #tpu.memory_space<vmem>> -> memref<128xi32, #tpu.memory_space<vmem>>
        %dma_wait3A_198 = arith.constant 0 : i32
        %dma_wait3A_199 = arith.constant 0 : i32
        %dma_wait3A_200 = tpu.memref_slice %arg11[%dma_wait3A_198, %dma_wait3A_199] : memref<10048x128xf32, #tpu.memory_space<vmem_shared>> -> memref<10048x128xf32, #tpu.memory_space<vmem_shared>>
        tpu.wait_indirect_dma semaphore(%arg14 : memref<!tpu.dma_semaphore, #tpu.memory_space<semaphore_mem>>) src(%arg9 : memref<128x128xf32, #tpu.memory_space<vmem>>) dst(%dma_wait3A_200 : memref<10048x128xf32, #tpu.memory_space<vmem_shared>>)
        %dma_start3A_201 = arith.constant 0 : i32
        %dma_start3A_202 = tpu.memref_slice %arg7[%add3A_186, %dma_start3A_201] : memref<40x128xi32, #tpu.memory_space<vmem>> -> memref<1x128xi32, #tpu.memory_space<vmem>>
        %dma_start3A_203 = tpu.memref_squeeze %dma_start3A_202 : memref<1x128xi32, #tpu.memory_space<vmem>> -> memref<128xi32, #tpu.memory_space<vmem>>
        %dma_start3A_204 = arith.constant 0 : i32
        %dma_start3A_205 = arith.constant 0 : i32
        %dma_start3A_206 = tpu.memref_slice %arg2[%dma_start3A_204, %dma_start3A_205] : memref<10000x128xf32, #tpu.memory_space<hbm>> -> memref<10000x128xf32, #tpu.memory_space<hbm>>
        tpu.enqueue_indirect_dma source(%dma_start3A_206 : memref<10000x128xf32, #tpu.memory_space<hbm>>) target(%arg9 : memref<128x128xf32, #tpu.memory_space<vmem>>) offsets(%dma_start3A_203 : memref<128xi32, #tpu.memory_space<vmem>>) semaphore(%arg12 : memref<!tpu.dma_semaphore, #tpu.memory_space<semaphore_mem>>)
      } else {
      }
    }
    %scan3A_128 = arith.constant 20 : i32
    %dma_wait3A_129 = arith.constant 38 : i32
    %dma_wait3A_130 = arith.constant 0 : i32
    %dma_wait3A_131 = tpu.memref_slice %arg8[%dma_wait3A_129, %dma_wait3A_130] : memref<40x128xi32, #tpu.memory_space<vmem>> -> memref<1x128xi32, #tpu.memory_space<vmem>>
    %dma_wait3A_132 = tpu.memref_squeeze %dma_wait3A_131 : memref<1x128xi32, #tpu.memory_space<vmem>> -> memref<128xi32, #tpu.memory_space<vmem>>
    %dma_wait3A_133 = arith.constant 0 : i32
    %dma_wait3A_134 = arith.constant 0 : i32
    %dma_wait3A_135 = tpu.memref_slice %arg11[%dma_wait3A_133, %dma_wait3A_134] : memref<10048x128xf32, #tpu.memory_space<vmem_shared>> -> memref<10048x128xf32, #tpu.memory_space<vmem_shared>>
    tpu.wait_indirect_dma semaphore(%arg14 : memref<!tpu.dma_semaphore, #tpu.memory_space<semaphore_mem>>) src(%arg9 : memref<128x128xf32, #tpu.memory_space<vmem>>) dst(%dma_wait3A_135 : memref<10048x128xf32, #tpu.memory_space<vmem_shared>>)
    %dma_wait3A_136 = arith.constant 39 : i32
    %dma_wait3A_137 = arith.constant 0 : i32
    %dma_wait3A_138 = tpu.memref_slice %arg8[%dma_wait3A_136, %dma_wait3A_137] : memref<40x128xi32, #tpu.memory_space<vmem>> -> memref<1x128xi32, #tpu.memory_space<vmem>>
    %dma_wait3A_139 = tpu.memref_squeeze %dma_wait3A_138 : memref<1x128xi32, #tpu.memory_space<vmem>> -> memref<128xi32, #tpu.memory_space<vmem>>
    %dma_wait3A_140 = arith.constant 0 : i32
    %dma_wait3A_141 = arith.constant 0 : i32
    %dma_wait3A_142 = tpu.memref_slice %arg11[%dma_wait3A_140, %dma_wait3A_141] : memref<10048x128xf32, #tpu.memory_space<vmem_shared>> -> memref<10048x128xf32, #tpu.memory_space<vmem_shared>>
    tpu.wait_indirect_dma semaphore(%arg15 : memref<!tpu.dma_semaphore, #tpu.memory_space<semaphore_mem>>) src(%arg10 : memref<128x128xf32, #tpu.memory_space<vmem>>) dst(%dma_wait3A_142 : memref<10048x128xf32, #tpu.memory_space<vmem_shared>>)
    %barrier3A_143 = arith.constant 0 : index
    tpu.barrier barrier_id(%barrier3A_143)
    "tpu.region"() ({
      %run_scoped3A = tpu.sem_alloc : memref<!tpu.dma_semaphore, #tpu.memory_space<semaphore_mem>>
      %dma_start3A_144 = arith.constant 0 : i32
      %dma_start3A_145 = arith.constant 0 : i32
      %dma_start3A_146 = tpu.memref_slice %arg6[%arg0, %dma_start3A_144, %dma_start3A_145] : memref<2x10000x128xf32, #tpu.memory_space<hbm>> -> memref<1x10000x128xf32, #tpu.memory_space<hbm>>
      %dma_start3A_147 = tpu.memref_squeeze %dma_start3A_146 : memref<1x10000x128xf32, #tpu.memory_space<hbm>> -> memref<10000x128xf32, #tpu.memory_space<hbm>>
      %dma_start3A_148 = arith.constant 0 : i32
      %dma_start3A_149 = tpu.memref_slice %dma_start3A_147[%mul3A_0, %dma_start3A_148] : memref<10000x128xf32, #tpu.memory_space<hbm>> -> memref<625x128xf32, #tpu.memory_space<hbm>>
      %dma_start3A_150 = arith.constant 0 : i32
      %dma_start3A_151 = tpu.memref_slice %arg11[%mul3A_0, %dma_start3A_150] : memref<10048x128xf32, #tpu.memory_space<vmem_shared>> -> memref<625x128xf32, #tpu.memory_space<vmem_shared>>
      tpu.enqueue_dma source(%dma_start3A_151 : memref<625x128xf32, #tpu.memory_space<vmem_shared>>) target(%dma_start3A_149 : memref<625x128xf32, #tpu.memory_space<hbm>>) target_semaphore(%run_scoped3A : memref<!tpu.dma_semaphore, #tpu.memory_space<semaphore_mem>>)
      %dma_wait3A_152 = arith.constant 0 : i32
      %dma_wait3A_153 = arith.constant 0 : i32
      %dma_wait3A_154 = tpu.memref_slice %arg6[%arg0, %dma_wait3A_152, %dma_wait3A_153] : memref<2x10000x128xf32, #tpu.memory_space<hbm>> -> memref<1x10000x128xf32, #tpu.memory_space<hbm>>
      %dma_wait3A_155 = tpu.memref_squeeze %dma_wait3A_154 : memref<1x10000x128xf32, #tpu.memory_space<hbm>> -> memref<10000x128xf32, #tpu.memory_space<hbm>>
      %dma_wait3A_156 = arith.constant 0 : i32
      %dma_wait3A_157 = tpu.memref_slice %dma_wait3A_155[%mul3A_0, %dma_wait3A_156] : memref<10000x128xf32, #tpu.memory_space<hbm>> -> memref<625x128xf32, #tpu.memory_space<hbm>>
      %dma_wait3A_158 = arith.constant 0 : i32
      %dma_wait3A_159 = tpu.memref_slice %arg11[%mul3A_0, %dma_wait3A_158] : memref<10048x128xf32, #tpu.memory_space<vmem_shared>> -> memref<625x128xf32, #tpu.memory_space<vmem_shared>>
      tpu.wait_dma2 semaphore(%run_scoped3A : memref<!tpu.dma_semaphore, #tpu.memory_space<semaphore_mem>>) src(%dma_wait3A_159 : memref<625x128xf32, #tpu.memory_space<vmem_shared>>) dst(%dma_wait3A_157 : memref<625x128xf32, #tpu.memory_space<hbm>>)
      tpu.yield
    }) : () -> ()
    return
  }
}

#map = affine_map<(d0, d1) -> (0, 0)>
#map1 = affine_map<(d0, d1) -> (0, 0, 0, 0)>
#map2 = affine_map<(d0, d1) -> (0, 0, 0)>
module attributes {stable_mosaic.version = 14 : i64} {
  func.func @body(%arg0: i32, %arg1: i32, %arg2: memref<10000x128xf32, #tpu.memory_space<hbm>>, %arg3: memref<2x16x160x128xi32, #tpu.memory_space<hbm>>, %arg4: memref<2x16x160x128xi32, #tpu.memory_space<hbm>>, %arg5: memref<128x128xf32, #tpu.memory_space<hbm>>, %arg6: memref<2x10000x128xf32, #tpu.memory_space<hbm>>, %arg7: memref<40x128xi32, #tpu.memory_space<vmem>>, %arg8: memref<40x128xi32, #tpu.memory_space<vmem>>, %arg9: memref<128x128xf32, #tpu.memory_space<vmem>>, %arg10: memref<128x128xf32, #tpu.memory_space<vmem>>, %arg11: memref<10048x128xf32, #tpu.memory_space<vmem_shared>>, %arg12: memref<!tpu.dma_semaphore, #tpu.memory_space<semaphore_mem>>, %arg13: memref<!tpu.dma_semaphore, #tpu.memory_space<semaphore_mem>>, %arg14: memref<!tpu.dma_semaphore, #tpu.memory_space<semaphore_mem>>, %arg15: memref<!tpu.dma_semaphore, #tpu.memory_space<semaphore_mem>>) attributes {dimension_semantics = [#tpu.dimension_semantics<core_parallel>, #tpu.dimension_semantics<subcore_parallel>], iteration_bounds = array<i64: 2, 16>, scalar_prefetch = 0 : i64, scratch_operands = 9 : i64, tpu.core_type = #tpu.core_type<sc_vector_subcore>, window_params = [{transform_indices = #map}, {transform_indices = #map1}, {transform_indices = #map1}, {transform_indices = #map}, {transform_indices = #map2}]} {
    %mul3A = arith.constant 625 : i32
    %mul3A_0 = arith.muli %arg1, %mul3A : i32
    "tpu.region"() ({
      %run_scoped3A = tpu.sem_alloc : memref<!tpu.dma_semaphore, #tpu.memory_space<semaphore_mem>>
      tpu.enqueue_dma source(%arg5 : memref<128x128xf32, #tpu.memory_space<hbm>>) target(%arg9 : memref<128x128xf32, #tpu.memory_space<vmem>>) target_semaphore(%run_scoped3A : memref<!tpu.dma_semaphore, #tpu.memory_space<semaphore_mem>>)
      tpu.wait_dma2 semaphore(%run_scoped3A : memref<!tpu.dma_semaphore, #tpu.memory_space<semaphore_mem>>) src(%arg5 : memref<128x128xf32, #tpu.memory_space<hbm>>) dst(%arg9 : memref<128x128xf32, #tpu.memory_space<vmem>>)
      tpu.yield
    }) : () -> ()
    %add3A = arith.constant 0 : i32
    %add3A_1 = arith.addi %mul3A_0, %add3A : i32
    "tpu.region"() ({
      %run_scoped3A = tpu.sem_alloc : memref<!tpu.dma_semaphore, #tpu.memory_space<semaphore_mem>>
      %dma_start3A_144 = arith.constant 0 : i32
      %dma_start3A_145 = arith.constant 0 : i32
      %dma_start3A_146 = tpu.memref_slice %arg9[%dma_start3A_144, %dma_start3A_145] : memref<128x128xf32, #tpu.memory_space<vmem>> -> memref<128x128xf32, #tpu.memory_space<vmem>>
      %dma_start3A_147 = arith.constant 0 : i32
      %dma_start3A_148 = tpu.memref_slice %arg11[%add3A_1, %dma_start3A_147] : memref<10048x128xf32, #tpu.memory_space<vmem_shared>> -> memref<128x128xf32, #tpu.memory_space<vmem_shared>>
      %dma_start3A_149 = arith.constant 0 : i32
      %dma_start3A_150 = tpu.memref_slice %arg11[%add3A_1, %dma_start3A_149] : memref<10048x128xf32, #tpu.memory_space<vmem_shared>> -> memref<128x128xf32, #tpu.memory_space<vmem_shared>>
      %dma_start3A_151 = arith.constant 0 : i32
      %dma_start3A_152 = arith.constant 0 : i32
      %dma_start3A_153 = tpu.memref_slice %arg9[%dma_start3A_151, %dma_start3A_152] : memref<128x128xf32, #tpu.memory_space<vmem>> -> memref<128x128xf32, #tpu.memory_space<vmem>>
      tpu.enqueue_dma source(%dma_start3A_153 : memref<128x128xf32, #tpu.memory_space<vmem>>) target(%dma_start3A_150 : memref<128x128xf32, #tpu.memory_space<vmem_shared>>) target_semaphore(%run_scoped3A : memref<!tpu.dma_semaphore, #tpu.memory_space<semaphore_mem>>)
      %dma_wait3A_154 = arith.constant 0 : i32
      %dma_wait3A_155 = arith.constant 0 : i32
      %dma_wait3A_156 = tpu.memref_slice %arg9[%dma_wait3A_154, %dma_wait3A_155] : memref<128x128xf32, #tpu.memory_space<vmem>> -> memref<128x128xf32, #tpu.memory_space<vmem>>
      %dma_wait3A_157 = arith.constant 0 : i32
      %dma_wait3A_158 = tpu.memref_slice %arg11[%add3A_1, %dma_wait3A_157] : memref<10048x128xf32, #tpu.memory_space<vmem_shared>> -> memref<128x128xf32, #tpu.memory_space<vmem_shared>>
      %dma_wait3A_159 = arith.constant 0 : i32
      %dma_wait3A_160 = tpu.memref_slice %arg11[%add3A_1, %dma_wait3A_159] : memref<10048x128xf32, #tpu.memory_space<vmem_shared>> -> memref<128x128xf32, #tpu.memory_space<vmem_shared>>
      %dma_wait3A_161 = arith.constant 0 : i32
      %dma_wait3A_162 = arith.constant 0 : i32
      %dma_wait3A_163 = tpu.memref_slice %arg9[%dma_wait3A_161, %dma_wait3A_162] : memref<128x128xf32, #tpu.memory_space<vmem>> -> memref<128x128xf32, #tpu.memory_space<vmem>>
      tpu.wait_dma2 semaphore(%run_scoped3A : memref<!tpu.dma_semaphore, #tpu.memory_space<semaphore_mem>>) src(%dma_wait3A_163 : memref<128x128xf32, #tpu.memory_space<vmem>>) dst(%dma_wait3A_160 : memref<128x128xf32, #tpu.memory_space<vmem_shared>>)
      tpu.yield
    }) : () -> ()
    %add3A_2 = arith.constant 128 : i32
    %add3A_3 = arith.addi %mul3A_0, %add3A_2 : i32
    "tpu.region"() ({
      %run_scoped3A = tpu.sem_alloc : memref<!tpu.dma_semaphore, #tpu.memory_space<semaphore_mem>>
      %dma_start3A_144 = arith.constant 0 : i32
      %dma_start3A_145 = arith.constant 0 : i32
      %dma_start3A_146 = tpu.memref_slice %arg9[%dma_start3A_144, %dma_start3A_145] : memref<128x128xf32, #tpu.memory_space<vmem>> -> memref<128x128xf32, #tpu.memory_space<vmem>>
      %dma_start3A_147 = arith.constant 0 : i32
      %dma_start3A_148 = tpu.memref_slice %arg11[%add3A_3, %dma_start3A_147] : memref<10048x128xf32, #tpu.memory_space<vmem_shared>> -> memref<128x128xf32, #tpu.memory_space<vmem_shared>>
      %dma_start3A_149 = arith.constant 0 : i32
      %dma_start3A_150 = tpu.memref_slice %arg11[%add3A_3, %dma_start3A_149] : memref<10048x128xf32, #tpu.memory_space<vmem_shared>> -> memref<128x128xf32, #tpu.memory_space<vmem_shared>>
      %dma_start3A_151 = arith.constant 0 : i32
      %dma_start3A_152 = arith.constant 0 : i32
      %dma_start3A_153 = tpu.memref_slice %arg9[%dma_start3A_151, %dma_start3A_152] : memref<128x128xf32, #tpu.memory_space<vmem>> -> memref<128x128xf32, #tpu.memory_space<vmem>>
      tpu.enqueue_dma source(%dma_start3A_153 : memref<128x128xf32, #tpu.memory_space<vmem>>) target(%dma_start3A_150 : memref<128x128xf32, #tpu.memory_space<vmem_shared>>) target_semaphore(%run_scoped3A : memref<!tpu.dma_semaphore, #tpu.memory_space<semaphore_mem>>)
      %dma_wait3A_154 = arith.constant 0 : i32
      %dma_wait3A_155 = arith.constant 0 : i32
      %dma_wait3A_156 = tpu.memref_slice %arg9[%dma_wait3A_154, %dma_wait3A_155] : memref<128x128xf32, #tpu.memory_space<vmem>> -> memref<128x128xf32, #tpu.memory_space<vmem>>
      %dma_wait3A_157 = arith.constant 0 : i32
      %dma_wait3A_158 = tpu.memref_slice %arg11[%add3A_3, %dma_wait3A_157] : memref<10048x128xf32, #tpu.memory_space<vmem_shared>> -> memref<128x128xf32, #tpu.memory_space<vmem_shared>>
      %dma_wait3A_159 = arith.constant 0 : i32
      %dma_wait3A_160 = tpu.memref_slice %arg11[%add3A_3, %dma_wait3A_159] : memref<10048x128xf32, #tpu.memory_space<vmem_shared>> -> memref<128x128xf32, #tpu.memory_space<vmem_shared>>
      %dma_wait3A_161 = arith.constant 0 : i32
      %dma_wait3A_162 = arith.constant 0 : i32
      %dma_wait3A_163 = tpu.memref_slice %arg9[%dma_wait3A_161, %dma_wait3A_162] : memref<128x128xf32, #tpu.memory_space<vmem>> -> memref<128x128xf32, #tpu.memory_space<vmem>>
      tpu.wait_dma2 semaphore(%run_scoped3A : memref<!tpu.dma_semaphore, #tpu.memory_space<semaphore_mem>>) src(%dma_wait3A_163 : memref<128x128xf32, #tpu.memory_space<vmem>>) dst(%dma_wait3A_160 : memref<128x128xf32, #tpu.memory_space<vmem_shared>>)
      tpu.yield
    }) : () -> ()
    %add3A_4 = arith.constant 256 : i32
    %add3A_5 = arith.addi %mul3A_0, %add3A_4 : i32
    "tpu.region"() ({
      %run_scoped3A = tpu.sem_alloc : memref<!tpu.dma_semaphore, #tpu.memory_space<semaphore_mem>>
      %dma_start3A_144 = arith.constant 0 : i32
      %dma_start3A_145 = arith.constant 0 : i32
      %dma_start3A_146 = tpu.memref_slice %arg9[%dma_start3A_144, %dma_start3A_145] : memref<128x128xf32, #tpu.memory_space<vmem>> -> memref<128x128xf32, #tpu.memory_space<vmem>>
      %dma_start3A_147 = arith.constant 0 : i32
      %dma_start3A_148 = tpu.memref_slice %arg11[%add3A_5, %dma_start3A_147] : memref<10048x128xf32, #tpu.memory_space<vmem_shared>> -> memref<128x128xf32, #tpu.memory_space<vmem_shared>>
      %dma_start3A_149 = arith.constant 0 : i32
      %dma_start3A_150 = tpu.memref_slice %arg11[%add3A_5, %dma_start3A_149] : memref<10048x128xf32, #tpu.memory_space<vmem_shared>> -> memref<128x128xf32, #tpu.memory_space<vmem_shared>>
      %dma_start3A_151 = arith.constant 0 : i32
      %dma_start3A_152 = arith.constant 0 : i32
      %dma_start3A_153 = tpu.memref_slice %arg9[%dma_start3A_151, %dma_start3A_152] : memref<128x128xf32, #tpu.memory_space<vmem>> -> memref<128x128xf32, #tpu.memory_space<vmem>>
      tpu.enqueue_dma source(%dma_start3A_153 : memref<128x128xf32, #tpu.memory_space<vmem>>) target(%dma_start3A_150 : memref<128x128xf32, #tpu.memory_space<vmem_shared>>) target_semaphore(%run_scoped3A : memref<!tpu.dma_semaphore, #tpu.memory_space<semaphore_mem>>)
      %dma_wait3A_154 = arith.constant 0 : i32
      %dma_wait3A_155 = arith.constant 0 : i32
      %dma_wait3A_156 = tpu.memref_slice %arg9[%dma_wait3A_154, %dma_wait3A_155] : memref<128x128xf32, #tpu.memory_space<vmem>> -> memref<128x128xf32, #tpu.memory_space<vmem>>
      %dma_wait3A_157 = arith.constant 0 : i32
      %dma_wait3A_158 = tpu.memref_slice %arg11[%add3A_5, %dma_wait3A_157] : memref<10048x128xf32, #tpu.memory_space<vmem_shared>> -> memref<128x128xf32, #tpu.memory_space<vmem_shared>>
      %dma_wait3A_159 = arith.constant 0 : i32
      %dma_wait3A_160 = tpu.memref_slice %arg11[%add3A_5, %dma_wait3A_159] : memref<10048x128xf32, #tpu.memory_space<vmem_shared>> -> memref<128x128xf32, #tpu.memory_space<vmem_shared>>
      %dma_wait3A_161 = arith.constant 0 : i32
      %dma_wait3A_162 = arith.constant 0 : i32
      %dma_wait3A_163 = tpu.memref_slice %arg9[%dma_wait3A_161, %dma_wait3A_162] : memref<128x128xf32, #tpu.memory_space<vmem>> -> memref<128x128xf32, #tpu.memory_space<vmem>>
      tpu.wait_dma2 semaphore(%run_scoped3A : memref<!tpu.dma_semaphore, #tpu.memory_space<semaphore_mem>>) src(%dma_wait3A_163 : memref<128x128xf32, #tpu.memory_space<vmem>>) dst(%dma_wait3A_160 : memref<128x128xf32, #tpu.memory_space<vmem_shared>>)
      tpu.yield
    }) : () -> ()
    %add3A_6 = arith.constant 384 : i32
    %add3A_7 = arith.addi %mul3A_0, %add3A_6 : i32
    "tpu.region"() ({
      %run_scoped3A = tpu.sem_alloc : memref<!tpu.dma_semaphore, #tpu.memory_space<semaphore_mem>>
      %dma_start3A_144 = arith.constant 0 : i32
      %dma_start3A_145 = arith.constant 0 : i32
      %dma_start3A_146 = tpu.memref_slice %arg9[%dma_start3A_144, %dma_start3A_145] : memref<128x128xf32, #tpu.memory_space<vmem>> -> memref<128x128xf32, #tpu.memory_space<vmem>>
      %dma_start3A_147 = arith.constant 0 : i32
      %dma_start3A_148 = tpu.memref_slice %arg11[%add3A_7, %dma_start3A_147] : memref<10048x128xf32, #tpu.memory_space<vmem_shared>> -> memref<128x128xf32, #tpu.memory_space<vmem_shared>>
      %dma_start3A_149 = arith.constant 0 : i32
      %dma_start3A_150 = tpu.memref_slice %arg11[%add3A_7, %dma_start3A_149] : memref<10048x128xf32, #tpu.memory_space<vmem_shared>> -> memref<128x128xf32, #tpu.memory_space<vmem_shared>>
      %dma_start3A_151 = arith.constant 0 : i32
      %dma_start3A_152 = arith.constant 0 : i32
      %dma_start3A_153 = tpu.memref_slice %arg9[%dma_start3A_151, %dma_start3A_152] : memref<128x128xf32, #tpu.memory_space<vmem>> -> memref<128x128xf32, #tpu.memory_space<vmem>>
      tpu.enqueue_dma source(%dma_start3A_153 : memref<128x128xf32, #tpu.memory_space<vmem>>) target(%dma_start3A_150 : memref<128x128xf32, #tpu.memory_space<vmem_shared>>) target_semaphore(%run_scoped3A : memref<!tpu.dma_semaphore, #tpu.memory_space<semaphore_mem>>)
      %dma_wait3A_154 = arith.constant 0 : i32
      %dma_wait3A_155 = arith.constant 0 : i32
      %dma_wait3A_156 = tpu.memref_slice %arg9[%dma_wait3A_154, %dma_wait3A_155] : memref<128x128xf32, #tpu.memory_space<vmem>> -> memref<128x128xf32, #tpu.memory_space<vmem>>
      %dma_wait3A_157 = arith.constant 0 : i32
      %dma_wait3A_158 = tpu.memref_slice %arg11[%add3A_7, %dma_wait3A_157] : memref<10048x128xf32, #tpu.memory_space<vmem_shared>> -> memref<128x128xf32, #tpu.memory_space<vmem_shared>>
      %dma_wait3A_159 = arith.constant 0 : i32
      %dma_wait3A_160 = tpu.memref_slice %arg11[%add3A_7, %dma_wait3A_159] : memref<10048x128xf32, #tpu.memory_space<vmem_shared>> -> memref<128x128xf32, #tpu.memory_space<vmem_shared>>
      %dma_wait3A_161 = arith.constant 0 : i32
      %dma_wait3A_162 = arith.constant 0 : i32
      %dma_wait3A_163 = tpu.memref_slice %arg9[%dma_wait3A_161, %dma_wait3A_162] : memref<128x128xf32, #tpu.memory_space<vmem>> -> memref<128x128xf32, #tpu.memory_space<vmem>>
      tpu.wait_dma2 semaphore(%run_scoped3A : memref<!tpu.dma_semaphore, #tpu.memory_space<semaphore_mem>>) src(%dma_wait3A_163 : memref<128x128xf32, #tpu.memory_space<vmem>>) dst(%dma_wait3A_160 : memref<128x128xf32, #tpu.memory_space<vmem_shared>>)
      tpu.yield
    }) : () -> ()
    %add3A_8 = arith.constant 512 : i32
    %add3A_9 = arith.addi %mul3A_0, %add3A_8 : i32
    "tpu.region"() ({
      %run_scoped3A = tpu.sem_alloc : memref<!tpu.dma_semaphore, #tpu.memory_space<semaphore_mem>>
      %dma_start3A_144 = arith.constant 0 : i32
      %dma_start3A_145 = arith.constant 0 : i32
      %dma_start3A_146 = tpu.memref_slice %arg9[%dma_start3A_144, %dma_start3A_145] : memref<128x128xf32, #tpu.memory_space<vmem>> -> memref<113x128xf32, #tpu.memory_space<vmem>>
      %dma_start3A_147 = arith.constant 0 : i32
      %dma_start3A_148 = tpu.memref_slice %arg11[%add3A_9, %dma_start3A_147] : memref<10048x128xf32, #tpu.memory_space<vmem_shared>> -> memref<113x128xf32, #tpu.memory_space<vmem_shared>>
      %dma_start3A_149 = arith.constant 0 : i32
      %dma_start3A_150 = tpu.memref_slice %arg11[%add3A_9, %dma_start3A_149] : memref<10048x128xf32, #tpu.memory_space<vmem_shared>> -> memref<113x128xf32, #tpu.memory_space<vmem_shared>>
      %dma_start3A_151 = arith.constant 0 : i32
      %dma_start3A_152 = arith.constant 0 : i32
      %dma_start3A_153 = tpu.memref_slice %arg9[%dma_start3A_151, %dma_start3A_152] : memref<128x128xf32, #tpu.memory_space<vmem>> -> memref<113x128xf32, #tpu.memory_space<vmem>>
      tpu.enqueue_dma source(%dma_start3A_153 : memref<113x128xf32, #tpu.memory_space<vmem>>) target(%dma_start3A_150 : memref<113x128xf32, #tpu.memory_space<vmem_shared>>) target_semaphore(%run_scoped3A : memref<!tpu.dma_semaphore, #tpu.memory_space<semaphore_mem>>)
      %dma_wait3A_154 = arith.constant 0 : i32
      %dma_wait3A_155 = arith.constant 0 : i32
      %dma_wait3A_156 = tpu.memref_slice %arg9[%dma_wait3A_154, %dma_wait3A_155] : memref<128x128xf32, #tpu.memory_space<vmem>> -> memref<113x128xf32, #tpu.memory_space<vmem>>
      %dma_wait3A_157 = arith.constant 0 : i32
      %dma_wait3A_158 = tpu.memref_slice %arg11[%add3A_9, %dma_wait3A_157] : memref<10048x128xf32, #tpu.memory_space<vmem_shared>> -> memref<113x128xf32, #tpu.memory_space<vmem_shared>>
      %dma_wait3A_159 = arith.constant 0 : i32
      %dma_wait3A_160 = tpu.memref_slice %arg11[%add3A_9, %dma_wait3A_159] : memref<10048x128xf32, #tpu.memory_space<vmem_shared>> -> memref<113x128xf32, #tpu.memory_space<vmem_shared>>
      %dma_wait3A_161 = arith.constant 0 : i32
      %dma_wait3A_162 = arith.constant 0 : i32
      %dma_wait3A_163 = tpu.memref_slice %arg9[%dma_wait3A_161, %dma_wait3A_162] : memref<128x128xf32, #tpu.memory_space<vmem>> -> memref<113x128xf32, #tpu.memory_space<vmem>>
      tpu.wait_dma2 semaphore(%run_scoped3A : memref<!tpu.dma_semaphore, #tpu.memory_space<semaphore_mem>>) src(%dma_wait3A_163 : memref<113x128xf32, #tpu.memory_space<vmem>>) dst(%dma_wait3A_160 : memref<113x128xf32, #tpu.memory_space<vmem_shared>>)
      tpu.yield
    }) : () -> ()
    %barrier3A = arith.constant 0 : index
    tpu.barrier barrier_id(%barrier3A)
    "tpu.region"() ({
      %run_scoped3A = tpu.sem_alloc : memref<!tpu.dma_semaphore, #tpu.memory_space<semaphore_mem>>
      %dma_start3A_144 = arith.constant 0 : i32
      %dma_start3A_145 = arith.constant 0 : i32
      %dma_start3A_146 = tpu.memref_slice %arg3[%arg0, %arg1, %dma_start3A_144, %dma_start3A_145] : memref<2x16x160x128xi32, #tpu.memory_space<hbm>> -> memref<1x1x40x128xi32, #tpu.memory_space<hbm>>
      %dma_start3A_147 = tpu.memref_squeeze %dma_start3A_146 : memref<1x1x40x128xi32, #tpu.memory_space<hbm>> -> memref<40x128xi32, #tpu.memory_space<hbm>>
      %dma_start3A_148 = arith.constant 0 : i32
      %dma_start3A_149 = arith.constant 0 : i32
      %dma_start3A_150 = tpu.memref_slice %arg3[%arg0, %arg1, %dma_start3A_148, %dma_start3A_149] : memref<2x16x160x128xi32, #tpu.memory_space<hbm>> -> memref<1x1x40x128xi32, #tpu.memory_space<hbm>>
      %dma_start3A_151 = tpu.memref_squeeze %dma_start3A_150 : memref<1x1x40x128xi32, #tpu.memory_space<hbm>> -> memref<40x128xi32, #tpu.memory_space<hbm>>
      tpu.enqueue_dma source(%dma_start3A_151 : memref<40x128xi32, #tpu.memory_space<hbm>>) target(%arg7 : memref<40x128xi32, #tpu.memory_space<vmem>>) target_semaphore(%run_scoped3A : memref<!tpu.dma_semaphore, #tpu.memory_space<semaphore_mem>>)
      %dma_wait3A_152 = arith.constant 0 : i32
      %dma_wait3A_153 = arith.constant 0 : i32
      %dma_wait3A_154 = tpu.memref_slice %arg3[%arg0, %arg1, %dma_wait3A_152, %dma_wait3A_153] : memref<2x16x160x128xi32, #tpu.memory_space<hbm>> -> memref<1x1x40x128xi32, #tpu.memory_space<hbm>>
      %dma_wait3A_155 = tpu.memref_squeeze %dma_wait3A_154 : memref<1x1x40x128xi32, #tpu.memory_space<hbm>> -> memref<40x128xi32, #tpu.memory_space<hbm>>
      %dma_wait3A_156 = arith.constant 0 : i32
      %dma_wait3A_157 = arith.constant 0 : i32
      %dma_wait3A_158 = tpu.memref_slice %arg3[%arg0, %arg1, %dma_wait3A_156, %dma_wait3A_157] : memref<2x16x160x128xi32, #tpu.memory_space<hbm>> -> memref<1x1x40x128xi32, #tpu.memory_space<hbm>>
      %dma_wait3A_159 = tpu.memref_squeeze %dma_wait3A_158 : memref<1x1x40x128xi32, #tpu.memory_space<hbm>> -> memref<40x128xi32, #tpu.memory_space<hbm>>
      tpu.wait_dma2 semaphore(%run_scoped3A : memref<!tpu.dma_semaphore, #tpu.memory_space<semaphore_mem>>) src(%dma_wait3A_159 : memref<40x128xi32, #tpu.memory_space<hbm>>) dst(%arg7 : memref<40x128xi32, #tpu.memory_space<vmem>>)
      tpu.yield
    }) : () -> ()
    "tpu.region"() ({
      %run_scoped3A = tpu.sem_alloc : memref<!tpu.dma_semaphore, #tpu.memory_space<semaphore_mem>>
      %dma_start3A_144 = arith.constant 0 : i32
      %dma_start3A_145 = arith.constant 0 : i32
      %dma_start3A_146 = tpu.memref_slice %arg4[%arg0, %arg1, %dma_start3A_144, %dma_start3A_145] : memref<2x16x160x128xi32, #tpu.memory_space<hbm>> -> memref<1x1x40x128xi32, #tpu.memory_space<hbm>>
      %dma_start3A_147 = tpu.memref_squeeze %dma_start3A_146 : memref<1x1x40x128xi32, #tpu.memory_space<hbm>> -> memref<40x128xi32, #tpu.memory_space<hbm>>
      %dma_start3A_148 = arith.constant 0 : i32
      %dma_start3A_149 = arith.constant 0 : i32
      %dma_start3A_150 = tpu.memref_slice %arg4[%arg0, %arg1, %dma_start3A_148, %dma_start3A_149] : memref<2x16x160x128xi32, #tpu.memory_space<hbm>> -> memref<1x1x40x128xi32, #tpu.memory_space<hbm>>
      %dma_start3A_151 = tpu.memref_squeeze %dma_start3A_150 : memref<1x1x40x128xi32, #tpu.memory_space<hbm>> -> memref<40x128xi32, #tpu.memory_space<hbm>>
      tpu.enqueue_dma source(%dma_start3A_151 : memref<40x128xi32, #tpu.memory_space<hbm>>) target(%arg8 : memref<40x128xi32, #tpu.memory_space<vmem>>) target_semaphore(%run_scoped3A : memref<!tpu.dma_semaphore, #tpu.memory_space<semaphore_mem>>)
      %dma_wait3A_152 = arith.constant 0 : i32
      %dma_wait3A_153 = arith.constant 0 : i32
      %dma_wait3A_154 = tpu.memref_slice %arg4[%arg0, %arg1, %dma_wait3A_152, %dma_wait3A_153] : memref<2x16x160x128xi32, #tpu.memory_space<hbm>> -> memref<1x1x40x128xi32, #tpu.memory_space<hbm>>
      %dma_wait3A_155 = tpu.memref_squeeze %dma_wait3A_154 : memref<1x1x40x128xi32, #tpu.memory_space<hbm>> -> memref<40x128xi32, #tpu.memory_space<hbm>>
      %dma_wait3A_156 = arith.constant 0 : i32
      %dma_wait3A_157 = arith.constant 0 : i32
      %dma_wait3A_158 = tpu.memref_slice %arg4[%arg0, %arg1, %dma_wait3A_156, %dma_wait3A_157] : memref<2x16x160x128xi32, #tpu.memory_space<hbm>> -> memref<1x1x40x128xi32, #tpu.memory_space<hbm>>
      %dma_wait3A_159 = tpu.memref_squeeze %dma_wait3A_158 : memref<1x1x40x128xi32, #tpu.memory_space<hbm>> -> memref<40x128xi32, #tpu.memory_space<hbm>>
      tpu.wait_dma2 semaphore(%run_scoped3A : memref<!tpu.dma_semaphore, #tpu.memory_space<semaphore_mem>>) src(%dma_wait3A_159 : memref<40x128xi32, #tpu.memory_space<hbm>>) dst(%arg8 : memref<40x128xi32, #tpu.memory_space<vmem>>)
      tpu.yield
    }) : () -> ()
    %dma_start3A = arith.constant 0 : i32
    %dma_start3A_10 = arith.constant 0 : i32
    %dma_start3A_11 = tpu.memref_slice %arg7[%dma_start3A, %dma_start3A_10] : memref<40x128xi32, #tpu.memory_space<vmem>> -> memref<1x128xi32, #tpu.memory_space<vmem>>
    %dma_start3A_12 = tpu.memref_squeeze %dma_start3A_11 : memref<1x128xi32, #tpu.memory_space<vmem>> -> memref<128xi32, #tpu.memory_space<vmem>>
    %dma_start3A_13 = arith.constant 0 : i32
    %dma_start3A_14 = arith.constant 0 : i32
    %dma_start3A_15 = tpu.memref_slice %arg2[%dma_start3A_13, %dma_start3A_14] : memref<10000x128xf32, #tpu.memory_space<hbm>> -> memref<10000x128xf32, #tpu.memory_space<hbm>>
    tpu.enqueue_indirect_dma source(%dma_start3A_15 : memref<10000x128xf32, #tpu.memory_space<hbm>>) target(%arg9 : memref<128x128xf32, #tpu.memory_space<vmem>>) offsets(%dma_start3A_12 : memref<128xi32, #tpu.memory_space<vmem>>) semaphore(%arg12 : memref<!tpu.dma_semaphore, #tpu.memory_space<semaphore_mem>>)
    %dma_start3A_16 = arith.constant 1 : i32
    %dma_start3A_17 = arith.constant 0 : i32
    %dma_start3A_18 = tpu.memref_slice %arg7[%dma_start3A_16, %dma_start3A_17] : memref<40x128xi32, #tpu.memory_space<vmem>> -> memref<1x128xi32, #tpu.memory_space<vmem>>
    %dma_start3A_19 = tpu.memref_squeeze %dma_start3A_18 : memref<1x128xi32, #tpu.memory_space<vmem>> -> memref<128xi32, #tpu.memory_space<vmem>>
    %dma_start3A_20 = arith.constant 0 : i32
    %dma_start3A_21 = arith.constant 0 : i32
    %dma_start3A_22 = tpu.memref_slice %arg2[%dma_start3A_20, %dma_start3A_21] : memref<10000x128xf32, #tpu.memory_space<hbm>> -> memref<10000x128xf32, #tpu.memory_space<hbm>>
    tpu.enqueue_indirect_dma source(%dma_start3A_22 : memref<10000x128xf32, #tpu.memory_space<hbm>>) target(%arg10 : memref<128x128xf32, #tpu.memory_space<vmem>>) offsets(%dma_start3A_19 : memref<128xi32, #tpu.memory_space<vmem>>) semaphore(%arg13 : memref<!tpu.dma_semaphore, #tpu.memory_space<semaphore_mem>>)
    %scan3A = arith.constant 0 : i32
    %scan3A_23 = arith.constant 0 : i32
    %scan3A_24 = arith.constant 20 : i32
    %scan3A_25 = arith.addi %scan3A_23, %scan3A_24 : i32
    %scan3A_26 = arith.constant 1 : i32
    scf.for %scan3A_144 = %scan3A_23 to %scan3A_25 step %scan3A_26  : i32 {
      %mul3A_145 = arith.constant 2 : i32
      %mul3A_146 = arith.muli %mul3A_145, %scan3A_144 : i32
      %add3A_147 = arith.constant 0 : i32
      %add3A_148 = arith.addi %mul3A_146, %add3A_147 : i32
      %dma_wait3A_149 = arith.constant 0 : i32
      %dma_wait3A_150 = tpu.memref_slice %arg7[%add3A_148, %dma_wait3A_149] : memref<40x128xi32, #tpu.memory_space<vmem>> -> memref<1x128xi32, #tpu.memory_space<vmem>>
      %dma_wait3A_151 = tpu.memref_squeeze %dma_wait3A_150 : memref<1x128xi32, #tpu.memory_space<vmem>> -> memref<128xi32, #tpu.memory_space<vmem>>
      %dma_wait3A_152 = arith.constant 0 : i32
      %dma_wait3A_153 = arith.constant 0 : i32
      %dma_wait3A_154 = tpu.memref_slice %arg2[%dma_wait3A_152, %dma_wait3A_153] : memref<10000x128xf32, #tpu.memory_space<hbm>> -> memref<10000x128xf32, #tpu.memory_space<hbm>>
      tpu.wait_indirect_dma semaphore(%arg12 : memref<!tpu.dma_semaphore, #tpu.memory_space<semaphore_mem>>) src(%dma_wait3A_154 : memref<10000x128xf32, #tpu.memory_space<hbm>>) dst(%arg9 : memref<128x128xf32, #tpu.memory_space<vmem>>)
      %dma_start3A_155 = arith.constant 0 : i32
      %dma_start3A_156 = tpu.memref_slice %arg8[%add3A_148, %dma_start3A_155] : memref<40x128xi32, #tpu.memory_space<vmem>> -> memref<1x128xi32, #tpu.memory_space<vmem>>
      %dma_start3A_157 = tpu.memref_squeeze %dma_start3A_156 : memref<1x128xi32, #tpu.memory_space<vmem>> -> memref<128xi32, #tpu.memory_space<vmem>>
      %dma_start3A_158 = arith.constant 0 : i32
      %dma_start3A_159 = arith.constant 0 : i32
      %dma_start3A_160 = tpu.memref_slice %arg11[%dma_start3A_158, %dma_start3A_159] : memref<10048x128xf32, #tpu.memory_space<vmem_shared>> -> memref<10048x128xf32, #tpu.memory_space<vmem_shared>>
      tpu.enqueue_indirect_dma source(%arg9 : memref<128x128xf32, #tpu.memory_space<vmem>>) target(%dma_start3A_160 : memref<10048x128xf32, #tpu.memory_space<vmem_shared>>) offsets(%dma_start3A_157 : memref<128xi32, #tpu.memory_space<vmem>>) semaphore(%arg14 : memref<!tpu.dma_semaphore, #tpu.memory_space<semaphore_mem>>) {add = true}
      %sub3A = arith.constant 1 : i32
      %sub3A_161 = arith.subi %add3A_148, %sub3A : i32
      %add3A_162 = arith.constant 2 : i32
      %add3A_163 = arith.addi %sub3A_161, %add3A_162 : i32
      %ge3A = arith.constant 0 : i32
      %ge3A_164 = arith.cmpi sge, %sub3A_161, %ge3A : i32
      %lt3A = arith.constant 40 : i32
      %lt3A_165 = arith.cmpi slt, %add3A_163, %lt3A : i32
      %and3A = arith.andi %ge3A_164, %lt3A_165 : i1
      %convert_element_type3A = arith.extui %and3A : i1 to i32
      %cond3A = arith.constant 0 : i32
      %cond3A_166 = arith.cmpi ne, %convert_element_type3A, %cond3A : i32
      scf.if %cond3A_166 {
        %dma_wait3A_195 = arith.constant 0 : i32
        %dma_wait3A_196 = tpu.memref_slice %arg8[%sub3A_161, %dma_wait3A_195] : memref<40x128xi32, #tpu.memory_space<vmem>> -> memref<1x128xi32, #tpu.memory_space<vmem>>
        %dma_wait3A_197 = tpu.memref_squeeze %dma_wait3A_196 : memref<1x128xi32, #tpu.memory_space<vmem>> -> memref<128xi32, #tpu.memory_space<vmem>>
        %dma_wait3A_198 = arith.constant 0 : i32
        %dma_wait3A_199 = arith.constant 0 : i32
        %dma_wait3A_200 = tpu.memref_slice %arg11[%dma_wait3A_198, %dma_wait3A_199] : memref<10048x128xf32, #tpu.memory_space<vmem_shared>> -> memref<10048x128xf32, #tpu.memory_space<vmem_shared>>
        tpu.wait_indirect_dma semaphore(%arg15 : memref<!tpu.dma_semaphore, #tpu.memory_space<semaphore_mem>>) src(%arg10 : memref<128x128xf32, #tpu.memory_space<vmem>>) dst(%dma_wait3A_200 : memref<10048x128xf32, #tpu.memory_space<vmem_shared>>)
        %dma_start3A_201 = arith.constant 0 : i32
        %dma_start3A_202 = tpu.memref_slice %arg7[%add3A_163, %dma_start3A_201] : memref<40x128xi32, #tpu.memory_space<vmem>> -> memref<1x128xi32, #tpu.memory_space<vmem>>
        %dma_start3A_203 = tpu.memref_squeeze %dma_start3A_202 : memref<1x128xi32, #tpu.memory_space<vmem>> -> memref<128xi32, #tpu.memory_space<vmem>>
        %dma_start3A_204 = arith.constant 0 : i32
        %dma_start3A_205 = arith.constant 0 : i32
        %dma_start3A_206 = tpu.memref_slice %arg2[%dma_start3A_204, %dma_start3A_205] : memref<10000x128xf32, #tpu.memory_space<hbm>> -> memref<10000x128xf32, #tpu.memory_space<hbm>>
        tpu.enqueue_indirect_dma source(%dma_start3A_206 : memref<10000x128xf32, #tpu.memory_space<hbm>>) target(%arg10 : memref<128x128xf32, #tpu.memory_space<vmem>>) offsets(%dma_start3A_203 : memref<128xi32, #tpu.memory_space<vmem>>) semaphore(%arg13 : memref<!tpu.dma_semaphore, #tpu.memory_space<semaphore_mem>>)
      } else {
      }
      %mul3A_167 = arith.constant 2 : i32
      %mul3A_168 = arith.muli %mul3A_167, %scan3A_144 : i32
      %add3A_169 = arith.constant 1 : i32
      %add3A_170 = arith.addi %mul3A_168, %add3A_169 : i32
      %dma_wait3A_171 = arith.constant 0 : i32
      %dma_wait3A_172 = tpu.memref_slice %arg7[%add3A_170, %dma_wait3A_171] : memref<40x128xi32, #tpu.memory_space<vmem>> -> memref<1x128xi32, #tpu.memory_space<vmem>>
      %dma_wait3A_173 = tpu.memref_squeeze %dma_wait3A_172 : memref<1x128xi32, #tpu.memory_space<vmem>> -> memref<128xi32, #tpu.memory_space<vmem>>
      %dma_wait3A_174 = arith.constant 0 : i32
      %dma_wait3A_175 = arith.constant 0 : i32
      %dma_wait3A_176 = tpu.memref_slice %arg2[%dma_wait3A_174, %dma_wait3A_175] : memref<10000x128xf32, #tpu.memory_space<hbm>> -> memref<10000x128xf32, #tpu.memory_space<hbm>>
      tpu.wait_indirect_dma semaphore(%arg13 : memref<!tpu.dma_semaphore, #tpu.memory_space<semaphore_mem>>) src(%dma_wait3A_176 : memref<10000x128xf32, #tpu.memory_space<hbm>>) dst(%arg10 : memref<128x128xf32, #tpu.memory_space<vmem>>)
      %dma_start3A_177 = arith.constant 0 : i32
      %dma_start3A_178 = tpu.memref_slice %arg8[%add3A_170, %dma_start3A_177] : memref<40x128xi32, #tpu.memory_space<vmem>> -> memref<1x128xi32, #tpu.memory_space<vmem>>
      %dma_start3A_179 = tpu.memref_squeeze %dma_start3A_178 : memref<1x128xi32, #tpu.memory_space<vmem>> -> memref<128xi32, #tpu.memory_space<vmem>>
      %dma_start3A_180 = arith.constant 0 : i32
      %dma_start3A_181 = arith.constant 0 : i32
      %dma_start3A_182 = tpu.memref_slice %arg11[%dma_start3A_180, %dma_start3A_181] : memref<10048x128xf32, #tpu.memory_space<vmem_shared>> -> memref<10048x128xf32, #tpu.memory_space<vmem_shared>>
      tpu.enqueue_indirect_dma source(%arg10 : memref<128x128xf32, #tpu.memory_space<vmem>>) target(%dma_start3A_182 : memref<10048x128xf32, #tpu.memory_space<vmem_shared>>) offsets(%dma_start3A_179 : memref<128xi32, #tpu.memory_space<vmem>>) semaphore(%arg15 : memref<!tpu.dma_semaphore, #tpu.memory_space<semaphore_mem>>) {add = true}
      %sub3A_183 = arith.constant 1 : i32
      %sub3A_184 = arith.subi %add3A_170, %sub3A_183 : i32
      %add3A_185 = arith.constant 2 : i32
      %add3A_186 = arith.addi %sub3A_184, %add3A_185 : i32
      %ge3A_187 = arith.constant 0 : i32
      %ge3A_188 = arith.cmpi sge, %sub3A_184, %ge3A_187 : i32
      %lt3A_189 = arith.constant 40 : i32
      %lt3A_190 = arith.cmpi slt, %add3A_186, %lt3A_189 : i32
      %and3A_191 = arith.andi %ge3A_188, %lt3A_190 : i1
      %convert_element_type3A_192 = arith.extui %and3A_191 : i1 to i32
      %cond3A_193 = arith.constant 0 : i32
      %cond3A_194 = arith.cmpi ne, %convert_element_type3A_192, %cond3A_193 : i32
      scf.if %cond3A_194 {
        %dma_wait3A_195 = arith.constant 0 : i32
        %dma_wait3A_196 = tpu.memref_slice %arg8[%sub3A_184, %dma_wait3A_195] : memref<40x128xi32, #tpu.memory_space<vmem>> -> memref<1x128xi32, #tpu.memory_space<vmem>>
        %dma_wait3A_197 = tpu.memref_squeeze %dma_wait3A_196 : memref<1x128xi32, #tpu.memory_space<vmem>> -> memref<128xi32, #tpu.memory_space<vmem>>
        %dma_wait3A_198 = arith.constant 0 : i32
        %dma_wait3A_199 = arith.constant 0 : i32
        %dma_wait3A_200 = tpu.memref_slice %arg11[%dma_wait3A_198, %dma_wait3A_199] : memref<10048x128xf32, #tpu.memory_space<vmem_shared>> -> memref<10048x128xf32, #tpu.memory_space<vmem_shared>>
        tpu.wait_indirect_dma semaphore(%arg14 : memref<!tpu.dma_semaphore, #tpu.memory_space<semaphore_mem>>) src(%arg9 : memref<128x128xf32, #tpu.memory_space<vmem>>) dst(%dma_wait3A_200 : memref<10048x128xf32, #tpu.memory_space<vmem_shared>>)
        %dma_start3A_201 = arith.constant 0 : i32
        %dma_start3A_202 = tpu.memref_slice %arg7[%add3A_186, %dma_start3A_201] : memref<40x128xi32, #tpu.memory_space<vmem>> -> memref<1x128xi32, #tpu.memory_space<vmem>>
        %dma_start3A_203 = tpu.memref_squeeze %dma_start3A_202 : memref<1x128xi32, #tpu.memory_space<vmem>> -> memref<128xi32, #tpu.memory_space<vmem>>
        %dma_start3A_204 = arith.constant 0 : i32
        %dma_start3A_205 = arith.constant 0 : i32
        %dma_start3A_206 = tpu.memref_slice %arg2[%dma_start3A_204, %dma_start3A_205] : memref<10000x128xf32, #tpu.memory_space<hbm>> -> memref<10000x128xf32, #tpu.memory_space<hbm>>
        tpu.enqueue_indirect_dma source(%dma_start3A_206 : memref<10000x128xf32, #tpu.memory_space<hbm>>) target(%arg9 : memref<128x128xf32, #tpu.memory_space<vmem>>) offsets(%dma_start3A_203 : memref<128xi32, #tpu.memory_space<vmem>>) semaphore(%arg12 : memref<!tpu.dma_semaphore, #tpu.memory_space<semaphore_mem>>)
      } else {
      }
    }
    %scan3A_27 = arith.constant 20 : i32
    %dma_wait3A = arith.constant 38 : i32
    %dma_wait3A_28 = arith.constant 0 : i32
    %dma_wait3A_29 = tpu.memref_slice %arg8[%dma_wait3A, %dma_wait3A_28] : memref<40x128xi32, #tpu.memory_space<vmem>> -> memref<1x128xi32, #tpu.memory_space<vmem>>
    %dma_wait3A_30 = tpu.memref_squeeze %dma_wait3A_29 : memref<1x128xi32, #tpu.memory_space<vmem>> -> memref<128xi32, #tpu.memory_space<vmem>>
    %dma_wait3A_31 = arith.constant 0 : i32
    %dma_wait3A_32 = arith.constant 0 : i32
    %dma_wait3A_33 = tpu.memref_slice %arg11[%dma_wait3A_31, %dma_wait3A_32] : memref<10048x128xf32, #tpu.memory_space<vmem_shared>> -> memref<10048x128xf32, #tpu.memory_space<vmem_shared>>
    tpu.wait_indirect_dma semaphore(%arg14 : memref<!tpu.dma_semaphore, #tpu.memory_space<semaphore_mem>>) src(%arg9 : memref<128x128xf32, #tpu.memory_space<vmem>>) dst(%dma_wait3A_33 : memref<10048x128xf32, #tpu.memory_space<vmem_shared>>)
    %dma_wait3A_34 = arith.constant 39 : i32
    %dma_wait3A_35 = arith.constant 0 : i32
    %dma_wait3A_36 = tpu.memref_slice %arg8[%dma_wait3A_34, %dma_wait3A_35] : memref<40x128xi32, #tpu.memory_space<vmem>> -> memref<1x128xi32, #tpu.memory_space<vmem>>
    %dma_wait3A_37 = tpu.memref_squeeze %dma_wait3A_36 : memref<1x128xi32, #tpu.memory_space<vmem>> -> memref<128xi32, #tpu.memory_space<vmem>>
    %dma_wait3A_38 = arith.constant 0 : i32
    %dma_wait3A_39 = arith.constant 0 : i32
    %dma_wait3A_40 = tpu.memref_slice %arg11[%dma_wait3A_38, %dma_wait3A_39] : memref<10048x128xf32, #tpu.memory_space<vmem_shared>> -> memref<10048x128xf32, #tpu.memory_space<vmem_shared>>
    tpu.wait_indirect_dma semaphore(%arg15 : memref<!tpu.dma_semaphore, #tpu.memory_space<semaphore_mem>>) src(%arg10 : memref<128x128xf32, #tpu.memory_space<vmem>>) dst(%dma_wait3A_40 : memref<10048x128xf32, #tpu.memory_space<vmem_shared>>)
    "tpu.region"() ({
      %run_scoped3A = tpu.sem_alloc : memref<!tpu.dma_semaphore, #tpu.memory_space<semaphore_mem>>
      %dma_start3A_144 = arith.constant 40 : i32
      %dma_start3A_145 = arith.constant 0 : i32
      %dma_start3A_146 = tpu.memref_slice %arg3[%arg0, %arg1, %dma_start3A_144, %dma_start3A_145] : memref<2x16x160x128xi32, #tpu.memory_space<hbm>> -> memref<1x1x40x128xi32, #tpu.memory_space<hbm>>
      %dma_start3A_147 = tpu.memref_squeeze %dma_start3A_146 : memref<1x1x40x128xi32, #tpu.memory_space<hbm>> -> memref<40x128xi32, #tpu.memory_space<hbm>>
      %dma_start3A_148 = arith.constant 40 : i32
      %dma_start3A_149 = arith.constant 0 : i32
      %dma_start3A_150 = tpu.memref_slice %arg3[%arg0, %arg1, %dma_start3A_148, %dma_start3A_149] : memref<2x16x160x128xi32, #tpu.memory_space<hbm>> -> memref<1x1x40x128xi32, #tpu.memory_space<hbm>>
      %dma_start3A_151 = tpu.memref_squeeze %dma_start3A_150 : memref<1x1x40x128xi32, #tpu.memory_space<hbm>> -> memref<40x128xi32, #tpu.memory_space<hbm>>
      tpu.enqueue_dma source(%dma_start3A_151 : memref<40x128xi32, #tpu.memory_space<hbm>>) target(%arg7 : memref<40x128xi32, #tpu.memory_space<vmem>>) target_semaphore(%run_scoped3A : memref<!tpu.dma_semaphore, #tpu.memory_space<semaphore_mem>>)
      %dma_wait3A_152 = arith.constant 40 : i32
      %dma_wait3A_153 = arith.constant 0 : i32
      %dma_wait3A_154 = tpu.memref_slice %arg3[%arg0, %arg1, %dma_wait3A_152, %dma_wait3A_153] : memref<2x16x160x128xi32, #tpu.memory_space<hbm>> -> memref<1x1x40x128xi32, #tpu.memory_space<hbm>>
      %dma_wait3A_155 = tpu.memref_squeeze %dma_wait3A_154 : memref<1x1x40x128xi32, #tpu.memory_space<hbm>> -> memref<40x128xi32, #tpu.memory_space<hbm>>
      %dma_wait3A_156 = arith.constant 40 : i32
      %dma_wait3A_157 = arith.constant 0 : i32
      %dma_wait3A_158 = tpu.memref_slice %arg3[%arg0, %arg1, %dma_wait3A_156, %dma_wait3A_157] : memref<2x16x160x128xi32, #tpu.memory_space<hbm>> -> memref<1x1x40x128xi32, #tpu.memory_space<hbm>>
      %dma_wait3A_159 = tpu.memref_squeeze %dma_wait3A_158 : memref<1x1x40x128xi32, #tpu.memory_space<hbm>> -> memref<40x128xi32, #tpu.memory_space<hbm>>
      tpu.wait_dma2 semaphore(%run_scoped3A : memref<!tpu.dma_semaphore, #tpu.memory_space<semaphore_mem>>) src(%dma_wait3A_159 : memref<40x128xi32, #tpu.memory_space<hbm>>) dst(%arg7 : memref<40x128xi32, #tpu.memory_space<vmem>>)
      tpu.yield
    }) : () -> ()
    "tpu.region"() ({
      %run_scoped3A = tpu.sem_alloc : memref<!tpu.dma_semaphore, #tpu.memory_space<semaphore_mem>>
      %dma_start3A_144 = arith.constant 40 : i32
      %dma_start3A_145 = arith.constant 0 : i32
      %dma_start3A_146 = tpu.memref_slice %arg4[%arg0, %arg1, %dma_start3A_144, %dma_start3A_145] : memref<2x16x160x128xi32, #tpu.memory_space<hbm>> -> memref<1x1x40x128xi32, #tpu.memory_space<hbm>>
      %dma_start3A_147 = tpu.memref_squeeze %dma_start3A_146 : memref<1x1x40x128xi32, #tpu.memory_space<hbm>> -> memref<40x128xi32, #tpu.memory_space<hbm>>
      %dma_start3A_148 = arith.constant 40 : i32
      %dma_start3A_149 = arith.constant 0 : i32
      %dma_start3A_150 = tpu.memref_slice %arg4[%arg0, %arg1, %dma_start3A_148, %dma_start3A_149] : memref<2x16x160x128xi32, #tpu.memory_space<hbm>> -> memref<1x1x40x128xi32, #tpu.memory_space<hbm>>
      %dma_start3A_151 = tpu.memref_squeeze %dma_start3A_150 : memref<1x1x40x128xi32, #tpu.memory_space<hbm>> -> memref<40x128xi32, #tpu.memory_space<hbm>>
      tpu.enqueue_dma source(%dma_start3A_151 : memref<40x128xi32, #tpu.memory_space<hbm>>) target(%arg8 : memref<40x128xi32, #tpu.memory_space<vmem>>) target_semaphore(%run_scoped3A : memref<!tpu.dma_semaphore, #tpu.memory_space<semaphore_mem>>)
      %dma_wait3A_152 = arith.constant 40 : i32
      %dma_wait3A_153 = arith.constant 0 : i32
      %dma_wait3A_154 = tpu.memref_slice %arg4[%arg0, %arg1, %dma_wait3A_152, %dma_wait3A_153] : memref<2x16x160x128xi32, #tpu.memory_space<hbm>> -> memref<1x1x40x128xi32, #tpu.memory_space<hbm>>
      %dma_wait3A_155 = tpu.memref_squeeze %dma_wait3A_154 : memref<1x1x40x128xi32, #tpu.memory_space<hbm>> -> memref<40x128xi32, #tpu.memory_space<hbm>>
      %dma_wait3A_156 = arith.constant 40 : i32
      %dma_wait3A_157 = arith.constant 0 : i32
      %dma_wait3A_158 = tpu.memref_slice %arg4[%arg0, %arg1, %dma_wait3A_156, %dma_wait3A_157] : memref<2x16x160x128xi32, #tpu.memory_space<hbm>> -> memref<1x1x40x128xi32, #tpu.memory_space<hbm>>
      %dma_wait3A_159 = tpu.memref_squeeze %dma_wait3A_158 : memref<1x1x40x128xi32, #tpu.memory_space<hbm>> -> memref<40x128xi32, #tpu.memory_space<hbm>>
      tpu.wait_dma2 semaphore(%run_scoped3A : memref<!tpu.dma_semaphore, #tpu.memory_space<semaphore_mem>>) src(%dma_wait3A_159 : memref<40x128xi32, #tpu.memory_space<hbm>>) dst(%arg8 : memref<40x128xi32, #tpu.memory_space<vmem>>)
      tpu.yield
    }) : () -> ()
    %dma_start3A_41 = arith.constant 0 : i32
    %dma_start3A_42 = arith.constant 0 : i32
    %dma_start3A_43 = tpu.memref_slice %arg7[%dma_start3A_41, %dma_start3A_42] : memref<40x128xi32, #tpu.memory_space<vmem>> -> memref<1x128xi32, #tpu.memory_space<vmem>>
    %dma_start3A_44 = tpu.memref_squeeze %dma_start3A_43 : memref<1x128xi32, #tpu.memory_space<vmem>> -> memref<128xi32, #tpu.memory_space<vmem>>
    %dma_start3A_45 = arith.constant 0 : i32
    %dma_start3A_46 = arith.constant 0 : i32
    %dma_start3A_47 = tpu.memref_slice %arg2[%dma_start3A_45, %dma_start3A_46] : memref<10000x128xf32, #tpu.memory_space<hbm>> -> memref<10000x128xf32, #tpu.memory_space<hbm>>
    tpu.enqueue_indirect_dma source(%dma_start3A_47 : memref<10000x128xf32, #tpu.memory_space<hbm>>) target(%arg9 : memref<128x128xf32, #tpu.memory_space<vmem>>) offsets(%dma_start3A_44 : memref<128xi32, #tpu.memory_space<vmem>>) semaphore(%arg12 : memref<!tpu.dma_semaphore, #tpu.memory_space<semaphore_mem>>)
    %dma_start3A_48 = arith.constant 1 : i32
    %dma_start3A_49 = arith.constant 0 : i32
    %dma_start3A_50 = tpu.memref_slice %arg7[%dma_start3A_48, %dma_start3A_49] : memref<40x128xi32, #tpu.memory_space<vmem>> -> memref<1x128xi32, #tpu.memory_space<vmem>>
    %dma_start3A_51 = tpu.memref_squeeze %dma_start3A_50 : memref<1x128xi32, #tpu.memory_space<vmem>> -> memref<128xi32, #tpu.memory_space<vmem>>
    %dma_start3A_52 = arith.constant 0 : i32
    %dma_start3A_53 = arith.constant 0 : i32
    %dma_start3A_54 = tpu.memref_slice %arg2[%dma_start3A_52, %dma_start3A_53] : memref<10000x128xf32, #tpu.memory_space<hbm>> -> memref<10000x128xf32, #tpu.memory_space<hbm>>
    tpu.enqueue_indirect_dma source(%dma_start3A_54 : memref<10000x128xf32, #tpu.memory_space<hbm>>) target(%arg10 : memref<128x128xf32, #tpu.memory_space<vmem>>) offsets(%dma_start3A_51 : memref<128xi32, #tpu.memory_space<vmem>>) semaphore(%arg13 : memref<!tpu.dma_semaphore, #tpu.memory_space<semaphore_mem>>)
    %scan3A_55 = arith.constant 0 : i32
    %scan3A_56 = arith.constant 0 : i32
    %scan3A_57 = arith.constant 20 : i32
    %scan3A_58 = arith.addi %scan3A_56, %scan3A_57 : i32
    %scan3A_59 = arith.constant 1 : i32
    scf.for %scan3A_144 = %scan3A_56 to %scan3A_58 step %scan3A_59  : i32 {
      %mul3A_145 = arith.constant 2 : i32
      %mul3A_146 = arith.muli %mul3A_145, %scan3A_144 : i32
      %add3A_147 = arith.constant 0 : i32
      %add3A_148 = arith.addi %mul3A_146, %add3A_147 : i32
      %dma_wait3A_149 = arith.constant 0 : i32
      %dma_wait3A_150 = tpu.memref_slice %arg7[%add3A_148, %dma_wait3A_149] : memref<40x128xi32, #tpu.memory_space<vmem>> -> memref<1x128xi32, #tpu.memory_space<vmem>>
      %dma_wait3A_151 = tpu.memref_squeeze %dma_wait3A_150 : memref<1x128xi32, #tpu.memory_space<vmem>> -> memref<128xi32, #tpu.memory_space<vmem>>
      %dma_wait3A_152 = arith.constant 0 : i32
      %dma_wait3A_153 = arith.constant 0 : i32
      %dma_wait3A_154 = tpu.memref_slice %arg2[%dma_wait3A_152, %dma_wait3A_153] : memref<10000x128xf32, #tpu.memory_space<hbm>> -> memref<10000x128xf32, #tpu.memory_space<hbm>>
      tpu.wait_indirect_dma semaphore(%arg12 : memref<!tpu.dma_semaphore, #tpu.memory_space<semaphore_mem>>) src(%dma_wait3A_154 : memref<10000x128xf32, #tpu.memory_space<hbm>>) dst(%arg9 : memref<128x128xf32, #tpu.memory_space<vmem>>)
      %dma_start3A_155 = arith.constant 0 : i32
      %dma_start3A_156 = tpu.memref_slice %arg8[%add3A_148, %dma_start3A_155] : memref<40x128xi32, #tpu.memory_space<vmem>> -> memref<1x128xi32, #tpu.memory_space<vmem>>
      %dma_start3A_157 = tpu.memref_squeeze %dma_start3A_156 : memref<1x128xi32, #tpu.memory_space<vmem>> -> memref<128xi32, #tpu.memory_space<vmem>>
      %dma_start3A_158 = arith.constant 0 : i32
      %dma_start3A_159 = arith.constant 0 : i32
      %dma_start3A_160 = tpu.memref_slice %arg11[%dma_start3A_158, %dma_start3A_159] : memref<10048x128xf32, #tpu.memory_space<vmem_shared>> -> memref<10048x128xf32, #tpu.memory_space<vmem_shared>>
      tpu.enqueue_indirect_dma source(%arg9 : memref<128x128xf32, #tpu.memory_space<vmem>>) target(%dma_start3A_160 : memref<10048x128xf32, #tpu.memory_space<vmem_shared>>) offsets(%dma_start3A_157 : memref<128xi32, #tpu.memory_space<vmem>>) semaphore(%arg14 : memref<!tpu.dma_semaphore, #tpu.memory_space<semaphore_mem>>) {add = true}
      %sub3A = arith.constant 1 : i32
      %sub3A_161 = arith.subi %add3A_148, %sub3A : i32
      %add3A_162 = arith.constant 2 : i32
      %add3A_163 = arith.addi %sub3A_161, %add3A_162 : i32
      %ge3A = arith.constant 0 : i32
      %ge3A_164 = arith.cmpi sge, %sub3A_161, %ge3A : i32
      %lt3A = arith.constant 40 : i32
      %lt3A_165 = arith.cmpi slt, %add3A_163, %lt3A : i32
      %and3A = arith.andi %ge3A_164, %lt3A_165 : i1
      %convert_element_type3A = arith.extui %and3A : i1 to i32
      %cond3A = arith.constant 0 : i32
      %cond3A_166 = arith.cmpi ne, %convert_element_type3A, %cond3A : i32
      scf.if %cond3A_166 {
        %dma_wait3A_195 = arith.constant 0 : i32
        %dma_wait3A_196 = tpu.memref_slice %arg8[%sub3A_161, %dma_wait3A_195] : memref<40x128xi32, #tpu.memory_space<vmem>> -> memref<1x128xi32, #tpu.memory_space<vmem>>
        %dma_wait3A_197 = tpu.memref_squeeze %dma_wait3A_196 : memref<1x128xi32, #tpu.memory_space<vmem>> -> memref<128xi32, #tpu.memory_space<vmem>>
        %dma_wait3A_198 = arith.constant 0 : i32
        %dma_wait3A_199 = arith.constant 0 : i32
        %dma_wait3A_200 = tpu.memref_slice %arg11[%dma_wait3A_198, %dma_wait3A_199] : memref<10048x128xf32, #tpu.memory_space<vmem_shared>> -> memref<10048x128xf32, #tpu.memory_space<vmem_shared>>
        tpu.wait_indirect_dma semaphore(%arg15 : memref<!tpu.dma_semaphore, #tpu.memory_space<semaphore_mem>>) src(%arg10 : memref<128x128xf32, #tpu.memory_space<vmem>>) dst(%dma_wait3A_200 : memref<10048x128xf32, #tpu.memory_space<vmem_shared>>)
        %dma_start3A_201 = arith.constant 0 : i32
        %dma_start3A_202 = tpu.memref_slice %arg7[%add3A_163, %dma_start3A_201] : memref<40x128xi32, #tpu.memory_space<vmem>> -> memref<1x128xi32, #tpu.memory_space<vmem>>
        %dma_start3A_203 = tpu.memref_squeeze %dma_start3A_202 : memref<1x128xi32, #tpu.memory_space<vmem>> -> memref<128xi32, #tpu.memory_space<vmem>>
        %dma_start3A_204 = arith.constant 0 : i32
        %dma_start3A_205 = arith.constant 0 : i32
        %dma_start3A_206 = tpu.memref_slice %arg2[%dma_start3A_204, %dma_start3A_205] : memref<10000x128xf32, #tpu.memory_space<hbm>> -> memref<10000x128xf32, #tpu.memory_space<hbm>>
        tpu.enqueue_indirect_dma source(%dma_start3A_206 : memref<10000x128xf32, #tpu.memory_space<hbm>>) target(%arg10 : memref<128x128xf32, #tpu.memory_space<vmem>>) offsets(%dma_start3A_203 : memref<128xi32, #tpu.memory_space<vmem>>) semaphore(%arg13 : memref<!tpu.dma_semaphore, #tpu.memory_space<semaphore_mem>>)
      } else {
      }
      %mul3A_167 = arith.constant 2 : i32
      %mul3A_168 = arith.muli %mul3A_167, %scan3A_144 : i32
      %add3A_169 = arith.constant 1 : i32
      %add3A_170 = arith.addi %mul3A_168, %add3A_169 : i32
      %dma_wait3A_171 = arith.constant 0 : i32
      %dma_wait3A_172 = tpu.memref_slice %arg7[%add3A_170, %dma_wait3A_171] : memref<40x128xi32, #tpu.memory_space<vmem>> -> memref<1x128xi32, #tpu.memory_space<vmem>>
      %dma_wait3A_173 = tpu.memref_squeeze %dma_wait3A_172 : memref<1x128xi32, #tpu.memory_space<vmem>> -> memref<128xi32, #tpu.memory_space<vmem>>
      %dma_wait3A_174 = arith.constant 0 : i32
      %dma_wait3A_175 = arith.constant 0 : i32
      %dma_wait3A_176 = tpu.memref_slice %arg2[%dma_wait3A_174, %dma_wait3A_175] : memref<10000x128xf32, #tpu.memory_space<hbm>> -> memref<10000x128xf32, #tpu.memory_space<hbm>>
      tpu.wait_indirect_dma semaphore(%arg13 : memref<!tpu.dma_semaphore, #tpu.memory_space<semaphore_mem>>) src(%dma_wait3A_176 : memref<10000x128xf32, #tpu.memory_space<hbm>>) dst(%arg10 : memref<128x128xf32, #tpu.memory_space<vmem>>)
      %dma_start3A_177 = arith.constant 0 : i32
      %dma_start3A_178 = tpu.memref_slice %arg8[%add3A_170, %dma_start3A_177] : memref<40x128xi32, #tpu.memory_space<vmem>> -> memref<1x128xi32, #tpu.memory_space<vmem>>
      %dma_start3A_179 = tpu.memref_squeeze %dma_start3A_178 : memref<1x128xi32, #tpu.memory_space<vmem>> -> memref<128xi32, #tpu.memory_space<vmem>>
      %dma_start3A_180 = arith.constant 0 : i32
      %dma_start3A_181 = arith.constant 0 : i32
      %dma_start3A_182 = tpu.memref_slice %arg11[%dma_start3A_180, %dma_start3A_181] : memref<10048x128xf32, #tpu.memory_space<vmem_shared>> -> memref<10048x128xf32, #tpu.memory_space<vmem_shared>>
      tpu.enqueue_indirect_dma source(%arg10 : memref<128x128xf32, #tpu.memory_space<vmem>>) target(%dma_start3A_182 : memref<10048x128xf32, #tpu.memory_space<vmem_shared>>) offsets(%dma_start3A_179 : memref<128xi32, #tpu.memory_space<vmem>>) semaphore(%arg15 : memref<!tpu.dma_semaphore, #tpu.memory_space<semaphore_mem>>) {add = true}
      %sub3A_183 = arith.constant 1 : i32
      %sub3A_184 = arith.subi %add3A_170, %sub3A_183 : i32
      %add3A_185 = arith.constant 2 : i32
      %add3A_186 = arith.addi %sub3A_184, %add3A_185 : i32
      %ge3A_187 = arith.constant 0 : i32
      %ge3A_188 = arith.cmpi sge, %sub3A_184, %ge3A_187 : i32
      %lt3A_189 = arith.constant 40 : i32
      %lt3A_190 = arith.cmpi slt, %add3A_186, %lt3A_189 : i32
      %and3A_191 = arith.andi %ge3A_188, %lt3A_190 : i1
      %convert_element_type3A_192 = arith.extui %and3A_191 : i1 to i32
      %cond3A_193 = arith.constant 0 : i32
      %cond3A_194 = arith.cmpi ne, %convert_element_type3A_192, %cond3A_193 : i32
      scf.if %cond3A_194 {
        %dma_wait3A_195 = arith.constant 0 : i32
        %dma_wait3A_196 = tpu.memref_slice %arg8[%sub3A_184, %dma_wait3A_195] : memref<40x128xi32, #tpu.memory_space<vmem>> -> memref<1x128xi32, #tpu.memory_space<vmem>>
        %dma_wait3A_197 = tpu.memref_squeeze %dma_wait3A_196 : memref<1x128xi32, #tpu.memory_space<vmem>> -> memref<128xi32, #tpu.memory_space<vmem>>
        %dma_wait3A_198 = arith.constant 0 : i32
        %dma_wait3A_199 = arith.constant 0 : i32
        %dma_wait3A_200 = tpu.memref_slice %arg11[%dma_wait3A_198, %dma_wait3A_199] : memref<10048x128xf32, #tpu.memory_space<vmem_shared>> -> memref<10048x128xf32, #tpu.memory_space<vmem_shared>>
        tpu.wait_indirect_dma semaphore(%arg14 : memref<!tpu.dma_semaphore, #tpu.memory_space<semaphore_mem>>) src(%arg9 : memref<128x128xf32, #tpu.memory_space<vmem>>) dst(%dma_wait3A_200 : memref<10048x128xf32, #tpu.memory_space<vmem_shared>>)
        %dma_start3A_201 = arith.constant 0 : i32
        %dma_start3A_202 = tpu.memref_slice %arg7[%add3A_186, %dma_start3A_201] : memref<40x128xi32, #tpu.memory_space<vmem>> -> memref<1x128xi32, #tpu.memory_space<vmem>>
        %dma_start3A_203 = tpu.memref_squeeze %dma_start3A_202 : memref<1x128xi32, #tpu.memory_space<vmem>> -> memref<128xi32, #tpu.memory_space<vmem>>
        %dma_start3A_204 = arith.constant 0 : i32
        %dma_start3A_205 = arith.constant 0 : i32
        %dma_start3A_206 = tpu.memref_slice %arg2[%dma_start3A_204, %dma_start3A_205] : memref<10000x128xf32, #tpu.memory_space<hbm>> -> memref<10000x128xf32, #tpu.memory_space<hbm>>
        tpu.enqueue_indirect_dma source(%dma_start3A_206 : memref<10000x128xf32, #tpu.memory_space<hbm>>) target(%arg9 : memref<128x128xf32, #tpu.memory_space<vmem>>) offsets(%dma_start3A_203 : memref<128xi32, #tpu.memory_space<vmem>>) semaphore(%arg12 : memref<!tpu.dma_semaphore, #tpu.memory_space<semaphore_mem>>)
      } else {
      }
    }
    %scan3A_60 = arith.constant 20 : i32
    %dma_wait3A_61 = arith.constant 38 : i32
    %dma_wait3A_62 = arith.constant 0 : i32
    %dma_wait3A_63 = tpu.memref_slice %arg8[%dma_wait3A_61, %dma_wait3A_62] : memref<40x128xi32, #tpu.memory_space<vmem>> -> memref<1x128xi32, #tpu.memory_space<vmem>>
    %dma_wait3A_64 = tpu.memref_squeeze %dma_wait3A_63 : memref<1x128xi32, #tpu.memory_space<vmem>> -> memref<128xi32, #tpu.memory_space<vmem>>
    %dma_wait3A_65 = arith.constant 0 : i32
    %dma_wait3A_66 = arith.constant 0 : i32
    %dma_wait3A_67 = tpu.memref_slice %arg11[%dma_wait3A_65, %dma_wait3A_66] : memref<10048x128xf32, #tpu.memory_space<vmem_shared>> -> memref<10048x128xf32, #tpu.memory_space<vmem_shared>>
    tpu.wait_indirect_dma semaphore(%arg14 : memref<!tpu.dma_semaphore, #tpu.memory_space<semaphore_mem>>) src(%arg9 : memref<128x128xf32, #tpu.memory_space<vmem>>) dst(%dma_wait3A_67 : memref<10048x128xf32, #tpu.memory_space<vmem_shared>>)
    %dma_wait3A_68 = arith.constant 39 : i32
    %dma_wait3A_69 = arith.constant 0 : i32
    %dma_wait3A_70 = tpu.memref_slice %arg8[%dma_wait3A_68, %dma_wait3A_69] : memref<40x128xi32, #tpu.memory_space<vmem>> -> memref<1x128xi32, #tpu.memory_space<vmem>>
    %dma_wait3A_71 = tpu.memref_squeeze %dma_wait3A_70 : memref<1x128xi32, #tpu.memory_space<vmem>> -> memref<128xi32, #tpu.memory_space<vmem>>
    %dma_wait3A_72 = arith.constant 0 : i32
    %dma_wait3A_73 = arith.constant 0 : i32
    %dma_wait3A_74 = tpu.memref_slice %arg11[%dma_wait3A_72, %dma_wait3A_73] : memref<10048x128xf32, #tpu.memory_space<vmem_shared>> -> memref<10048x128xf32, #tpu.memory_space<vmem_shared>>
    tpu.wait_indirect_dma semaphore(%arg15 : memref<!tpu.dma_semaphore, #tpu.memory_space<semaphore_mem>>) src(%arg10 : memref<128x128xf32, #tpu.memory_space<vmem>>) dst(%dma_wait3A_74 : memref<10048x128xf32, #tpu.memory_space<vmem_shared>>)
    "tpu.region"() ({
      %run_scoped3A = tpu.sem_alloc : memref<!tpu.dma_semaphore, #tpu.memory_space<semaphore_mem>>
      %dma_start3A_144 = arith.constant 80 : i32
      %dma_start3A_145 = arith.constant 0 : i32
      %dma_start3A_146 = tpu.memref_slice %arg3[%arg0, %arg1, %dma_start3A_144, %dma_start3A_145] : memref<2x16x160x128xi32, #tpu.memory_space<hbm>> -> memref<1x1x40x128xi32, #tpu.memory_space<hbm>>
      %dma_start3A_147 = tpu.memref_squeeze %dma_start3A_146 : memref<1x1x40x128xi32, #tpu.memory_space<hbm>> -> memref<40x128xi32, #tpu.memory_space<hbm>>
      %dma_start3A_148 = arith.constant 80 : i32
      %dma_start3A_149 = arith.constant 0 : i32
      %dma_start3A_150 = tpu.memref_slice %arg3[%arg0, %arg1, %dma_start3A_148, %dma_start3A_149] : memref<2x16x160x128xi32, #tpu.memory_space<hbm>> -> memref<1x1x40x128xi32, #tpu.memory_space<hbm>>
      %dma_start3A_151 = tpu.memref_squeeze %dma_start3A_150 : memref<1x1x40x128xi32, #tpu.memory_space<hbm>> -> memref<40x128xi32, #tpu.memory_space<hbm>>
      tpu.enqueue_dma source(%dma_start3A_151 : memref<40x128xi32, #tpu.memory_space<hbm>>) target(%arg7 : memref<40x128xi32, #tpu.memory_space<vmem>>) target_semaphore(%run_scoped3A : memref<!tpu.dma_semaphore, #tpu.memory_space<semaphore_mem>>)
      %dma_wait3A_152 = arith.constant 80 : i32
      %dma_wait3A_153 = arith.constant 0 : i32
      %dma_wait3A_154 = tpu.memref_slice %arg3[%arg0, %arg1, %dma_wait3A_152, %dma_wait3A_153] : memref<2x16x160x128xi32, #tpu.memory_space<hbm>> -> memref<1x1x40x128xi32, #tpu.memory_space<hbm>>
      %dma_wait3A_155 = tpu.memref_squeeze %dma_wait3A_154 : memref<1x1x40x128xi32, #tpu.memory_space<hbm>> -> memref<40x128xi32, #tpu.memory_space<hbm>>
      %dma_wait3A_156 = arith.constant 80 : i32
      %dma_wait3A_157 = arith.constant 0 : i32
      %dma_wait3A_158 = tpu.memref_slice %arg3[%arg0, %arg1, %dma_wait3A_156, %dma_wait3A_157] : memref<2x16x160x128xi32, #tpu.memory_space<hbm>> -> memref<1x1x40x128xi32, #tpu.memory_space<hbm>>
      %dma_wait3A_159 = tpu.memref_squeeze %dma_wait3A_158 : memref<1x1x40x128xi32, #tpu.memory_space<hbm>> -> memref<40x128xi32, #tpu.memory_space<hbm>>
      tpu.wait_dma2 semaphore(%run_scoped3A : memref<!tpu.dma_semaphore, #tpu.memory_space<semaphore_mem>>) src(%dma_wait3A_159 : memref<40x128xi32, #tpu.memory_space<hbm>>) dst(%arg7 : memref<40x128xi32, #tpu.memory_space<vmem>>)
      tpu.yield
    }) : () -> ()
    "tpu.region"() ({
      %run_scoped3A = tpu.sem_alloc : memref<!tpu.dma_semaphore, #tpu.memory_space<semaphore_mem>>
      %dma_start3A_144 = arith.constant 80 : i32
      %dma_start3A_145 = arith.constant 0 : i32
      %dma_start3A_146 = tpu.memref_slice %arg4[%arg0, %arg1, %dma_start3A_144, %dma_start3A_145] : memref<2x16x160x128xi32, #tpu.memory_space<hbm>> -> memref<1x1x40x128xi32, #tpu.memory_space<hbm>>
      %dma_start3A_147 = tpu.memref_squeeze %dma_start3A_146 : memref<1x1x40x128xi32, #tpu.memory_space<hbm>> -> memref<40x128xi32, #tpu.memory_space<hbm>>
      %dma_start3A_148 = arith.constant 80 : i32
      %dma_start3A_149 = arith.constant 0 : i32
      %dma_start3A_150 = tpu.memref_slice %arg4[%arg0, %arg1, %dma_start3A_148, %dma_start3A_149] : memref<2x16x160x128xi32, #tpu.memory_space<hbm>> -> memref<1x1x40x128xi32, #tpu.memory_space<hbm>>
      %dma_start3A_151 = tpu.memref_squeeze %dma_start3A_150 : memref<1x1x40x128xi32, #tpu.memory_space<hbm>> -> memref<40x128xi32, #tpu.memory_space<hbm>>
      tpu.enqueue_dma source(%dma_start3A_151 : memref<40x128xi32, #tpu.memory_space<hbm>>) target(%arg8 : memref<40x128xi32, #tpu.memory_space<vmem>>) target_semaphore(%run_scoped3A : memref<!tpu.dma_semaphore, #tpu.memory_space<semaphore_mem>>)
      %dma_wait3A_152 = arith.constant 80 : i32
      %dma_wait3A_153 = arith.constant 0 : i32
      %dma_wait3A_154 = tpu.memref_slice %arg4[%arg0, %arg1, %dma_wait3A_152, %dma_wait3A_153] : memref<2x16x160x128xi32, #tpu.memory_space<hbm>> -> memref<1x1x40x128xi32, #tpu.memory_space<hbm>>
      %dma_wait3A_155 = tpu.memref_squeeze %dma_wait3A_154 : memref<1x1x40x128xi32, #tpu.memory_space<hbm>> -> memref<40x128xi32, #tpu.memory_space<hbm>>
      %dma_wait3A_156 = arith.constant 80 : i32
      %dma_wait3A_157 = arith.constant 0 : i32
      %dma_wait3A_158 = tpu.memref_slice %arg4[%arg0, %arg1, %dma_wait3A_156, %dma_wait3A_157] : memref<2x16x160x128xi32, #tpu.memory_space<hbm>> -> memref<1x1x40x128xi32, #tpu.memory_space<hbm>>
      %dma_wait3A_159 = tpu.memref_squeeze %dma_wait3A_158 : memref<1x1x40x128xi32, #tpu.memory_space<hbm>> -> memref<40x128xi32, #tpu.memory_space<hbm>>
      tpu.wait_dma2 semaphore(%run_scoped3A : memref<!tpu.dma_semaphore, #tpu.memory_space<semaphore_mem>>) src(%dma_wait3A_159 : memref<40x128xi32, #tpu.memory_space<hbm>>) dst(%arg8 : memref<40x128xi32, #tpu.memory_space<vmem>>)
      tpu.yield
    }) : () -> ()
    %dma_start3A_75 = arith.constant 0 : i32
    %dma_start3A_76 = arith.constant 0 : i32
    %dma_start3A_77 = tpu.memref_slice %arg7[%dma_start3A_75, %dma_start3A_76] : memref<40x128xi32, #tpu.memory_space<vmem>> -> memref<1x128xi32, #tpu.memory_space<vmem>>
    %dma_start3A_78 = tpu.memref_squeeze %dma_start3A_77 : memref<1x128xi32, #tpu.memory_space<vmem>> -> memref<128xi32, #tpu.memory_space<vmem>>
    %dma_start3A_79 = arith.constant 0 : i32
    %dma_start3A_80 = arith.constant 0 : i32
    %dma_start3A_81 = tpu.memref_slice %arg2[%dma_start3A_79, %dma_start3A_80] : memref<10000x128xf32, #tpu.memory_space<hbm>> -> memref<10000x128xf32, #tpu.memory_space<hbm>>
    tpu.enqueue_indirect_dma source(%dma_start3A_81 : memref<10000x128xf32, #tpu.memory_space<hbm>>) target(%arg9 : memref<128x128xf32, #tpu.memory_space<vmem>>) offsets(%dma_start3A_78 : memref<128xi32, #tpu.memory_space<vmem>>) semaphore(%arg12 : memref<!tpu.dma_semaphore, #tpu.memory_space<semaphore_mem>>)
    %dma_start3A_82 = arith.constant 1 : i32
    %dma_start3A_83 = arith.constant 0 : i32
    %dma_start3A_84 = tpu.memref_slice %arg7[%dma_start3A_82, %dma_start3A_83] : memref<40x128xi32, #tpu.memory_space<vmem>> -> memref<1x128xi32, #tpu.memory_space<vmem>>
    %dma_start3A_85 = tpu.memref_squeeze %dma_start3A_84 : memref<1x128xi32, #tpu.memory_space<vmem>> -> memref<128xi32, #tpu.memory_space<vmem>>
    %dma_start3A_86 = arith.constant 0 : i32
    %dma_start3A_87 = arith.constant 0 : i32
    %dma_start3A_88 = tpu.memref_slice %arg2[%dma_start3A_86, %dma_start3A_87] : memref<10000x128xf32, #tpu.memory_space<hbm>> -> memref<10000x128xf32, #tpu.memory_space<hbm>>
    tpu.enqueue_indirect_dma source(%dma_start3A_88 : memref<10000x128xf32, #tpu.memory_space<hbm>>) target(%arg10 : memref<128x128xf32, #tpu.memory_space<vmem>>) offsets(%dma_start3A_85 : memref<128xi32, #tpu.memory_space<vmem>>) semaphore(%arg13 : memref<!tpu.dma_semaphore, #tpu.memory_space<semaphore_mem>>)
    %scan3A_89 = arith.constant 0 : i32
    %scan3A_90 = arith.constant 0 : i32
    %scan3A_91 = arith.constant 20 : i32
    %scan3A_92 = arith.addi %scan3A_90, %scan3A_91 : i32
    %scan3A_93 = arith.constant 1 : i32
    scf.for %scan3A_144 = %scan3A_90 to %scan3A_92 step %scan3A_93  : i32 {
      %mul3A_145 = arith.constant 2 : i32
      %mul3A_146 = arith.muli %mul3A_145, %scan3A_144 : i32
      %add3A_147 = arith.constant 0 : i32
      %add3A_148 = arith.addi %mul3A_146, %add3A_147 : i32
      %dma_wait3A_149 = arith.constant 0 : i32
      %dma_wait3A_150 = tpu.memref_slice %arg7[%add3A_148, %dma_wait3A_149] : memref<40x128xi32, #tpu.memory_space<vmem>> -> memref<1x128xi32, #tpu.memory_space<vmem>>
      %dma_wait3A_151 = tpu.memref_squeeze %dma_wait3A_150 : memref<1x128xi32, #tpu.memory_space<vmem>> -> memref<128xi32, #tpu.memory_space<vmem>>
      %dma_wait3A_152 = arith.constant 0 : i32
      %dma_wait3A_153 = arith.constant 0 : i32
      %dma_wait3A_154 = tpu.memref_slice %arg2[%dma_wait3A_152, %dma_wait3A_153] : memref<10000x128xf32, #tpu.memory_space<hbm>> -> memref<10000x128xf32, #tpu.memory_space<hbm>>
      tpu.wait_indirect_dma semaphore(%arg12 : memref<!tpu.dma_semaphore, #tpu.memory_space<semaphore_mem>>) src(%dma_wait3A_154 : memref<10000x128xf32, #tpu.memory_space<hbm>>) dst(%arg9 : memref<128x128xf32, #tpu.memory_space<vmem>>)
      %dma_start3A_155 = arith.constant 0 : i32
      %dma_start3A_156 = tpu.memref_slice %arg8[%add3A_148, %dma_start3A_155] : memref<40x128xi32, #tpu.memory_space<vmem>> -> memref<1x128xi32, #tpu.memory_space<vmem>>
      %dma_start3A_157 = tpu.memref_squeeze %dma_start3A_156 : memref<1x128xi32, #tpu.memory_space<vmem>> -> memref<128xi32, #tpu.memory_space<vmem>>
      %dma_start3A_158 = arith.constant 0 : i32
      %dma_start3A_159 = arith.constant 0 : i32
      %dma_start3A_160 = tpu.memref_slice %arg11[%dma_start3A_158, %dma_start3A_159] : memref<10048x128xf32, #tpu.memory_space<vmem_shared>> -> memref<10048x128xf32, #tpu.memory_space<vmem_shared>>
      tpu.enqueue_indirect_dma source(%arg9 : memref<128x128xf32, #tpu.memory_space<vmem>>) target(%dma_start3A_160 : memref<10048x128xf32, #tpu.memory_space<vmem_shared>>) offsets(%dma_start3A_157 : memref<128xi32, #tpu.memory_space<vmem>>) semaphore(%arg14 : memref<!tpu.dma_semaphore, #tpu.memory_space<semaphore_mem>>) {add = true}
      %sub3A = arith.constant 1 : i32
      %sub3A_161 = arith.subi %add3A_148, %sub3A : i32
      %add3A_162 = arith.constant 2 : i32
      %add3A_163 = arith.addi %sub3A_161, %add3A_162 : i32
      %ge3A = arith.constant 0 : i32
      %ge3A_164 = arith.cmpi sge, %sub3A_161, %ge3A : i32
      %lt3A = arith.constant 40 : i32
      %lt3A_165 = arith.cmpi slt, %add3A_163, %lt3A : i32
      %and3A = arith.andi %ge3A_164, %lt3A_165 : i1
      %convert_element_type3A = arith.extui %and3A : i1 to i32
      %cond3A = arith.constant 0 : i32
      %cond3A_166 = arith.cmpi ne, %convert_element_type3A, %cond3A : i32
      scf.if %cond3A_166 {
        %dma_wait3A_195 = arith.constant 0 : i32
        %dma_wait3A_196 = tpu.memref_slice %arg8[%sub3A_161, %dma_wait3A_195] : memref<40x128xi32, #tpu.memory_space<vmem>> -> memref<1x128xi32, #tpu.memory_space<vmem>>
        %dma_wait3A_197 = tpu.memref_squeeze %dma_wait3A_196 : memref<1x128xi32, #tpu.memory_space<vmem>> -> memref<128xi32, #tpu.memory_space<vmem>>
        %dma_wait3A_198 = arith.constant 0 : i32
        %dma_wait3A_199 = arith.constant 0 : i32
        %dma_wait3A_200 = tpu.memref_slice %arg11[%dma_wait3A_198, %dma_wait3A_199] : memref<10048x128xf32, #tpu.memory_space<vmem_shared>> -> memref<10048x128xf32, #tpu.memory_space<vmem_shared>>
        tpu.wait_indirect_dma semaphore(%arg15 : memref<!tpu.dma_semaphore, #tpu.memory_space<semaphore_mem>>) src(%arg10 : memref<128x128xf32, #tpu.memory_space<vmem>>) dst(%dma_wait3A_200 : memref<10048x128xf32, #tpu.memory_space<vmem_shared>>)
        %dma_start3A_201 = arith.constant 0 : i32
        %dma_start3A_202 = tpu.memref_slice %arg7[%add3A_163, %dma_start3A_201] : memref<40x128xi32, #tpu.memory_space<vmem>> -> memref<1x128xi32, #tpu.memory_space<vmem>>
        %dma_start3A_203 = tpu.memref_squeeze %dma_start3A_202 : memref<1x128xi32, #tpu.memory_space<vmem>> -> memref<128xi32, #tpu.memory_space<vmem>>
        %dma_start3A_204 = arith.constant 0 : i32
        %dma_start3A_205 = arith.constant 0 : i32
        %dma_start3A_206 = tpu.memref_slice %arg2[%dma_start3A_204, %dma_start3A_205] : memref<10000x128xf32, #tpu.memory_space<hbm>> -> memref<10000x128xf32, #tpu.memory_space<hbm>>
        tpu.enqueue_indirect_dma source(%dma_start3A_206 : memref<10000x128xf32, #tpu.memory_space<hbm>>) target(%arg10 : memref<128x128xf32, #tpu.memory_space<vmem>>) offsets(%dma_start3A_203 : memref<128xi32, #tpu.memory_space<vmem>>) semaphore(%arg13 : memref<!tpu.dma_semaphore, #tpu.memory_space<semaphore_mem>>)
      } else {
      }
      %mul3A_167 = arith.constant 2 : i32
      %mul3A_168 = arith.muli %mul3A_167, %scan3A_144 : i32
      %add3A_169 = arith.constant 1 : i32
      %add3A_170 = arith.addi %mul3A_168, %add3A_169 : i32
      %dma_wait3A_171 = arith.constant 0 : i32
      %dma_wait3A_172 = tpu.memref_slice %arg7[%add3A_170, %dma_wait3A_171] : memref<40x128xi32, #tpu.memory_space<vmem>> -> memref<1x128xi32, #tpu.memory_space<vmem>>
      %dma_wait3A_173 = tpu.memref_squeeze %dma_wait3A_172 : memref<1x128xi32, #tpu.memory_space<vmem>> -> memref<128xi32, #tpu.memory_space<vmem>>
      %dma_wait3A_174 = arith.constant 0 : i32
      %dma_wait3A_175 = arith.constant 0 : i32
      %dma_wait3A_176 = tpu.memref_slice %arg2[%dma_wait3A_174, %dma_wait3A_175] : memref<10000x128xf32, #tpu.memory_space<hbm>> -> memref<10000x128xf32, #tpu.memory_space<hbm>>
      tpu.wait_indirect_dma semaphore(%arg13 : memref<!tpu.dma_semaphore, #tpu.memory_space<semaphore_mem>>) src(%dma_wait3A_176 : memref<10000x128xf32, #tpu.memory_space<hbm>>) dst(%arg10 : memref<128x128xf32, #tpu.memory_space<vmem>>)
      %dma_start3A_177 = arith.constant 0 : i32
      %dma_start3A_178 = tpu.memref_slice %arg8[%add3A_170, %dma_start3A_177] : memref<40x128xi32, #tpu.memory_space<vmem>> -> memref<1x128xi32, #tpu.memory_space<vmem>>
      %dma_start3A_179 = tpu.memref_squeeze %dma_start3A_178 : memref<1x128xi32, #tpu.memory_space<vmem>> -> memref<128xi32, #tpu.memory_space<vmem>>
      %dma_start3A_180 = arith.constant 0 : i32
      %dma_start3A_181 = arith.constant 0 : i32
      %dma_start3A_182 = tpu.memref_slice %arg11[%dma_start3A_180, %dma_start3A_181] : memref<10048x128xf32, #tpu.memory_space<vmem_shared>> -> memref<10048x128xf32, #tpu.memory_space<vmem_shared>>
      tpu.enqueue_indirect_dma source(%arg10 : memref<128x128xf32, #tpu.memory_space<vmem>>) target(%dma_start3A_182 : memref<10048x128xf32, #tpu.memory_space<vmem_shared>>) offsets(%dma_start3A_179 : memref<128xi32, #tpu.memory_space<vmem>>) semaphore(%arg15 : memref<!tpu.dma_semaphore, #tpu.memory_space<semaphore_mem>>) {add = true}
      %sub3A_183 = arith.constant 1 : i32
      %sub3A_184 = arith.subi %add3A_170, %sub3A_183 : i32
      %add3A_185 = arith.constant 2 : i32
      %add3A_186 = arith.addi %sub3A_184, %add3A_185 : i32
      %ge3A_187 = arith.constant 0 : i32
      %ge3A_188 = arith.cmpi sge, %sub3A_184, %ge3A_187 : i32
      %lt3A_189 = arith.constant 40 : i32
      %lt3A_190 = arith.cmpi slt, %add3A_186, %lt3A_189 : i32
      %and3A_191 = arith.andi %ge3A_188, %lt3A_190 : i1
      %convert_element_type3A_192 = arith.extui %and3A_191 : i1 to i32
      %cond3A_193 = arith.constant 0 : i32
      %cond3A_194 = arith.cmpi ne, %convert_element_type3A_192, %cond3A_193 : i32
      scf.if %cond3A_194 {
        %dma_wait3A_195 = arith.constant 0 : i32
        %dma_wait3A_196 = tpu.memref_slice %arg8[%sub3A_184, %dma_wait3A_195] : memref<40x128xi32, #tpu.memory_space<vmem>> -> memref<1x128xi32, #tpu.memory_space<vmem>>
        %dma_wait3A_197 = tpu.memref_squeeze %dma_wait3A_196 : memref<1x128xi32, #tpu.memory_space<vmem>> -> memref<128xi32, #tpu.memory_space<vmem>>
        %dma_wait3A_198 = arith.constant 0 : i32
        %dma_wait3A_199 = arith.constant 0 : i32
        %dma_wait3A_200 = tpu.memref_slice %arg11[%dma_wait3A_198, %dma_wait3A_199] : memref<10048x128xf32, #tpu.memory_space<vmem_shared>> -> memref<10048x128xf32, #tpu.memory_space<vmem_shared>>
        tpu.wait_indirect_dma semaphore(%arg14 : memref<!tpu.dma_semaphore, #tpu.memory_space<semaphore_mem>>) src(%arg9 : memref<128x128xf32, #tpu.memory_space<vmem>>) dst(%dma_wait3A_200 : memref<10048x128xf32, #tpu.memory_space<vmem_shared>>)
        %dma_start3A_201 = arith.constant 0 : i32
        %dma_start3A_202 = tpu.memref_slice %arg7[%add3A_186, %dma_start3A_201] : memref<40x128xi32, #tpu.memory_space<vmem>> -> memref<1x128xi32, #tpu.memory_space<vmem>>
        %dma_start3A_203 = tpu.memref_squeeze %dma_start3A_202 : memref<1x128xi32, #tpu.memory_space<vmem>> -> memref<128xi32, #tpu.memory_space<vmem>>
        %dma_start3A_204 = arith.constant 0 : i32
        %dma_start3A_205 = arith.constant 0 : i32
        %dma_start3A_206 = tpu.memref_slice %arg2[%dma_start3A_204, %dma_start3A_205] : memref<10000x128xf32, #tpu.memory_space<hbm>> -> memref<10000x128xf32, #tpu.memory_space<hbm>>
        tpu.enqueue_indirect_dma source(%dma_start3A_206 : memref<10000x128xf32, #tpu.memory_space<hbm>>) target(%arg9 : memref<128x128xf32, #tpu.memory_space<vmem>>) offsets(%dma_start3A_203 : memref<128xi32, #tpu.memory_space<vmem>>) semaphore(%arg12 : memref<!tpu.dma_semaphore, #tpu.memory_space<semaphore_mem>>)
      } else {
      }
    }
    %scan3A_94 = arith.constant 20 : i32
    %dma_wait3A_95 = arith.constant 38 : i32
    %dma_wait3A_96 = arith.constant 0 : i32
    %dma_wait3A_97 = tpu.memref_slice %arg8[%dma_wait3A_95, %dma_wait3A_96] : memref<40x128xi32, #tpu.memory_space<vmem>> -> memref<1x128xi32, #tpu.memory_space<vmem>>
    %dma_wait3A_98 = tpu.memref_squeeze %dma_wait3A_97 : memref<1x128xi32, #tpu.memory_space<vmem>> -> memref<128xi32, #tpu.memory_space<vmem>>
    %dma_wait3A_99 = arith.constant 0 : i32
    %dma_wait3A_100 = arith.constant 0 : i32
    %dma_wait3A_101 = tpu.memref_slice %arg11[%dma_wait3A_99, %dma_wait3A_100] : memref<10048x128xf32, #tpu.memory_space<vmem_shared>> -> memref<10048x128xf32, #tpu.memory_space<vmem_shared>>
    tpu.wait_indirect_dma semaphore(%arg14 : memref<!tpu.dma_semaphore, #tpu.memory_space<semaphore_mem>>) src(%arg9 : memref<128x128xf32, #tpu.memory_space<vmem>>) dst(%dma_wait3A_101 : memref<10048x128xf32, #tpu.memory_space<vmem_shared>>)
    %dma_wait3A_102 = arith.constant 39 : i32
    %dma_wait3A_103 = arith.constant 0 : i32
    %dma_wait3A_104 = tpu.memref_slice %arg8[%dma_wait3A_102, %dma_wait3A_103] : memref<40x128xi32, #tpu.memory_space<vmem>> -> memref<1x128xi32, #tpu.memory_space<vmem>>
    %dma_wait3A_105 = tpu.memref_squeeze %dma_wait3A_104 : memref<1x128xi32, #tpu.memory_space<vmem>> -> memref<128xi32, #tpu.memory_space<vmem>>
    %dma_wait3A_106 = arith.constant 0 : i32
    %dma_wait3A_107 = arith.constant 0 : i32
    %dma_wait3A_108 = tpu.memref_slice %arg11[%dma_wait3A_106, %dma_wait3A_107] : memref<10048x128xf32, #tpu.memory_space<vmem_shared>> -> memref<10048x128xf32, #tpu.memory_space<vmem_shared>>
    tpu.wait_indirect_dma semaphore(%arg15 : memref<!tpu.dma_semaphore, #tpu.memory_space<semaphore_mem>>) src(%arg10 : memref<128x128xf32, #tpu.memory_space<vmem>>) dst(%dma_wait3A_108 : memref<10048x128xf32, #tpu.memory_space<vmem_shared>>)
    "tpu.region"() ({
      %run_scoped3A = tpu.sem_alloc : memref<!tpu.dma_semaphore, #tpu.memory_space<semaphore_mem>>
      %dma_start3A_144 = arith.constant 120 : i32
      %dma_start3A_145 = arith.constant 0 : i32
      %dma_start3A_146 = tpu.memref_slice %arg3[%arg0, %arg1, %dma_start3A_144, %dma_start3A_145] : memref<2x16x160x128xi32, #tpu.memory_space<hbm>> -> memref<1x1x40x128xi32, #tpu.memory_space<hbm>>
      %dma_start3A_147 = tpu.memref_squeeze %dma_start3A_146 : memref<1x1x40x128xi32, #tpu.memory_space<hbm>> -> memref<40x128xi32, #tpu.memory_space<hbm>>
      %dma_start3A_148 = arith.constant 120 : i32
      %dma_start3A_149 = arith.constant 0 : i32
      %dma_start3A_150 = tpu.memref_slice %arg3[%arg0, %arg1, %dma_start3A_148, %dma_start3A_149] : memref<2x16x160x128xi32, #tpu.memory_space<hbm>> -> memref<1x1x40x128xi32, #tpu.memory_space<hbm>>
      %dma_start3A_151 = tpu.memref_squeeze %dma_start3A_150 : memref<1x1x40x128xi32, #tpu.memory_space<hbm>> -> memref<40x128xi32, #tpu.memory_space<hbm>>
      tpu.enqueue_dma source(%dma_start3A_151 : memref<40x128xi32, #tpu.memory_space<hbm>>) target(%arg7 : memref<40x128xi32, #tpu.memory_space<vmem>>) target_semaphore(%run_scoped3A : memref<!tpu.dma_semaphore, #tpu.memory_space<semaphore_mem>>)
      %dma_wait3A_152 = arith.constant 120 : i32
      %dma_wait3A_153 = arith.constant 0 : i32
      %dma_wait3A_154 = tpu.memref_slice %arg3[%arg0, %arg1, %dma_wait3A_152, %dma_wait3A_153] : memref<2x16x160x128xi32, #tpu.memory_space<hbm>> -> memref<1x1x40x128xi32, #tpu.memory_space<hbm>>
      %dma_wait3A_155 = tpu.memref_squeeze %dma_wait3A_154 : memref<1x1x40x128xi32, #tpu.memory_space<hbm>> -> memref<40x128xi32, #tpu.memory_space<hbm>>
      %dma_wait3A_156 = arith.constant 120 : i32
      %dma_wait3A_157 = arith.constant 0 : i32
      %dma_wait3A_158 = tpu.memref_slice %arg3[%arg0, %arg1, %dma_wait3A_156, %dma_wait3A_157] : memref<2x16x160x128xi32, #tpu.memory_space<hbm>> -> memref<1x1x40x128xi32, #tpu.memory_space<hbm>>
      %dma_wait3A_159 = tpu.memref_squeeze %dma_wait3A_158 : memref<1x1x40x128xi32, #tpu.memory_space<hbm>> -> memref<40x128xi32, #tpu.memory_space<hbm>>
      tpu.wait_dma2 semaphore(%run_scoped3A : memref<!tpu.dma_semaphore, #tpu.memory_space<semaphore_mem>>) src(%dma_wait3A_159 : memref<40x128xi32, #tpu.memory_space<hbm>>) dst(%arg7 : memref<40x128xi32, #tpu.memory_space<vmem>>)
      tpu.yield
    }) : () -> ()
    "tpu.region"() ({
      %run_scoped3A = tpu.sem_alloc : memref<!tpu.dma_semaphore, #tpu.memory_space<semaphore_mem>>
      %dma_start3A_144 = arith.constant 120 : i32
      %dma_start3A_145 = arith.constant 0 : i32
      %dma_start3A_146 = tpu.memref_slice %arg4[%arg0, %arg1, %dma_start3A_144, %dma_start3A_145] : memref<2x16x160x128xi32, #tpu.memory_space<hbm>> -> memref<1x1x40x128xi32, #tpu.memory_space<hbm>>
      %dma_start3A_147 = tpu.memref_squeeze %dma_start3A_146 : memref<1x1x40x128xi32, #tpu.memory_space<hbm>> -> memref<40x128xi32, #tpu.memory_space<hbm>>
      %dma_start3A_148 = arith.constant 120 : i32
      %dma_start3A_149 = arith.constant 0 : i32
      %dma_start3A_150 = tpu.memref_slice %arg4[%arg0, %arg1, %dma_start3A_148, %dma_start3A_149] : memref<2x16x160x128xi32, #tpu.memory_space<hbm>> -> memref<1x1x40x128xi32, #tpu.memory_space<hbm>>
      %dma_start3A_151 = tpu.memref_squeeze %dma_start3A_150 : memref<1x1x40x128xi32, #tpu.memory_space<hbm>> -> memref<40x128xi32, #tpu.memory_space<hbm>>
      tpu.enqueue_dma source(%dma_start3A_151 : memref<40x128xi32, #tpu.memory_space<hbm>>) target(%arg8 : memref<40x128xi32, #tpu.memory_space<vmem>>) target_semaphore(%run_scoped3A : memref<!tpu.dma_semaphore, #tpu.memory_space<semaphore_mem>>)
      %dma_wait3A_152 = arith.constant 120 : i32
      %dma_wait3A_153 = arith.constant 0 : i32
      %dma_wait3A_154 = tpu.memref_slice %arg4[%arg0, %arg1, %dma_wait3A_152, %dma_wait3A_153] : memref<2x16x160x128xi32, #tpu.memory_space<hbm>> -> memref<1x1x40x128xi32, #tpu.memory_space<hbm>>
      %dma_wait3A_155 = tpu.memref_squeeze %dma_wait3A_154 : memref<1x1x40x128xi32, #tpu.memory_space<hbm>> -> memref<40x128xi32, #tpu.memory_space<hbm>>
      %dma_wait3A_156 = arith.constant 120 : i32
      %dma_wait3A_157 = arith.constant 0 : i32
      %dma_wait3A_158 = tpu.memref_slice %arg4[%arg0, %arg1, %dma_wait3A_156, %dma_wait3A_157] : memref<2x16x160x128xi32, #tpu.memory_space<hbm>> -> memref<1x1x40x128xi32, #tpu.memory_space<hbm>>
      %dma_wait3A_159 = tpu.memref_squeeze %dma_wait3A_158 : memref<1x1x40x128xi32, #tpu.memory_space<hbm>> -> memref<40x128xi32, #tpu.memory_space<hbm>>
      tpu.wait_dma2 semaphore(%run_scoped3A : memref<!tpu.dma_semaphore, #tpu.memory_space<semaphore_mem>>) src(%dma_wait3A_159 : memref<40x128xi32, #tpu.memory_space<hbm>>) dst(%arg8 : memref<40x128xi32, #tpu.memory_space<vmem>>)
      tpu.yield
    }) : () -> ()
    %dma_start3A_109 = arith.constant 0 : i32
    %dma_start3A_110 = arith.constant 0 : i32
    %dma_start3A_111 = tpu.memref_slice %arg7[%dma_start3A_109, %dma_start3A_110] : memref<40x128xi32, #tpu.memory_space<vmem>> -> memref<1x128xi32, #tpu.memory_space<vmem>>
    %dma_start3A_112 = tpu.memref_squeeze %dma_start3A_111 : memref<1x128xi32, #tpu.memory_space<vmem>> -> memref<128xi32, #tpu.memory_space<vmem>>
    %dma_start3A_113 = arith.constant 0 : i32
    %dma_start3A_114 = arith.constant 0 : i32
    %dma_start3A_115 = tpu.memref_slice %arg2[%dma_start3A_113, %dma_start3A_114] : memref<10000x128xf32, #tpu.memory_space<hbm>> -> memref<10000x128xf32, #tpu.memory_space<hbm>>
    tpu.enqueue_indirect_dma source(%dma_start3A_115 : memref<10000x128xf32, #tpu.memory_space<hbm>>) target(%arg9 : memref<128x128xf32, #tpu.memory_space<vmem>>) offsets(%dma_start3A_112 : memref<128xi32, #tpu.memory_space<vmem>>) semaphore(%arg12 : memref<!tpu.dma_semaphore, #tpu.memory_space<semaphore_mem>>)
    %dma_start3A_116 = arith.constant 1 : i32
    %dma_start3A_117 = arith.constant 0 : i32
    %dma_start3A_118 = tpu.memref_slice %arg7[%dma_start3A_116, %dma_start3A_117] : memref<40x128xi32, #tpu.memory_space<vmem>> -> memref<1x128xi32, #tpu.memory_space<vmem>>
    %dma_start3A_119 = tpu.memref_squeeze %dma_start3A_118 : memref<1x128xi32, #tpu.memory_space<vmem>> -> memref<128xi32, #tpu.memory_space<vmem>>
    %dma_start3A_120 = arith.constant 0 : i32
    %dma_start3A_121 = arith.constant 0 : i32
    %dma_start3A_122 = tpu.memref_slice %arg2[%dma_start3A_120, %dma_start3A_121] : memref<10000x128xf32, #tpu.memory_space<hbm>> -> memref<10000x128xf32, #tpu.memory_space<hbm>>
    tpu.enqueue_indirect_dma source(%dma_start3A_122 : memref<10000x128xf32, #tpu.memory_space<hbm>>) target(%arg10 : memref<128x128xf32, #tpu.memory_space<vmem>>) offsets(%dma_start3A_119 : memref<128xi32, #tpu.memory_space<vmem>>) semaphore(%arg13 : memref<!tpu.dma_semaphore, #tpu.memory_space<semaphore_mem>>)
    %scan3A_123 = arith.constant 0 : i32
    %scan3A_124 = arith.constant 0 : i32
    %scan3A_125 = arith.constant 20 : i32
    %scan3A_126 = arith.addi %scan3A_124, %scan3A_125 : i32
    %scan3A_127 = arith.constant 1 : i32
    scf.for %scan3A_144 = %scan3A_124 to %scan3A_126 step %scan3A_127  : i32 {
      %mul3A_145 = arith.constant 2 : i32
      %mul3A_146 = arith.muli %mul3A_145, %scan3A_144 : i32
      %add3A_147 = arith.constant 0 : i32
      %add3A_148 = arith.addi %mul3A_146, %add3A_147 : i32
      %dma_wait3A_149 = arith.constant 0 : i32
      %dma_wait3A_150 = tpu.memref_slice %arg7[%add3A_148, %dma_wait3A_149] : memref<40x128xi32, #tpu.memory_space<vmem>> -> memref<1x128xi32, #tpu.memory_space<vmem>>
      %dma_wait3A_151 = tpu.memref_squeeze %dma_wait3A_150 : memref<1x128xi32, #tpu.memory_space<vmem>> -> memref<128xi32, #tpu.memory_space<vmem>>
      %dma_wait3A_152 = arith.constant 0 : i32
      %dma_wait3A_153 = arith.constant 0 : i32
      %dma_wait3A_154 = tpu.memref_slice %arg2[%dma_wait3A_152, %dma_wait3A_153] : memref<10000x128xf32, #tpu.memory_space<hbm>> -> memref<10000x128xf32, #tpu.memory_space<hbm>>
      tpu.wait_indirect_dma semaphore(%arg12 : memref<!tpu.dma_semaphore, #tpu.memory_space<semaphore_mem>>) src(%dma_wait3A_154 : memref<10000x128xf32, #tpu.memory_space<hbm>>) dst(%arg9 : memref<128x128xf32, #tpu.memory_space<vmem>>)
      %dma_start3A_155 = arith.constant 0 : i32
      %dma_start3A_156 = tpu.memref_slice %arg8[%add3A_148, %dma_start3A_155] : memref<40x128xi32, #tpu.memory_space<vmem>> -> memref<1x128xi32, #tpu.memory_space<vmem>>
      %dma_start3A_157 = tpu.memref_squeeze %dma_start3A_156 : memref<1x128xi32, #tpu.memory_space<vmem>> -> memref<128xi32, #tpu.memory_space<vmem>>
      %dma_start3A_158 = arith.constant 0 : i32
      %dma_start3A_159 = arith.constant 0 : i32
      %dma_start3A_160 = tpu.memref_slice %arg11[%dma_start3A_158, %dma_start3A_159] : memref<10048x128xf32, #tpu.memory_space<vmem_shared>> -> memref<10048x128xf32, #tpu.memory_space<vmem_shared>>
      tpu.enqueue_indirect_dma source(%arg9 : memref<128x128xf32, #tpu.memory_space<vmem>>) target(%dma_start3A_160 : memref<10048x128xf32, #tpu.memory_space<vmem_shared>>) offsets(%dma_start3A_157 : memref<128xi32, #tpu.memory_space<vmem>>) semaphore(%arg14 : memref<!tpu.dma_semaphore, #tpu.memory_space<semaphore_mem>>) {add = true}
      %sub3A = arith.constant 1 : i32
      %sub3A_161 = arith.subi %add3A_148, %sub3A : i32
      %add3A_162 = arith.constant 2 : i32
      %add3A_163 = arith.addi %sub3A_161, %add3A_162 : i32
      %ge3A = arith.constant 0 : i32
      %ge3A_164 = arith.cmpi sge, %sub3A_161, %ge3A : i32
      %lt3A = arith.constant 40 : i32
      %lt3A_165 = arith.cmpi slt, %add3A_163, %lt3A : i32
      %and3A = arith.andi %ge3A_164, %lt3A_165 : i1
      %convert_element_type3A = arith.extui %and3A : i1 to i32
      %cond3A = arith.constant 0 : i32
      %cond3A_166 = arith.cmpi ne, %convert_element_type3A, %cond3A : i32
      scf.if %cond3A_166 {
        %dma_wait3A_195 = arith.constant 0 : i32
        %dma_wait3A_196 = tpu.memref_slice %arg8[%sub3A_161, %dma_wait3A_195] : memref<40x128xi32, #tpu.memory_space<vmem>> -> memref<1x128xi32, #tpu.memory_space<vmem>>
        %dma_wait3A_197 = tpu.memref_squeeze %dma_wait3A_196 : memref<1x128xi32, #tpu.memory_space<vmem>> -> memref<128xi32, #tpu.memory_space<vmem>>
        %dma_wait3A_198 = arith.constant 0 : i32
        %dma_wait3A_199 = arith.constant 0 : i32
        %dma_wait3A_200 = tpu.memref_slice %arg11[%dma_wait3A_198, %dma_wait3A_199] : memref<10048x128xf32, #tpu.memory_space<vmem_shared>> -> memref<10048x128xf32, #tpu.memory_space<vmem_shared>>
        tpu.wait_indirect_dma semaphore(%arg15 : memref<!tpu.dma_semaphore, #tpu.memory_space<semaphore_mem>>) src(%arg10 : memref<128x128xf32, #tpu.memory_space<vmem>>) dst(%dma_wait3A_200 : memref<10048x128xf32, #tpu.memory_space<vmem_shared>>)
        %dma_start3A_201 = arith.constant 0 : i32
        %dma_start3A_202 = tpu.memref_slice %arg7[%add3A_163, %dma_start3A_201] : memref<40x128xi32, #tpu.memory_space<vmem>> -> memref<1x128xi32, #tpu.memory_space<vmem>>
        %dma_start3A_203 = tpu.memref_squeeze %dma_start3A_202 : memref<1x128xi32, #tpu.memory_space<vmem>> -> memref<128xi32, #tpu.memory_space<vmem>>
        %dma_start3A_204 = arith.constant 0 : i32
        %dma_start3A_205 = arith.constant 0 : i32
        %dma_start3A_206 = tpu.memref_slice %arg2[%dma_start3A_204, %dma_start3A_205] : memref<10000x128xf32, #tpu.memory_space<hbm>> -> memref<10000x128xf32, #tpu.memory_space<hbm>>
        tpu.enqueue_indirect_dma source(%dma_start3A_206 : memref<10000x128xf32, #tpu.memory_space<hbm>>) target(%arg10 : memref<128x128xf32, #tpu.memory_space<vmem>>) offsets(%dma_start3A_203 : memref<128xi32, #tpu.memory_space<vmem>>) semaphore(%arg13 : memref<!tpu.dma_semaphore, #tpu.memory_space<semaphore_mem>>)
      } else {
      }
      %mul3A_167 = arith.constant 2 : i32
      %mul3A_168 = arith.muli %mul3A_167, %scan3A_144 : i32
      %add3A_169 = arith.constant 1 : i32
      %add3A_170 = arith.addi %mul3A_168, %add3A_169 : i32
      %dma_wait3A_171 = arith.constant 0 : i32
      %dma_wait3A_172 = tpu.memref_slice %arg7[%add3A_170, %dma_wait3A_171] : memref<40x128xi32, #tpu.memory_space<vmem>> -> memref<1x128xi32, #tpu.memory_space<vmem>>
      %dma_wait3A_173 = tpu.memref_squeeze %dma_wait3A_172 : memref<1x128xi32, #tpu.memory_space<vmem>> -> memref<128xi32, #tpu.memory_space<vmem>>
      %dma_wait3A_174 = arith.constant 0 : i32
      %dma_wait3A_175 = arith.constant 0 : i32
      %dma_wait3A_176 = tpu.memref_slice %arg2[%dma_wait3A_174, %dma_wait3A_175] : memref<10000x128xf32, #tpu.memory_space<hbm>> -> memref<10000x128xf32, #tpu.memory_space<hbm>>
      tpu.wait_indirect_dma semaphore(%arg13 : memref<!tpu.dma_semaphore, #tpu.memory_space<semaphore_mem>>) src(%dma_wait3A_176 : memref<10000x128xf32, #tpu.memory_space<hbm>>) dst(%arg10 : memref<128x128xf32, #tpu.memory_space<vmem>>)
      %dma_start3A_177 = arith.constant 0 : i32
      %dma_start3A_178 = tpu.memref_slice %arg8[%add3A_170, %dma_start3A_177] : memref<40x128xi32, #tpu.memory_space<vmem>> -> memref<1x128xi32, #tpu.memory_space<vmem>>
      %dma_start3A_179 = tpu.memref_squeeze %dma_start3A_178 : memref<1x128xi32, #tpu.memory_space<vmem>> -> memref<128xi32, #tpu.memory_space<vmem>>
      %dma_start3A_180 = arith.constant 0 : i32
      %dma_start3A_181 = arith.constant 0 : i32
      %dma_start3A_182 = tpu.memref_slice %arg11[%dma_start3A_180, %dma_start3A_181] : memref<10048x128xf32, #tpu.memory_space<vmem_shared>> -> memref<10048x128xf32, #tpu.memory_space<vmem_shared>>
      tpu.enqueue_indirect_dma source(%arg10 : memref<128x128xf32, #tpu.memory_space<vmem>>) target(%dma_start3A_182 : memref<10048x128xf32, #tpu.memory_space<vmem_shared>>) offsets(%dma_start3A_179 : memref<128xi32, #tpu.memory_space<vmem>>) semaphore(%arg15 : memref<!tpu.dma_semaphore, #tpu.memory_space<semaphore_mem>>) {add = true}
      %sub3A_183 = arith.constant 1 : i32
      %sub3A_184 = arith.subi %add3A_170, %sub3A_183 : i32
      %add3A_185 = arith.constant 2 : i32
      %add3A_186 = arith.addi %sub3A_184, %add3A_185 : i32
      %ge3A_187 = arith.constant 0 : i32
      %ge3A_188 = arith.cmpi sge, %sub3A_184, %ge3A_187 : i32
      %lt3A_189 = arith.constant 40 : i32
      %lt3A_190 = arith.cmpi slt, %add3A_186, %lt3A_189 : i32
      %and3A_191 = arith.andi %ge3A_188, %lt3A_190 : i1
      %convert_element_type3A_192 = arith.extui %and3A_191 : i1 to i32
      %cond3A_193 = arith.constant 0 : i32
      %cond3A_194 = arith.cmpi ne, %convert_element_type3A_192, %cond3A_193 : i32
      scf.if %cond3A_194 {
        %dma_wait3A_195 = arith.constant 0 : i32
        %dma_wait3A_196 = tpu.memref_slice %arg8[%sub3A_184, %dma_wait3A_195] : memref<40x128xi32, #tpu.memory_space<vmem>> -> memref<1x128xi32, #tpu.memory_space<vmem>>
        %dma_wait3A_197 = tpu.memref_squeeze %dma_wait3A_196 : memref<1x128xi32, #tpu.memory_space<vmem>> -> memref<128xi32, #tpu.memory_space<vmem>>
        %dma_wait3A_198 = arith.constant 0 : i32
        %dma_wait3A_199 = arith.constant 0 : i32
        %dma_wait3A_200 = tpu.memref_slice %arg11[%dma_wait3A_198, %dma_wait3A_199] : memref<10048x128xf32, #tpu.memory_space<vmem_shared>> -> memref<10048x128xf32, #tpu.memory_space<vmem_shared>>
        tpu.wait_indirect_dma semaphore(%arg14 : memref<!tpu.dma_semaphore, #tpu.memory_space<semaphore_mem>>) src(%arg9 : memref<128x128xf32, #tpu.memory_space<vmem>>) dst(%dma_wait3A_200 : memref<10048x128xf32, #tpu.memory_space<vmem_shared>>)
        %dma_start3A_201 = arith.constant 0 : i32
        %dma_start3A_202 = tpu.memref_slice %arg7[%add3A_186, %dma_start3A_201] : memref<40x128xi32, #tpu.memory_space<vmem>> -> memref<1x128xi32, #tpu.memory_space<vmem>>
        %dma_start3A_203 = tpu.memref_squeeze %dma_start3A_202 : memref<1x128xi32, #tpu.memory_space<vmem>> -> memref<128xi32, #tpu.memory_space<vmem>>
        %dma_start3A_204 = arith.constant 0 : i32
        %dma_start3A_205 = arith.constant 0 : i32
        %dma_start3A_206 = tpu.memref_slice %arg2[%dma_start3A_204, %dma_start3A_205] : memref<10000x128xf32, #tpu.memory_space<hbm>> -> memref<10000x128xf32, #tpu.memory_space<hbm>>
        tpu.enqueue_indirect_dma source(%dma_start3A_206 : memref<10000x128xf32, #tpu.memory_space<hbm>>) target(%arg9 : memref<128x128xf32, #tpu.memory_space<vmem>>) offsets(%dma_start3A_203 : memref<128xi32, #tpu.memory_space<vmem>>) semaphore(%arg12 : memref<!tpu.dma_semaphore, #tpu.memory_space<semaphore_mem>>)
      } else {
      }
    }
    %scan3A_128 = arith.constant 20 : i32
    %dma_wait3A_129 = arith.constant 38 : i32
    %dma_wait3A_130 = arith.constant 0 : i32
    %dma_wait3A_131 = tpu.memref_slice %arg8[%dma_wait3A_129, %dma_wait3A_130] : memref<40x128xi32, #tpu.memory_space<vmem>> -> memref<1x128xi32, #tpu.memory_space<vmem>>
    %dma_wait3A_132 = tpu.memref_squeeze %dma_wait3A_131 : memref<1x128xi32, #tpu.memory_space<vmem>> -> memref<128xi32, #tpu.memory_space<vmem>>
    %dma_wait3A_133 = arith.constant 0 : i32
    %dma_wait3A_134 = arith.constant 0 : i32
    %dma_wait3A_135 = tpu.memref_slice %arg11[%dma_wait3A_133, %dma_wait3A_134] : memref<10048x128xf32, #tpu.memory_space<vmem_shared>> -> memref<10048x128xf32, #tpu.memory_space<vmem_shared>>
    tpu.wait_indirect_dma semaphore(%arg14 : memref<!tpu.dma_semaphore, #tpu.memory_space<semaphore_mem>>) src(%arg9 : memref<128x128xf32, #tpu.memory_space<vmem>>) dst(%dma_wait3A_135 : memref<10048x128xf32, #tpu.memory_space<vmem_shared>>)
    %dma_wait3A_136 = arith.constant 39 : i32
    %dma_wait3A_137 = arith.constant 0 : i32
    %dma_wait3A_138 = tpu.memref_slice %arg8[%dma_wait3A_136, %dma_wait3A_137] : memref<40x128xi32, #tpu.memory_space<vmem>> -> memref<1x128xi32, #tpu.memory_space<vmem>>
    %dma_wait3A_139 = tpu.memref_squeeze %dma_wait3A_138 : memref<1x128xi32, #tpu.memory_space<vmem>> -> memref<128xi32, #tpu.memory_space<vmem>>
    %dma_wait3A_140 = arith.constant 0 : i32
    %dma_wait3A_141 = arith.constant 0 : i32
    %dma_wait3A_142 = tpu.memref_slice %arg11[%dma_wait3A_140, %dma_wait3A_141] : memref<10048x128xf32, #tpu.memory_space<vmem_shared>> -> memref<10048x128xf32, #tpu.memory_space<vmem_shared>>
    tpu.wait_indirect_dma semaphore(%arg15 : memref<!tpu.dma_semaphore, #tpu.memory_space<semaphore_mem>>) src(%arg10 : memref<128x128xf32, #tpu.memory_space<vmem>>) dst(%dma_wait3A_142 : memref<10048x128xf32, #tpu.memory_space<vmem_shared>>)
    %barrier3A_143 = arith.constant 0 : index
    tpu.barrier barrier_id(%barrier3A_143)
    "tpu.region"() ({
      %run_scoped3A = tpu.sem_alloc : memref<!tpu.dma_semaphore, #tpu.memory_space<semaphore_mem>>
      %dma_start3A_144 = arith.constant 0 : i32
      %dma_start3A_145 = arith.constant 0 : i32
      %dma_start3A_146 = tpu.memref_slice %arg6[%arg0, %dma_start3A_144, %dma_start3A_145] : memref<2x10000x128xf32, #tpu.memory_space<hbm>> -> memref<1x10000x128xf32, #tpu.memory_space<hbm>>
      %dma_start3A_147 = tpu.memref_squeeze %dma_start3A_146 : memref<1x10000x128xf32, #tpu.memory_space<hbm>> -> memref<10000x128xf32, #tpu.memory_space<hbm>>
      %dma_start3A_148 = arith.constant 0 : i32
      %dma_start3A_149 = tpu.memref_slice %dma_start3A_147[%mul3A_0, %dma_start3A_148] : memref<10000x128xf32, #tpu.memory_space<hbm>> -> memref<625x128xf32, #tpu.memory_space<hbm>>
      %dma_start3A_150 = arith.constant 0 : i32
      %dma_start3A_151 = tpu.memref_slice %arg11[%mul3A_0, %dma_start3A_150] : memref<10048x128xf32, #tpu.memory_space<vmem_shared>> -> memref<625x128xf32, #tpu.memory_space<vmem_shared>>
      tpu.enqueue_dma source(%dma_start3A_151 : memref<625x128xf32, #tpu.memory_space<vmem_shared>>) target(%dma_start3A_149 : memref<625x128xf32, #tpu.memory_space<hbm>>) target_semaphore(%run_scoped3A : memref<!tpu.dma_semaphore, #tpu.memory_space<semaphore_mem>>)
      %dma_wait3A_152 = arith.constant 0 : i32
      %dma_wait3A_153 = arith.constant 0 : i32
      %dma_wait3A_154 = tpu.memref_slice %arg6[%arg0, %dma_wait3A_152, %dma_wait3A_153] : memref<2x10000x128xf32, #tpu.memory_space<hbm>> -> memref<1x10000x128xf32, #tpu.memory_space<hbm>>
      %dma_wait3A_155 = tpu.memref_squeeze %dma_wait3A_154 : memref<1x10000x128xf32, #tpu.memory_space<hbm>> -> memref<10000x128xf32, #tpu.memory_space<hbm>>
      %dma_wait3A_156 = arith.constant 0 : i32
      %dma_wait3A_157 = tpu.memref_slice %dma_wait3A_155[%mul3A_0, %dma_wait3A_156] : memref<10000x128xf32, #tpu.memory_space<hbm>> -> memref<625x128xf32, #tpu.memory_space<hbm>>
      %dma_wait3A_158 = arith.constant 0 : i32
      %dma_wait3A_159 = tpu.memref_slice %arg11[%mul3A_0, %dma_wait3A_158] : memref<10048x128xf32, #tpu.memory_space<vmem_shared>> -> memref<625x128xf32, #tpu.memory_space<vmem_shared>>
      tpu.wait_dma2 semaphore(%run_scoped3A : memref<!tpu.dma_semaphore, #tpu.memory_space<semaphore_mem>>) src(%dma_wait3A_159 : memref<625x128xf32, #tpu.memory_space<vmem_shared>>) dst(%dma_wait3A_157 : memref<625x128xf32, #tpu.memory_space<hbm>>)
      tpu.yield
    }) : () -> ()
    return
  }
}

#map = affine_map<(d0, d1) -> (0, 0)>
#map1 = affine_map<(d0, d1) -> (0, 0, 0)>
module attributes {stable_mosaic.version = 14 : i64} {
  func.func @body(%arg0: i32, %arg1: i32, %arg2: memref<10000x128xf32, #tpu.memory_space<hbm>>, %arg3: memref<32x2x128xi32, #tpu.memory_space<hbm>>, %arg4: memref<8192x128xf32, #tpu.memory_space<hbm>>, %arg5: memref<2x128xi32, #tpu.memory_space<vmem>>, %arg6: memref<128x128xf32, #tpu.memory_space<vmem>>, %arg7: memref<!tpu.dma_semaphore, #tpu.memory_space<semaphore_mem>>) attributes {dimension_semantics = [#tpu.dimension_semantics<core_parallel>, #tpu.dimension_semantics<subcore_parallel>], iteration_bounds = array<i64: 2, 16>, scalar_prefetch = 0 : i64, scratch_operands = 3 : i64, tpu.core_type = #tpu.core_type<sc_vector_subcore>, window_params = [{transform_indices = #map}, {transform_indices = #map1}, {transform_indices = #map}]} {
    %mul3A = arith.constant 16 : i32
    %mul3A_0 = arith.muli %arg0, %mul3A : i32
    %add3A = arith.addi %mul3A_0, %arg1 : i32
    "tpu.region"() ({
      %run_scoped3A = tpu.sem_alloc : memref<!tpu.dma_semaphore, #tpu.memory_space<semaphore_mem>>
      %dma_start3A_35 = arith.constant 0 : i32
      %dma_start3A_36 = arith.constant 0 : i32
      %dma_start3A_37 = tpu.memref_slice %arg3[%add3A, %dma_start3A_35, %dma_start3A_36] : memref<32x2x128xi32, #tpu.memory_space<hbm>> -> memref<1x2x128xi32, #tpu.memory_space<hbm>>
      %dma_start3A_38 = tpu.memref_squeeze %dma_start3A_37 : memref<1x2x128xi32, #tpu.memory_space<hbm>> -> memref<2x128xi32, #tpu.memory_space<hbm>>
      %dma_start3A_39 = arith.constant 0 : i32
      %dma_start3A_40 = arith.constant 0 : i32
      %dma_start3A_41 = tpu.memref_slice %arg3[%add3A, %dma_start3A_39, %dma_start3A_40] : memref<32x2x128xi32, #tpu.memory_space<hbm>> -> memref<1x2x128xi32, #tpu.memory_space<hbm>>
      %dma_start3A_42 = tpu.memref_squeeze %dma_start3A_41 : memref<1x2x128xi32, #tpu.memory_space<hbm>> -> memref<2x128xi32, #tpu.memory_space<hbm>>
      tpu.enqueue_dma source(%dma_start3A_42 : memref<2x128xi32, #tpu.memory_space<hbm>>) target(%arg5 : memref<2x128xi32, #tpu.memory_space<vmem>>) target_semaphore(%run_scoped3A : memref<!tpu.dma_semaphore, #tpu.memory_space<semaphore_mem>>)
      %dma_wait3A_43 = arith.constant 0 : i32
      %dma_wait3A_44 = arith.constant 0 : i32
      %dma_wait3A_45 = tpu.memref_slice %arg3[%add3A, %dma_wait3A_43, %dma_wait3A_44] : memref<32x2x128xi32, #tpu.memory_space<hbm>> -> memref<1x2x128xi32, #tpu.memory_space<hbm>>
      %dma_wait3A_46 = tpu.memref_squeeze %dma_wait3A_45 : memref<1x2x128xi32, #tpu.memory_space<hbm>> -> memref<2x128xi32, #tpu.memory_space<hbm>>
      %dma_wait3A_47 = arith.constant 0 : i32
      %dma_wait3A_48 = arith.constant 0 : i32
      %dma_wait3A_49 = tpu.memref_slice %arg3[%add3A, %dma_wait3A_47, %dma_wait3A_48] : memref<32x2x128xi32, #tpu.memory_space<hbm>> -> memref<1x2x128xi32, #tpu.memory_space<hbm>>
      %dma_wait3A_50 = tpu.memref_squeeze %dma_wait3A_49 : memref<1x2x128xi32, #tpu.memory_space<hbm>> -> memref<2x128xi32, #tpu.memory_space<hbm>>
      tpu.wait_dma2 semaphore(%run_scoped3A : memref<!tpu.dma_semaphore, #tpu.memory_space<semaphore_mem>>) src(%dma_wait3A_50 : memref<2x128xi32, #tpu.memory_space<hbm>>) dst(%arg5 : memref<2x128xi32, #tpu.memory_space<vmem>>)
      tpu.yield
    }) : () -> ()
    %dma_start3A = arith.constant 0 : i32
    %dma_start3A_1 = arith.constant 0 : i32
    %dma_start3A_2 = tpu.memref_slice %arg5[%dma_start3A, %dma_start3A_1] : memref<2x128xi32, #tpu.memory_space<vmem>> -> memref<1x128xi32, #tpu.memory_space<vmem>>
    %dma_start3A_3 = tpu.memref_squeeze %dma_start3A_2 : memref<1x128xi32, #tpu.memory_space<vmem>> -> memref<128xi32, #tpu.memory_space<vmem>>
    %dma_start3A_4 = arith.constant 0 : i32
    %dma_start3A_5 = arith.constant 0 : i32
    %dma_start3A_6 = tpu.memref_slice %arg2[%dma_start3A_4, %dma_start3A_5] : memref<10000x128xf32, #tpu.memory_space<hbm>> -> memref<10000x128xf32, #tpu.memory_space<hbm>>
    tpu.enqueue_indirect_dma source(%dma_start3A_6 : memref<10000x128xf32, #tpu.memory_space<hbm>>) target(%arg6 : memref<128x128xf32, #tpu.memory_space<vmem>>) offsets(%dma_start3A_3 : memref<128xi32, #tpu.memory_space<vmem>>) semaphore(%arg7 : memref<!tpu.dma_semaphore, #tpu.memory_space<semaphore_mem>>)
    %dma_wait3A = arith.constant 0 : i32
    %dma_wait3A_7 = arith.constant 0 : i32
    %dma_wait3A_8 = tpu.memref_slice %arg5[%dma_wait3A, %dma_wait3A_7] : memref<2x128xi32, #tpu.memory_space<vmem>> -> memref<1x128xi32, #tpu.memory_space<vmem>>
    %dma_wait3A_9 = tpu.memref_squeeze %dma_wait3A_8 : memref<1x128xi32, #tpu.memory_space<vmem>> -> memref<128xi32, #tpu.memory_space<vmem>>
    %dma_wait3A_10 = arith.constant 0 : i32
    %dma_wait3A_11 = arith.constant 0 : i32
    %dma_wait3A_12 = tpu.memref_slice %arg2[%dma_wait3A_10, %dma_wait3A_11] : memref<10000x128xf32, #tpu.memory_space<hbm>> -> memref<10000x128xf32, #tpu.memory_space<hbm>>
    tpu.wait_indirect_dma semaphore(%arg7 : memref<!tpu.dma_semaphore, #tpu.memory_space<semaphore_mem>>) src(%dma_wait3A_12 : memref<10000x128xf32, #tpu.memory_space<hbm>>) dst(%arg6 : memref<128x128xf32, #tpu.memory_space<vmem>>)
    %mul3A_13 = arith.constant 256 : i32
    %mul3A_14 = arith.muli %add3A, %mul3A_13 : i32
    %add3A_15 = arith.constant 0 : i32
    %add3A_16 = arith.addi %mul3A_14, %add3A_15 : i32
    "tpu.region"() ({
      %run_scoped3A = tpu.sem_alloc : memref<!tpu.dma_semaphore, #tpu.memory_space<semaphore_mem>>
      %dma_start3A_35 = arith.constant 0 : i32
      %dma_start3A_36 = tpu.memref_slice %arg4[%add3A_16, %dma_start3A_35] : memref<8192x128xf32, #tpu.memory_space<hbm>> -> memref<128x128xf32, #tpu.memory_space<hbm>>
      %dma_start3A_37 = arith.constant 0 : i32
      %dma_start3A_38 = tpu.memref_slice %arg4[%add3A_16, %dma_start3A_37] : memref<8192x128xf32, #tpu.memory_space<hbm>> -> memref<128x128xf32, #tpu.memory_space<hbm>>
      tpu.enqueue_dma source(%arg6 : memref<128x128xf32, #tpu.memory_space<vmem>>) target(%dma_start3A_38 : memref<128x128xf32, #tpu.memory_space<hbm>>) target_semaphore(%run_scoped3A : memref<!tpu.dma_semaphore, #tpu.memory_space<semaphore_mem>>)
      %dma_wait3A_39 = arith.constant 0 : i32
      %dma_wait3A_40 = tpu.memref_slice %arg4[%add3A_16, %dma_wait3A_39] : memref<8192x128xf32, #tpu.memory_space<hbm>> -> memref<128x128xf32, #tpu.memory_space<hbm>>
      %dma_wait3A_41 = arith.constant 0 : i32
      %dma_wait3A_42 = tpu.memref_slice %arg4[%add3A_16, %dma_wait3A_41] : memref<8192x128xf32, #tpu.memory_space<hbm>> -> memref<128x128xf32, #tpu.memory_space<hbm>>
      tpu.wait_dma2 semaphore(%run_scoped3A : memref<!tpu.dma_semaphore, #tpu.memory_space<semaphore_mem>>) src(%arg6 : memref<128x128xf32, #tpu.memory_space<vmem>>) dst(%dma_wait3A_42 : memref<128x128xf32, #tpu.memory_space<hbm>>)
      tpu.yield
    }) : () -> ()
    %dma_start3A_17 = arith.constant 1 : i32
    %dma_start3A_18 = arith.constant 0 : i32
    %dma_start3A_19 = tpu.memref_slice %arg5[%dma_start3A_17, %dma_start3A_18] : memref<2x128xi32, #tpu.memory_space<vmem>> -> memref<1x128xi32, #tpu.memory_space<vmem>>
    %dma_start3A_20 = tpu.memref_squeeze %dma_start3A_19 : memref<1x128xi32, #tpu.memory_space<vmem>> -> memref<128xi32, #tpu.memory_space<vmem>>
    %dma_start3A_21 = arith.constant 0 : i32
    %dma_start3A_22 = arith.constant 0 : i32
    %dma_start3A_23 = tpu.memref_slice %arg2[%dma_start3A_21, %dma_start3A_22] : memref<10000x128xf32, #tpu.memory_space<hbm>> -> memref<10000x128xf32, #tpu.memory_space<hbm>>
    tpu.enqueue_indirect_dma source(%dma_start3A_23 : memref<10000x128xf32, #tpu.memory_space<hbm>>) target(%arg6 : memref<128x128xf32, #tpu.memory_space<vmem>>) offsets(%dma_start3A_20 : memref<128xi32, #tpu.memory_space<vmem>>) semaphore(%arg7 : memref<!tpu.dma_semaphore, #tpu.memory_space<semaphore_mem>>)
    %dma_wait3A_24 = arith.constant 1 : i32
    %dma_wait3A_25 = arith.constant 0 : i32
    %dma_wait3A_26 = tpu.memref_slice %arg5[%dma_wait3A_24, %dma_wait3A_25] : memref<2x128xi32, #tpu.memory_space<vmem>> -> memref<1x128xi32, #tpu.memory_space<vmem>>
    %dma_wait3A_27 = tpu.memref_squeeze %dma_wait3A_26 : memref<1x128xi32, #tpu.memory_space<vmem>> -> memref<128xi32, #tpu.memory_space<vmem>>
    %dma_wait3A_28 = arith.constant 0 : i32
    %dma_wait3A_29 = arith.constant 0 : i32
    %dma_wait3A_30 = tpu.memref_slice %arg2[%dma_wait3A_28, %dma_wait3A_29] : memref<10000x128xf32, #tpu.memory_space<hbm>> -> memref<10000x128xf32, #tpu.memory_space<hbm>>
    tpu.wait_indirect_dma semaphore(%arg7 : memref<!tpu.dma_semaphore, #tpu.memory_space<semaphore_mem>>) src(%dma_wait3A_30 : memref<10000x128xf32, #tpu.memory_space<hbm>>) dst(%arg6 : memref<128x128xf32, #tpu.memory_space<vmem>>)
    %mul3A_31 = arith.constant 256 : i32
    %mul3A_32 = arith.muli %add3A, %mul3A_31 : i32
    %add3A_33 = arith.constant 128 : i32
    %add3A_34 = arith.addi %mul3A_32, %add3A_33 : i32
    "tpu.region"() ({
      %run_scoped3A = tpu.sem_alloc : memref<!tpu.dma_semaphore, #tpu.memory_space<semaphore_mem>>
      %dma_start3A_35 = arith.constant 0 : i32
      %dma_start3A_36 = tpu.memref_slice %arg4[%add3A_34, %dma_start3A_35] : memref<8192x128xf32, #tpu.memory_space<hbm>> -> memref<128x128xf32, #tpu.memory_space<hbm>>
      %dma_start3A_37 = arith.constant 0 : i32
      %dma_start3A_38 = tpu.memref_slice %arg4[%add3A_34, %dma_start3A_37] : memref<8192x128xf32, #tpu.memory_space<hbm>> -> memref<128x128xf32, #tpu.memory_space<hbm>>
      tpu.enqueue_dma source(%arg6 : memref<128x128xf32, #tpu.memory_space<vmem>>) target(%dma_start3A_38 : memref<128x128xf32, #tpu.memory_space<hbm>>) target_semaphore(%run_scoped3A : memref<!tpu.dma_semaphore, #tpu.memory_space<semaphore_mem>>)
      %dma_wait3A_39 = arith.constant 0 : i32
      %dma_wait3A_40 = tpu.memref_slice %arg4[%add3A_34, %dma_wait3A_39] : memref<8192x128xf32, #tpu.memory_space<hbm>> -> memref<128x128xf32, #tpu.memory_space<hbm>>
      %dma_wait3A_41 = arith.constant 0 : i32
      %dma_wait3A_42 = tpu.memref_slice %arg4[%add3A_34, %dma_wait3A_41] : memref<8192x128xf32, #tpu.memory_space<hbm>> -> memref<128x128xf32, #tpu.memory_space<hbm>>
      tpu.wait_dma2 semaphore(%run_scoped3A : memref<!tpu.dma_semaphore, #tpu.memory_space<semaphore_mem>>) src(%arg6 : memref<128x128xf32, #tpu.memory_space<vmem>>) dst(%dma_wait3A_42 : memref<128x128xf32, #tpu.memory_space<hbm>>)
      tpu.yield
    }) : () -> ()
    return
  }
}

module attributes {stable_mosaic.version = 14 : i64} {
  func.func @_dense1_body(%arg0: i32, %arg1: memref<1000x128xf32, #tpu.memory_space<vmem>>, %arg2: memref<1000x128xf32, #tpu.memory_space<vmem>>, %arg3: memref<1000x128xf32, #tpu.memory_space<vmem>>, %arg4: memref<1000x16xf32, #tpu.memory_space<vmem>>, %arg5: memref<1000x16xf32, #tpu.memory_space<vmem>>, %arg6: memref<128x128xf32, #tpu.memory_space<vmem>>, %arg7: memref<1x128xf32, #tpu.memory_space<vmem>>, %arg8: memref<1000x128xf32, #tpu.memory_space<vmem>>) attributes {dimension_semantics = [#tpu.dimension_semantics<arbitrary>], iteration_bounds = array<i64: 10>, scalar_prefetch = 0 : i64, scratch_operands = 0 : i64, tpu.core_type = #tpu.core_type<tc>, window_params = [{transform_indices = @transform_0, window_bounds = array<i64: 1000, 128>}, {transform_indices = @transform_1, window_bounds = array<i64: 1000, 128>}, {transform_indices = @transform_2, window_bounds = array<i64: 1000, 128>}, {transform_indices = @transform_3, window_bounds = array<i64: 1000, 16>}, {transform_indices = @transform_4, window_bounds = array<i64: 1000, 16>}, {pipeline_mode = #tpu.pipeline_mode<synchronous>, transform_indices = @transform_5, window_bounds = array<i64: 128, 128>}, {pipeline_mode = #tpu.pipeline_mode<synchronous>, transform_indices = @transform_6, window_bounds = array<i64: 1, 128>}, {transform_indices = @transform_7, window_bounds = array<i64: 1000, 128>}]} {
    %get3A = arith.constant 0 : index
    %get3A_0 = arith.constant 0 : index
    %get3A_1 = vector.load %arg4[%get3A, %get3A_0] : memref<1000x16xf32, #tpu.memory_space<vmem>>, vector<1000x1xf32>
    %get3A_2 = arith.constant 0 : index
    %get3A_3 = arith.constant 0 : index
    %get3A_4 = vector.load %arg5[%get3A_2, %get3A_3] : memref<1000x16xf32, #tpu.memory_space<vmem>>, vector<1000x1xf32>
    %add3A = arith.addf %get3A_1, %get3A_4 : vector<1000x1xf32>
    %get3A_5 = arith.constant 0 : index
    %get3A_6 = arith.constant 0 : index
    %get3A_7 = vector.load %arg2[%get3A_5, %get3A_6] : memref<1000x128xf32, #tpu.memory_space<vmem>>, vector<1000x128xf32>
    %get3A_8 = arith.constant 0 : index
    %get3A_9 = arith.constant 0 : index
    %get3A_10 = vector.load %arg3[%get3A_8, %get3A_9] : memref<1000x128xf32, #tpu.memory_space<vmem>>, vector<1000x128xf32>
    %add3A_11 = arith.addf %get3A_7, %get3A_10 : vector<1000x128xf32>
    %get3A_12 = arith.constant 0 : index
    %get3A_13 = arith.constant 0 : index
    %get3A_14 = vector.load %arg1[%get3A_12, %get3A_13] : memref<1000x128xf32, #tpu.memory_space<vmem>>, vector<1000x128xf32>
    %max3A = arith.constant 1.000000e+00 : f32
    %max3A_15 = vector.broadcast %max3A : f32 to vector<1000x1xf32>
    %max3A_16 = arith.maximumf %add3A, %max3A_15 : vector<1000x1xf32>
    %div3A = vector.broadcast %max3A_16 : vector<1000x1xf32> to vector<1000x128xf32>
    %div3A_17 = arith.divf %add3A_11, %div3A : vector<1000x128xf32>
    %add3A_18 = arith.addf %get3A_14, %div3A_17 : vector<1000x128xf32>
    %get3A_19 = arith.constant 0 : index
    %get3A_20 = arith.constant 0 : index
    %get3A_21 = vector.load %arg6[%get3A_19, %get3A_20] : memref<128x128xf32, #tpu.memory_space<vmem>>, vector<128x128xf32>
    %dot_general3A = arith.constant dense<0.000000e+00> : vector<1000x128xf32>
    %dot_general3A_22 = tpu.matmul %add3A_18, %get3A_21, %dot_general3A {dimension_numbers = #tpu.dot_dimension_numbers<[1], [0], [0], [1], [0, 0, 1, 1], [], []>, transpose_lhs_hint = false} : vector<1000x128xf32>, vector<128x128xf32>, vector<1000x128xf32> -> vector<1000x128xf32>
    %get3A_23 = arith.constant 0 : index
    %get3A_24 = arith.constant 0 : index
    %get3A_25 = vector.load %arg7[%get3A_23, %get3A_24] : memref<1x128xf32, #tpu.memory_space<vmem>>, vector<1x128xf32>
    %add3A_26 = vector.broadcast %get3A_25 : vector<1x128xf32> to vector<1000x128xf32>
    %add3A_27 = arith.addf %dot_general3A_22, %add3A_26 : vector<1000x128xf32>
    %swap3A = arith.constant 0 : index
    %swap3A_28 = arith.constant 0 : index
    %swap3A_29 = vector.load %arg8[%swap3A, %swap3A_28] : memref<1000x128xf32, #tpu.memory_space<vmem>>, vector<1000x128xf32>
    tpu.vector_store %arg8[%swap3A, %swap3A_28], %add3A_27 {strides = array<i32>} : memref<1000x128xf32, #tpu.memory_space<vmem>>, vector<1000x128xf32>,
    return
  }
  func.func @transform_0(%arg0: i32) -> (i32, i32) {
    %c0_i32 = arith.constant 0 : i32
    %c0_i32_0 = arith.constant 0 : i32
    return %arg0, %c0_i32 : i32, i32
  }
  func.func @transform_1(%arg0: i32) -> (i32, i32) {
    %c0_i32 = arith.constant 0 : i32
    %c0_i32_0 = arith.constant 0 : i32
    return %arg0, %c0_i32 : i32, i32
  }
  func.func @transform_2(%arg0: i32) -> (i32, i32) {
    %c0_i32 = arith.constant 0 : i32
    %c0_i32_0 = arith.constant 0 : i32
    return %arg0, %c0_i32 : i32, i32
  }
  func.func @transform_3(%arg0: i32) -> (i32, i32) {
    %c0_i32 = arith.constant 0 : i32
    %c0_i32_0 = arith.constant 0 : i32
    return %arg0, %c0_i32 : i32, i32
  }
  func.func @transform_4(%arg0: i32) -> (i32, i32) {
    %c0_i32 = arith.constant 0 : i32
    %c0_i32_0 = arith.constant 0 : i32
    return %arg0, %c0_i32 : i32, i32
  }
  func.func @transform_5(%arg0: i32) -> (i32, i32) {
    %c0_i32 = arith.constant 0 : i32
    %c0_i32_0 = arith.constant 0 : i32
    %c0_i32_1 = arith.constant 0 : i32
    return %c0_i32, %c0_i32_0 : i32, i32
  }
  func.func @transform_6(%arg0: i32) -> (i32, i32) {
    %c0_i32 = arith.constant 0 : i32
    %c0_i32_0 = arith.constant 0 : i32
    %c0_i32_1 = arith.constant 0 : i32
    return %c0_i32, %c0_i32_0 : i32, i32
  }
  func.func @transform_7(%arg0: i32) -> (i32, i32) {
    %c0_i32 = arith.constant 0 : i32
    %c0_i32_0 = arith.constant 0 : i32
    return %arg0, %c0_i32 : i32, i32
  }
}

module attributes {stable_mosaic.version = 14 : i64} {
  func.func @_dense2_body(%arg0: i32, %arg1: memref<1000x128xf32, #tpu.memory_space<vmem>>, %arg2: memref<8x128xf32, #tpu.memory_space<vmem>>, %arg3: memref<1x128xf32, #tpu.memory_space<vmem>>, %arg4: memref<1x128xf32, #tpu.memory_space<vmem>>, %arg5: memref<128x128xf32, #tpu.memory_space<vmem>>, %arg6: memref<1x128xf32, #tpu.memory_space<vmem>>, %arg7: memref<1000x128xf32, #tpu.memory_space<vmem>>) attributes {dimension_semantics = [#tpu.dimension_semantics<arbitrary>], iteration_bounds = array<i64: 10>, scalar_prefetch = 0 : i64, scratch_operands = 0 : i64, tpu.core_type = #tpu.core_type<tc>, window_params = [{transform_indices = @transform_0, window_bounds = array<i64: 1000, 128>}, {pipeline_mode = #tpu.pipeline_mode<synchronous>, transform_indices = @transform_1, window_bounds = array<i64: 8, 128>}, {pipeline_mode = #tpu.pipeline_mode<synchronous>, transform_indices = @transform_2, window_bounds = array<i64: 1, 128>}, {pipeline_mode = #tpu.pipeline_mode<synchronous>, transform_indices = @transform_3, window_bounds = array<i64: 1, 128>}, {pipeline_mode = #tpu.pipeline_mode<synchronous>, transform_indices = @transform_4, window_bounds = array<i64: 128, 128>}, {pipeline_mode = #tpu.pipeline_mode<synchronous>, transform_indices = @transform_5, window_bounds = array<i64: 1, 128>}, {transform_indices = @transform_6, window_bounds = array<i64: 1000, 128>}]} {
    %get3A = arith.constant 0 : index
    %get3A_0 = arith.constant 0 : index
    %get3A_1 = vector.load %arg2[%get3A, %get3A_0] : memref<8x128xf32, #tpu.memory_space<vmem>>, vector<1x128xf32>
    %get3A_2 = arith.constant 1 : index
    %get3A_3 = arith.constant 0 : index
    %get3A_4 = vector.load %arg2[%get3A_2, %get3A_3] : memref<8x128xf32, #tpu.memory_space<vmem>>, vector<1x128xf32>
    %add3A = arith.constant 9.99999974E-6 : f32
    %add3A_5 = vector.broadcast %add3A : f32 to vector<1x128xf32>
    %add3A_6 = arith.addf %get3A_4, %add3A_5 : vector<1x128xf32>
    %sqrt3A = math.sqrt %add3A_6 : vector<1x128xf32>
    %div3A = arith.constant 1.000000e+00 : f32
    %div3A_7 = vector.broadcast %div3A : f32 to vector<1x128xf32>
    %div3A_8 = arith.divf %div3A_7, %sqrt3A : vector<1x128xf32>
    %get3A_9 = arith.constant 0 : index
    %get3A_10 = arith.constant 0 : index
    %get3A_11 = vector.load %arg1[%get3A_9, %get3A_10] : memref<1000x128xf32, #tpu.memory_space<vmem>>, vector<1000x128xf32>
    %sub3A = vector.broadcast %get3A_1 : vector<1x128xf32> to vector<1000x128xf32>
    %sub3A_12 = arith.subf %get3A_11, %sub3A : vector<1000x128xf32>
    %mul3A = vector.broadcast %div3A_8 : vector<1x128xf32> to vector<1000x128xf32>
    %mul3A_13 = arith.mulf %sub3A_12, %mul3A : vector<1000x128xf32>
    %get3A_14 = arith.constant 0 : index
    %get3A_15 = arith.constant 0 : index
    %get3A_16 = vector.load %arg3[%get3A_14, %get3A_15] : memref<1x128xf32, #tpu.memory_space<vmem>>, vector<1x128xf32>
    %mul3A_17 = vector.broadcast %get3A_16 : vector<1x128xf32> to vector<1000x128xf32>
    %mul3A_18 = arith.mulf %mul3A_13, %mul3A_17 : vector<1000x128xf32>
    %get3A_19 = arith.constant 0 : index
    %get3A_20 = arith.constant 0 : index
    %get3A_21 = vector.load %arg4[%get3A_19, %get3A_20] : memref<1x128xf32, #tpu.memory_space<vmem>>, vector<1x128xf32>
    %add3A_22 = vector.broadcast %get3A_21 : vector<1x128xf32> to vector<1000x128xf32>
    %add3A_23 = arith.addf %mul3A_18, %add3A_22 : vector<1000x128xf32>
    %max3A = arith.constant 0.000000e+00 : f32
    %max3A_24 = vector.broadcast %max3A : f32 to vector<1000x128xf32>
    %max3A_25 = arith.maximumf %add3A_23, %max3A_24 : vector<1000x128xf32>
    %get3A_26 = arith.constant 0 : index
    %get3A_27 = arith.constant 0 : index
    %get3A_28 = vector.load %arg5[%get3A_26, %get3A_27] : memref<128x128xf32, #tpu.memory_space<vmem>>, vector<128x128xf32>
    %dot_general3A = arith.constant dense<0.000000e+00> : vector<1000x128xf32>
    %dot_general3A_29 = tpu.matmul %max3A_25, %get3A_28, %dot_general3A {dimension_numbers = #tpu.dot_dimension_numbers<[1], [0], [0], [1], [0, 0, 1, 1], [], []>, transpose_lhs_hint = false} : vector<1000x128xf32>, vector<128x128xf32>, vector<1000x128xf32> -> vector<1000x128xf32>
    %get3A_30 = arith.constant 0 : index
    %get3A_31 = arith.constant 0 : index
    %get3A_32 = vector.load %arg6[%get3A_30, %get3A_31] : memref<1x128xf32, #tpu.memory_space<vmem>>, vector<1x128xf32>
    %add3A_33 = vector.broadcast %get3A_32 : vector<1x128xf32> to vector<1000x128xf32>
    %add3A_34 = arith.addf %dot_general3A_29, %add3A_33 : vector<1000x128xf32>
    %max3A_35 = arith.constant 0.000000e+00 : f32
    %max3A_36 = vector.broadcast %max3A_35 : f32 to vector<1000x128xf32>
    %max3A_37 = arith.maximumf %add3A_34, %max3A_36 : vector<1000x128xf32>
    %swap3A = arith.constant 0 : index
    %swap3A_38 = arith.constant 0 : index
    %swap3A_39 = vector.load %arg7[%swap3A, %swap3A_38] : memref<1000x128xf32, #tpu.memory_space<vmem>>, vector<1000x128xf32>
    tpu.vector_store %arg7[%swap3A, %swap3A_38], %max3A_37 {strides = array<i32>} : memref<1000x128xf32, #tpu.memory_space<vmem>>, vector<1000x128xf32>,
    return
  }
  func.func @transform_0(%arg0: i32) -> (i32, i32) {
    %c0_i32 = arith.constant 0 : i32
    %c0_i32_0 = arith.constant 0 : i32
    return %arg0, %c0_i32 : i32, i32
  }
  func.func @transform_1(%arg0: i32) -> (i32, i32) {
    %c0_i32 = arith.constant 0 : i32
    %c0_i32_0 = arith.constant 0 : i32
    %c0_i32_1 = arith.constant 0 : i32
    return %c0_i32, %c0_i32_0 : i32, i32
  }
  func.func @transform_2(%arg0: i32) -> (i32, i32) {
    %c0_i32 = arith.constant 0 : i32
    %c0_i32_0 = arith.constant 0 : i32
    %c0_i32_1 = arith.constant 0 : i32
    return %c0_i32, %c0_i32_0 : i32, i32
  }
  func.func @transform_3(%arg0: i32) -> (i32, i32) {
    %c0_i32 = arith.constant 0 : i32
    %c0_i32_0 = arith.constant 0 : i32
    %c0_i32_1 = arith.constant 0 : i32
    return %c0_i32, %c0_i32_0 : i32, i32
  }
  func.func @transform_4(%arg0: i32) -> (i32, i32) {
    %c0_i32 = arith.constant 0 : i32
    %c0_i32_0 = arith.constant 0 : i32
    %c0_i32_1 = arith.constant 0 : i32
    return %c0_i32, %c0_i32_0 : i32, i32
  }
  func.func @transform_5(%arg0: i32) -> (i32, i32) {
    %c0_i32 = arith.constant 0 : i32
    %c0_i32_0 = arith.constant 0 : i32
    %c0_i32_1 = arith.constant 0 : i32
    return %c0_i32, %c0_i32_0 : i32, i32
  }
  func.func @transform_6(%arg0: i32) -> (i32, i32) {
    %c0_i32 = arith.constant 0 : i32
    %c0_i32_0 = arith.constant 0 : i32
    return %arg0, %c0_i32 : i32, i32
  }
}

module attributes {stable_mosaic.version = 14 : i64} {
  func.func @_dense2_body(%arg0: i32, %arg1: memref<1000x128xf32, #tpu.memory_space<vmem>>, %arg2: memref<8x128xf32, #tpu.memory_space<vmem>>, %arg3: memref<1x128xf32, #tpu.memory_space<vmem>>, %arg4: memref<1x128xf32, #tpu.memory_space<vmem>>, %arg5: memref<128x128xf32, #tpu.memory_space<vmem>>, %arg6: memref<1x128xf32, #tpu.memory_space<vmem>>, %arg7: memref<1000x128xf32, #tpu.memory_space<vmem>>) attributes {dimension_semantics = [#tpu.dimension_semantics<arbitrary>], iteration_bounds = array<i64: 10>, scalar_prefetch = 0 : i64, scratch_operands = 0 : i64, tpu.core_type = #tpu.core_type<tc>, window_params = [{transform_indices = @transform_0, window_bounds = array<i64: 1000, 128>}, {pipeline_mode = #tpu.pipeline_mode<synchronous>, transform_indices = @transform_1, window_bounds = array<i64: 8, 128>}, {pipeline_mode = #tpu.pipeline_mode<synchronous>, transform_indices = @transform_2, window_bounds = array<i64: 1, 128>}, {pipeline_mode = #tpu.pipeline_mode<synchronous>, transform_indices = @transform_3, window_bounds = array<i64: 1, 128>}, {pipeline_mode = #tpu.pipeline_mode<synchronous>, transform_indices = @transform_4, window_bounds = array<i64: 128, 128>}, {pipeline_mode = #tpu.pipeline_mode<synchronous>, transform_indices = @transform_5, window_bounds = array<i64: 1, 128>}, {transform_indices = @transform_6, window_bounds = array<i64: 1000, 128>}]} {
    %get3A = arith.constant 0 : index
    %get3A_0 = arith.constant 0 : index
    %get3A_1 = vector.load %arg2[%get3A, %get3A_0] : memref<8x128xf32, #tpu.memory_space<vmem>>, vector<1x128xf32>
    %get3A_2 = arith.constant 1 : index
    %get3A_3 = arith.constant 0 : index
    %get3A_4 = vector.load %arg2[%get3A_2, %get3A_3] : memref<8x128xf32, #tpu.memory_space<vmem>>, vector<1x128xf32>
    %add3A = arith.constant 9.99999974E-6 : f32
    %add3A_5 = vector.broadcast %add3A : f32 to vector<1x128xf32>
    %add3A_6 = arith.addf %get3A_4, %add3A_5 : vector<1x128xf32>
    %sqrt3A = math.sqrt %add3A_6 : vector<1x128xf32>
    %div3A = arith.constant 1.000000e+00 : f32
    %div3A_7 = vector.broadcast %div3A : f32 to vector<1x128xf32>
    %div3A_8 = arith.divf %div3A_7, %sqrt3A : vector<1x128xf32>
    %get3A_9 = arith.constant 0 : index
    %get3A_10 = arith.constant 0 : index
    %get3A_11 = vector.load %arg1[%get3A_9, %get3A_10] : memref<1000x128xf32, #tpu.memory_space<vmem>>, vector<1000x128xf32>
    %sub3A = vector.broadcast %get3A_1 : vector<1x128xf32> to vector<1000x128xf32>
    %sub3A_12 = arith.subf %get3A_11, %sub3A : vector<1000x128xf32>
    %mul3A = vector.broadcast %div3A_8 : vector<1x128xf32> to vector<1000x128xf32>
    %mul3A_13 = arith.mulf %sub3A_12, %mul3A : vector<1000x128xf32>
    %get3A_14 = arith.constant 0 : index
    %get3A_15 = arith.constant 0 : index
    %get3A_16 = vector.load %arg3[%get3A_14, %get3A_15] : memref<1x128xf32, #tpu.memory_space<vmem>>, vector<1x128xf32>
    %mul3A_17 = vector.broadcast %get3A_16 : vector<1x128xf32> to vector<1000x128xf32>
    %mul3A_18 = arith.mulf %mul3A_13, %mul3A_17 : vector<1000x128xf32>
    %get3A_19 = arith.constant 0 : index
    %get3A_20 = arith.constant 0 : index
    %get3A_21 = vector.load %arg4[%get3A_19, %get3A_20] : memref<1x128xf32, #tpu.memory_space<vmem>>, vector<1x128xf32>
    %add3A_22 = vector.broadcast %get3A_21 : vector<1x128xf32> to vector<1000x128xf32>
    %add3A_23 = arith.addf %mul3A_18, %add3A_22 : vector<1000x128xf32>
    %max3A = arith.constant 0.000000e+00 : f32
    %max3A_24 = vector.broadcast %max3A : f32 to vector<1000x128xf32>
    %max3A_25 = arith.maximumf %add3A_23, %max3A_24 : vector<1000x128xf32>
    %get3A_26 = arith.constant 0 : index
    %get3A_27 = arith.constant 0 : index
    %get3A_28 = vector.load %arg5[%get3A_26, %get3A_27] : memref<128x128xf32, #tpu.memory_space<vmem>>, vector<128x128xf32>
    %dot_general3A = arith.constant dense<0.000000e+00> : vector<1000x128xf32>
    %dot_general3A_29 = tpu.matmul %max3A_25, %get3A_28, %dot_general3A {dimension_numbers = #tpu.dot_dimension_numbers<[1], [0], [0], [1], [0, 0, 1, 1], [], []>, transpose_lhs_hint = false} : vector<1000x128xf32>, vector<128x128xf32>, vector<1000x128xf32> -> vector<1000x128xf32>
    %get3A_30 = arith.constant 0 : index
    %get3A_31 = arith.constant 0 : index
    %get3A_32 = vector.load %arg6[%get3A_30, %get3A_31] : memref<1x128xf32, #tpu.memory_space<vmem>>, vector<1x128xf32>
    %add3A_33 = vector.broadcast %get3A_32 : vector<1x128xf32> to vector<1000x128xf32>
    %add3A_34 = arith.addf %dot_general3A_29, %add3A_33 : vector<1000x128xf32>
    %swap3A = arith.constant 0 : index
    %swap3A_35 = arith.constant 0 : index
    %swap3A_36 = vector.load %arg7[%swap3A, %swap3A_35] : memref<1000x128xf32, #tpu.memory_space<vmem>>, vector<1000x128xf32>
    tpu.vector_store %arg7[%swap3A, %swap3A_35], %add3A_34 {strides = array<i32>} : memref<1000x128xf32, #tpu.memory_space<vmem>>, vector<1000x128xf32>,
    return
  }
  func.func @transform_0(%arg0: i32) -> (i32, i32) {
    %c0_i32 = arith.constant 0 : i32
    %c0_i32_0 = arith.constant 0 : i32
    return %arg0, %c0_i32 : i32, i32
  }
  func.func @transform_1(%arg0: i32) -> (i32, i32) {
    %c0_i32 = arith.constant 0 : i32
    %c0_i32_0 = arith.constant 0 : i32
    %c0_i32_1 = arith.constant 0 : i32
    return %c0_i32, %c0_i32_0 : i32, i32
  }
  func.func @transform_2(%arg0: i32) -> (i32, i32) {
    %c0_i32 = arith.constant 0 : i32
    %c0_i32_0 = arith.constant 0 : i32
    %c0_i32_1 = arith.constant 0 : i32
    return %c0_i32, %c0_i32_0 : i32, i32
  }
  func.func @transform_3(%arg0: i32) -> (i32, i32) {
    %c0_i32 = arith.constant 0 : i32
    %c0_i32_0 = arith.constant 0 : i32
    %c0_i32_1 = arith.constant 0 : i32
    return %c0_i32, %c0_i32_0 : i32, i32
  }
  func.func @transform_4(%arg0: i32) -> (i32, i32) {
    %c0_i32 = arith.constant 0 : i32
    %c0_i32_0 = arith.constant 0 : i32
    %c0_i32_1 = arith.constant 0 : i32
    return %c0_i32, %c0_i32_0 : i32, i32
  }
  func.func @transform_5(%arg0: i32) -> (i32, i32) {
    %c0_i32 = arith.constant 0 : i32
    %c0_i32_0 = arith.constant 0 : i32
    %c0_i32_1 = arith.constant 0 : i32
    return %c0_i32, %c0_i32_0 : i32, i32
  }
  func.func @transform_6(%arg0: i32) -> (i32, i32) {
    %c0_i32 = arith.constant 0 : i32
    %c0_i32_0 = arith.constant 0 : i32
    return %arg0, %c0_i32 : i32, i32
  }
}

module attributes {stable_mosaic.version = 14 : i64} {
  func.func @_mlp_body(%arg0: memref<8192x128xf32, #tpu.memory_space<vmem>>, %arg1: memref<128x128xf32, #tpu.memory_space<vmem>>, %arg2: memref<1x128xf32, #tpu.memory_space<vmem>>, %arg3: memref<128x128xf32, #tpu.memory_space<vmem>>, %arg4: memref<1x1xf32, #tpu.memory_space<vmem>>, %arg5: memref<8192x1xf32, #tpu.memory_space<vmem>>) attributes {dimension_semantics = [], scalar_prefetch = 0 : i64, scratch_operands = 0 : i64, tpu.core_type = #tpu.core_type<tc>} {
    %get3A = arith.constant 0 : index
    %get3A_0 = arith.constant 0 : index
    %get3A_1 = vector.load %arg0[%get3A, %get3A_0] : memref<8192x128xf32, #tpu.memory_space<vmem>>, vector<8192x128xf32>
    %get3A_2 = arith.constant 0 : index
    %get3A_3 = arith.constant 0 : index
    %get3A_4 = vector.load %arg1[%get3A_2, %get3A_3] : memref<128x128xf32, #tpu.memory_space<vmem>>, vector<128x128xf32>
    %dot_general3A = arith.constant dense<0.000000e+00> : vector<8192x128xf32>
    %dot_general3A_5 = tpu.matmul %get3A_1, %get3A_4, %dot_general3A {dimension_numbers = #tpu.dot_dimension_numbers<[1], [0], [0], [1], [0, 0, 1, 1], [], []>, transpose_lhs_hint = false} : vector<8192x128xf32>, vector<128x128xf32>, vector<8192x128xf32> -> vector<8192x128xf32>
    %get3A_6 = arith.constant 0 : index
    %get3A_7 = arith.constant 0 : index
    %get3A_8 = vector.load %arg2[%get3A_6, %get3A_7] : memref<1x128xf32, #tpu.memory_space<vmem>>, vector<1x128xf32>
    %add3A = vector.broadcast %get3A_8 : vector<1x128xf32> to vector<8192x128xf32>
    %add3A_9 = arith.addf %dot_general3A_5, %add3A : vector<8192x128xf32>
    %max3A = arith.constant 0.000000e+00 : f32
    %max3A_10 = vector.broadcast %max3A : f32 to vector<8192x128xf32>
    %max3A_11 = arith.maximumf %add3A_9, %max3A_10 : vector<8192x128xf32>
    %get3A_12 = arith.constant 0 : index
    %get3A_13 = arith.constant 0 : index
    %get3A_14 = vector.load %arg3[%get3A_12, %get3A_13] : memref<128x128xf32, #tpu.memory_space<vmem>>, vector<128x128xf32>
    %dot_general3A_15 = arith.constant dense<0.000000e+00> : vector<8192x128xf32>
    %dot_general3A_16 = tpu.matmul %max3A_11, %get3A_14, %dot_general3A_15 {dimension_numbers = #tpu.dot_dimension_numbers<[1], [0], [0], [1], [0, 0, 1, 1], [], []>, transpose_lhs_hint = false} : vector<8192x128xf32>, vector<128x128xf32>, vector<8192x128xf32> -> vector<8192x128xf32>
    %get3A_17 = arith.constant 0 : index
    %get3A_18 = arith.constant 0 : index
    %get3A_19 = vector.load %arg4[%get3A_17, %get3A_18] : memref<1x1xf32, #tpu.memory_space<vmem>>, vector<1x1xf32>
    %add3A_20 = vector.broadcast %get3A_19 : vector<1x1xf32> to vector<8192x128xf32>
    %add3A_21 = arith.addf %dot_general3A_16, %add3A_20 : vector<8192x128xf32>
    %slice3A = vector.extract_strided_slice %add3A_21 {offsets = [0, 0], sizes = [8192, 1], strides = [1, 1]} : vector<8192x128xf32> to vector<8192x1xf32>
    %swap3A = arith.constant 0 : index
    %swap3A_22 = arith.constant 0 : index
    %swap3A_23 = vector.load %arg5[%swap3A, %swap3A_22] : memref<8192x1xf32, #tpu.memory_space<vmem>>, vector<8192x1xf32>
    tpu.vector_store %arg5[%swap3A, %swap3A_22], %slice3A {strides = array<i32>} : memref<8192x1xf32, #tpu.memory_space<vmem>>, vector<8192x1xf32>,
    return
  }
}

module attributes {stable_mosaic.version = 14 : i64} {
  func.func @_head_body(%arg0: memref<512x128xf32, #tpu.memory_space<vmem>>, %arg1: memref<512x128xi32, #tpu.memory_space<vmem>>, %arg2: memref<512x128xf32, #tpu.memory_space<vmem>>, %arg3: memref<8x128xf32, #tpu.memory_space<vmem>>) attributes {dimension_semantics = [], scalar_prefetch = 0 : i64, scratch_operands = 0 : i64, tpu.core_type = #tpu.core_type<tc>} {
    %get3A = arith.constant 0 : index
    %get3A_0 = arith.constant 0 : index
    %get3A_1 = vector.load %arg0[%get3A, %get3A_0] : memref<512x128xf32, #tpu.memory_space<vmem>>, vector<512x128xf32>
    %reduce_max3A = arith.constant dense<0xFF800000> : vector<512xf32>
    %reduce_max3A_2 = vector.multi_reduction <maximumf>, %get3A_1, %reduce_max3A [1] : vector<512x128xf32> to vector<512xf32>
    %broadcast_in_dim3A = vector.shape_cast %reduce_max3A_2 : vector<512xf32> to vector<512x1xf32>
    %sub3A = vector.broadcast %broadcast_in_dim3A : vector<512x1xf32> to vector<512x128xf32>
    %sub3A_3 = arith.subf %get3A_1, %sub3A : vector<512x128xf32>
    %exp3A = math.exp %sub3A_3 : vector<512x128xf32>
    %reduce_sum3A = arith.constant dense<0.000000e+00> : vector<512xf32>
    %reduce_sum3A_4 = vector.multi_reduction <add>, %exp3A, %reduce_sum3A [1] : vector<512x128xf32> to vector<512xf32>
    %broadcast_in_dim3A_5 = vector.shape_cast %reduce_sum3A_4 : vector<512xf32> to vector<512x1xf32>
    %div3A = vector.broadcast %broadcast_in_dim3A_5 : vector<512x1xf32> to vector<512x128xf32>
    %div3A_6 = arith.divf %exp3A, %div3A : vector<512x128xf32>
    %iota3A = tpu.iota {dimensions = array<i32: 1>} : vector<512x128xi32>
    %ge3A = vector.broadcast %broadcast_in_dim3A : vector<512x1xf32> to vector<512x128xf32>
    %ge3A_7 = arith.cmpf oge, %get3A_1, %ge3A : vector<512x128xf32>
    %jit3A = arith.constant 128 : i32
    %broadcast_in_dim3A_8 = vector.broadcast %jit3A : i32 to vector<512x128xi32>
    %select_n3A = arith.select %ge3A_7, %iota3A, %broadcast_in_dim3A_8 : vector<512x128xi1>, vector<512x128xi32>
    %reduce_min3A = arith.constant dense<2147483647> : vector<512xi32>
    %reduce_min3A_9 = vector.multi_reduction <minsi>, %select_n3A, %reduce_min3A [1] : vector<512x128xi32> to vector<512xi32>
    %broadcast_in_dim3A_10 = vector.shape_cast %reduce_min3A_9 : vector<512xi32> to vector<512x1xi32>
    %broadcast_in_dim3A_11 = vector.shape_cast %broadcast_in_dim3A_10 : vector<512x1xi32> to vector<512x1xi32>
    %broadcast_in_dim3A_12 = vector.broadcast %broadcast_in_dim3A_11 : vector<512x1xi32> to vector<512x128xi32>
    %swap3A = arith.constant 0 : index
    %swap3A_13 = arith.constant 0 : index
    %swap3A_14 = vector.load %arg1[%swap3A, %swap3A_13] : memref<512x128xi32, #tpu.memory_space<vmem>>, vector<512x128xi32>
    tpu.vector_store %arg1[%swap3A, %swap3A_13], %broadcast_in_dim3A_12 {strides = array<i32>} : memref<512x128xi32, #tpu.memory_space<vmem>>, vector<512x128xi32>,
    %eq3A = vector.broadcast %broadcast_in_dim3A_10 : vector<512x1xi32> to vector<512x128xi32>
    %eq3A_15 = arith.cmpi eq, %iota3A, %eq3A : vector<512x128xi32>
    %jit3A_16 = arith.constant 0.000000e+00 : f32
    %broadcast_in_dim3A_17 = vector.broadcast %jit3A_16 : f32 to vector<512x128xf32>
    %select_n3A_18 = arith.select %eq3A_15, %div3A_6, %broadcast_in_dim3A_17 : vector<512x128xi1>, vector<512x128xf32>
    %reduce_sum3A_19 = arith.constant dense<0.000000e+00> : vector<512xf32>
    %reduce_sum3A_20 = vector.multi_reduction <add>, %select_n3A_18, %reduce_sum3A_19 [1] : vector<512x128xf32> to vector<512xf32>
    %broadcast_in_dim3A_21 = vector.shape_cast %reduce_sum3A_20 : vector<512xf32> to vector<512x1xf32>
    %add3A = arith.constant 9.99999968E-21 : f32
    %add3A_22 = vector.broadcast %add3A : f32 to vector<512x1xf32>
    %add3A_23 = arith.addf %broadcast_in_dim3A_21, %add3A_22 : vector<512x1xf32>
    %log3A = math.log %add3A_23 : vector<512x1xf32>
    %broadcast_in_dim3A_24 = vector.shape_cast %log3A : vector<512x1xf32> to vector<512x1xf32>
    %broadcast_in_dim3A_25 = vector.broadcast %broadcast_in_dim3A_24 : vector<512x1xf32> to vector<512x128xf32>
    %swap3A_26 = arith.constant 0 : index
    %swap3A_27 = arith.constant 0 : index
    %swap3A_28 = vector.load %arg2[%swap3A_26, %swap3A_27] : memref<512x128xf32, #tpu.memory_space<vmem>>, vector<512x128xf32>
    tpu.vector_store %arg2[%swap3A_26, %swap3A_27], %broadcast_in_dim3A_25 {strides = array<i32>} : memref<512x128xf32, #tpu.memory_space<vmem>>, vector<512x128xf32>,
    %add3A_29 = arith.constant 9.99999968E-21 : f32
    %add3A_30 = vector.broadcast %add3A_29 : f32 to vector<512x128xf32>
    %add3A_31 = arith.addf %div3A_6, %add3A_30 : vector<512x128xf32>
    %log3A_32 = math.log %add3A_31 : vector<512x128xf32>
    %mul3A = arith.mulf %div3A_6, %log3A_32 : vector<512x128xf32>
    %reduce_sum3A_33 = vector.shape_cast %mul3A : vector<512x128xf32> to vector<1x512x128xf32>
    %reduce_sum3A_34 = arith.constant dense<0.000000e+00> : vector<1xf32>
    %reduce_sum3A_35 = vector.multi_reduction <add>, %reduce_sum3A_33, %reduce_sum3A_34 [1, 2] : vector<1x512x128xf32> to vector<1xf32>
    %reduce_sum3A_36 = vector.shape_cast %reduce_sum3A_35 : vector<1xf32> to vector<1x1x1xf32>
    %reduce_sum3A_37 = vector.extract %reduce_sum3A_36[0, 0, 0] : f32 from vector<1x1x1xf32>
    %neg3A = arith.constant 0.000000e+00 : f32
    %neg3A_38 = arith.subf %neg3A, %reduce_sum3A_37 : f32
    %div3A_39 = arith.constant 5.120000e+02 : f32
    %div3A_40 = arith.divf %neg3A_38, %div3A_39 : f32
    %broadcast_in_dim3A_41 = vector.broadcast %div3A_40 : f32 to vector<8x128xf32>
    %swap3A_42 = arith.constant 0 : index
    %swap3A_43 = arith.constant 0 : index
    %swap3A_44 = vector.load %arg3[%swap3A_42, %swap3A_43] : memref<8x128xf32, #tpu.memory_space<vmem>>, vector<8x128xf32>
    tpu.vector_store %arg3[%swap3A_42, %swap3A_43], %broadcast_in_dim3A_41 {strides = array<i32>} : memref<8x128xf32, #tpu.memory_space<vmem>>, vector<8x128xf32>,
    return
  }
}

</mosaic_0001>

<sc_bundles>
// kernel: kernel.12.cloned.1.call-start
scs
__scs_entry_jumppad:
0x0: {  	(pc) =	sbr.rel $0x88, $3  }
0x1: {  	(tag) =	ssettag $0x0;
	lr =	simm.s32 $0x1  }
0x2: {  	[smem:$0x3F8E] =	sst lr;
	_ =	strace $0xD0000000  }
0x3: {  	_ = 	snop  }
0x4: {  	_ = 	snop  }
0x5: {  	_ = 	snop  }
0x6: {  	_ = 	snop  }
0x7: {  	_ = 	snop  }
__scs_overlays_trampoline_lowered:
0x8: {  	[smem:$0x3F9D] =	sst s0  }
0x9: {  	[smem:$0x3F9E] =	sst s1  }
0xa: {  	[smem:$0x3F9F] =	sst s2  }
0xb: {  	[smem:$0x3FA0] =	sst s3  }
0xc: {  	[smem:$0x3FA1] =	sst s4  }
0xd: {  	[smem:$0x3FA2] =	sst s5  }
0xe: {  	[smem:$0x3FA3] =	sst s6  }
0xf: {  	[smem:$0x3FA4] =	sst s7  }
0x10: {  	[smem:$0x3FA5] =	sst s8  }
0x11: {  	[smem:$0x3FA6] =	sst s9;
	s0 =	simm.s32 @!p0 $0x0  }
0x12: {  	s1 =	sld [smem:$0x3F8C];
	s0 =	simm.s32 @p0 $0x1  }
0x13: {  	[smem:$0x3FA7] =	sst s0;
	s0 =	simm.s32 @!p1 $0x0  }
0x14: {  	s2 =	sld [smem:$0x3F8B];
	s0 =	simm.s32 @p1 $0x1  }
0x15: {  	[smem:$0x3FA8] =	sst s0;
	s0 =	simm.s32 @!p2 $0x0  }
0x16: {  	s3 =	sld [smem:$0x3FDB];
	s0 =	simm.s32 @p2 $0x1  }
0x17: {  	s4 =	simm.s32 $0x1BF5;
	[smem:$0x3FAA] =	sst s0  }
0x18: {  	s0 =	sld [smem:$0x3F8D];
	_ =	swait.ge [sflag:s4], $0x0  }
0x19: {  	s7 =	sld [smem:$0x3F8E]  }
0x1a: {  	s8 =	sadd.s32 $0xFFFFE003, lr  }
0x1b: {  	s9 =	sadd.s32 $0xFFFFFEF7, lr;
	s5 =	simm.s32 $0xFFFFFFFF;
	p2 =	slt.u32 s8, $0xFFFFF086  }
0x1c: {  	p1 =	slt.u32 s9, $0xF7A;
	s5 =	simm.s32 @!p2 $0x0  }
0x1d: {  	s5 =	simm.s32 @p1 $0x1;
	p0 =	seq.s32 s7, s2  }
0x1e: {  	s7 =	smul.u32 @!p0 $0xF7A, s2;
	p2 =	seq.s32 @!p0 s5, $0x0  }
0x1f: {  	s9 =	smul.u32 $0xF7A, s1;
	s8 =	simm.s32 @!p0 $0x1BF5;
	p2 =	por !p2, p0  }
0x20: {  	[sflag:s8] =	ssyncset.s32 @!p0 $0xFFFFF086;
	s6 =	sadd.s32 @!p0 s3, s7;
	s7 =	simm.s32 @!p0 $0x108  }
0x21: {  	s3 =	sadd.s32 s3, s9;
	s6 =	sadd.s32 @!p0 $0x88, s6;
	s7 =	simm.s32 @p2 $0x1082  }
0x22: {  	[simem:s7], [sflag:s8] =	dma.local @!p0 [hbm:s6], $0xF7A  }
0x23: {  	s9 =	sor.u32 $0xD0000000, s2;
	s6 =	simm.s32 $0x108;
	_ =	swait.ge @!p0 [sflag:s8], $0x0  }
0x24: {  	s3 =	sadd.s32 $0x88, s3;
	s6 =	simm.s32 @!p1 $0x1082;
	[sflag:s4] =	ssyncset.s32 $0xFFFFF086  }
0x25: {  	[simem:s6], [sflag:s4] =	dma.local [hbm:s3], $0xF7A  }
0x26: {  	[smem:$0x3F8E] =	sst s1;
	(tag) =	ssettag s2;
	_ =	strace s9  }
0x27: {  	s1 =	sld [smem:$0x3F9E]  }
0x28: {  	s2 =	sld [smem:$0x3F9F]  }
0x29: {  	s4 =	sld [smem:$0x3FA1]  }
0x2a: {  	p0 =	seq.s32 s5, $0x0;
	s5 =	sld [smem:$0x3FA2]  }
0x2b: {  	s6 =	sld [smem:$0x3FA3]  }
0x2c: {  	s7 =	sld [smem:$0x3FA4]  }
0x2d: {  	s3 =	simm.s32 $0x108;
	s8 =	sld [smem:$0x3FA5]  }
0x2e: {  	s3 =	simm.s32 @!p0 $0x1082;
	s9 =	sld [smem:$0x3FA6]  }
0x2f: {  	lr =	sadd.s32 s0, s3;
	s0 =	sld [smem:$0x3F9D]  }
0x30: {  	s3 =	sld [smem:$0x3FA0]  }
0x31: {  	[smem:$0x3FA9] =	sst s10  }
0x32: {  	s10 =	sld [smem:$0x3FA7];
	_ =	sdelay $0x3  }
0x33: {  	p0 =	seq.s32 s10, $0x1;
	s10 =	sld [smem:$0x3FA9];
	_ =	sdelay $0x3  }
0x34: {  	[smem:$0x3FA9] =	sst s10  }
0x35: {  	s10 =	sld [smem:$0x3FA8];
	_ =	sdelay $0x3  }
0x36: {  	p1 =	seq.s32 s10, $0x1;
	s10 =	sld [smem:$0x3FA9];
	_ =	sdelay $0x3  }
0x37: {  	[smem:$0x3FA9] =	sst s10  }
0x38: {  	s10 =	sld [smem:$0x3FAA]  }
0x39: {  	_ = 	snop;
	(pc) =	sbr.ind lr, $3  }
0x3a: {  	_ = 	snop  }
0x3b: {  	_ = 	snop  }
0x3c: {  	p2 =	seq.s32 s10, $0x1;
	s10 =	sld [smem:$0x3FA9]  }
0x3d: {  	_ =	shalt  }
0x3e: {  	_ =	shalt  }
0x3f: {  	_ =	shalt  }
0x40: {  	_ =	shalt  }
0x41: {  	_ =	shalt  }
0x42: {  	_ =	shalt  }
0x43: {  	_ =	shalt  }
0x44: {  	_ =	shalt  }
0x45: {  	_ =	shalt  }
0x46: {  	_ =	shalt  }
0x47: {  	_ =	shalt  }
0x48: {  	_ =	shalt  }
0x49: {  	_ =	shalt  }
0x4a: {  	_ =	shalt  }
0x4b: {  	_ =	shalt  }
0x4c: {  	_ =	shalt  }
0x4d: {  	_ =	shalt  }
0x4e: {  	_ =	shalt  }
0x4f: {  	_ =	shalt  }
0x50: {  	_ =	shalt  }
0x51: {  	_ =	shalt  }
0x52: {  	_ =	shalt  }
0x53: {  	_ =	shalt  }
0x54: {  	_ =	shalt  }
0x55: {  	_ =	shalt  }
0x56: {  	_ =	shalt  }
0x57: {  	_ =	shalt  }
0x58: {  	_ =	shalt  }
0x59: {  	_ =	shalt  }
0x5a: {  	_ =	shalt  }
0x5b: {  	_ =	shalt  }
0x5c: {  	_ =	shalt  }
0x5d: {  	_ =	shalt  }
0x5e: {  	_ =	shalt  }
0x5f: {  	_ =	shalt  }
0x60: {  	_ =	shalt  }
0x61: {  	_ =	shalt  }
0x62: {  	_ =	shalt  }
0x63: {  	_ =	shalt  }
0x64: {  	_ =	shalt  }
0x65: {  	_ =	shalt  }
0x66: {  	_ =	shalt  }
0x67: {  	_ =	shalt  }
0x68: {  	_ =	shalt  }
0x69: {  	_ =	shalt  }
0x6a: {  	_ =	shalt  }
0x6b: {  	_ =	shalt  }
0x6c: {  	_ =	shalt  }
0x6d: {  	_ =	shalt  }
0x6e: {  	_ =	shalt  }
0x6f: {  	_ =	shalt  }
0x70: {  	_ =	shalt  }
0x71: {  	_ =	shalt  }
0x72: {  	_ =	shalt  }
0x73: {  	_ =	shalt  }
0x74: {  	_ =	shalt  }
0x75: {  	_ =	shalt  }
0x76: {  	_ =	shalt  }
0x77: {  	_ =	shalt  }
0x78: {  	_ =	shalt  }
0x79: {  	_ =	shalt  }
0x7a: {  	_ =	shalt  }
0x7b: {  	_ =	shalt  }
0x7c: {  	_ =	shalt  }
0x7d: {  	_ =	shalt  }
0x7e: {  	_ =	shalt  }
0x7f: {  	_ =	shalt  }
0x80: {  	_ =	shalt  }
0x81: {  	_ =	shalt  }
0x82: {  	_ =	shalt  }
0x83: {  	_ =	shalt  }
0x84: {  	_ =	shalt  }
0x85: {  	_ =	shalt  }
0x86: {  	_ =	shalt  }
0x87: {  	_ =	shalt  }
.Lfunc_end0:
.L_simem_size_0:
called_computation_lowered:
.L_overlay_start_0:
0x88: {  	s2 =	sld [smem:$0x3FD9]  }
0x89: {  	s3 =	sld [smem:$0x3FFE];
	_ =	sdelay $0x1  }
0x8a: {  	s1 =	srdreg.scid  }
0x8b: {  	s0 =	sand.u32 $0x1, s1  }
0x8c: {  	s17 =	sshll.u32 s0, $0xA;
	s2 =	sadd.s32 s3, s2  }
0x8d: {  	s2 =	sadd.s32 s2, s17  }
0x8e: {  	[smem:$0x3FB5] =	sst s2  }
0x8f: {  	_ = 	snop  }
0x90: {  	(tm) =	ssettm $0x1  }
0x91: {  	s18 =	sld [smem:$0x3FFB];
	_ =	sdelay $0x3  }
0x92: {  	_ =	strace s18  }
0x93: {  	s2 =	sld [smem:$0x3FFC];
	_ =	sdelay $0x3  }
0x94: {  	_ =	strace s2  }
0x95: {  	s2 =	sld [smem:$0x3FFD];
	_ =	sdelay $0x3  }
0x96: {  	_ =	strace s2  }
0x97: {  	_ =	strace $0x8FFFFFFF  }
0x98: {  	s19 =	sld [smem:$0x3FDB];
	_ =	sdelay $0x1  }
0x99: {  	s20 =	simm.s32 $_scs_section_size  }
0x9a: {  	s4 =	simm.s32 $_size__tile_overlayer_lowered;
	s5 =	simm.s32 $_tile_overlayer_lowered  }
0x9b: {  	s6 =	simm.s32 $0x1BFF;
	s21 =	sshll.u32 s5, $0x1;
	s3 =	sadd.s32 s20, s19  }
0x9c: {  	s22 =	simm.s32 $0x0;
	s4 =	sshll.u32 s4, $0x1;
	s5 =	sadd.s32 s21, s3  }
0x9d: {  	[timem:s22], [sflag:s6] =	dma.local [hbm:s5], s4  }
0x9e: {  	_ =	swait.ge [sflag:s6], s4  }
0x9f: {  	s4 =	ssub.s32 $0x0, s4;
	[sflag:s6] =	ssyncset.done $0x0  }
0xa0: {  	[sflag:s6] =	ssyncadd.s32 s4;
	_ =	sdelay $0x1  }
0xa1: {  	s23 =	simm.s32 $0x1B8B  }
0xa2: {  	_ =	swait.ge [sflag:s23], $0x1  }
0xa3: {  	[sflag:s23] =	ssyncset.done $0x0  }
0xa4: {  	[sflag:s23] =	ssyncadd.s32 $0xFFFFFFFF  }
0xa5: {  	s4 =	sld [smem:$0x0]  }
0xa6: {  	s5 =	sand.u32 $0xFFFFFFFE, s1  }
0xa7: {  	p0 =	sne.s32 s1, s5  }
0xa8: {  	s5 =	sshll.u32 @p0 s5, $0xE  }
0xa9: {  	s5 =	sadd.s32 @p0 $0x11B8D, s5;
	s6 =	sshll.u32 @p0 s4, $0x11  }
0xaa: {  	s5 =	sor.u32 @p0 s6, s5  }
0xab: {  	[sflag:s5] =	ssyncadd.remote.s32 @p0 $0x1;
	_ =	sdelay $0x1  }
0xac: {  	s5 =	simm.s32 @p0 $0x1B8D  }
0xad: {  	_ =	swait.eq @p0 [sflag:s5], $0x1  }
0xae: {  	[sflag:s5] =	ssyncadd.s32 @p0 $0xFFFFFFFF  }
0xaf: {  	s6 =	sshll.u32 @!p0 s1, $0xE  }
0xb0: {  	s6 =	sor.u32 @!p0 $0x4000, s6;
	s5 =	simm.s32 @!p0 $0x1B8D  }
0xb1: {  	s4 =	sshll.u32 @!p0 s4, $0x11;
	s6 =	sadd.s32 @!p0 $0x11B8D, s6;
	_ =	swait.eq @!p0 [sflag:s5], $0x1  }
0xb2: {  	s4 =	sor.u32 @!p0 s4, s6;
	[sflag:s5] =	ssyncadd.s32 @!p0 $0xFFFFFFFF  }
0xb3: {  	s25 =	simm.s32 $0x1B8E;
	s24 =	sld [smem:$0x3FFE];
	[sflag:s4] =	ssyncadd.remote.s32 @!p0 $0x1  }
0xb4: {  	s26 =	simm.s32 $execute0_lowered;
	[smem:$0x3FD2] =	sst s25  }
0xb5: {  	s5 =	sshll.u32 s26, $0x1;
	_ =	strace $0x80000049;
	[dreg:$0x1] =	wrdreg $0xFFFFFFFF  }
0xb6: {  	s28 =	simm.s32 $_size_execute0_lowered;
	s3 =	sadd.s32 s3, s5;
	[dreg:$0x0] =	wrdreg $0x0  }
0xb7: {  	s5 =	sshll.u32 s28, $0x1;
	[dreg:$0x2] =	wrdreg s3  }
0xb8: {  	[dreg:$0x3] =	wrdreg s5  }
0xb9: {  	[dreg:$0x4] =	wrdreg $0xC0  }
0xba: {  	_ =	task [dreg:s22], $0x5FFFF  }
0xbb: {  	[dreg:$0x1] =	wrdreg $0xFFFFFFFF  }
0xbc: {  	[dreg:$0x0] =	wrdreg $0x60  }
0xbd: {  	[dreg:$0x2] =	wrdreg s24  }
0xbe: {  	[dreg:$0x3] =	wrdreg $0x58000  }
0xbf: {  	[dreg:$0x4] =	wrdreg $0x9  }
0xc0: {  	_ =	task.clear_ibuf [dreg:s22], $0x5FFFF;
	_ =	strace $0x90000049  }
0xc1: {  	s29 =	simm.s32 $0x9;
	_ =	strace $0x8000004B  }
0xc2: {  	_ =	swait.ge [sflag:s29], $0x1  }
0xc3: {  	[sflag:s29] =	ssyncadd.s32 $0xFFFFFFFF  }
0xc4: {  	_ =	strace $0x9000004B  }
0xc5: {  	_ =	sfence  }
0xc6: {  	s30 =	sld [smem:$0x0];
	_ =	sdelay $0x2  }
0xc7: {  	s31 =	sshll.u32 s1, $0xD;
	s1 =	sshrl.u32 s1, $0x2  }
0xc8: {  	s4 =	sand.u32 $0x4000, s31;
	s1 =	sadd.s32 s1, s30  }
0xc9: {  	s0 =	sor.u32 s4, s0;
	s1 =	sshll.u32 s1, $0x11  }
0xca: {  	s0 =	sor.u32 s1, s0  }
0xcb: {  	s0 =	sadd.s32 $0x8F2B, s0  }
0xcc: {  	[sflag:s0] =	ssyncadd.remote.s32 $0x1  }
0xcd: {  	_ =	sfence.sel $0xFFFF  }
0xce: {  	[dreg:$0x0] =	wrdreg $0xFFFFFFFF;
	(pc) =	sbr.abs _section_cstart, $3  }
0xcf: {  	[dreg:$0x1] =	wrdreg $0xFFFFFFFF  }
0xd0: {  	_ =	task.clear_ibuf [dreg:s22], $0x2FFFF;
	_ =	strace $0x9FFFFFFF  }
0xd1: {  	(tm) =	ssettm $0x7FFFFFFF  }
tec
execute0_lowered:
.L_overlay_start_1:
0x0: {  	(tag) =	ssettag $0x1  }
0x1: {  	s0 =	srdreg.scid;
	s6 =	rddreg [dreg:$0x0]  }
0x2: {  	s2 =	rddreg [dreg:$0x1];
	s3 =	simm.s32 $0x0;
	s15 =	simm.s32 $0x80  }
0x3: {  	s19 =	simm.s32 $0x0;
	s5 =	sand.u32 $0x1, s0;
	s0 =	stileid.u32  }
0x4: {  	[smem:$0x7FF] =	sst s3;
	s1 =	sshll.u32 s5, $0x4;
	s8 =	smul.u32 $0x4E20, s5  }
0x5: {  	s9 =	ssub.s32 $0x2, s5;
	s10 =	smul.u32 $0x9C40, s0;
	s5 =	sadd.s32 $0x78400, s6  }
0x6: {  	s12 =	smul.u32 $0x2710, s0;
	s31 =	sshll.u32 s0, $0x6;
	s4 =	sor.u32 s0, s1  }
0x7: {  	s1 =	rddreg [dreg:$0x2];
	_ =	strace $0x8000004A;
	s11 =	sshrl.u32 s9, $0x1  }
0x8: {  	s4 =	smul.u32 $0xA00, s4;
	s13 =	sadd.s32 s8, s6;
	s29 =	sshrl.u32 s10, $0x2  }
0x9: {  	s14 =	ssub.s32 s9, s11;
	s17 =	sshrl.u32 s12, $0x3;
	s30 =	sadd.s32 s29, s2  }
0xa: {  	s16 =	sadd.s32 $0x78800, s13;
	s13 =	simm.s32 $0x1;
	s7 =	sadd.s32 s4, s6  }
0xb: {  	s4 =	sadd.s32 $0x78600, s6;
	s8 =	sadd.s32 $0x800, s30;
	s9 =	sadd.s32 $0x1000, s30  }
0xc: {  	s10 =	sadd.s32 $0x1800, s30;
	s11 =	sadd.s32 $0x2000, s30;
	s16 =	sadd.s32 s17, s16  }
0xd: {  	s17 =	sor.u32 $0x1C01, s31;
	s6 =	sadd.s32 $0x1A00, s7;
	s7 =	sadd.s32 s12, s2  }
0xe: {  	s12 =	smax.u32 s14, $0x1;
	s14 =	simm.s32 $0x5000;
	s18 =	sshrl.u32 s7, $0x3  }
.LBB2_1:
0xf: {  	[tilespmem:s3], [sflag:$0x1] =	stream.linear.gather [hbm4b:s6+s3], $0x5000, $0x38;
	[tilespmem:$0x7F40] =	vst v63  }
0x10: {  	_ =	swait.ge [sflag:s13], $0x5000  }
0x11: {  	[sflag:s13] =	ssyncset.done $0x0  }
0x12: {  	[sflag:s13] =	ssyncadd.s32 $0xFFFFB000  }
0x13: {  	[tilespmem:s14], [sflag:$0x1] =	stream.linear.gather [hbm4b:s4+s3], $0x800, $0x38;
	[tilespmem:$0x7F40] =	vst v63  }
0x14: {  	_ =	swait.ge [sflag:s13], $0x800  }
0x15: {  	[sflag:s13] =	ssyncset.done $0x0  }
0x16: {  	[sflag:s13] =	ssyncadd.s32 $0xFFFFF800  }
0x17: {  	[spmem:s7] =	stream.linear.scatter [tilespmem:s14], [sflag:$0x1], $0x800, $0x38;
	[tilespmem:$0x7F40] =	vst v63  }
0x18: {  	_ =	swait.ge [sflag:s13], $0x800  }
0x19: {  	[sflag:s13] =	ssyncset.done $0x0  }
0x1a: {  	[sflag:s13] =	ssyncadd.s32 $0xFFFFF800  }
0x1b: {  	[spmem:s8] =	stream.linear.scatter [tilespmem:s14], [sflag:$0x1], $0x800, $0x38;
	[tilespmem:$0x7F40] =	vst v63  }
0x1c: {  	_ =	swait.ge [sflag:s13], $0x800  }
0x1d: {  	[sflag:s13] =	ssyncset.done $0x0  }
0x1e: {  	[sflag:s13] =	ssyncadd.s32 $0xFFFFF800  }
0x1f: {  	[spmem:s9] =	stream.linear.scatter [tilespmem:s14], [sflag:$0x1], $0x800, $0x38;
	[tilespmem:$0x7F40] =	vst v63  }
0x20: {  	_ =	swait.ge [sflag:s13], $0x800  }
0x21: {  	[sflag:s13] =	ssyncset.done $0x0  }
0x22: {  	[sflag:s13] =	ssyncadd.s32 $0xFFFFF800  }
0x23: {  	[spmem:s10] =	stream.linear.scatter [tilespmem:s14], [sflag:$0x1], $0x800, $0x38;
	[tilespmem:$0x7F40] =	vst v63  }
0x24: {  	_ =	swait.ge [sflag:s13], $0x800  }
0x25: {  	[sflag:s13] =	ssyncset.done $0x0  }
0x26: {  	[sflag:s13] =	ssyncadd.s32 $0xFFFFF800  }
0x27: {  	[spmem:s11] =	stream.linear.scatter [tilespmem:s14], [sflag:$0x1], $0x710, $0x38;
	[tilespmem:$0x7F40] =	vst v63  }
0x28: {  	_ =	swait.ge [sflag:s13], $0x710  }
0x29: {  	[sflag:s13] =	ssyncset.done $0x0  }
0x2a: {  	[sflag:s13] =	ssyncadd.s32 $0xFFFFF8F0  }
0x2b: {  	[tilespmem:s14], [sflag:$0x1] =	stream.linear.gather [hbm4b:s5+s3], $0x800, $0x38;
	[tilespmem:$0x7F40] =	vst v63  }
0x2c: {  	_ =	swait.ge [sflag:s13], $0x800  }
0x2d: {  	[sflag:s13] =	ssyncset.done $0x0  }
0x2e: {  	[sflag:s13] =	ssyncadd.s32 $0xFFFFF800  }
0x2f: {  	s20 =	simm.s32 $0x0;
	[bflag:$0x0] =	sbarrier.arrive $0xFFFF  }
0x30: {  	[spmem:s2] =	stream.indirect.scatter.add.f32 [tilespmem:s14], [sflag:$0x1], $0x10, s20, s15, $0xb8;
	[tilespmem:$0x7F40] =	vst v63  }
0x31: {  	_ =	swait.ge [sflag:s13], $0x800  }
0x32: {  	s20 =	simm.s32 $0x200;
	[sflag:s13] =	ssyncset.done $0x0  }
.LBB2_2:
0x33: {  	s21 =	sshra.s32 s20, $0x2;
	[sflag:s13] =	ssyncadd.s32 $0xFFFFF800;
	p0 =	sne.s32 s20, $0x13E00  }
0x34: {  	[spmem:s2] =	stream.indirect.scatter.add.f32 [tilespmem:s14], [sflag:$0x1], $0x10, s21, s15, $0xb8;
	[tilespmem:$0x7F40] =	vst v63  }
.Ltmp0:
0x35: {  	_ = 	snop;
	(pc) =	sbr.rel @p0 .LBB2_2-.Ltmp0, $4  }
0x36: {  	_ = 	snop  }
0x37: {  	s20 =	sadd.s32 $0x200, s20  }
0x38: {  	_ =	swait.ge [sflag:s13], $0x800  }
0x39: {  	[sflag:s13] =	ssyncset.done $0x0  }
0x3a: {  	s19 =	sadd.s32 $0x1, s19  }
0x3b: {  	[sflag:s13] =	ssyncadd.s32 $0xFFFFF800;
	p0 =	sne.s32 s19, s12  }
.Ltmp1:
0x3c: {  	[bflag:$0x0] =	sbarrier.arrive $0xFFFF;
	(pc) =	sbr.rel @p0 .LBB2_1-.Ltmp1, $4  }
0x3d: {  	[hbm:s16], [sflag:s17] =	dma.local [spmem:s18], $0x4E2  }
0x3e: {  	_ =	swait.ge [sflag:s13], $0x4E2  }
0x3f: {  	[sflag:s13] =	ssyncset.done $0x0  }
0x40: {  	[sflag:s13] =	ssyncadd.s32 $0xFFFFFB1E  }
0x41: {  	_ =	sfence.sel $0x180000  }
0x42: {  	[bflag:$0x0] =	sbarrier.arrive $0xFFFF  }
0x43: {  	p0 =	sne.s32 s0, $0x0;
	_ =	strace $0x9000004A  }
0x44: {  	s0 =	sadd.s32 @!p0 $0x100000, s1;
	[bflag:$0x2] =	sbarrier.arrive $0xFFFF  }
0x45: {  	[sflag:s0] =	ssyncadd.tile.s32 @!p0 $0x1;
	_ =	shalt  }
.Lfunc_end2:
_tile_overlayer_lowered:
.L_overlay_start_2:
0x46: {  	(tag) =	ssettag $0x2  }
0x47: {  	s0 =	rddreg [dreg:$0x0];
	s2 =	stileid.u32  }
0x48: {  	s1 =	rddreg [dreg:$0x1];
	p0 =	sne.s32 s2, $0x0  }
0x49: {  	s3 =	rddreg [dreg:$0x2];
	[bflag:$0x3] =	sbarrier.arrive $0xFFFF;
	s2 =	simm.s32 @!p0 $0x1C01  }
0x4a: {  	[timem:s3], [sflag:s2] =	dma.local @!p0 [hbm:s0], s1  }
0x4b: {  	s0 =	simm.s32 @!p0 $0x1  }
0x4c: {  	_ =	swait.ge @!p0 [sflag:s0], s1  }
0x4d: {  	s1 =	ssub.s32 @!p0 $0x0, s1;
	[sflag:s0] =	ssyncset.done @!p0 $0x0  }
0x4e: {  	[sflag:s0] =	ssyncadd.s32 @!p0 s1  }
0x4f: {  	[bflag:$0x3] =	sbarrier.arrive $0xFFFF  }
0x50: {  	_ =	shalt  }

// kernel: kernel.15.cloned.1.call-start
scs
__scs_entry_jumppad:
0x0: {  	(pc) =	sbr.rel $0x88, $3  }
0x1: {  	(tag) =	ssettag $0x0;
	lr =	simm.s32 $0x1  }
0x2: {  	[smem:$0x3F8E] =	sst lr;
	_ =	strace $0xD0000000  }
0x3: {  	_ = 	snop  }
0x4: {  	_ = 	snop  }
0x5: {  	_ = 	snop  }
0x6: {  	_ = 	snop  }
0x7: {  	_ = 	snop  }
__scs_overlays_trampoline_lowered:
0x8: {  	[smem:$0x3F9D] =	sst s0  }
0x9: {  	[smem:$0x3F9E] =	sst s1  }
0xa: {  	[smem:$0x3F9F] =	sst s2  }
0xb: {  	[smem:$0x3FA0] =	sst s3  }
0xc: {  	[smem:$0x3FA1] =	sst s4  }
0xd: {  	[smem:$0x3FA2] =	sst s5  }
0xe: {  	[smem:$0x3FA3] =	sst s6  }
0xf: {  	[smem:$0x3FA4] =	sst s7  }
0x10: {  	[smem:$0x3FA5] =	sst s8  }
0x11: {  	[smem:$0x3FA6] =	sst s9;
	s0 =	simm.s32 @!p0 $0x0  }
0x12: {  	s1 =	sld [smem:$0x3F8C];
	s0 =	simm.s32 @p0 $0x1  }
0x13: {  	[smem:$0x3FA7] =	sst s0;
	s0 =	simm.s32 @!p1 $0x0  }
0x14: {  	s2 =	sld [smem:$0x3F8B];
	s0 =	simm.s32 @p1 $0x1  }
0x15: {  	[smem:$0x3FA8] =	sst s0;
	s0 =	simm.s32 @!p2 $0x0  }
0x16: {  	s3 =	sld [smem:$0x3FDB];
	s0 =	simm.s32 @p2 $0x1  }
0x17: {  	s4 =	simm.s32 $0x1BF5;
	[smem:$0x3FAA] =	sst s0  }
0x18: {  	s0 =	sld [smem:$0x3F8D];
	_ =	swait.ge [sflag:s4], $0x0  }
0x19: {  	s7 =	sld [smem:$0x3F8E]  }
0x1a: {  	s8 =	sadd.s32 $0xFFFFE003, lr  }
0x1b: {  	s9 =	sadd.s32 $0xFFFFFEF7, lr;
	s5 =	simm.s32 $0xFFFFFFFF;
	p2 =	slt.u32 s8, $0xFFFFF086  }
0x1c: {  	p1 =	slt.u32 s9, $0xF7A;
	s5 =	simm.s32 @!p2 $0x0  }
0x1d: {  	s5 =	simm.s32 @p1 $0x1;
	p0 =	seq.s32 s7, s2  }
0x1e: {  	s7 =	smul.u32 @!p0 $0xF7A, s2;
	p2 =	seq.s32 @!p0 s5, $0x0  }
0x1f: {  	s9 =	smul.u32 $0xF7A, s1;
	s8 =	simm.s32 @!p0 $0x1BF5;
	p2 =	por !p2, p0  }
0x20: {  	[sflag:s8] =	ssyncset.s32 @!p0 $0xFFFFF086;
	s6 =	sadd.s32 @!p0 s3, s7;
	s7 =	simm.s32 @!p0 $0x108  }
0x21: {  	s3 =	sadd.s32 s3, s9;
	s6 =	sadd.s32 @!p0 $0x88, s6;
	s7 =	simm.s32 @p2 $0x1082  }
0x22: {  	[simem:s7], [sflag:s8] =	dma.local @!p0 [hbm:s6], $0xF7A  }
0x23: {  	s9 =	sor.u32 $0xD0000000, s2;
	s6 =	simm.s32 $0x108;
	_ =	swait.ge @!p0 [sflag:s8], $0x0  }
0x24: {  	s3 =	sadd.s32 $0x88, s3;
	s6 =	simm.s32 @!p1 $0x1082;
	[sflag:s4] =	ssyncset.s32 $0xFFFFF086  }
0x25: {  	[simem:s6], [sflag:s4] =	dma.local [hbm:s3], $0xF7A  }
0x26: {  	[smem:$0x3F8E] =	sst s1;
	(tag) =	ssettag s2;
	_ =	strace s9  }
0x27: {  	s1 =	sld [smem:$0x3F9E]  }
0x28: {  	s2 =	sld [smem:$0x3F9F]  }
0x29: {  	s4 =	sld [smem:$0x3FA1]  }
0x2a: {  	p0 =	seq.s32 s5, $0x0;
	s5 =	sld [smem:$0x3FA2]  }
0x2b: {  	s6 =	sld [smem:$0x3FA3]  }
0x2c: {  	s7 =	sld [smem:$0x3FA4]  }
0x2d: {  	s3 =	simm.s32 $0x108;
	s8 =	sld [smem:$0x3FA5]  }
0x2e: {  	s3 =	simm.s32 @!p0 $0x1082;
	s9 =	sld [smem:$0x3FA6]  }
0x2f: {  	lr =	sadd.s32 s0, s3;
	s0 =	sld [smem:$0x3F9D]  }
0x30: {  	s3 =	sld [smem:$0x3FA0]  }
0x31: {  	[smem:$0x3FA9] =	sst s10  }
0x32: {  	s10 =	sld [smem:$0x3FA7];
	_ =	sdelay $0x3  }
0x33: {  	p0 =	seq.s32 s10, $0x1;
	s10 =	sld [smem:$0x3FA9];
	_ =	sdelay $0x3  }
0x34: {  	[smem:$0x3FA9] =	sst s10  }
0x35: {  	s10 =	sld [smem:$0x3FA8];
	_ =	sdelay $0x3  }
0x36: {  	p1 =	seq.s32 s10, $0x1;
	s10 =	sld [smem:$0x3FA9];
	_ =	sdelay $0x3  }
0x37: {  	[smem:$0x3FA9] =	sst s10  }
0x38: {  	s10 =	sld [smem:$0x3FAA]  }
0x39: {  	_ = 	snop;
	(pc) =	sbr.ind lr, $3  }
0x3a: {  	_ = 	snop  }
0x3b: {  	_ = 	snop  }
0x3c: {  	p2 =	seq.s32 s10, $0x1;
	s10 =	sld [smem:$0x3FA9]  }
0x3d: {  	_ =	shalt  }
0x3e: {  	_ =	shalt  }
0x3f: {  	_ =	shalt  }
0x40: {  	_ =	shalt  }
0x41: {  	_ =	shalt  }
0x42: {  	_ =	shalt  }
0x43: {  	_ =	shalt  }
0x44: {  	_ =	shalt  }
0x45: {  	_ =	shalt  }
0x46: {  	_ =	shalt  }
0x47: {  	_ =	shalt  }
0x48: {  	_ =	shalt  }
0x49: {  	_ =	shalt  }
0x4a: {  	_ =	shalt  }
0x4b: {  	_ =	shalt  }
0x4c: {  	_ =	shalt  }
0x4d: {  	_ =	shalt  }
0x4e: {  	_ =	shalt  }
0x4f: {  	_ =	shalt  }
0x50: {  	_ =	shalt  }
0x51: {  	_ =	shalt  }
0x52: {  	_ =	shalt  }
0x53: {  	_ =	shalt  }
0x54: {  	_ =	shalt  }
0x55: {  	_ =	shalt  }
0x56: {  	_ =	shalt  }
0x57: {  	_ =	shalt  }
0x58: {  	_ =	shalt  }
0x59: {  	_ =	shalt  }
0x5a: {  	_ =	shalt  }
0x5b: {  	_ =	shalt  }
0x5c: {  	_ =	shalt  }
0x5d: {  	_ =	shalt  }
0x5e: {  	_ =	shalt  }
0x5f: {  	_ =	shalt  }
0x60: {  	_ =	shalt  }
0x61: {  	_ =	shalt  }
0x62: {  	_ =	shalt  }
0x63: {  	_ =	shalt  }
0x64: {  	_ =	shalt  }
0x65: {  	_ =	shalt  }
0x66: {  	_ =	shalt  }
0x67: {  	_ =	shalt  }
0x68: {  	_ =	shalt  }
0x69: {  	_ =	shalt  }
0x6a: {  	_ =	shalt  }
0x6b: {  	_ =	shalt  }
0x6c: {  	_ =	shalt  }
0x6d: {  	_ =	shalt  }
0x6e: {  	_ =	shalt  }
0x6f: {  	_ =	shalt  }
0x70: {  	_ =	shalt  }
0x71: {  	_ =	shalt  }
0x72: {  	_ =	shalt  }
0x73: {  	_ =	shalt  }
0x74: {  	_ =	shalt  }
0x75: {  	_ =	shalt  }
0x76: {  	_ =	shalt  }
0x77: {  	_ =	shalt  }
0x78: {  	_ =	shalt  }
0x79: {  	_ =	shalt  }
0x7a: {  	_ =	shalt  }
0x7b: {  	_ =	shalt  }
0x7c: {  	_ =	shalt  }
0x7d: {  	_ =	shalt  }
0x7e: {  	_ =	shalt  }
0x7f: {  	_ =	shalt  }
0x80: {  	_ =	shalt  }
0x81: {  	_ =	shalt  }
0x82: {  	_ =	shalt  }
0x83: {  	_ =	shalt  }
0x84: {  	_ =	shalt  }
0x85: {  	_ =	shalt  }
0x86: {  	_ =	shalt  }
0x87: {  	_ =	shalt  }
.Lfunc_end0:
.L_simem_size_0:
called_computation.1_lowered:
.L_overlay_start_0:
0x88: {  	s2 =	sld [smem:$0x3FD9]  }
0x89: {  	s3 =	sld [smem:$0x3FFE];
	_ =	sdelay $0x1  }
0x8a: {  	s1 =	srdreg.scid  }
0x8b: {  	s0 =	sand.u32 $0x1, s1  }
0x8c: {  	s17 =	sshll.u32 s0, $0xA;
	s2 =	sadd.s32 s3, s2  }
0x8d: {  	s2 =	sadd.s32 s2, s17  }
0x8e: {  	[smem:$0x3FB5] =	sst s2  }
0x8f: {  	_ = 	snop  }
0x90: {  	s2 =	sld [smem:$0x3FC9];
	(tm) =	ssettm $0x1  }
0x91: {  	s18 =	sld [smem:$0x3FFB];
	_ =	sdelay $0x3  }
0x92: {  	_ =	strace s18  }
0x93: {  	s3 =	sld [smem:$0x3FFC];
	_ =	sdelay $0x3  }
0x94: {  	_ =	strace s3  }
0x95: {  	s3 =	sld [smem:$0x3FFD];
	_ =	sdelay $0x3  }
0x96: {  	_ =	strace s3  }
0x97: {  	_ =	strace $0x8FFFFFFF  }
0x98: {  	s19 =	sld [smem:$0x3FDB];
	_ =	sdelay $0x1  }
0x99: {  	s4 =	simm.s32 $_scs_section_size  }
0x9a: {  	s5 =	simm.s32 $_size__tile_overlayer_lowered;
	s6 =	simm.s32 $_tile_overlayer_lowered  }
0x9b: {  	s22 =	simm.s32 $0x1BFF;
	s21 =	sshll.u32 s6, $0x1;
	s3 =	sadd.s32 s4, s19  }
0x9c: {  	s7 =	simm.s32 $0x0;
	s20 =	sshll.u32 s5, $0x1;
	s5 =	sadd.s32 s21, s3  }
0x9d: {  	[timem:s7], [sflag:s22] =	dma.local [hbm:s5], s20  }
0x9e: {  	_ =	swait.ge [sflag:s22], s20  }
0x9f: {  	s4 =	ssub.s32 $0x0, s20;
	[sflag:s22] =	ssyncset.done $0x0  }
0xa0: {  	[sflag:s22] =	ssyncadd.s32 s4;
	_ =	sdelay $0x1  }
0xa1: {  	s23 =	simm.s32 $0x1B8B  }
0xa2: {  	_ =	swait.ge [sflag:s23], $0x1  }
0xa3: {  	[sflag:s23] =	ssyncset.done $0x0  }
0xa4: {  	s25 =	simm.s32 $0x1B8E;
	s24 =	sld [smem:$0x3FFE];
	[sflag:s23] =	ssyncadd.s32 $0xFFFFFFFF  }
0xa5: {  	s26 =	simm.s32 $execute0_lowered;
	[smem:$0x3FD2] =	sst s25  }
0xa6: {  	s5 =	sshll.u32 s26, $0x1;
	_ =	strace $0x80000046;
	[dreg:$0x1] =	wrdreg $0xFFFFFFFF  }
0xa7: {  	s28 =	simm.s32 $_size_execute0_lowered;
	s3 =	sadd.s32 s3, s5;
	[dreg:$0x0] =	wrdreg $0x0  }
0xa8: {  	s5 =	sshll.u32 s28, $0x1;
	[dreg:$0x2] =	wrdreg s3  }
0xa9: {  	[dreg:$0x3] =	wrdreg s5  }
0xaa: {  	[dreg:$0x4] =	wrdreg $0xC0  }
0xab: {  	_ =	task [dreg:s7], $0x5FFFF  }
0xac: {  	[dreg:$0x1] =	wrdreg $0xFFFFFFFF  }
0xad: {  	[dreg:$0x0] =	wrdreg $0x60  }
0xae: {  	[dreg:$0x2] =	wrdreg s2  }
0xaf: {  	[dreg:$0x3] =	wrdreg s24  }
0xb0: {  	[dreg:$0x4] =	wrdreg $0xA8000  }
0xb1: {  	[dreg:$0x5] =	wrdreg $0xA  }
0xb2: {  	_ =	task.clear_ibuf [dreg:s7], $0x6FFFF;
	_ =	strace $0x90000046  }
0xb3: {  	s29 =	simm.s32 $0xA;
	_ =	strace $0x80000048  }
0xb4: {  	_ =	swait.ge [sflag:s29], $0x1  }
0xb5: {  	[sflag:s29] =	ssyncadd.s32 $0xFFFFFFFF  }
0xb6: {  	_ =	strace $0x90000048  }
0xb7: {  	_ =	sfence  }
0xb8: {  	s30 =	sld [smem:$0x0];
	_ =	sdelay $0x2  }
0xb9: {  	s31 =	sshll.u32 s1, $0xD;
	s1 =	sshrl.u32 s1, $0x2  }
0xba: {  	s3 =	sand.u32 $0x4000, s31;
	s1 =	sadd.s32 s1, s30  }
0xbb: {  	s0 =	sor.u32 s3, s0;
	s1 =	sshll.u32 s1, $0x11  }
0xbc: {  	s0 =	sor.u32 s1, s0  }
0xbd: {  	s0 =	sadd.s32 $0x8F2B, s0  }
0xbe: {  	[sflag:s0] =	ssyncadd.remote.s32 $0x1  }
0xbf: {  	_ =	sfence.sel $0xFFFF  }
0xc0: {  	[dreg:$0x0] =	wrdreg $0xFFFFFFFF;
	(pc) =	sbr.abs _section_cstart, $3  }
0xc1: {  	[dreg:$0x1] =	wrdreg $0xFFFFFFFF  }
0xc2: {  	_ =	task.clear_ibuf [dreg:s7], $0x2FFFF;
	_ =	strace $0x9FFFFFFF  }
0xc3: {  	(tm) =	ssettm $0x7FFFFFFF  }
tec
execute0_lowered:
.L_overlay_start_1:
0x0: {  	(tag) =	ssettag $0x1  }
0x1: {  	s1 =	rddreg [dreg:$0x0]  }
0x2: {  	s0 =	rddreg [dreg:$0x1]  }
0x3: {  	s2 =	rddreg [dreg:$0x2];
	s3 =	simm.s32 $0x0  }
0x4: {  	s4 =	srdreg.scid;
	s10 =	stileid.u32;
	s20 =	simm.s32 $0x2800  }
0x5: {  	s21 =	simm.s32 $0x5;
	s28 =	simm.s32 $0x2;
	s29 =	simm.s32 $0x1480  }
0x6: {  	s30 =	simm.s32 $0x3;
	s31 =	simm.s32 $0x100;
	s19 =	smul.u32 $0x13880, s10  }
0x7: {  	[smem:$0x7FF] =	sst s3;
	s4 =	sand.u32 $0x1, s4;
	s22 =	smul.u32 $0x4E200, s10  }
0x8: {  	s7 =	sadd.s32 $0x15A00, s0;
	s18 =	sadd.s32 $0x1A00, s0;
	s10 =	smul.u32 $0x5000, s10  }
0x9: {  	s6 =	sadd.s32 $0x29A00, s0;
	s5 =	smul.u32 $0x27100, s4;
	_ =	strace $0x80000047  }
0xa: {  	[dreg:$0x4] =	wrdreg s6;
	s23 =	ssub.s32 $0x2, s4;
	s4 =	smul.u32 $0x50000, s4  }
0xb: {  	s8 =	sshrl.u32 s23, $0x1;
	s9 =	sshrl.u32 s22, $0x2;
	s6 =	sadd.s32 s19, s2  }
0xc: {  	s26 =	sshrl.u32 s19, $0x3;
	s22 =	simm.s32 $0x1400;
	s0 =	sadd.s32 s5, s0  }
0xd: {  	s5 =	ssub.s32 s23, s8;
	s11 =	sadd.s32 s9, s2;
	s4 =	sadd.s32 s10, s4  }
0xe: {  	s23 =	simm.s32 $0x80;
	s24 =	sadd.s32 $0x4000, s11;
	s25 =	sadd.s32 $0x8000, s11  }
0xf: {  	s9 =	sadd.s32 $0xC000, s11;
	s10 =	sadd.s32 $0x10000, s11;
	s4 =	sshrl.u32 s4, $0x3  }
0x10: {  	s0 =	sadd.s32 $0x2A200, s0;
	s19 =	smax.u32 s5, $0x1;
	[dreg:$0x5] =	wrdreg s24  }
0x11: {  	[dreg:$0x6] =	wrdreg s25;
	s11 =	sadd.s32 s7, s4;
	s12 =	sadd.s32 s18, s4  }
.Ltmp0:
0x12: {  	s14 =	sadd.s32 $0x280, s4;
	s16 =	sadd.s32 $0x500, s4;
	(pc) =	sbr.rel .LBB2_1-.Ltmp0, $4  }
0x13: {  	s4 =	sadd.s32 $0x780, s4;
	s24 =	sadd.s32 s26, s0;
	s25 =	simm.s32 $0x6800  }
0x14: {  	s26 =	simm.s32 $0x1;
	s0 =	simm.s32 $0x4;
	s13 =	sadd.s32 s7, s14  }
0x15: {  	s14 =	sadd.s32 s18, s14;
	s15 =	sadd.s32 s7, s16;
	s16 =	sadd.s32 s18, s16  }
0x16: {  	s17 =	sadd.s32 s7, s4;
	s18 =	sadd.s32 s18, s4;
	s4 =	simm.s32 $0x0  }
.LBB2_13:
0x17: {  	_ =	swait.ge [sflag:s0], $0x4000;
	s5 =	stileid.u32  }
0x18: {  	s7 =	sshrl.u32 s6, $0x3;
	s4 =	sadd.s32 $0x1, s4;
	[sflag:s0] =	ssyncset.done $0x0  }
0x19: {  	s5 =	sshll.u32 s5, $0x6;
	p0 =	sne.s32 s4, s19;
	[sflag:s0] =	ssyncadd.s32 $0xFFFFC000  }
.Ltmp1:
0x1a: {  	s5 =	sor.u32 $0x1C05, s5;
	[bflag:$0x0] =	sbarrier.arrive $0xFFFF;
	(pc) =	sbr.rel @!p0 .LBB2_14-.Ltmp1, $4  }
0x1b: {  	[hbm:s24], [sflag:s5] =	dma.local [spmem:s7], $0x2710  }
0x1c: {  	_ =	swait.ge [sflag:s21], $0x2710  }
0x1d: {  	[sflag:s21] =	ssyncset.done $0x0  }
0x1e: {  	[sflag:s21] =	ssyncadd.s32 $0xFFFFD8F0  }
.LBB2_1:
0x1f: {  	s5 =	rddreg [dreg:$0x4]  }
0x20: {  	[tilespmem:s20], [sflag:$0x5] =	stream.linear.gather [hbm4b:s5+s3], $0x4000, $0x38;
	[tilespmem:$0x1E200] =	vst v63  }
0x21: {  	_ =	swait.ge [sflag:s21], $0x4000  }
0x22: {  	[sflag:s21] =	ssyncset.done $0x0  }
0x23: {  	[sflag:s21] =	ssyncadd.s32 $0xFFFFC000  }
0x24: {  	[spmem:s6] =	stream.linear.scatter [tilespmem:s20], [sflag:$0x5], $0x4000, $0x38;
	[tilespmem:$0x1E200] =	vst v63  }
0x25: {  	_ =	swait.ge [sflag:s21], $0x4000  }
0x26: {  	[sflag:s21] =	ssyncset.done $0x0  }
0x27: {  	s7 =	rddreg [dreg:$0x5];
	[sflag:s21] =	ssyncadd.s32 $0xFFFFC000  }
0x28: {  	[spmem:s7] =	stream.linear.scatter [tilespmem:s20], [sflag:$0x5], $0x4000, $0x38;
	[tilespmem:$0x1E200] =	vst v63  }
0x29: {  	_ =	swait.ge [sflag:s21], $0x4000  }
0x2a: {  	[sflag:s21] =	ssyncset.done $0x0  }
0x2b: {  	s8 =	rddreg [dreg:$0x6];
	[sflag:s21] =	ssyncadd.s32 $0xFFFFC000  }
0x2c: {  	[spmem:s8] =	stream.linear.scatter [tilespmem:s20], [sflag:$0x5], $0x4000, $0x38;
	[tilespmem:$0x1E200] =	vst v63  }
0x2d: {  	_ =	swait.ge [sflag:s21], $0x4000  }
0x2e: {  	[sflag:s21] =	ssyncset.done $0x0  }
0x2f: {  	[sflag:s21] =	ssyncadd.s32 $0xFFFFC000  }
0x30: {  	[spmem:s9] =	stream.linear.scatter [tilespmem:s20], [sflag:$0x5], $0x4000, $0x38;
	[tilespmem:$0x1E200] =	vst v63  }
0x31: {  	_ =	swait.ge [sflag:s21], $0x4000  }
0x32: {  	[sflag:s21] =	ssyncset.done $0x0  }
0x33: {  	[sflag:s21] =	ssyncadd.s32 $0xFFFFC000  }
0x34: {  	[spmem:s10] =	stream.linear.scatter [tilespmem:s20], [sflag:$0x5], $0x3880, $0x38;
	[tilespmem:$0x1E200] =	vst v63  }
0x35: {  	_ =	swait.ge [sflag:s21], $0x3880  }
0x36: {  	[sflag:s21] =	ssyncset.done $0x0  }
0x37: {  	[sflag:s21] =	ssyncadd.s32 $0xFFFFC780  }
0x38: {  	[bflag:$0x0] =	sbarrier.arrive $0xFFFF  }
0x39: {  	[tilespmem:s3], [sflag:$0x5] =	stream.linear.gather [hbm4b:s11+s3], $0x1400, $0x38;
	[tilespmem:$0x1E200] =	vst v63  }
0x3a: {  	_ =	swait.ge [sflag:s21], $0x1400  }
0x3b: {  	[sflag:s21] =	ssyncset.done $0x0  }
0x3c: {  	[sflag:s21] =	ssyncadd.s32 $0xFFFFEC00  }
0x3d: {  	[tilespmem:s22], [sflag:$0x5] =	stream.linear.gather [hbm4b:s12+s3], $0x1400, $0x38;
	[tilespmem:$0x1E200] =	vst v63  }
0x3e: {  	_ =	swait.ge [sflag:s21], $0x1400  }
0x3f: {  	[sflag:s21] =	ssyncset.done $0x0  }
0x40: {  	[sflag:s21] =	ssyncadd.s32 $0xFFFFEC00  }
0x41: {  	[tilespmem:s20], [sflag:$0x1] =	stream.indirect.gather [hbm4b:s1+s23], $0x80, s3, s23, $0xb8;
	[tilespmem:$0x1E200] =	vst v63  }
0x42: {  	_ = 	snop  }
0x43: {  	[tilespmem:s25], [sflag:$0x2] =	stream.indirect.gather [hbm4b:s1+s23], $0x80, s23, s23, $0xb8;
	[tilespmem:$0x1E200] =	vst v63  }
0x44: {  	_ =	swait.ge [sflag:s26], $0x4000  }
0x45: {  	[sflag:s26] =	ssyncset.done $0x0  }
0x46: {  	[sflag:s26] =	ssyncadd.s32 $0xFFFFC000  }
0x47: {  	[spmem:s2] =	stream.indirect.scatter.add.f32 [tilespmem:s20], [sflag:$0x3], $0x80, s22, s23, $0xb8;
	[tilespmem:$0x1E200] =	vst v63  }
0x48: {  	_ =	swait.ge [sflag:s28], $0x4000  }
0x49: {  	[sflag:s28] =	ssyncset.done $0x0  }
0x4a: {  	[sflag:s28] =	ssyncadd.s32 $0xFFFFC000  }
0x4b: {  	[spmem:s2] =	stream.indirect.scatter.add.f32 [tilespmem:s25], [sflag:$0x4], $0x80, s29, s23, $0xb8;
	[tilespmem:$0x1E200] =	vst v63  }
0x4c: {  	_ =	swait.ge [sflag:s30], $0x4000  }
0x4d: {  	[sflag:s30] =	ssyncset.done $0x0  }
0x4e: {  	s5 =	simm.s32 $0xFFFFB800;
	[sflag:s30] =	ssyncadd.s32 $0xFFFFC000  }
0x4f: {  	[tilespmem:s20], [sflag:$0x1] =	stream.indirect.gather [hbm4b:s1+s23], $0x80, s31, s23, $0xb8;
	[tilespmem:$0x1E200] =	vst v63  }
.LBB2_2:
0x50: {  	_ =	swait.ge [sflag:s26], $0x4000  }
0x51: {  	s7 =	sshra.s32 s5, $0x2;
	[sflag:s26] =	ssyncset.done $0x0  }
0x52: {  	s8 =	sadd.s32 $0x2700, s7;
	[sflag:s26] =	ssyncadd.s32 $0xFFFFC000  }
0x53: {  	[spmem:s2] =	stream.indirect.scatter.add.f32 [tilespmem:s20], [sflag:$0x3], $0x80, s8, s23, $0xb8;
	[tilespmem:$0x1E200] =	vst v63  }
0x54: {  	_ =	swait.ge [sflag:s0], $0x4000  }
0x55: {  	[sflag:s0] =	ssyncset.done $0x0  }
0x56: {  	s8 =	sadd.s32 $0x1380, s7;
	[sflag:s0] =	ssyncadd.s32 $0xFFFFC000  }
0x57: {  	[tilespmem:s25], [sflag:$0x2] =	stream.indirect.gather [hbm4b:s1+s23], $0x80, s8, s23, $0xb8;
	[tilespmem:$0x1E200] =	vst v63  }
0x58: {  	_ =	swait.ge [sflag:s28], $0x4000  }
0x59: {  	p0 =	seq.s32 s5, $0x0;
	[sflag:s28] =	ssyncset.done $0x0  }
.Ltmp2:
0x5a: {  	s8 =	sadd.s32 $0x2780, s7;
	[sflag:s28] =	ssyncadd.s32 $0xFFFFC000;
	(pc) =	sbr.rel @p0 .LBB2_4-.Ltmp2, $4  }
0x5b: {  	[spmem:s2] =	stream.indirect.scatter.add.f32 [tilespmem:s25], [sflag:$0x4], $0x80, s8, s23, $0xb8;
	[tilespmem:$0x1E200] =	vst v63  }
0x5c: {  	_ =	swait.ge [sflag:s30], $0x4000  }
0x5d: {  	[sflag:s30] =	ssyncset.done $0x0  }
0x5e: {  	[sflag:s30] =	ssyncadd.s32 $0xFFFFC000  }
.Ltmp3:
0x5f: {  	(pc) =	sbr.rel .LBB2_2-.Ltmp3, $3  }
0x60: {  	_ =	sdelay $0x1  }
0x61: {  	s7 =	sadd.s32 $0x1400, s7;
	s5 =	sadd.s32 $0x400, s5  }
0x62: {  	[tilespmem:s20], [sflag:$0x1] =	stream.indirect.gather [hbm4b:s1+s23], $0x80, s7, s23, $0xb8;
	[tilespmem:$0x1E200] =	vst v63  }
.LBB2_4:
0x63: {  	_ =	swait.ge [sflag:s0], $0x4000  }
0x64: {  	[sflag:s0] =	ssyncset.done $0x0  }
0x65: {  	[sflag:s0] =	ssyncadd.s32 $0xFFFFC000  }
0x66: {  	[tilespmem:s3], [sflag:$0x5] =	stream.linear.gather [hbm4b:s13+s3], $0x1400, $0x38;
	[tilespmem:$0x1E200] =	vst v63  }
0x67: {  	_ =	swait.ge [sflag:s21], $0x1400  }
0x68: {  	[sflag:s21] =	ssyncset.done $0x0  }
0x69: {  	[sflag:s21] =	ssyncadd.s32 $0xFFFFEC00  }
0x6a: {  	[tilespmem:s22], [sflag:$0x5] =	stream.linear.gather [hbm4b:s14+s3], $0x1400, $0x38;
	[tilespmem:$0x1E200] =	vst v63  }
0x6b: {  	_ =	swait.ge [sflag:s21], $0x1400  }
0x6c: {  	[sflag:s21] =	ssyncset.done $0x0  }
0x6d: {  	[sflag:s21] =	ssyncadd.s32 $0xFFFFEC00  }
0x6e: {  	[tilespmem:s20], [sflag:$0x1] =	stream.indirect.gather [hbm4b:s1+s23], $0x80, s3, s23, $0xb8;
	[tilespmem:$0x1E200] =	vst v63  }
0x6f: {  	_ = 	snop  }
0x70: {  	[tilespmem:s25], [sflag:$0x2] =	stream.indirect.gather [hbm4b:s1+s23], $0x80, s23, s23, $0xb8;
	[tilespmem:$0x1E200] =	vst v63  }
0x71: {  	_ =	swait.ge [sflag:s26], $0x4000  }
0x72: {  	[sflag:s26] =	ssyncset.done $0x0  }
0x73: {  	[sflag:s26] =	ssyncadd.s32 $0xFFFFC000  }
0x74: {  	[spmem:s2] =	stream.indirect.scatter.add.f32 [tilespmem:s20], [sflag:$0x3], $0x80, s22, s23, $0xb8;
	[tilespmem:$0x1E200] =	vst v63  }
0x75: {  	_ =	swait.ge [sflag:s28], $0x4000  }
0x76: {  	[sflag:s28] =	ssyncset.done $0x0  }
0x77: {  	[sflag:s28] =	ssyncadd.s32 $0xFFFFC000  }
0x78: {  	[spmem:s2] =	stream.indirect.scatter.add.f32 [tilespmem:s25], [sflag:$0x4], $0x80, s29, s23, $0xb8;
	[tilespmem:$0x1E200] =	vst v63  }
0x79: {  	_ =	swait.ge [sflag:s30], $0x4000  }
0x7a: {  	[sflag:s30] =	ssyncset.done $0x0  }
0x7b: {  	s5 =	simm.s32 $0xFFFFB800;
	[sflag:s30] =	ssyncadd.s32 $0xFFFFC000  }
0x7c: {  	[tilespmem:s20], [sflag:$0x1] =	stream.indirect.gather [hbm4b:s1+s23], $0x80, s31, s23, $0xb8;
	[tilespmem:$0x1E200] =	vst v63  }
.LBB2_5:
0x7d: {  	_ =	swait.ge [sflag:s26], $0x4000  }
0x7e: {  	s7 =	sshra.s32 s5, $0x2;
	[sflag:s26] =	ssyncset.done $0x0  }
0x7f: {  	s8 =	sadd.s32 $0x2700, s7;
	[sflag:s26] =	ssyncadd.s32 $0xFFFFC000  }
0x80: {  	[spmem:s2] =	stream.indirect.scatter.add.f32 [tilespmem:s20], [sflag:$0x3], $0x80, s8, s23, $0xb8;
	[tilespmem:$0x1E200] =	vst v63  }
0x81: {  	_ =	swait.ge [sflag:s0], $0x4000  }
0x82: {  	[sflag:s0] =	ssyncset.done $0x0  }
0x83: {  	s8 =	sadd.s32 $0x1380, s7;
	[sflag:s0] =	ssyncadd.s32 $0xFFFFC000  }
0x84: {  	[tilespmem:s25], [sflag:$0x2] =	stream.indirect.gather [hbm4b:s1+s23], $0x80, s8, s23, $0xb8;
	[tilespmem:$0x1E200] =	vst v63  }
0x85: {  	_ =	swait.ge [sflag:s28], $0x4000  }
0x86: {  	p0 =	seq.s32 s5, $0x0;
	[sflag:s28] =	ssyncset.done $0x0  }
.Ltmp4:
0x87: {  	s8 =	sadd.s32 $0x2780, s7;
	[sflag:s28] =	ssyncadd.s32 $0xFFFFC000;
	(pc) =	sbr.rel @p0 .LBB2_7-.Ltmp4, $4  }
0x88: {  	[spmem:s2] =	stream.indirect.scatter.add.f32 [tilespmem:s25], [sflag:$0x4], $0x80, s8, s23, $0xb8;
	[tilespmem:$0x1E200] =	vst v63  }
0x89: {  	_ =	swait.ge [sflag:s30], $0x4000  }
0x8a: {  	[sflag:s30] =	ssyncset.done $0x0  }
0x8b: {  	[sflag:s30] =	ssyncadd.s32 $0xFFFFC000  }
.Ltmp5:
0x8c: {  	(pc) =	sbr.rel .LBB2_5-.Ltmp5, $3  }
0x8d: {  	_ =	sdelay $0x1  }
0x8e: {  	s7 =	sadd.s32 $0x1400, s7;
	s5 =	sadd.s32 $0x400, s5  }
0x8f: {  	[tilespmem:s20], [sflag:$0x1] =	stream.indirect.gather [hbm4b:s1+s23], $0x80, s7, s23, $0xb8;
	[tilespmem:$0x1E200] =	vst v63  }
.LBB2_7:
0x90: {  	_ =	swait.ge [sflag:s0], $0x4000  }
0x91: {  	[sflag:s0] =	ssyncset.done $0x0  }
0x92: {  	[sflag:s0] =	ssyncadd.s32 $0xFFFFC000  }
0x93: {  	[tilespmem:s3], [sflag:$0x5] =	stream.linear.gather [hbm4b:s15+s3], $0x1400, $0x38;
	[tilespmem:$0x1E200] =	vst v63  }
0x94: {  	_ =	swait.ge [sflag:s21], $0x1400  }
0x95: {  	[sflag:s21] =	ssyncset.done $0x0  }
0x96: {  	[sflag:s21] =	ssyncadd.s32 $0xFFFFEC00  }
0x97: {  	[tilespmem:s22], [sflag:$0x5] =	stream.linear.gather [hbm4b:s16+s3], $0x1400, $0x38;
	[tilespmem:$0x1E200] =	vst v63  }
0x98: {  	_ =	swait.ge [sflag:s21], $0x1400  }
0x99: {  	[sflag:s21] =	ssyncset.done $0x0  }
0x9a: {  	[sflag:s21] =	ssyncadd.s32 $0xFFFFEC00  }
0x9b: {  	[tilespmem:s20], [sflag:$0x1] =	stream.indirect.gather [hbm4b:s1+s23], $0x80, s3, s23, $0xb8;
	[tilespmem:$0x1E200] =	vst v63  }
0x9c: {  	_ = 	snop  }
0x9d: {  	[tilespmem:s25], [sflag:$0x2] =	stream.indirect.gather [hbm4b:s1+s23], $0x80, s23, s23, $0xb8;
	[tilespmem:$0x1E200] =	vst v63  }
0x9e: {  	_ =	swait.ge [sflag:s26], $0x4000  }
0x9f: {  	[sflag:s26] =	ssyncset.done $0x0  }
0xa0: {  	[sflag:s26] =	ssyncadd.s32 $0xFFFFC000  }
0xa1: {  	[spmem:s2] =	stream.indirect.scatter.add.f32 [tilespmem:s20], [sflag:$0x3], $0x80, s22, s23, $0xb8;
	[tilespmem:$0x1E200] =	vst v63  }
0xa2: {  	_ =	swait.ge [sflag:s28], $0x4000  }
0xa3: {  	[sflag:s28] =	ssyncset.done $0x0  }
0xa4: {  	[sflag:s28] =	ssyncadd.s32 $0xFFFFC000  }
0xa5: {  	[spmem:s2] =	stream.indirect.scatter.add.f32 [tilespmem:s25], [sflag:$0x4], $0x80, s29, s23, $0xb8;
	[tilespmem:$0x1E200] =	vst v63  }
0xa6: {  	_ =	swait.ge [sflag:s30], $0x4000  }
0xa7: {  	[sflag:s30] =	ssyncset.done $0x0  }
0xa8: {  	s5 =	simm.s32 $0xFFFFB800;
	[sflag:s30] =	ssyncadd.s32 $0xFFFFC000  }
0xa9: {  	[tilespmem:s20], [sflag:$0x1] =	stream.indirect.gather [hbm4b:s1+s23], $0x80, s31, s23, $0xb8;
	[tilespmem:$0x1E200] =	vst v63  }
.LBB2_8:
0xaa: {  	_ =	swait.ge [sflag:s26], $0x4000  }
0xab: {  	s7 =	sshra.s32 s5, $0x2;
	[sflag:s26] =	ssyncset.done $0x0  }
0xac: {  	s8 =	sadd.s32 $0x2700, s7;
	[sflag:s26] =	ssyncadd.s32 $0xFFFFC000  }
0xad: {  	[spmem:s2] =	stream.indirect.scatter.add.f32 [tilespmem:s20], [sflag:$0x3], $0x80, s8, s23, $0xb8;
	[tilespmem:$0x1E200] =	vst v63  }
0xae: {  	_ =	swait.ge [sflag:s0], $0x4000  }
0xaf: {  	[sflag:s0] =	ssyncset.done $0x0  }
0xb0: {  	s8 =	sadd.s32 $0x1380, s7;
	[sflag:s0] =	ssyncadd.s32 $0xFFFFC000  }
0xb1: {  	[tilespmem:s25], [sflag:$0x2] =	stream.indirect.gather [hbm4b:s1+s23], $0x80, s8, s23, $0xb8;
	[tilespmem:$0x1E200] =	vst v63  }
0xb2: {  	_ =	swait.ge [sflag:s28], $0x4000  }
0xb3: {  	p0 =	seq.s32 s5, $0x0;
	[sflag:s28] =	ssyncset.done $0x0  }
.Ltmp6:
0xb4: {  	s8 =	sadd.s32 $0x2780, s7;
	[sflag:s28] =	ssyncadd.s32 $0xFFFFC000;
	(pc) =	sbr.rel @p0 .LBB2_10-.Ltmp6, $4  }
0xb5: {  	[spmem:s2] =	stream.indirect.scatter.add.f32 [tilespmem:s25], [sflag:$0x4], $0x80, s8, s23, $0xb8;
	[tilespmem:$0x1E200] =	vst v63  }
0xb6: {  	_ =	swait.ge [sflag:s30], $0x4000  }
0xb7: {  	[sflag:s30] =	ssyncset.done $0x0  }
0xb8: {  	[sflag:s30] =	ssyncadd.s32 $0xFFFFC000  }
.Ltmp7:
0xb9: {  	(pc) =	sbr.rel .LBB2_8-.Ltmp7, $3  }
0xba: {  	_ =	sdelay $0x1  }
0xbb: {  	s7 =	sadd.s32 $0x1400, s7;
	s5 =	sadd.s32 $0x400, s5  }
0xbc: {  	[tilespmem:s20], [sflag:$0x1] =	stream.indirect.gather [hbm4b:s1+s23], $0x80, s7, s23, $0xb8;
	[tilespmem:$0x1E200] =	vst v63  }
.LBB2_10:
0xbd: {  	_ =	swait.ge [sflag:s0], $0x4000  }
0xbe: {  	[sflag:s0] =	ssyncset.done $0x0  }
0xbf: {  	[sflag:s0] =	ssyncadd.s32 $0xFFFFC000  }
0xc0: {  	[tilespmem:s3], [sflag:$0x5] =	stream.linear.gather [hbm4b:s17+s3], $0x1400, $0x38;
	[tilespmem:$0x1E200] =	vst v63  }
0xc1: {  	_ =	swait.ge [sflag:s21], $0x1400  }
0xc2: {  	[sflag:s21] =	ssyncset.done $0x0  }
0xc3: {  	[sflag:s21] =	ssyncadd.s32 $0xFFFFEC00  }
0xc4: {  	[tilespmem:s22], [sflag:$0x5] =	stream.linear.gather [hbm4b:s18+s3], $0x1400, $0x38;
	[tilespmem:$0x1E200] =	vst v63  }
0xc5: {  	_ =	swait.ge [sflag:s21], $0x1400  }
0xc6: {  	[sflag:s21] =	ssyncset.done $0x0  }
0xc7: {  	[sflag:s21] =	ssyncadd.s32 $0xFFFFEC00  }
0xc8: {  	[tilespmem:s20], [sflag:$0x1] =	stream.indirect.gather [hbm4b:s1+s23], $0x80, s3, s23, $0xb8;
	[tilespmem:$0x1E200] =	vst v63  }
0xc9: {  	_ = 	snop  }
0xca: {  	[tilespmem:s25], [sflag:$0x2] =	stream.indirect.gather [hbm4b:s1+s23], $0x80, s23, s23, $0xb8;
	[tilespmem:$0x1E200] =	vst v63  }
0xcb: {  	_ =	swait.ge [sflag:s26], $0x4000  }
0xcc: {  	[sflag:s26] =	ssyncset.done $0x0  }
0xcd: {  	[sflag:s26] =	ssyncadd.s32 $0xFFFFC000  }
0xce: {  	[spmem:s2] =	stream.indirect.scatter.add.f32 [tilespmem:s20], [sflag:$0x3], $0x80, s22, s23, $0xb8;
	[tilespmem:$0x1E200] =	vst v63  }
0xcf: {  	_ =	swait.ge [sflag:s28], $0x4000  }
0xd0: {  	[sflag:s28] =	ssyncset.done $0x0  }
0xd1: {  	[sflag:s28] =	ssyncadd.s32 $0xFFFFC000  }
0xd2: {  	[spmem:s2] =	stream.indirect.scatter.add.f32 [tilespmem:s25], [sflag:$0x4], $0x80, s29, s23, $0xb8;
	[tilespmem:$0x1E200] =	vst v63  }
0xd3: {  	_ =	swait.ge [sflag:s30], $0x4000  }
0xd4: {  	[sflag:s30] =	ssyncset.done $0x0  }
0xd5: {  	s5 =	simm.s32 $0xFFFFB800;
	[sflag:s30] =	ssyncadd.s32 $0xFFFFC000  }
0xd6: {  	[tilespmem:s20], [sflag:$0x1] =	stream.indirect.gather [hbm4b:s1+s23], $0x80, s31, s23, $0xb8;
	[tilespmem:$0x1E200] =	vst v63  }
.LBB2_11:
0xd7: {  	_ =	swait.ge [sflag:s26], $0x4000  }
0xd8: {  	s7 =	sshra.s32 s5, $0x2;
	[sflag:s26] =	ssyncset.done $0x0  }
0xd9: {  	s8 =	sadd.s32 $0x2700, s7;
	[sflag:s26] =	ssyncadd.s32 $0xFFFFC000  }
0xda: {  	[spmem:s2] =	stream.indirect.scatter.add.f32 [tilespmem:s20], [sflag:$0x3], $0x80, s8, s23, $0xb8;
	[tilespmem:$0x1E200] =	vst v63  }
0xdb: {  	_ =	swait.ge [sflag:s0], $0x4000  }
0xdc: {  	[sflag:s0] =	ssyncset.done $0x0  }
0xdd: {  	s8 =	sadd.s32 $0x1380, s7;
	[sflag:s0] =	ssyncadd.s32 $0xFFFFC000  }
0xde: {  	[tilespmem:s25], [sflag:$0x2] =	stream.indirect.gather [hbm4b:s1+s23], $0x80, s8, s23, $0xb8;
	[tilespmem:$0x1E200] =	vst v63  }
0xdf: {  	_ =	swait.ge [sflag:s28], $0x4000  }
0xe0: {  	p0 =	seq.s32 s5, $0x0;
	[sflag:s28] =	ssyncset.done $0x0  }
.Ltmp8:
0xe1: {  	s8 =	sadd.s32 $0x2780, s7;
	[sflag:s28] =	ssyncadd.s32 $0xFFFFC000;
	(pc) =	sbr.rel @p0 .LBB2_13-.Ltmp8, $4  }
0xe2: {  	[spmem:s2] =	stream.indirect.scatter.add.f32 [tilespmem:s25], [sflag:$0x4], $0x80, s8, s23, $0xb8;
	[tilespmem:$0x1E200] =	vst v63  }
0xe3: {  	_ =	swait.ge [sflag:s30], $0x4000  }
0xe4: {  	[sflag:s30] =	ssyncset.done $0x0  }
0xe5: {  	[sflag:s30] =	ssyncadd.s32 $0xFFFFC000  }
.Ltmp9:
0xe6: {  	(pc) =	sbr.rel .LBB2_11-.Ltmp9, $3  }
0xe7: {  	_ =	sdelay $0x1  }
0xe8: {  	s7 =	sadd.s32 $0x1400, s7;
	s5 =	sadd.s32 $0x400, s5  }
0xe9: {  	[tilespmem:s20], [sflag:$0x1] =	stream.indirect.gather [hbm4b:s1+s23], $0x80, s7, s23, $0xb8;
	[tilespmem:$0x1E200] =	vst v63  }
.LBB2_14:
0xea: {  	_ =	sfence.sel $0x180000  }
0xeb: {  	[bflag:$0x0] =	sbarrier.arrive $0xFFFF  }
0xec: {  	_ =	strace $0x90000047  }
0xed: {  	s0 =	stileid.u32;
	[bflag:$0x2] =	sbarrier.arrive $0xFFFF  }
0xee: {  	p0 =	sne.s32 s0, $0x0;
	s0 =	rddreg [dreg:$0x3]  }
0xef: {  	s0 =	sadd.s32 @!p0 $0x100000, s0  }
0xf0: {  	[sflag:s0] =	ssyncadd.tile.s32 @!p0 $0x1;
	_ =	shalt  }
.Lfunc_end2:
_tile_overlayer_lowered:
.L_overlay_start_2:
0xf1: {  	(tag) =	ssettag $0x2  }
0xf2: {  	s0 =	rddreg [dreg:$0x0];
	s2 =	stileid.u32  }
0xf3: {  	s1 =	rddreg [dreg:$0x1];
	p0 =	sne.s32 s2, $0x0  }
0xf4: {  	s3 =	rddreg [dreg:$0x2];
	[bflag:$0x3] =	sbarrier.arrive $0xFFFF;
	s2 =	simm.s32 @!p0 $0x1C05  }
0xf5: {  	[timem:s3], [sflag:s2] =	dma.local @!p0 [hbm:s0], s1  }
0xf6: {  	s0 =	simm.s32 @!p0 $0x5  }
0xf7: {  	_ =	swait.ge @!p0 [sflag:s0], s1  }
0xf8: {  	s1 =	ssub.s32 @!p0 $0x0, s1;
	[sflag:s0] =	ssyncset.done @!p0 $0x0  }
0xf9: {  	[sflag:s0] =	ssyncadd.s32 @!p0 s1  }
0xfa: {  	[bflag:$0x3] =	sbarrier.arrive $0xFFFF  }
0xfb: {  	_ =	shalt  }

// kernel: kernel.18.cloned.1.call-start
scs
__scs_entry_jumppad:
0x0: {  	(pc) =	sbr.rel $0x88, $3  }
0x1: {  	(tag) =	ssettag $0x0;
	lr =	simm.s32 $0x1  }
0x2: {  	[smem:$0x3F8E] =	sst lr;
	_ =	strace $0xD0000000  }
0x3: {  	_ = 	snop  }
0x4: {  	_ = 	snop  }
0x5: {  	_ = 	snop  }
0x6: {  	_ = 	snop  }
0x7: {  	_ = 	snop  }
__scs_overlays_trampoline_lowered:
0x8: {  	[smem:$0x3F9D] =	sst s0  }
0x9: {  	[smem:$0x3F9E] =	sst s1  }
0xa: {  	[smem:$0x3F9F] =	sst s2  }
0xb: {  	[smem:$0x3FA0] =	sst s3  }
0xc: {  	[smem:$0x3FA1] =	sst s4  }
0xd: {  	[smem:$0x3FA2] =	sst s5  }
0xe: {  	[smem:$0x3FA3] =	sst s6  }
0xf: {  	[smem:$0x3FA4] =	sst s7  }
0x10: {  	[smem:$0x3FA5] =	sst s8  }
0x11: {  	[smem:$0x3FA6] =	sst s9;
	s0 =	simm.s32 @!p0 $0x0  }
0x12: {  	s1 =	sld [smem:$0x3F8C];
	s0 =	simm.s32 @p0 $0x1  }
0x13: {  	[smem:$0x3FA7] =	sst s0;
	s0 =	simm.s32 @!p1 $0x0  }
0x14: {  	s2 =	sld [smem:$0x3F8B];
	s0 =	simm.s32 @p1 $0x1  }
0x15: {  	[smem:$0x3FA8] =	sst s0;
	s0 =	simm.s32 @!p2 $0x0  }
0x16: {  	s3 =	sld [smem:$0x3FDB];
	s0 =	simm.s32 @p2 $0x1  }
0x17: {  	s4 =	simm.s32 $0x1BF5;
	[smem:$0x3FAA] =	sst s0  }
0x18: {  	s0 =	sld [smem:$0x3F8D];
	_ =	swait.ge [sflag:s4], $0x0  }
0x19: {  	s7 =	sld [smem:$0x3F8E]  }
0x1a: {  	s8 =	sadd.s32 $0xFFFFE003, lr  }
0x1b: {  	s9 =	sadd.s32 $0xFFFFFEF7, lr;
	s5 =	simm.s32 $0xFFFFFFFF;
	p2 =	slt.u32 s8, $0xFFFFF086  }
0x1c: {  	p1 =	slt.u32 s9, $0xF7A;
	s5 =	simm.s32 @!p2 $0x0  }
0x1d: {  	s5 =	simm.s32 @p1 $0x1;
	p0 =	seq.s32 s7, s2  }
0x1e: {  	s7 =	smul.u32 @!p0 $0xF7A, s2;
	p2 =	seq.s32 @!p0 s5, $0x0  }
0x1f: {  	s9 =	smul.u32 $0xF7A, s1;
	s8 =	simm.s32 @!p0 $0x1BF5;
	p2 =	por !p2, p0  }
0x20: {  	[sflag:s8] =	ssyncset.s32 @!p0 $0xFFFFF086;
	s6 =	sadd.s32 @!p0 s3, s7;
	s7 =	simm.s32 @!p0 $0x108  }
0x21: {  	s3 =	sadd.s32 s3, s9;
	s6 =	sadd.s32 @!p0 $0x88, s6;
	s7 =	simm.s32 @p2 $0x1082  }
0x22: {  	[simem:s7], [sflag:s8] =	dma.local @!p0 [hbm:s6], $0xF7A  }
0x23: {  	s9 =	sor.u32 $0xD0000000, s2;
	s6 =	simm.s32 $0x108;
	_ =	swait.ge @!p0 [sflag:s8], $0x0  }
0x24: {  	s3 =	sadd.s32 $0x88, s3;
	s6 =	simm.s32 @!p1 $0x1082;
	[sflag:s4] =	ssyncset.s32 $0xFFFFF086  }
0x25: {  	[simem:s6], [sflag:s4] =	dma.local [hbm:s3], $0xF7A  }
0x26: {  	[smem:$0x3F8E] =	sst s1;
	(tag) =	ssettag s2;
	_ =	strace s9  }
0x27: {  	s1 =	sld [smem:$0x3F9E]  }
0x28: {  	s2 =	sld [smem:$0x3F9F]  }
0x29: {  	s4 =	sld [smem:$0x3FA1]  }
0x2a: {  	p0 =	seq.s32 s5, $0x0;
	s5 =	sld [smem:$0x3FA2]  }
0x2b: {  	s6 =	sld [smem:$0x3FA3]  }
0x2c: {  	s7 =	sld [smem:$0x3FA4]  }
0x2d: {  	s3 =	simm.s32 $0x108;
	s8 =	sld [smem:$0x3FA5]  }
0x2e: {  	s3 =	simm.s32 @!p0 $0x1082;
	s9 =	sld [smem:$0x3FA6]  }
0x2f: {  	lr =	sadd.s32 s0, s3;
	s0 =	sld [smem:$0x3F9D]  }
0x30: {  	s3 =	sld [smem:$0x3FA0]  }
0x31: {  	[smem:$0x3FA9] =	sst s10  }
0x32: {  	s10 =	sld [smem:$0x3FA7];
	_ =	sdelay $0x3  }
0x33: {  	p0 =	seq.s32 s10, $0x1;
	s10 =	sld [smem:$0x3FA9];
	_ =	sdelay $0x3  }
0x34: {  	[smem:$0x3FA9] =	sst s10  }
0x35: {  	s10 =	sld [smem:$0x3FA8];
	_ =	sdelay $0x3  }
0x36: {  	p1 =	seq.s32 s10, $0x1;
	s10 =	sld [smem:$0x3FA9];
	_ =	sdelay $0x3  }
0x37: {  	[smem:$0x3FA9] =	sst s10  }
0x38: {  	s10 =	sld [smem:$0x3FAA]  }
0x39: {  	_ = 	snop;
	(pc) =	sbr.ind lr, $3  }
0x3a: {  	_ = 	snop  }
0x3b: {  	_ = 	snop  }
0x3c: {  	p2 =	seq.s32 s10, $0x1;
	s10 =	sld [smem:$0x3FA9]  }
0x3d: {  	_ =	shalt  }
0x3e: {  	_ =	shalt  }
0x3f: {  	_ =	shalt  }
0x40: {  	_ =	shalt  }
0x41: {  	_ =	shalt  }
0x42: {  	_ =	shalt  }
0x43: {  	_ =	shalt  }
0x44: {  	_ =	shalt  }
0x45: {  	_ =	shalt  }
0x46: {  	_ =	shalt  }
0x47: {  	_ =	shalt  }
0x48: {  	_ =	shalt  }
0x49: {  	_ =	shalt  }
0x4a: {  	_ =	shalt  }
0x4b: {  	_ =	shalt  }
0x4c: {  	_ =	shalt  }
0x4d: {  	_ =	shalt  }
0x4e: {  	_ =	shalt  }
0x4f: {  	_ =	shalt  }
0x50: {  	_ =	shalt  }
0x51: {  	_ =	shalt  }
0x52: {  	_ =	shalt  }
0x53: {  	_ =	shalt  }
0x54: {  	_ =	shalt  }
0x55: {  	_ =	shalt  }
0x56: {  	_ =	shalt  }
0x57: {  	_ =	shalt  }
0x58: {  	_ =	shalt  }
0x59: {  	_ =	shalt  }
0x5a: {  	_ =	shalt  }
0x5b: {  	_ =	shalt  }
0x5c: {  	_ =	shalt  }
0x5d: {  	_ =	shalt  }
0x5e: {  	_ =	shalt  }
0x5f: {  	_ =	shalt  }
0x60: {  	_ =	shalt  }
0x61: {  	_ =	shalt  }
0x62: {  	_ =	shalt  }
0x63: {  	_ =	shalt  }
0x64: {  	_ =	shalt  }
0x65: {  	_ =	shalt  }
0x66: {  	_ =	shalt  }
0x67: {  	_ =	shalt  }
0x68: {  	_ =	shalt  }
0x69: {  	_ =	shalt  }
0x6a: {  	_ =	shalt  }
0x6b: {  	_ =	shalt  }
0x6c: {  	_ =	shalt  }
0x6d: {  	_ =	shalt  }
0x6e: {  	_ =	shalt  }
0x6f: {  	_ =	shalt  }
0x70: {  	_ =	shalt  }
0x71: {  	_ =	shalt  }
0x72: {  	_ =	shalt  }
0x73: {  	_ =	shalt  }
0x74: {  	_ =	shalt  }
0x75: {  	_ =	shalt  }
0x76: {  	_ =	shalt  }
0x77: {  	_ =	shalt  }
0x78: {  	_ =	shalt  }
0x79: {  	_ =	shalt  }
0x7a: {  	_ =	shalt  }
0x7b: {  	_ =	shalt  }
0x7c: {  	_ =	shalt  }
0x7d: {  	_ =	shalt  }
0x7e: {  	_ =	shalt  }
0x7f: {  	_ =	shalt  }
0x80: {  	_ =	shalt  }
0x81: {  	_ =	shalt  }
0x82: {  	_ =	shalt  }
0x83: {  	_ =	shalt  }
0x84: {  	_ =	shalt  }
0x85: {  	_ =	shalt  }
0x86: {  	_ =	shalt  }
0x87: {  	_ =	shalt  }
.Lfunc_end0:
.L_simem_size_0:
called_computation.2_lowered:
.L_overlay_start_0:
0x88: {  	s2 =	sld [smem:$0x3FD9]  }
0x89: {  	s3 =	sld [smem:$0x3FFE];
	_ =	sdelay $0x1  }
0x8a: {  	s1 =	srdreg.scid  }
0x8b: {  	s0 =	sand.u32 $0x1, s1  }
0x8c: {  	s16 =	sshll.u32 s0, $0xA;
	s2 =	sadd.s32 s3, s2  }
0x8d: {  	s2 =	sadd.s32 s2, s16  }
0x8e: {  	[smem:$0x3FB5] =	sst s2  }
0x8f: {  	_ = 	snop  }
0x90: {  	(tm) =	ssettm $0x1  }
0x91: {  	s17 =	sld [smem:$0x3FFB];
	_ =	sdelay $0x3  }
0x92: {  	_ =	strace s17  }
0x93: {  	s2 =	sld [smem:$0x3FFC];
	_ =	sdelay $0x3  }
0x94: {  	_ =	strace s2  }
0x95: {  	s2 =	sld [smem:$0x3FFD];
	_ =	sdelay $0x3  }
0x96: {  	_ =	strace s2  }
0x97: {  	_ =	strace $0x8FFFFFFF  }
0x98: {  	s18 =	sld [smem:$0x3FDB];
	_ =	sdelay $0x1  }
0x99: {  	s19 =	simm.s32 $_scs_section_size  }
0x9a: {  	s4 =	simm.s32 $_size__tile_overlayer_lowered;
	s5 =	simm.s32 $_tile_overlayer_lowered  }
0x9b: {  	s22 =	simm.s32 $0x1BFF;
	s21 =	sshll.u32 s5, $0x1;
	s2 =	sadd.s32 s19, s18  }
0x9c: {  	s6 =	simm.s32 $0x0;
	s20 =	sshll.u32 s4, $0x1;
	s4 =	sadd.s32 s21, s2  }
0x9d: {  	[timem:s6], [sflag:s22] =	dma.local [hbm:s4], s20  }
0x9e: {  	_ =	swait.ge [sflag:s22], s20  }
0x9f: {  	s3 =	ssub.s32 $0x0, s20;
	[sflag:s22] =	ssyncset.done $0x0  }
0xa0: {  	[sflag:s22] =	ssyncadd.s32 s3;
	_ =	sdelay $0x1  }
0xa1: {  	s23 =	simm.s32 $0x1B8B  }
0xa2: {  	_ =	swait.ge [sflag:s23], $0x1  }
0xa3: {  	[sflag:s23] =	ssyncset.done $0x0  }
0xa4: {  	s25 =	simm.s32 $0x1B8E;
	s24 =	sld [smem:$0x3FFE];
	[sflag:s23] =	ssyncadd.s32 $0xFFFFFFFF  }
0xa5: {  	s26 =	simm.s32 $execute0_lowered;
	[smem:$0x3FD2] =	sst s25  }
0xa6: {  	s4 =	sshll.u32 s26, $0x1;
	_ =	strace $0x8000004C;
	[dreg:$0x1] =	wrdreg $0xFFFFFFFF  }
0xa7: {  	s28 =	simm.s32 $_size_execute0_lowered;
	s2 =	sadd.s32 s2, s4;
	[dreg:$0x0] =	wrdreg $0x0  }
0xa8: {  	s4 =	sshll.u32 s28, $0x1;
	[dreg:$0x2] =	wrdreg s2  }
0xa9: {  	[dreg:$0x3] =	wrdreg s4  }
0xaa: {  	[dreg:$0x4] =	wrdreg $0xC0  }
0xab: {  	_ =	task [dreg:s6], $0x5FFFF  }
0xac: {  	[dreg:$0x1] =	wrdreg $0xFFFFFFFF  }
0xad: {  	[dreg:$0x0] =	wrdreg $0x60  }
0xae: {  	[dreg:$0x2] =	wrdreg s24  }
0xaf: {  	[dreg:$0x3] =	wrdreg $0xA8000  }
0xb0: {  	[dreg:$0x4] =	wrdreg $0x9  }
0xb1: {  	_ =	task.clear_ibuf [dreg:s6], $0x5FFFF;
	_ =	strace $0x9000004C  }
0xb2: {  	s29 =	simm.s32 $0x9;
	_ =	strace $0x8000004E  }
0xb3: {  	_ =	swait.ge [sflag:s29], $0x1  }
0xb4: {  	[sflag:s29] =	ssyncadd.s32 $0xFFFFFFFF  }
0xb5: {  	_ =	strace $0x9000004E  }
0xb6: {  	_ =	sfence  }
0xb7: {  	s30 =	sld [smem:$0x0];
	_ =	sdelay $0x2  }
0xb8: {  	s31 =	sshll.u32 s1, $0xD;
	s1 =	sshrl.u32 s1, $0x2  }
0xb9: {  	s3 =	sand.u32 $0x4000, s31;
	s1 =	sadd.s32 s1, s30  }
0xba: {  	s0 =	sor.u32 s3, s0;
	s1 =	sshll.u32 s1, $0x11  }
0xbb: {  	s0 =	sor.u32 s1, s0  }
0xbc: {  	s0 =	sadd.s32 $0x8F2B, s0  }
0xbd: {  	[sflag:s0] =	ssyncadd.remote.s32 $0x1  }
0xbe: {  	_ =	sfence.sel $0xFFFF  }
0xbf: {  	[dreg:$0x0] =	wrdreg $0xFFFFFFFF;
	(pc) =	sbr.abs _section_cstart, $3  }
0xc0: {  	[dreg:$0x1] =	wrdreg $0xFFFFFFFF  }
0xc1: {  	_ =	task.clear_ibuf [dreg:s6], $0x2FFFF;
	_ =	strace $0x9FFFFFFF  }
0xc2: {  	(tm) =	ssettm $0x7FFFFFFF  }
0xc3: {  	_ =	shalt  }
tec
execute0_lowered:
.L_overlay_start_1:
0x0: {  	(tag) =	ssettag $0x1  }
0x1: {  	s0 =	rddreg [dreg:$0x0]  }
0x2: {  	s1 =	rddreg [dreg:$0x1];
	s2 =	simm.s32 $0x0;
	s3 =	srdreg.scid  }
0x3: {  	s10 =	stileid.u32;
	s20 =	simm.s32 $0x2800;
	s21 =	simm.s32 $0x5  }
0x4: {  	s28 =	simm.s32 $0x2;
	s29 =	simm.s32 $0x1480;
	s30 =	simm.s32 $0x3  }
0x5: {  	s31 =	simm.s32 $0x100;
	[smem:$0x7FF] =	sst s2;
	s19 =	smul.u32 $0x13880, s10  }
0x6: {  	s3 =	sand.u32 $0x1, s3;
	s4 =	sadd.s32 $0x78600, s0;
	s22 =	smul.u32 $0x4E200, s10  }
0x7: {  	s7 =	sadd.s32 $0x15A00, s0;
	s18 =	sadd.s32 $0x1A00, s0;
	s10 =	smul.u32 $0x5000, s10  }
0x8: {  	s6 =	sadd.s32 $0x29A00, s0;
	_ =	strace $0x8000004D;
	s5 =	smul.u32 $0x27100, s3  }
0x9: {  	[dreg:$0x3] =	wrdreg s6;
	s23 =	ssub.s32 $0x2, s3;
	s3 =	smul.u32 $0x50000, s3  }
0xa: {  	s8 =	sshrl.u32 s23, $0x1;
	s9 =	sshrl.u32 s22, $0x2;
	s6 =	sadd.s32 s19, s1  }
0xb: {  	s26 =	sshrl.u32 s19, $0x3;
	s22 =	simm.s32 $0x1400;
	s0 =	sadd.s32 s5, s0  }
0xc: {  	s5 =	ssub.s32 s23, s8;
	s11 =	sadd.s32 s9, s1;
	s3 =	sadd.s32 s10, s3  }
0xd: {  	s23 =	simm.s32 $0x80;
	s24 =	sadd.s32 $0x4000, s11;
	s25 =	sadd.s32 $0x8000, s11  }
0xe: {  	s9 =	sadd.s32 $0xC000, s11;
	s10 =	sadd.s32 $0x10000, s11;
	s3 =	sshrl.u32 s3, $0x3  }
0xf: {  	s0 =	sadd.s32 $0x9F800, s0;
	s19 =	smax.u32 s5, $0x1;
	[dreg:$0x4] =	wrdreg s24  }
0x10: {  	[dreg:$0x5] =	wrdreg s25;
	s11 =	sadd.s32 s7, s3;
	s12 =	sadd.s32 s18, s3  }
.Ltmp0:
0x11: {  	s14 =	sadd.s32 $0x280, s3;
	s16 =	sadd.s32 $0x500, s3;
	(pc) =	sbr.rel .LBB2_1-.Ltmp0, $4  }
0x12: {  	s3 =	sadd.s32 $0x780, s3;
	s24 =	sadd.s32 s26, s0;
	s25 =	simm.s32 $0x6800  }
0x13: {  	s26 =	simm.s32 $0x1;
	s0 =	simm.s32 $0x4;
	s13 =	sadd.s32 s7, s14  }
0x14: {  	s14 =	sadd.s32 s18, s14;
	s15 =	sadd.s32 s7, s16;
	s16 =	sadd.s32 s18, s16  }
0x15: {  	s17 =	sadd.s32 s7, s3;
	s18 =	sadd.s32 s18, s3;
	s3 =	simm.s32 $0x0  }
.LBB2_13:
0x16: {  	_ =	swait.ge [sflag:s0], $0x4000;
	s5 =	stileid.u32  }
0x17: {  	s7 =	sshrl.u32 s6, $0x3;
	s3 =	sadd.s32 $0x1, s3;
	[sflag:s0] =	ssyncset.done $0x0  }
0x18: {  	s5 =	sshll.u32 s5, $0x6;
	p0 =	sne.s32 s3, s19;
	[sflag:s0] =	ssyncadd.s32 $0xFFFFC000  }
.Ltmp1:
0x19: {  	s5 =	sor.u32 $0x1C05, s5;
	[bflag:$0x0] =	sbarrier.arrive $0xFFFF;
	(pc) =	sbr.rel @!p0 .LBB2_14-.Ltmp1, $4  }
0x1a: {  	[hbm:s24], [sflag:s5] =	dma.local [spmem:s7], $0x2710  }
0x1b: {  	_ =	swait.ge [sflag:s21], $0x2710  }
0x1c: {  	[sflag:s21] =	ssyncset.done $0x0  }
0x1d: {  	[sflag:s21] =	ssyncadd.s32 $0xFFFFD8F0  }
.LBB2_1:
0x1e: {  	s5 =	rddreg [dreg:$0x3]  }
0x1f: {  	[tilespmem:s20], [sflag:$0x5] =	stream.linear.gather [hbm4b:s5+s2], $0x4000, $0x38;
	[tilespmem:$0x1E200] =	vst v63  }
0x20: {  	_ =	swait.ge [sflag:s21], $0x4000  }
0x21: {  	[sflag:s21] =	ssyncset.done $0x0  }
0x22: {  	[sflag:s21] =	ssyncadd.s32 $0xFFFFC000  }
0x23: {  	[spmem:s6] =	stream.linear.scatter [tilespmem:s20], [sflag:$0x5], $0x4000, $0x38;
	[tilespmem:$0x1E200] =	vst v63  }
0x24: {  	_ =	swait.ge [sflag:s21], $0x4000  }
0x25: {  	[sflag:s21] =	ssyncset.done $0x0  }
0x26: {  	s7 =	rddreg [dreg:$0x4];
	[sflag:s21] =	ssyncadd.s32 $0xFFFFC000  }
0x27: {  	[spmem:s7] =	stream.linear.scatter [tilespmem:s20], [sflag:$0x5], $0x4000, $0x38;
	[tilespmem:$0x1E200] =	vst v63  }
0x28: {  	_ =	swait.ge [sflag:s21], $0x4000  }
0x29: {  	[sflag:s21] =	ssyncset.done $0x0  }
0x2a: {  	s8 =	rddreg [dreg:$0x5];
	[sflag:s21] =	ssyncadd.s32 $0xFFFFC000  }
0x2b: {  	[spmem:s8] =	stream.linear.scatter [tilespmem:s20], [sflag:$0x5], $0x4000, $0x38;
	[tilespmem:$0x1E200] =	vst v63  }
0x2c: {  	_ =	swait.ge [sflag:s21], $0x4000  }
0x2d: {  	[sflag:s21] =	ssyncset.done $0x0  }
0x2e: {  	[sflag:s21] =	ssyncadd.s32 $0xFFFFC000  }
0x2f: {  	[spmem:s9] =	stream.linear.scatter [tilespmem:s20], [sflag:$0x5], $0x4000, $0x38;
	[tilespmem:$0x1E200] =	vst v63  }
0x30: {  	_ =	swait.ge [sflag:s21], $0x4000  }
0x31: {  	[sflag:s21] =	ssyncset.done $0x0  }
0x32: {  	[sflag:s21] =	ssyncadd.s32 $0xFFFFC000  }
0x33: {  	[spmem:s10] =	stream.linear.scatter [tilespmem:s20], [sflag:$0x5], $0x3880, $0x38;
	[tilespmem:$0x1E200] =	vst v63  }
0x34: {  	_ =	swait.ge [sflag:s21], $0x3880  }
0x35: {  	[sflag:s21] =	ssyncset.done $0x0  }
0x36: {  	[sflag:s21] =	ssyncadd.s32 $0xFFFFC780  }
0x37: {  	[bflag:$0x0] =	sbarrier.arrive $0xFFFF  }
0x38: {  	[tilespmem:s2], [sflag:$0x5] =	stream.linear.gather [hbm4b:s11+s2], $0x1400, $0x38;
	[tilespmem:$0x1E200] =	vst v63  }
0x39: {  	_ =	swait.ge [sflag:s21], $0x1400  }
0x3a: {  	[sflag:s21] =	ssyncset.done $0x0  }
0x3b: {  	[sflag:s21] =	ssyncadd.s32 $0xFFFFEC00  }
0x3c: {  	[tilespmem:s22], [sflag:$0x5] =	stream.linear.gather [hbm4b:s12+s2], $0x1400, $0x38;
	[tilespmem:$0x1E200] =	vst v63  }
0x3d: {  	_ =	swait.ge [sflag:s21], $0x1400  }
0x3e: {  	[sflag:s21] =	ssyncset.done $0x0  }
0x3f: {  	[sflag:s21] =	ssyncadd.s32 $0xFFFFEC00  }
0x40: {  	[tilespmem:s20], [sflag:$0x1] =	stream.indirect.gather [hbm4b:s4+s23], $0x80, s2, s23, $0xb8;
	[tilespmem:$0x1E200] =	vst v63  }
0x41: {  	_ = 	snop  }
0x42: {  	[tilespmem:s25], [sflag:$0x2] =	stream.indirect.gather [hbm4b:s4+s23], $0x80, s23, s23, $0xb8;
	[tilespmem:$0x1E200] =	vst v63  }
0x43: {  	_ =	swait.ge [sflag:s26], $0x4000  }
0x44: {  	[sflag:s26] =	ssyncset.done $0x0  }
0x45: {  	[sflag:s26] =	ssyncadd.s32 $0xFFFFC000  }
0x46: {  	[spmem:s1] =	stream.indirect.scatter.add.f32 [tilespmem:s20], [sflag:$0x3], $0x80, s22, s23, $0xb8;
	[tilespmem:$0x1E200] =	vst v63  }
0x47: {  	_ =	swait.ge [sflag:s28], $0x4000  }
0x48: {  	[sflag:s28] =	ssyncset.done $0x0  }
0x49: {  	[sflag:s28] =	ssyncadd.s32 $0xFFFFC000  }
0x4a: {  	[spmem:s1] =	stream.indirect.scatter.add.f32 [tilespmem:s25], [sflag:$0x4], $0x80, s29, s23, $0xb8;
	[tilespmem:$0x1E200] =	vst v63  }
0x4b: {  	_ =	swait.ge [sflag:s30], $0x4000  }
0x4c: {  	[sflag:s30] =	ssyncset.done $0x0  }
0x4d: {  	s5 =	simm.s32 $0xFFFFB800;
	[sflag:s30] =	ssyncadd.s32 $0xFFFFC000  }
0x4e: {  	[tilespmem:s20], [sflag:$0x1] =	stream.indirect.gather [hbm4b:s4+s23], $0x80, s31, s23, $0xb8;
	[tilespmem:$0x1E200] =	vst v63  }
.LBB2_2:
0x4f: {  	_ =	swait.ge [sflag:s26], $0x4000  }
0x50: {  	s7 =	sshra.s32 s5, $0x2;
	[sflag:s26] =	ssyncset.done $0x0  }
0x51: {  	s8 =	sadd.s32 $0x2700, s7;
	[sflag:s26] =	ssyncadd.s32 $0xFFFFC000  }
0x52: {  	[spmem:s1] =	stream.indirect.scatter.add.f32 [tilespmem:s20], [sflag:$0x3], $0x80, s8, s23, $0xb8;
	[tilespmem:$0x1E200] =	vst v63  }
0x53: {  	_ =	swait.ge [sflag:s0], $0x4000  }
0x54: {  	[sflag:s0] =	ssyncset.done $0x0  }
0x55: {  	s8 =	sadd.s32 $0x1380, s7;
	[sflag:s0] =	ssyncadd.s32 $0xFFFFC000  }
0x56: {  	[tilespmem:s25], [sflag:$0x2] =	stream.indirect.gather [hbm4b:s4+s23], $0x80, s8, s23, $0xb8;
	[tilespmem:$0x1E200] =	vst v63  }
0x57: {  	_ =	swait.ge [sflag:s28], $0x4000  }
0x58: {  	p0 =	seq.s32 s5, $0x0;
	[sflag:s28] =	ssyncset.done $0x0  }
.Ltmp2:
0x59: {  	s8 =	sadd.s32 $0x2780, s7;
	[sflag:s28] =	ssyncadd.s32 $0xFFFFC000;
	(pc) =	sbr.rel @p0 .LBB2_4-.Ltmp2, $4  }
0x5a: {  	[spmem:s1] =	stream.indirect.scatter.add.f32 [tilespmem:s25], [sflag:$0x4], $0x80, s8, s23, $0xb8;
	[tilespmem:$0x1E200] =	vst v63  }
0x5b: {  	_ =	swait.ge [sflag:s30], $0x4000  }
0x5c: {  	[sflag:s30] =	ssyncset.done $0x0  }
0x5d: {  	[sflag:s30] =	ssyncadd.s32 $0xFFFFC000  }
.Ltmp3:
0x5e: {  	(pc) =	sbr.rel .LBB2_2-.Ltmp3, $3  }
0x5f: {  	_ =	sdelay $0x1  }
0x60: {  	s7 =	sadd.s32 $0x1400, s7;
	s5 =	sadd.s32 $0x400, s5  }
0x61: {  	[tilespmem:s20], [sflag:$0x1] =	stream.indirect.gather [hbm4b:s4+s23], $0x80, s7, s23, $0xb8;
	[tilespmem:$0x1E200] =	vst v63  }
.LBB2_4:
0x62: {  	_ =	swait.ge [sflag:s0], $0x4000  }
0x63: {  	[sflag:s0] =	ssyncset.done $0x0  }
0x64: {  	[sflag:s0] =	ssyncadd.s32 $0xFFFFC000  }
0x65: {  	[tilespmem:s2], [sflag:$0x5] =	stream.linear.gather [hbm4b:s13+s2], $0x1400, $0x38;
	[tilespmem:$0x1E200] =	vst v63  }
0x66: {  	_ =	swait.ge [sflag:s21], $0x1400  }
0x67: {  	[sflag:s21] =	ssyncset.done $0x0  }
0x68: {  	[sflag:s21] =	ssyncadd.s32 $0xFFFFEC00  }
0x69: {  	[tilespmem:s22], [sflag:$0x5] =	stream.linear.gather [hbm4b:s14+s2], $0x1400, $0x38;
	[tilespmem:$0x1E200] =	vst v63  }
0x6a: {  	_ =	swait.ge [sflag:s21], $0x1400  }
0x6b: {  	[sflag:s21] =	ssyncset.done $0x0  }
0x6c: {  	[sflag:s21] =	ssyncadd.s32 $0xFFFFEC00  }
0x6d: {  	[tilespmem:s20], [sflag:$0x1] =	stream.indirect.gather [hbm4b:s4+s23], $0x80, s2, s23, $0xb8;
	[tilespmem:$0x1E200] =	vst v63  }
0x6e: {  	_ = 	snop  }
0x6f: {  	[tilespmem:s25], [sflag:$0x2] =	stream.indirect.gather [hbm4b:s4+s23], $0x80, s23, s23, $0xb8;
	[tilespmem:$0x1E200] =	vst v63  }
0x70: {  	_ =	swait.ge [sflag:s26], $0x4000  }
0x71: {  	[sflag:s26] =	ssyncset.done $0x0  }
0x72: {  	[sflag:s26] =	ssyncadd.s32 $0xFFFFC000  }
0x73: {  	[spmem:s1] =	stream.indirect.scatter.add.f32 [tilespmem:s20], [sflag:$0x3], $0x80, s22, s23, $0xb8;
	[tilespmem:$0x1E200] =	vst v63  }
0x74: {  	_ =	swait.ge [sflag:s28], $0x4000  }
0x75: {  	[sflag:s28] =	ssyncset.done $0x0  }
0x76: {  	[sflag:s28] =	ssyncadd.s32 $0xFFFFC000  }
0x77: {  	[spmem:s1] =	stream.indirect.scatter.add.f32 [tilespmem:s25], [sflag:$0x4], $0x80, s29, s23, $0xb8;
	[tilespmem:$0x1E200] =	vst v63  }
0x78: {  	_ =	swait.ge [sflag:s30], $0x4000  }
0x79: {  	[sflag:s30] =	ssyncset.done $0x0  }
0x7a: {  	s5 =	simm.s32 $0xFFFFB800;
	[sflag:s30] =	ssyncadd.s32 $0xFFFFC000  }
0x7b: {  	[tilespmem:s20], [sflag:$0x1] =	stream.indirect.gather [hbm4b:s4+s23], $0x80, s31, s23, $0xb8;
	[tilespmem:$0x1E200] =	vst v63  }
.LBB2_5:
0x7c: {  	_ =	swait.ge [sflag:s26], $0x4000  }
0x7d: {  	s7 =	sshra.s32 s5, $0x2;
	[sflag:s26] =	ssyncset.done $0x0  }
0x7e: {  	s8 =	sadd.s32 $0x2700, s7;
	[sflag:s26] =	ssyncadd.s32 $0xFFFFC000  }
0x7f: {  	[spmem:s1] =	stream.indirect.scatter.add.f32 [tilespmem:s20], [sflag:$0x3], $0x80, s8, s23, $0xb8;
	[tilespmem:$0x1E200] =	vst v63  }
0x80: {  	_ =	swait.ge [sflag:s0], $0x4000  }
0x81: {  	[sflag:s0] =	ssyncset.done $0x0  }
0x82: {  	s8 =	sadd.s32 $0x1380, s7;
	[sflag:s0] =	ssyncadd.s32 $0xFFFFC000  }
0x83: {  	[tilespmem:s25], [sflag:$0x2] =	stream.indirect.gather [hbm4b:s4+s23], $0x80, s8, s23, $0xb8;
	[tilespmem:$0x1E200] =	vst v63  }
0x84: {  	_ =	swait.ge [sflag:s28], $0x4000  }
0x85: {  	p0 =	seq.s32 s5, $0x0;
	[sflag:s28] =	ssyncset.done $0x0  }
.Ltmp4:
0x86: {  	s8 =	sadd.s32 $0x2780, s7;
	[sflag:s28] =	ssyncadd.s32 $0xFFFFC000;
	(pc) =	sbr.rel @p0 .LBB2_7-.Ltmp4, $4  }
0x87: {  	[spmem:s1] =	stream.indirect.scatter.add.f32 [tilespmem:s25], [sflag:$0x4], $0x80, s8, s23, $0xb8;
	[tilespmem:$0x1E200] =	vst v63  }
0x88: {  	_ =	swait.ge [sflag:s30], $0x4000  }
0x89: {  	[sflag:s30] =	ssyncset.done $0x0  }
0x8a: {  	[sflag:s30] =	ssyncadd.s32 $0xFFFFC000  }
.Ltmp5:
0x8b: {  	(pc) =	sbr.rel .LBB2_5-.Ltmp5, $3  }
0x8c: {  	_ =	sdelay $0x1  }
0x8d: {  	s7 =	sadd.s32 $0x1400, s7;
	s5 =	sadd.s32 $0x400, s5  }
0x8e: {  	[tilespmem:s20], [sflag:$0x1] =	stream.indirect.gather [hbm4b:s4+s23], $0x80, s7, s23, $0xb8;
	[tilespmem:$0x1E200] =	vst v63  }
.LBB2_7:
0x8f: {  	_ =	swait.ge [sflag:s0], $0x4000  }
0x90: {  	[sflag:s0] =	ssyncset.done $0x0  }
0x91: {  	[sflag:s0] =	ssyncadd.s32 $0xFFFFC000  }
0x92: {  	[tilespmem:s2], [sflag:$0x5] =	stream.linear.gather [hbm4b:s15+s2], $0x1400, $0x38;
	[tilespmem:$0x1E200] =	vst v63  }
0x93: {  	_ =	swait.ge [sflag:s21], $0x1400  }
0x94: {  	[sflag:s21] =	ssyncset.done $0x0  }
0x95: {  	[sflag:s21] =	ssyncadd.s32 $0xFFFFEC00  }
0x96: {  	[tilespmem:s22], [sflag:$0x5] =	stream.linear.gather [hbm4b:s16+s2], $0x1400, $0x38;
	[tilespmem:$0x1E200] =	vst v63  }
0x97: {  	_ =	swait.ge [sflag:s21], $0x1400  }
0x98: {  	[sflag:s21] =	ssyncset.done $0x0  }
0x99: {  	[sflag:s21] =	ssyncadd.s32 $0xFFFFEC00  }
0x9a: {  	[tilespmem:s20], [sflag:$0x1] =	stream.indirect.gather [hbm4b:s4+s23], $0x80, s2, s23, $0xb8;
	[tilespmem:$0x1E200] =	vst v63  }
0x9b: {  	_ = 	snop  }
0x9c: {  	[tilespmem:s25], [sflag:$0x2] =	stream.indirect.gather [hbm4b:s4+s23], $0x80, s23, s23, $0xb8;
	[tilespmem:$0x1E200] =	vst v63  }
0x9d: {  	_ =	swait.ge [sflag:s26], $0x4000  }
0x9e: {  	[sflag:s26] =	ssyncset.done $0x0  }
0x9f: {  	[sflag:s26] =	ssyncadd.s32 $0xFFFFC000  }
0xa0: {  	[spmem:s1] =	stream.indirect.scatter.add.f32 [tilespmem:s20], [sflag:$0x3], $0x80, s22, s23, $0xb8;
	[tilespmem:$0x1E200] =	vst v63  }
0xa1: {  	_ =	swait.ge [sflag:s28], $0x4000  }
0xa2: {  	[sflag:s28] =	ssyncset.done $0x0  }
0xa3: {  	[sflag:s28] =	ssyncadd.s32 $0xFFFFC000  }
0xa4: {  	[spmem:s1] =	stream.indirect.scatter.add.f32 [tilespmem:s25], [sflag:$0x4], $0x80, s29, s23, $0xb8;
	[tilespmem:$0x1E200] =	vst v63  }
0xa5: {  	_ =	swait.ge [sflag:s30], $0x4000  }
0xa6: {  	[sflag:s30] =	ssyncset.done $0x0  }
0xa7: {  	s5 =	simm.s32 $0xFFFFB800;
	[sflag:s30] =	ssyncadd.s32 $0xFFFFC000  }
0xa8: {  	[tilespmem:s20], [sflag:$0x1] =	stream.indirect.gather [hbm4b:s4+s23], $0x80, s31, s23, $0xb8;
	[tilespmem:$0x1E200] =	vst v63  }
.LBB2_8:
0xa9: {  	_ =	swait.ge [sflag:s26], $0x4000  }
0xaa: {  	s7 =	sshra.s32 s5, $0x2;
	[sflag:s26] =	ssyncset.done $0x0  }
0xab: {  	s8 =	sadd.s32 $0x2700, s7;
	[sflag:s26] =	ssyncadd.s32 $0xFFFFC000  }
0xac: {  	[spmem:s1] =	stream.indirect.scatter.add.f32 [tilespmem:s20], [sflag:$0x3], $0x80, s8, s23, $0xb8;
	[tilespmem:$0x1E200] =	vst v63  }
0xad: {  	_ =	swait.ge [sflag:s0], $0x4000  }
0xae: {  	[sflag:s0] =	ssyncset.done $0x0  }
0xaf: {  	s8 =	sadd.s32 $0x1380, s7;
	[sflag:s0] =	ssyncadd.s32 $0xFFFFC000  }
0xb0: {  	[tilespmem:s25], [sflag:$0x2] =	stream.indirect.gather [hbm4b:s4+s23], $0x80, s8, s23, $0xb8;
	[tilespmem:$0x1E200] =	vst v63  }
0xb1: {  	_ =	swait.ge [sflag:s28], $0x4000  }
0xb2: {  	p0 =	seq.s32 s5, $0x0;
	[sflag:s28] =	ssyncset.done $0x0  }
.Ltmp6:
0xb3: {  	s8 =	sadd.s32 $0x2780, s7;
	[sflag:s28] =	ssyncadd.s32 $0xFFFFC000;
	(pc) =	sbr.rel @p0 .LBB2_10-.Ltmp6, $4  }
0xb4: {  	[spmem:s1] =	stream.indirect.scatter.add.f32 [tilespmem:s25], [sflag:$0x4], $0x80, s8, s23, $0xb8;
	[tilespmem:$0x1E200] =	vst v63  }
0xb5: {  	_ =	swait.ge [sflag:s30], $0x4000  }
0xb6: {  	[sflag:s30] =	ssyncset.done $0x0  }
0xb7: {  	[sflag:s30] =	ssyncadd.s32 $0xFFFFC000  }
.Ltmp7:
0xb8: {  	(pc) =	sbr.rel .LBB2_8-.Ltmp7, $3  }
0xb9: {  	_ =	sdelay $0x1  }
0xba: {  	s7 =	sadd.s32 $0x1400, s7;
	s5 =	sadd.s32 $0x400, s5  }
0xbb: {  	[tilespmem:s20], [sflag:$0x1] =	stream.indirect.gather [hbm4b:s4+s23], $0x80, s7, s23, $0xb8;
	[tilespmem:$0x1E200] =	vst v63  }
.LBB2_10:
0xbc: {  	_ =	swait.ge [sflag:s0], $0x4000  }
0xbd: {  	[sflag:s0] =	ssyncset.done $0x0  }
0xbe: {  	[sflag:s0] =	ssyncadd.s32 $0xFFFFC000  }
0xbf: {  	[tilespmem:s2], [sflag:$0x5] =	stream.linear.gather [hbm4b:s17+s2], $0x1400, $0x38;
	[tilespmem:$0x1E200] =	vst v63  }
0xc0: {  	_ =	swait.ge [sflag:s21], $0x1400  }
0xc1: {  	[sflag:s21] =	ssyncset.done $0x0  }
0xc2: {  	[sflag:s21] =	ssyncadd.s32 $0xFFFFEC00  }
0xc3: {  	[tilespmem:s22], [sflag:$0x5] =	stream.linear.gather [hbm4b:s18+s2], $0x1400, $0x38;
	[tilespmem:$0x1E200] =	vst v63  }
0xc4: {  	_ =	swait.ge [sflag:s21], $0x1400  }
0xc5: {  	[sflag:s21] =	ssyncset.done $0x0  }
0xc6: {  	[sflag:s21] =	ssyncadd.s32 $0xFFFFEC00  }
0xc7: {  	[tilespmem:s20], [sflag:$0x1] =	stream.indirect.gather [hbm4b:s4+s23], $0x80, s2, s23, $0xb8;
	[tilespmem:$0x1E200] =	vst v63  }
0xc8: {  	_ = 	snop  }
0xc9: {  	[tilespmem:s25], [sflag:$0x2] =	stream.indirect.gather [hbm4b:s4+s23], $0x80, s23, s23, $0xb8;
	[tilespmem:$0x1E200] =	vst v63  }
0xca: {  	_ =	swait.ge [sflag:s26], $0x4000  }
0xcb: {  	[sflag:s26] =	ssyncset.done $0x0  }
0xcc: {  	[sflag:s26] =	ssyncadd.s32 $0xFFFFC000  }
0xcd: {  	[spmem:s1] =	stream.indirect.scatter.add.f32 [tilespmem:s20], [sflag:$0x3], $0x80, s22, s23, $0xb8;
	[tilespmem:$0x1E200] =	vst v63  }
0xce: {  	_ =	swait.ge [sflag:s28], $0x4000  }
0xcf: {  	[sflag:s28] =	ssyncset.done $0x0  }
0xd0: {  	[sflag:s28] =	ssyncadd.s32 $0xFFFFC000  }
0xd1: {  	[spmem:s1] =	stream.indirect.scatter.add.f32 [tilespmem:s25], [sflag:$0x4], $0x80, s29, s23, $0xb8;
	[tilespmem:$0x1E200] =	vst v63  }
0xd2: {  	_ =	swait.ge [sflag:s30], $0x4000  }
0xd3: {  	[sflag:s30] =	ssyncset.done $0x0  }
0xd4: {  	s5 =	simm.s32 $0xFFFFB800;
	[sflag:s30] =	ssyncadd.s32 $0xFFFFC000  }
0xd5: {  	[tilespmem:s20], [sflag:$0x1] =	stream.indirect.gather [hbm4b:s4+s23], $0x80, s31, s23, $0xb8;
	[tilespmem:$0x1E200] =	vst v63  }
.LBB2_11:
0xd6: {  	_ =	swait.ge [sflag:s26], $0x4000  }
0xd7: {  	s7 =	sshra.s32 s5, $0x2;
	[sflag:s26] =	ssyncset.done $0x0  }
0xd8: {  	s8 =	sadd.s32 $0x2700, s7;
	[sflag:s26] =	ssyncadd.s32 $0xFFFFC000  }
0xd9: {  	[spmem:s1] =	stream.indirect.scatter.add.f32 [tilespmem:s20], [sflag:$0x3], $0x80, s8, s23, $0xb8;
	[tilespmem:$0x1E200] =	vst v63  }
0xda: {  	_ =	swait.ge [sflag:s0], $0x4000  }
0xdb: {  	[sflag:s0] =	ssyncset.done $0x0  }
0xdc: {  	s8 =	sadd.s32 $0x1380, s7;
	[sflag:s0] =	ssyncadd.s32 $0xFFFFC000  }
0xdd: {  	[tilespmem:s25], [sflag:$0x2] =	stream.indirect.gather [hbm4b:s4+s23], $0x80, s8, s23, $0xb8;
	[tilespmem:$0x1E200] =	vst v63  }
0xde: {  	_ =	swait.ge [sflag:s28], $0x4000  }
0xdf: {  	p0 =	seq.s32 s5, $0x0;
	[sflag:s28] =	ssyncset.done $0x0  }
.Ltmp8:
0xe0: {  	s8 =	sadd.s32 $0x2780, s7;
	[sflag:s28] =	ssyncadd.s32 $0xFFFFC000;
	(pc) =	sbr.rel @p0 .LBB2_13-.Ltmp8, $4  }
0xe1: {  	[spmem:s1] =	stream.indirect.scatter.add.f32 [tilespmem:s25], [sflag:$0x4], $0x80, s8, s23, $0xb8;
	[tilespmem:$0x1E200] =	vst v63  }
0xe2: {  	_ =	swait.ge [sflag:s30], $0x4000  }
0xe3: {  	[sflag:s30] =	ssyncset.done $0x0  }
0xe4: {  	[sflag:s30] =	ssyncadd.s32 $0xFFFFC000  }
.Ltmp9:
0xe5: {  	(pc) =	sbr.rel .LBB2_11-.Ltmp9, $3  }
0xe6: {  	_ =	sdelay $0x1  }
0xe7: {  	s7 =	sadd.s32 $0x1400, s7;
	s5 =	sadd.s32 $0x400, s5  }
0xe8: {  	[tilespmem:s20], [sflag:$0x1] =	stream.indirect.gather [hbm4b:s4+s23], $0x80, s7, s23, $0xb8;
	[tilespmem:$0x1E200] =	vst v63  }
.LBB2_14:
0xe9: {  	_ =	sfence.sel $0x180000  }
0xea: {  	[bflag:$0x0] =	sbarrier.arrive $0xFFFF  }
0xeb: {  	_ =	strace $0x9000004D  }
0xec: {  	s0 =	stileid.u32;
	[bflag:$0x2] =	sbarrier.arrive $0xFFFF  }
0xed: {  	p0 =	sne.s32 s0, $0x0;
	s0 =	rddreg [dreg:$0x2]  }
0xee: {  	s0 =	sadd.s32 @!p0 $0x100000, s0  }
0xef: {  	[sflag:s0] =	ssyncadd.tile.s32 @!p0 $0x1;
	_ =	shalt  }
.Lfunc_end2:
_tile_overlayer_lowered:
.L_overlay_start_2:
0xf0: {  	(tag) =	ssettag $0x2  }
0xf1: {  	s0 =	rddreg [dreg:$0x0];
	s2 =	stileid.u32  }
0xf2: {  	s1 =	rddreg [dreg:$0x1];
	p0 =	sne.s32 s2, $0x0  }
0xf3: {  	s3 =	rddreg [dreg:$0x2];
	[bflag:$0x3] =	sbarrier.arrive $0xFFFF;
	s2 =	simm.s32 @!p0 $0x1C05  }
0xf4: {  	[timem:s3], [sflag:s2] =	dma.local @!p0 [hbm:s0], s1  }
0xf5: {  	s0 =	simm.s32 @!p0 $0x5  }
0xf6: {  	_ =	swait.ge @!p0 [sflag:s0], s1  }
0xf7: {  	s1 =	ssub.s32 @!p0 $0x0, s1;
	[sflag:s0] =	ssyncset.done @!p0 $0x0  }
0xf8: {  	[sflag:s0] =	ssyncadd.s32 @!p0 s1  }
0xf9: {  	[bflag:$0x3] =	sbarrier.arrive $0xFFFF  }
0xfa: {  	_ =	shalt  }

// kernel: kernel.21.cloned.1.call-start
scs
__scs_entry_jumppad:
0x0: {  	(pc) =	sbr.rel $0x88, $3  }
0x1: {  	(tag) =	ssettag $0x0;
	lr =	simm.s32 $0x1  }
0x2: {  	[smem:$0x3F8E] =	sst lr;
	_ =	strace $0xD0000000  }
0x3: {  	_ = 	snop  }
0x4: {  	_ = 	snop  }
0x5: {  	_ = 	snop  }
0x6: {  	_ = 	snop  }
0x7: {  	_ = 	snop  }
__scs_overlays_trampoline_lowered:
0x8: {  	[smem:$0x3F9D] =	sst s0  }
0x9: {  	[smem:$0x3F9E] =	sst s1  }
0xa: {  	[smem:$0x3F9F] =	sst s2  }
0xb: {  	[smem:$0x3FA0] =	sst s3  }
0xc: {  	[smem:$0x3FA1] =	sst s4  }
0xd: {  	[smem:$0x3FA2] =	sst s5  }
0xe: {  	[smem:$0x3FA3] =	sst s6  }
0xf: {  	[smem:$0x3FA4] =	sst s7  }
0x10: {  	[smem:$0x3FA5] =	sst s8  }
0x11: {  	[smem:$0x3FA6] =	sst s9;
	s0 =	simm.s32 @!p0 $0x0  }
0x12: {  	s1 =	sld [smem:$0x3F8C];
	s0 =	simm.s32 @p0 $0x1  }
0x13: {  	[smem:$0x3FA7] =	sst s0;
	s0 =	simm.s32 @!p1 $0x0  }
0x14: {  	s2 =	sld [smem:$0x3F8B];
	s0 =	simm.s32 @p1 $0x1  }
0x15: {  	[smem:$0x3FA8] =	sst s0;
	s0 =	simm.s32 @!p2 $0x0  }
0x16: {  	s3 =	sld [smem:$0x3FDB];
	s0 =	simm.s32 @p2 $0x1  }
0x17: {  	s4 =	simm.s32 $0x1BF5;
	[smem:$0x3FAA] =	sst s0  }
0x18: {  	s0 =	sld [smem:$0x3F8D];
	_ =	swait.ge [sflag:s4], $0x0  }
0x19: {  	s7 =	sld [smem:$0x3F8E]  }
0x1a: {  	s8 =	sadd.s32 $0xFFFFE003, lr  }
0x1b: {  	s9 =	sadd.s32 $0xFFFFFEF7, lr;
	s5 =	simm.s32 $0xFFFFFFFF;
	p2 =	slt.u32 s8, $0xFFFFF086  }
0x1c: {  	p1 =	slt.u32 s9, $0xF7A;
	s5 =	simm.s32 @!p2 $0x0  }
0x1d: {  	s5 =	simm.s32 @p1 $0x1;
	p0 =	seq.s32 s7, s2  }
0x1e: {  	s7 =	smul.u32 @!p0 $0xF7A, s2;
	p2 =	seq.s32 @!p0 s5, $0x0  }
0x1f: {  	s9 =	smul.u32 $0xF7A, s1;
	s8 =	simm.s32 @!p0 $0x1BF5;
	p2 =	por !p2, p0  }
0x20: {  	[sflag:s8] =	ssyncset.s32 @!p0 $0xFFFFF086;
	s6 =	sadd.s32 @!p0 s3, s7;
	s7 =	simm.s32 @!p0 $0x108  }
0x21: {  	s3 =	sadd.s32 s3, s9;
	s6 =	sadd.s32 @!p0 $0x88, s6;
	s7 =	simm.s32 @p2 $0x1082  }
0x22: {  	[simem:s7], [sflag:s8] =	dma.local @!p0 [hbm:s6], $0xF7A  }
0x23: {  	s9 =	sor.u32 $0xD0000000, s2;
	s6 =	simm.s32 $0x108;
	_ =	swait.ge @!p0 [sflag:s8], $0x0  }
0x24: {  	s3 =	sadd.s32 $0x88, s3;
	s6 =	simm.s32 @!p1 $0x1082;
	[sflag:s4] =	ssyncset.s32 $0xFFFFF086  }
0x25: {  	[simem:s6], [sflag:s4] =	dma.local [hbm:s3], $0xF7A  }
0x26: {  	[smem:$0x3F8E] =	sst s1;
	(tag) =	ssettag s2;
	_ =	strace s9  }
0x27: {  	s1 =	sld [smem:$0x3F9E]  }
0x28: {  	s2 =	sld [smem:$0x3F9F]  }
0x29: {  	s4 =	sld [smem:$0x3FA1]  }
0x2a: {  	p0 =	seq.s32 s5, $0x0;
	s5 =	sld [smem:$0x3FA2]  }
0x2b: {  	s6 =	sld [smem:$0x3FA3]  }
0x2c: {  	s7 =	sld [smem:$0x3FA4]  }
0x2d: {  	s3 =	simm.s32 $0x108;
	s8 =	sld [smem:$0x3FA5]  }
0x2e: {  	s3 =	simm.s32 @!p0 $0x1082;
	s9 =	sld [smem:$0x3FA6]  }
0x2f: {  	lr =	sadd.s32 s0, s3;
	s0 =	sld [smem:$0x3F9D]  }
0x30: {  	s3 =	sld [smem:$0x3FA0]  }
0x31: {  	[smem:$0x3FA9] =	sst s10  }
0x32: {  	s10 =	sld [smem:$0x3FA7];
	_ =	sdelay $0x3  }
0x33: {  	p0 =	seq.s32 s10, $0x1;
	s10 =	sld [smem:$0x3FA9];
	_ =	sdelay $0x3  }
0x34: {  	[smem:$0x3FA9] =	sst s10  }
0x35: {  	s10 =	sld [smem:$0x3FA8];
	_ =	sdelay $0x3  }
0x36: {  	p1 =	seq.s32 s10, $0x1;
	s10 =	sld [smem:$0x3FA9];
	_ =	sdelay $0x3  }
0x37: {  	[smem:$0x3FA9] =	sst s10  }
0x38: {  	s10 =	sld [smem:$0x3FAA]  }
0x39: {  	_ = 	snop;
	(pc) =	sbr.ind lr, $3  }
0x3a: {  	_ = 	snop  }
0x3b: {  	_ = 	snop  }
0x3c: {  	p2 =	seq.s32 s10, $0x1;
	s10 =	sld [smem:$0x3FA9]  }
0x3d: {  	_ =	shalt  }
0x3e: {  	_ =	shalt  }
0x3f: {  	_ =	shalt  }
0x40: {  	_ =	shalt  }
0x41: {  	_ =	shalt  }
0x42: {  	_ =	shalt  }
0x43: {  	_ =	shalt  }
0x44: {  	_ =	shalt  }
0x45: {  	_ =	shalt  }
0x46: {  	_ =	shalt  }
0x47: {  	_ =	shalt  }
0x48: {  	_ =	shalt  }
0x49: {  	_ =	shalt  }
0x4a: {  	_ =	shalt  }
0x4b: {  	_ =	shalt  }
0x4c: {  	_ =	shalt  }
0x4d: {  	_ =	shalt  }
0x4e: {  	_ =	shalt  }
0x4f: {  	_ =	shalt  }
0x50: {  	_ =	shalt  }
0x51: {  	_ =	shalt  }
0x52: {  	_ =	shalt  }
0x53: {  	_ =	shalt  }
0x54: {  	_ =	shalt  }
0x55: {  	_ =	shalt  }
0x56: {  	_ =	shalt  }
0x57: {  	_ =	shalt  }
0x58: {  	_ =	shalt  }
0x59: {  	_ =	shalt  }
0x5a: {  	_ =	shalt  }
0x5b: {  	_ =	shalt  }
0x5c: {  	_ =	shalt  }
0x5d: {  	_ =	shalt  }
0x5e: {  	_ =	shalt  }
0x5f: {  	_ =	shalt  }
0x60: {  	_ =	shalt  }
0x61: {  	_ =	shalt  }
0x62: {  	_ =	shalt  }
0x63: {  	_ =	shalt  }
0x64: {  	_ =	shalt  }
0x65: {  	_ =	shalt  }
0x66: {  	_ =	shalt  }
0x67: {  	_ =	shalt  }
0x68: {  	_ =	shalt  }
0x69: {  	_ =	shalt  }
0x6a: {  	_ =	shalt  }
0x6b: {  	_ =	shalt  }
0x6c: {  	_ =	shalt  }
0x6d: {  	_ =	shalt  }
0x6e: {  	_ =	shalt  }
0x6f: {  	_ =	shalt  }
0x70: {  	_ =	shalt  }
0x71: {  	_ =	shalt  }
0x72: {  	_ =	shalt  }
0x73: {  	_ =	shalt  }
0x74: {  	_ =	shalt  }
0x75: {  	_ =	shalt  }
0x76: {  	_ =	shalt  }
0x77: {  	_ =	shalt  }
0x78: {  	_ =	shalt  }
0x79: {  	_ =	shalt  }
0x7a: {  	_ =	shalt  }
0x7b: {  	_ =	shalt  }
0x7c: {  	_ =	shalt  }
0x7d: {  	_ =	shalt  }
0x7e: {  	_ =	shalt  }
0x7f: {  	_ =	shalt  }
0x80: {  	_ =	shalt  }
0x81: {  	_ =	shalt  }
0x82: {  	_ =	shalt  }
0x83: {  	_ =	shalt  }
0x84: {  	_ =	shalt  }
0x85: {  	_ =	shalt  }
0x86: {  	_ =	shalt  }
0x87: {  	_ =	shalt  }
.Lfunc_end0:
.L_simem_size_0:
called_computation.3_lowered:
.L_overlay_start_0:
0x88: {  	s2 =	sld [smem:$0x3FD9]  }
0x89: {  	s3 =	sld [smem:$0x3FFE];
	_ =	sdelay $0x1  }
0x8a: {  	s1 =	srdreg.scid  }
0x8b: {  	s0 =	sand.u32 $0x1, s1  }
0x8c: {  	s17 =	sshll.u32 s0, $0xA;
	s2 =	sadd.s32 s3, s2  }
0x8d: {  	s2 =	sadd.s32 s2, s17  }
0x8e: {  	[smem:$0x3FB5] =	sst s2  }
0x8f: {  	_ = 	snop  }
0x90: {  	s2 =	sld [smem:$0x3FC7];
	(tm) =	ssettm $0x1  }
0x91: {  	s18 =	sld [smem:$0x3FFB];
	_ =	sdelay $0x3  }
0x92: {  	_ =	strace s18  }
0x93: {  	s3 =	sld [smem:$0x3FFC];
	_ =	sdelay $0x3  }
0x94: {  	_ =	strace s3  }
0x95: {  	s3 =	sld [smem:$0x3FFD];
	_ =	sdelay $0x3  }
0x96: {  	_ =	strace s3  }
0x97: {  	_ =	strace $0x8FFFFFFF  }
0x98: {  	s19 =	sld [smem:$0x3FDB];
	_ =	sdelay $0x1  }
0x99: {  	s4 =	simm.s32 $_scs_section_size  }
0x9a: {  	s5 =	simm.s32 $_size__tile_overlayer_lowered;
	s6 =	simm.s32 $_tile_overlayer_lowered  }
0x9b: {  	s22 =	simm.s32 $0x1BFF;
	s21 =	sshll.u32 s6, $0x1;
	s3 =	sadd.s32 s4, s19  }
0x9c: {  	s7 =	simm.s32 $0x0;
	s20 =	sshll.u32 s5, $0x1;
	s5 =	sadd.s32 s21, s3  }
0x9d: {  	[timem:s7], [sflag:s22] =	dma.local [hbm:s5], s20  }
0x9e: {  	_ =	swait.ge [sflag:s22], s20  }
0x9f: {  	s4 =	ssub.s32 $0x0, s20;
	[sflag:s22] =	ssyncset.done $0x0  }
0xa0: {  	[sflag:s22] =	ssyncadd.s32 s4;
	_ =	sdelay $0x1  }
0xa1: {  	s23 =	simm.s32 $0x1B8B  }
0xa2: {  	_ =	swait.ge [sflag:s23], $0x1  }
0xa3: {  	[sflag:s23] =	ssyncset.done $0x0  }
0xa4: {  	s25 =	simm.s32 $0x1B8E;
	s24 =	sld [smem:$0x3FFE];
	[sflag:s23] =	ssyncadd.s32 $0xFFFFFFFF  }
0xa5: {  	s26 =	simm.s32 $execute0_lowered;
	[smem:$0x3FD2] =	sst s25  }
0xa6: {  	s5 =	sshll.u32 s26, $0x1;
	_ =	strace $0x8000004F;
	[dreg:$0x1] =	wrdreg $0xFFFFFFFF  }
0xa7: {  	s28 =	simm.s32 $_size_execute0_lowered;
	s3 =	sadd.s32 s3, s5;
	[dreg:$0x0] =	wrdreg $0x0  }
0xa8: {  	s5 =	sshll.u32 s28, $0x1;
	[dreg:$0x2] =	wrdreg s3  }
0xa9: {  	[dreg:$0x3] =	wrdreg s5  }
0xaa: {  	[dreg:$0x4] =	wrdreg $0xC0  }
0xab: {  	_ =	task [dreg:s7], $0x5FFFF  }
0xac: {  	[dreg:$0x1] =	wrdreg $0xFFFFFFFF  }
0xad: {  	[dreg:$0x0] =	wrdreg $0x60  }
0xae: {  	[dreg:$0x2] =	wrdreg s24  }
0xaf: {  	[dreg:$0x3] =	wrdreg s2  }
0xb0: {  	[dreg:$0x4] =	wrdreg $0x9  }
0xb1: {  	_ =	task.clear_ibuf [dreg:s7], $0x5FFFF;
	_ =	strace $0x9000004F  }
0xb2: {  	s29 =	simm.s32 $0x9;
	_ =	strace $0x80000051  }
0xb3: {  	_ =	swait.ge [sflag:s29], $0x1  }
0xb4: {  	[sflag:s29] =	ssyncadd.s32 $0xFFFFFFFF  }
0xb5: {  	_ =	strace $0x90000051  }
0xb6: {  	_ =	sfence  }
0xb7: {  	s30 =	sld [smem:$0x0];
	_ =	sdelay $0x2  }
0xb8: {  	s31 =	sshll.u32 s1, $0xD;
	s1 =	sshrl.u32 s1, $0x2  }
0xb9: {  	s3 =	sand.u32 $0x4000, s31;
	s1 =	sadd.s32 s1, s30  }
0xba: {  	s0 =	sor.u32 s3, s0;
	s1 =	sshll.u32 s1, $0x11  }
0xbb: {  	s0 =	sor.u32 s1, s0  }
0xbc: {  	s0 =	sadd.s32 $0x8F2B, s0  }
0xbd: {  	[sflag:s0] =	ssyncadd.remote.s32 $0x1  }
0xbe: {  	_ =	sfence.sel $0xFFFF  }
0xbf: {  	[dreg:$0x0] =	wrdreg $0xFFFFFFFF;
	(pc) =	sbr.abs _section_cstart, $3  }
0xc0: {  	[dreg:$0x1] =	wrdreg $0xFFFFFFFF  }
0xc1: {  	_ =	task.clear_ibuf [dreg:s7], $0x2FFFF;
	_ =	strace $0x9FFFFFFF  }
0xc2: {  	(tm) =	ssettm $0x7FFFFFFF  }
0xc3: {  	_ =	shalt  }
tec
execute0_lowered:
.L_overlay_start_1:
0x0: {  	(tag) =	ssettag $0x1  }
0x1: {  	s1 =	srdreg.scid  }
0x2: {  	s9 =	rddreg [dreg:$0x0];
	s0 =	stileid.u32;
	s10 =	sand.u32 $0x1, s1  }
0x3: {  	s3 =	rddreg [dreg:$0x1];
	s5 =	sshll.u32 s0, $0x8;
	s4 =	sshll.u32 s10, $0xC  }
0x4: {  	s2 =	simm.s32 $0x0;
	s1 =	rddreg [dreg:$0x2];
	s11 =	sor.u32 s5, s4  }
0x5: {  	[smem:$0x7FF] =	sst s2;
	s4 =	sshrl.u32 s11, $0x3  }
0x6: {  	_ =	strace $0x80000050;
	s4 =	sadd.s32 s3, s4;
	s3 =	simm.s32 $0x2  }
0x7: {  	[tilespmem:s2], [sflag:$0x2] =	stream.linear.gather [hbm4b:s4+s2], $0x100, $0x38;
	[tilespmem:$0x4100] =	vst v63  }
0x8: {  	_ =	swait.ge [sflag:s3], $0x100  }
0x9: {  	s6 =	simm.s32 $0x80;
	s7 =	simm.s32 $0x100;
	[sflag:s3] =	ssyncset.done $0x0  }
0xa: {  	s8 =	simm.s32 $0x1;
	s5 =	sadd.s32 $0x1A00, s9;
	[sflag:s3] =	ssyncadd.s32 $0xFFFFFF00  }
0xb: {  	[tilespmem:s7], [sflag:$0x1] =	stream.indirect.gather [hbm4b:s5+s6], $0x80, s2, s6, $0xb8;
	[tilespmem:$0x4100] =	vst v63  }
0xc: {  	s11 =	sshll.u32 s11, $0x4;
	_ =	swait.ge [sflag:s8], $0x4000  }
0xd: {  	s11 =	sadd.s32 s11, s9;
	[sflag:s8] =	ssyncset.done $0x0  }
0xe: {  	s10 =	ssub.s32 $0x2, s10;
	s9 =	sadd.s32 $0x28C00, s11;
	[sflag:s8] =	ssyncadd.s32 $0xFFFFC000  }
0xf: {  	[hbm4b:s9+s2] =	stream.linear.scatter [tilespmem:s7], [sflag:$0x2], $0x4000, $0x38;
	[tilespmem:$0x4100] =	vst v63  }
0x10: {  	s12 =	sshrl.u32 s10, $0x1;
	_ =	swait.ge [sflag:s3], $0x4000  }
0x11: {  	s12 =	ssub.s32 s10, s12;
	[sflag:s3] =	ssyncset.done $0x0  }
0x12: {  	s31 =	smax.u32 s12, $0x1;
	[sflag:s3] =	ssyncadd.s32 $0xFFFFC000  }
0x13: {  	[tilespmem:s7], [sflag:$0x1] =	stream.indirect.gather [hbm4b:s5+s6], $0x80, s6, s6, $0xb8;
	[tilespmem:$0x4100] =	vst v63  }
0x14: {  	p0 =	sne.s32 s31, $0x1;
	_ =	swait.ge [sflag:s8], $0x4000  }
.Ltmp0:
0x15: {  	[sflag:s8] =	ssyncset.done $0x0;
	(pc) =	sbr.rel @!p0 .LBB2_2-.Ltmp0, $4  }
0x16: {  	s10 =	sadd.s32 $0x29400, s11;
	[sflag:s8] =	ssyncadd.s32 $0xFFFFC000  }
0x17: {  	[hbm4b:s10+s2] =	stream.linear.scatter [tilespmem:s7], [sflag:$0x2], $0x4000, $0x38;
	[tilespmem:$0x4100] =	vst v63  }
0x18: {  	_ =	swait.ge [sflag:s3], $0x4000  }
0x19: {  	s11 =	sadd.s32 $0xFFFFFFFF, s31;
	[sflag:s3] =	ssyncset.done $0x0  }
.LBB2_1:
0x1a: {  	p0 =	sne.s32 s11, $0x1;
	s11 =	sadd.s32 $0xFFFFFFFF, s11;
	[sflag:s3] =	ssyncadd.s32 $0xFFFFC000  }
0x1b: {  	[tilespmem:s2], [sflag:$0x2] =	stream.linear.gather [hbm4b:s4+s2], $0x100, $0x38;
	[tilespmem:$0x4100] =	vst v63  }
0x1c: {  	_ =	swait.ge [sflag:s3], $0x100  }
0x1d: {  	[sflag:s3] =	ssyncset.done $0x0  }
0x1e: {  	[sflag:s3] =	ssyncadd.s32 $0xFFFFFF00  }
0x1f: {  	[tilespmem:s7], [sflag:$0x1] =	stream.indirect.gather [hbm4b:s5+s6], $0x80, s2, s6, $0xb8;
	[tilespmem:$0x4100] =	vst v63  }
0x20: {  	_ =	swait.ge [sflag:s8], $0x4000  }
0x21: {  	[sflag:s8] =	ssyncset.done $0x0  }
0x22: {  	[sflag:s8] =	ssyncadd.s32 $0xFFFFC000  }
0x23: {  	[hbm4b:s9+s2] =	stream.linear.scatter [tilespmem:s7], [sflag:$0x2], $0x4000, $0x38;
	[tilespmem:$0x4100] =	vst v63  }
0x24: {  	_ =	swait.ge [sflag:s3], $0x4000  }
0x25: {  	[sflag:s3] =	ssyncset.done $0x0  }
0x26: {  	[sflag:s3] =	ssyncadd.s32 $0xFFFFC000  }
0x27: {  	[tilespmem:s7], [sflag:$0x1] =	stream.indirect.gather [hbm4b:s5+s6], $0x80, s6, s6, $0xb8;
	[tilespmem:$0x4100] =	vst v63  }
0x28: {  	_ =	swait.ge [sflag:s8], $0x4000  }
.Ltmp1:
0x29: {  	[sflag:s8] =	ssyncset.done $0x0;
	(pc) =	sbr.rel @p0 .LBB2_1-.Ltmp1, $4  }
0x2a: {  	[sflag:s8] =	ssyncadd.s32 $0xFFFFC000  }
0x2b: {  	[hbm4b:s10+s2] =	stream.linear.scatter [tilespmem:s7], [sflag:$0x2], $0x4000, $0x38;
	[tilespmem:$0x4100] =	vst v63  }
0x2c: {  	_ =	swait.ge [sflag:s3], $0x4000  }
0x2d: {  	[sflag:s3] =	ssyncset.done $0x0  }
.LBB2_2:
0x2e: {  	[sflag:s3] =	ssyncadd.s32 $0xFFFFC000  }
0x2f: {  	_ =	sfence.sel $0x180000  }
0x30: {  	[bflag:$0x0] =	sbarrier.arrive $0xFFFF  }
0x31: {  	p0 =	sne.s32 s0, $0x0;
	_ =	strace $0x90000050  }
0x32: {  	s0 =	sadd.s32 @!p0 $0x100000, s1;
	[bflag:$0x2] =	sbarrier.arrive $0xFFFF  }
0x33: {  	[sflag:s0] =	ssyncadd.tile.s32 @!p0 $0x1;
	_ =	shalt  }
.Lfunc_end2:
_tile_overlayer_lowered:
.L_overlay_start_2:
0x34: {  	(tag) =	ssettag $0x2  }
0x35: {  	s0 =	rddreg [dreg:$0x0];
	s2 =	stileid.u32  }
0x36: {  	s1 =	rddreg [dreg:$0x1];
	p0 =	sne.s32 s2, $0x0  }
0x37: {  	s3 =	rddreg [dreg:$0x2];
	[bflag:$0x3] =	sbarrier.arrive $0xFFFF;
	s2 =	simm.s32 @!p0 $0x1C02  }
0x38: {  	[timem:s3], [sflag:s2] =	dma.local @!p0 [hbm:s0], s1  }
0x39: {  	s0 =	simm.s32 @!p0 $0x2  }
0x3a: {  	_ =	swait.ge @!p0 [sflag:s0], s1  }
0x3b: {  	s1 =	ssub.s32 @!p0 $0x0, s1;
	[sflag:s0] =	ssyncset.done @!p0 $0x0  }
0x3c: {  	[sflag:s0] =	ssyncadd.s32 @!p0 s1  }
0x3d: {  	[bflag:$0x3] =	sbarrier.arrive $0xFFFF  }
0x3e: {  	_ =	shalt  }

</sc_bundles>
